<compile_context>
chip_gen: v7x
topology: tpu7x:2x2x1
jax: 0.10.2.dev20260603
libtpu: 0.0.44.dev20260713+nightly
codegen_flags: <defaults>
</compile_context>

<pallas_src>
import functools

import jax
import jax.numpy as jnp
from jax import lax
from jax.experimental import pallas as pl
from jax.experimental.pallas import tpu as pltpu
from jax.experimental.pallas import tpu_sc as plsc

N_GOS = 100000
D = 128
B = 16384
MARGIN_ = 0.1
EPS = 1e-5

NC = 2
NS = 16
NW = NC * NS
PAIRS_W = B // NW
CH = 128
NCH = PAIRS_W // CH
NCHT = 2 * NCH
LANES = 16
NBUF = 6


def _sc_gather_body(emb, rad, idx_all, c_out, d_out, radd_out, stats_out,
                    idx_v, rows_v, rad_v, radd_v, stats_v, sems):
    wid = lax.axis_index("s") * NC + lax.axis_index("c")
    base = wid * PAIRS_W
    pltpu.sync_copy(idx_all.at[wid], idx_v)

    rad_dmas = []
    for j in range(NCHT):
        rad_dmas.append(
            pltpu.async_copy(rad.at[idx_v.at[j]], rad_v.at[j],
                             sems.at[2 * NBUF]))

    zeros = [jnp.zeros((LANES,), jnp.float32) for _ in range(2 * (D // LANES))]

    def chunk_stats(rv, acc):
        def row(r, acc):
            sums = list(acc[:D // LANES])
            sqs = list(acc[D // LANES:])
            for k in range(D // LANES):
                v = rv[r, pl.ds(k * LANES, LANES)]
                sums[k] = sums[k] + v
                sqs[k] = sqs[k] + v * v
            return tuple(sums + sqs)
        return lax.fori_loop(0, CH, row, tuple(acc), unroll=2)

    outs = (c_out, d_out)
    gat = [None] * NCHT
    wrb = [None] * NCHT
    acc_c = list(zeros)
    acc_d = list(zeros)
    for j in range(min(NBUF - 1, NCHT)):
        gat[j] = pltpu.async_copy(emb.at[idx_v.at[j]], rows_v.at[j],
                                  sems.at[j])
    for j in range(NCHT):
        b = j % NBUF
        gat[j].wait()
        if j < NCH:
            acc_c = list(chunk_stats(rows_v.at[b], acc_c))
        else:
            acc_d = list(chunk_stats(rows_v.at[b], acc_d))
        dst = outs[j // NCH].at[pl.ds(base + (j % NCH) * CH, CH)]
        wrb[j] = pltpu.async_copy(rows_v.at[b], dst, sems.at[NBUF + b])
        nxt = j + NBUF - 1
        if nxt < NCHT:
            if j >= 1:
                wrb[j - 1].wait()
            gat[nxt] = pltpu.async_copy(emb.at[idx_v.at[nxt]],
                                        rows_v.at[nxt % NBUF],
                                        sems.at[nxt % NBUF])

    for k in range(D // LANES):
        stats_v[0, pl.ds(k * LANES, LANES)] = acc_c[k]
        stats_v[1, pl.ds(k * LANES, LANES)] = acc_c[D // LANES + k]
        stats_v[2, pl.ds(k * LANES, LANES)] = acc_d[k]
        stats_v[3, pl.ds(k * LANES, LANES)] = acc_d[D // LANES + k]
    pltpu.sync_copy(stats_v, stats_out.at[wid])

    for dma in rad_dmas:
        dma.wait()
    for j in range(NCH):
        for k in range(CH // LANES):
            sl = pl.ds(k * LANES, LANES)
            radd_v[j, sl] = jnp.abs(rad_v[j, sl]) - jnp.abs(rad_v[NCH + j, sl])
    pltpu.sync_copy(radd_v, radd_out.at[wid])
    for j in range(max(1, NCHT - NBUF + 1), NCHT):
        wrb[j].wait()


@functools.lru_cache(maxsize=1)
def _make_sc_gather():
    mesh = plsc.VectorSubcoreMesh(core_axis_name="c", subcore_axis_name="s")
    return pl.kernel(
        _sc_gather_body,
        out_type=(
            jax.ShapeDtypeStruct((B, D), jnp.float32),
            jax.ShapeDtypeStruct((B, D), jnp.float32),
            jax.ShapeDtypeStruct((NW, NCH, CH), jnp.float32),
            jax.ShapeDtypeStruct((NW, 4, D), jnp.float32),
        ),
        mesh=mesh,
        scratch_types=[
            pltpu.VMEM((NCHT, CH), jnp.int32),
            pltpu.VMEM((NBUF, CH, D), jnp.float32),
            pltpu.VMEM((NCHT, CH), jnp.float32),
            pltpu.VMEM((NCH, CH), jnp.float32),
            pltpu.VMEM((4, D), jnp.float32),
            pltpu.SemaphoreType.DMA((2 * NBUF + 1,)),
        ],
    )


NB = 4
BR = B // NB


def _tc_body(c_ref, d_ref, radd_ref, stats_ref, g_ref, out_ref,
             coef_v, radd_m, acc_v):
    j = pl.program_id(0)

    @pl.when(j == 0)
    def _prep():
        n = jnp.float32(B)
        g = g_ref[...]
        sum_c = jnp.sum(stats_ref[:, 0:1, :], axis=0)
        sq_c = jnp.sum(stats_ref[:, 1:2, :], axis=0)
        sum_d = jnp.sum(stats_ref[:, 2:3, :], axis=0)
        sq_d = jnp.sum(stats_ref[:, 3:4, :], axis=0)
        mu_c = sum_c / n
        var_c = sq_c / n - mu_c * mu_c
        mu_d = sum_d / n
        var_d = sq_d / n - mu_d * mu_d
        inv_c = g / jnp.sqrt(var_c + EPS)
        inv_d = g / jnp.sqrt(var_d + EPS)
        coef_v[0:1, :] = inv_c
        coef_v[1:2, :] = inv_d
        coef_v[2:3, :] = mu_d * inv_d - mu_c * inv_c
        radd_m[...] = radd_ref[...].reshape(B // D, D)
        acc_v[0, 0] = jnp.float32(0.0)

    a = coef_v[0:1, :]
    bb = coef_v[1:2, :]
    off = coef_v[2:3, :]
    x = c_ref[...] * a - d_ref[...] * bb + off
    s = jnp.sum(x * x, axis=1)
    sm = s.reshape(BR // D, D)
    ra = radd_m[pl.ds(j * (BR // D), BR // D), :]
    dist = jnp.sqrt(sm) + ra - MARGIN_
    acc_v[0, 0] += jnp.sum(jnp.maximum(dist, 0.0))

    @pl.when(j == NB - 1)
    def _emit():
        out_ref[...] = jnp.full((1, 1), acc_v[0, 0] / jnp.float32(B), jnp.float32)


_tc_finalize = pl.pallas_call(
    _tc_body,
    grid=(NB,),
    in_specs=[
        pl.BlockSpec((BR, D), lambda j: (j, 0)),
        pl.BlockSpec((BR, D), lambda j: (j, 0)),
        pl.BlockSpec((NW, NCH, CH), lambda j: (0, 0, 0)),
        pl.BlockSpec((NW, 4, D), lambda j: (0, 0, 0)),
        pl.BlockSpec((1, D), lambda j: (0, 0)),
    ],
    out_specs=pl.BlockSpec((1, 1), lambda j: (0, 0)),
    out_shape=jax.ShapeDtypeStruct((1, 1), jnp.float32),
    scratch_shapes=[
        pltpu.VMEM((4, D), jnp.float32),
        pltpu.VMEM((B // D, D), jnp.float32),
        pltpu.SMEM((1, 1), jnp.float32),
    ],
)


def kernel(data, go_embed_weight, go_rad_weight, bn_weight, bn_bias):
    del bn_bias
    idx_all = (data.reshape(NW, NCH, CH, 2)
               .transpose(0, 3, 1, 2)
               .reshape(NW, NCHT, CH))
    rad1 = go_rad_weight.reshape(N_GOS)
    c_raw, d_raw, radd, stats = _make_sc_gather()(
        go_embed_weight, rad1, idx_all)
    loss = _tc_finalize(c_raw, d_raw, radd, stats, bn_weight.reshape(1, D))
    return loss[0, 0]

# --- scband reference (transcript-rebuilt; emitter-appended) ---
"""Pipeline reference for scband-base-deep-gomodel-12146167513330 (READ-ONLY COPY).

The authoritative reference and input builder live on the scoring server;
editing this copy changes nothing except your own understanding.
"""

import jax, jax.numpy as jnp
import numpy as np
import math

NB_GOS = 100000
EMBED_DIM = 128
MARGIN = 0.1
BATCH = 16384


def _batch_norm(x, gamma, beta, eps=1e-5):
    # torch BatchNorm1d in training mode: normalize with biased batch stats
    mean = jnp.mean(x, axis=0)
    var = jnp.var(x, axis=0)
    return gamma * (x - mean) / jnp.sqrt(var + eps) + beta


def setup_inputs(seed: int = 0) -> dict:
    key = jax.random.key(seed)
    k1, k2, k3 = jax.random.split(key, 3)
    data = jax.random.randint(k1, (BATCH, 2), 0, NB_GOS, dtype=jnp.int64 if jax.config.jax_enable_x64 else jnp.int32).astype(jnp.int32)
    kval = math.sqrt(1.0 / EMBED_DIM)
    go_embed_weight = jax.random.uniform(k2, (NB_GOS, EMBED_DIM), minval=-kval, maxval=kval, dtype=jnp.float32)
    go_rad_weight = jax.random.uniform(k3, (NB_GOS, 1), minval=-kval, maxval=kval, dtype=jnp.float32)
    bn_weight = jnp.ones((EMBED_DIM,), dtype=jnp.float32)
    bn_bias = jnp.zeros((EMBED_DIM,), dtype=jnp.float32)
    return {
        "data": data,
        "go_embed_weight": go_embed_weight,
        "go_rad_weight": go_rad_weight,
        "bn_weight": bn_weight,
        "bn_bias": bn_bias,
    }


def reference(data, go_embed_weight, go_rad_weight, bn_weight, bn_bias):
    # class_dist: gather embeddings, batch-normalize each gathered batch,
    # compute n-ball distance, then nf1 hinge loss.
    c_raw = jnp.take(go_embed_weight, data[:, 0], axis=0)
    d_raw = jnp.take(go_embed_weight, data[:, 1], axis=0)
    c = _batch_norm(c_raw, bn_weight, bn_bias)
    d = _batch_norm(d_raw, bn_weight, bn_bias)
    rc = jnp.abs(jnp.take(go_rad_weight, data[:, 0], axis=0))
    rd = jnp.abs(jnp.take(go_rad_weight, data[:, 1], axis=0))
    dist = jnp.linalg.norm(c - d, axis=1, keepdims=True) + rc - rd
    loss = jnp.mean(jax.nn.relu(dist - MARGIN))
    return loss

if __name__ == "__main__":
    import jax
    _d = setup_inputs()
    print(jax.jit(kernel)(*tuple(_d.values())))

</pallas_src>

<mosaic_0001>
#map = affine_map<(d0, d1) -> (0, 0)>
#map1 = affine_map<(d0, d1) -> (0)>
#map2 = affine_map<(d0, d1) -> (0, 0, 0)>
module attributes {stable_mosaic.version = 14 : i64} {
  func.func @_sc_gather_body(%arg0: i32, %arg1: i32, %arg2: memref<100000x128xf32, #tpu.memory_space<hbm>>, %arg3: memref<100000xf32, #tpu.memory_space<hbm>>, %arg4: memref<32x8x128xi32, #tpu.memory_space<hbm>>, %arg5: memref<16384x128xf32, #tpu.memory_space<hbm>>, %arg6: memref<16384x128xf32, #tpu.memory_space<hbm>>, %arg7: memref<32x4x128xf32, #tpu.memory_space<hbm>>, %arg8: memref<32x4x128xf32, #tpu.memory_space<hbm>>, %arg9: memref<8x128xi32, #tpu.memory_space<vmem>>, %arg10: memref<6x128x128xf32, #tpu.memory_space<vmem>>, %arg11: memref<8x128xf32, #tpu.memory_space<vmem>>, %arg12: memref<4x128xf32, #tpu.memory_space<vmem>>, %arg13: memref<4x128xf32, #tpu.memory_space<vmem>>, %arg14: memref<13x!tpu.dma_semaphore, #tpu.memory_space<semaphore_mem>>) attributes {dimension_semantics = [#tpu.dimension_semantics<core_parallel>, #tpu.dimension_semantics<subcore_parallel>], iteration_bounds = array<i64: 2, 16>, scalar_prefetch = 0 : i64, scratch_operands = 6 : i64, tpu.core_type = #tpu.core_type<sc_vector_subcore>, window_params = [{transform_indices = #map}, {transform_indices = #map1}, {transform_indices = #map2}, {transform_indices = #map}, {transform_indices = #map}, {transform_indices = #map2}, {transform_indices = #map2}]} {
    %mul3A = arith.constant 2 : i32
    %mul3A_0 = arith.muli %arg1, %mul3A : i32
    %add3A = arith.addi %mul3A_0, %arg0 : i32
    %mul3A_1 = arith.constant 512 : i32
    %mul3A_2 = arith.muli %add3A, %mul3A_1 : i32
    "tpu.region"() ({
      %run_scoped3A = tpu.sem_alloc : memref<!tpu.dma_semaphore, #tpu.memory_space<semaphore_mem>>
      %dma_start3A_1587 = arith.constant 0 : i32
      %dma_start3A_1588 = arith.constant 0 : i32
      %dma_start3A_1589 = tpu.memref_slice %arg4[%add3A, %dma_start3A_1587, %dma_start3A_1588] : memref<32x8x128xi32, #tpu.memory_space<hbm>> -> memref<1x8x128xi32, #tpu.memory_space<hbm>>
      %dma_start3A_1590 = tpu.memref_squeeze %dma_start3A_1589 : memref<1x8x128xi32, #tpu.memory_space<hbm>> -> memref<8x128xi32, #tpu.memory_space<hbm>>
      %dma_start3A_1591 = arith.constant 0 : i32
      %dma_start3A_1592 = arith.constant 0 : i32
      %dma_start3A_1593 = tpu.memref_slice %arg4[%add3A, %dma_start3A_1591, %dma_start3A_1592] : memref<32x8x128xi32, #tpu.memory_space<hbm>> -> memref<1x8x128xi32, #tpu.memory_space<hbm>>
      %dma_start3A_1594 = tpu.memref_squeeze %dma_start3A_1593 : memref<1x8x128xi32, #tpu.memory_space<hbm>> -> memref<8x128xi32, #tpu.memory_space<hbm>>
      tpu.enqueue_dma source(%dma_start3A_1594 : memref<8x128xi32, #tpu.memory_space<hbm>>) target(%arg9 : memref<8x128xi32, #tpu.memory_space<vmem>>) target_semaphore(%run_scoped3A : memref<!tpu.dma_semaphore, #tpu.memory_space<semaphore_mem>>)
      %dma_wait3A_1595 = arith.constant 0 : i32
      %dma_wait3A_1596 = arith.constant 0 : i32
      %dma_wait3A_1597 = tpu.memref_slice %arg4[%add3A, %dma_wait3A_1595, %dma_wait3A_1596] : memref<32x8x128xi32, #tpu.memory_space<hbm>> -> memref<1x8x128xi32, #tpu.memory_space<hbm>>
      %dma_wait3A_1598 = tpu.memref_squeeze %dma_wait3A_1597 : memref<1x8x128xi32, #tpu.memory_space<hbm>> -> memref<8x128xi32, #tpu.memory_space<hbm>>
      %dma_wait3A_1599 = arith.constant 0 : i32
      %dma_wait3A_1600 = arith.constant 0 : i32
      %dma_wait3A_1601 = tpu.memref_slice %arg4[%add3A, %dma_wait3A_1599, %dma_wait3A_1600] : memref<32x8x128xi32, #tpu.memory_space<hbm>> -> memref<1x8x128xi32, #tpu.memory_space<hbm>>
      %dma_wait3A_1602 = tpu.memref_squeeze %dma_wait3A_1601 : memref<1x8x128xi32, #tpu.memory_space<hbm>> -> memref<8x128xi32, #tpu.memory_space<hbm>>
      tpu.wait_dma2 semaphore(%run_scoped3A : memref<!tpu.dma_semaphore, #tpu.memory_space<semaphore_mem>>) src(%dma_wait3A_1602 : memref<8x128xi32, #tpu.memory_space<hbm>>) dst(%arg9 : memref<8x128xi32, #tpu.memory_space<vmem>>)
      tpu.yield
    }) : () -> ()
    %dma_start3A = arith.constant 0 : i32
    %dma_start3A_3 = arith.constant 0 : i32
    %dma_start3A_4 = arith.constant 12 : i32
    %dma_start3A_5 = arith.constant 0 : i32
    %dma_start3A_6 = tpu.memref_slice %arg11[%dma_start3A_3, %dma_start3A_5] : memref<8x128xf32, #tpu.memory_space<vmem>> -> memref<1x128xf32, #tpu.memory_space<vmem>>
    %dma_start3A_7 = tpu.memref_squeeze %dma_start3A_6 : memref<1x128xf32, #tpu.memory_space<vmem>> -> memref<128xf32, #tpu.memory_space<vmem>>
    %dma_start3A_8 = arith.constant 0 : i32
    %dma_start3A_9 = tpu.memref_slice %arg9[%dma_start3A, %dma_start3A_8] : memref<8x128xi32, #tpu.memory_space<vmem>> -> memref<1x128xi32, #tpu.memory_space<vmem>>
    %dma_start3A_10 = tpu.memref_squeeze %dma_start3A_9 : memref<1x128xi32, #tpu.memory_space<vmem>> -> memref<128xi32, #tpu.memory_space<vmem>>
    %dma_start3A_11 = arith.constant 0 : i32
    %dma_start3A_12 = tpu.memref_slice %arg3[%dma_start3A_11] : memref<100000xf32, #tpu.memory_space<hbm>> -> memref<100000xf32, #tpu.memory_space<hbm>>
    %dma_start3A_13 = tpu.memref_slice %arg14[%dma_start3A_4] : memref<13x!tpu.dma_semaphore, #tpu.memory_space<semaphore_mem>> -> memref<1x!tpu.dma_semaphore, #tpu.memory_space<semaphore_mem>>
    %dma_start3A_14 = tpu.memref_squeeze %dma_start3A_13 : memref<1x!tpu.dma_semaphore, #tpu.memory_space<semaphore_mem>> -> memref<!tpu.dma_semaphore, #tpu.memory_space<semaphore_mem>>
    tpu.enqueue_indirect_dma source(%dma_start3A_12 : memref<100000xf32, #tpu.memory_space<hbm>>) target(%dma_start3A_7 : memref<128xf32, #tpu.memory_space<vmem>>) offsets(%dma_start3A_10 : memref<128xi32, #tpu.memory_space<vmem>>) semaphore(%dma_start3A_14 : memref<!tpu.dma_semaphore, #tpu.memory_space<semaphore_mem>>)
    %dma_start3A_15 = arith.constant 1 : i32
    %dma_start3A_16 = arith.constant 1 : i32
    %dma_start3A_17 = arith.constant 12 : i32
    %dma_start3A_18 = arith.constant 0 : i32
    %dma_start3A_19 = tpu.memref_slice %arg11[%dma_start3A_16, %dma_start3A_18] : memref<8x128xf32, #tpu.memory_space<vmem>> -> memref<1x128xf32, #tpu.memory_space<vmem>>
    %dma_start3A_20 = tpu.memref_squeeze %dma_start3A_19 : memref<1x128xf32, #tpu.memory_space<vmem>> -> memref<128xf32, #tpu.memory_space<vmem>>
    %dma_start3A_21 = arith.constant 0 : i32
    %dma_start3A_22 = tpu.memref_slice %arg9[%dma_start3A_15, %dma_start3A_21] : memref<8x128xi32, #tpu.memory_space<vmem>> -> memref<1x128xi32, #tpu.memory_space<vmem>>
    %dma_start3A_23 = tpu.memref_squeeze %dma_start3A_22 : memref<1x128xi32, #tpu.memory_space<vmem>> -> memref<128xi32, #tpu.memory_space<vmem>>
    %dma_start3A_24 = arith.constant 0 : i32
    %dma_start3A_25 = tpu.memref_slice %arg3[%dma_start3A_24] : memref<100000xf32, #tpu.memory_space<hbm>> -> memref<100000xf32, #tpu.memory_space<hbm>>
    %dma_start3A_26 = tpu.memref_slice %arg14[%dma_start3A_17] : memref<13x!tpu.dma_semaphore, #tpu.memory_space<semaphore_mem>> -> memref<1x!tpu.dma_semaphore, #tpu.memory_space<semaphore_mem>>
    %dma_start3A_27 = tpu.memref_squeeze %dma_start3A_26 : memref<1x!tpu.dma_semaphore, #tpu.memory_space<semaphore_mem>> -> memref<!tpu.dma_semaphore, #tpu.memory_space<semaphore_mem>>
    tpu.enqueue_indirect_dma source(%dma_start3A_25 : memref<100000xf32, #tpu.memory_space<hbm>>) target(%dma_start3A_20 : memref<128xf32, #tpu.memory_space<vmem>>) offsets(%dma_start3A_23 : memref<128xi32, #tpu.memory_space<vmem>>) semaphore(%dma_start3A_27 : memref<!tpu.dma_semaphore, #tpu.memory_space<semaphore_mem>>)
    %dma_start3A_28 = arith.constant 2 : i32
    %dma_start3A_29 = arith.constant 2 : i32
    %dma_start3A_30 = arith.constant 12 : i32
    %dma_start3A_31 = arith.constant 0 : i32
    %dma_start3A_32 = tpu.memref_slice %arg11[%dma_start3A_29, %dma_start3A_31] : memref<8x128xf32, #tpu.memory_space<vmem>> -> memref<1x128xf32, #tpu.memory_space<vmem>>
    %dma_start3A_33 = tpu.memref_squeeze %dma_start3A_32 : memref<1x128xf32, #tpu.memory_space<vmem>> -> memref<128xf32, #tpu.memory_space<vmem>>
    %dma_start3A_34 = arith.constant 0 : i32
    %dma_start3A_35 = tpu.memref_slice %arg9[%dma_start3A_28, %dma_start3A_34] : memref<8x128xi32, #tpu.memory_space<vmem>> -> memref<1x128xi32, #tpu.memory_space<vmem>>
    %dma_start3A_36 = tpu.memref_squeeze %dma_start3A_35 : memref<1x128xi32, #tpu.memory_space<vmem>> -> memref<128xi32, #tpu.memory_space<vmem>>
    %dma_start3A_37 = arith.constant 0 : i32
    %dma_start3A_38 = tpu.memref_slice %arg3[%dma_start3A_37] : memref<100000xf32, #tpu.memory_space<hbm>> -> memref<100000xf32, #tpu.memory_space<hbm>>
    %dma_start3A_39 = tpu.memref_slice %arg14[%dma_start3A_30] : memref<13x!tpu.dma_semaphore, #tpu.memory_space<semaphore_mem>> -> memref<1x!tpu.dma_semaphore, #tpu.memory_space<semaphore_mem>>
    %dma_start3A_40 = tpu.memref_squeeze %dma_start3A_39 : memref<1x!tpu.dma_semaphore, #tpu.memory_space<semaphore_mem>> -> memref<!tpu.dma_semaphore, #tpu.memory_space<semaphore_mem>>
    tpu.enqueue_indirect_dma source(%dma_start3A_38 : memref<100000xf32, #tpu.memory_space<hbm>>) target(%dma_start3A_33 : memref<128xf32, #tpu.memory_space<vmem>>) offsets(%dma_start3A_36 : memref<128xi32, #tpu.memory_space<vmem>>) semaphore(%dma_start3A_40 : memref<!tpu.dma_semaphore, #tpu.memory_space<semaphore_mem>>)
    %dma_start3A_41 = arith.constant 3 : i32
    %dma_start3A_42 = arith.constant 3 : i32
    %dma_start3A_43 = arith.constant 12 : i32
    %dma_start3A_44 = arith.constant 0 : i32
    %dma_start3A_45 = tpu.memref_slice %arg11[%dma_start3A_42, %dma_start3A_44] : memref<8x128xf32, #tpu.memory_space<vmem>> -> memref<1x128xf32, #tpu.memory_space<vmem>>
    %dma_start3A_46 = tpu.memref_squeeze %dma_start3A_45 : memref<1x128xf32, #tpu.memory_space<vmem>> -> memref<128xf32, #tpu.memory_space<vmem>>
    %dma_start3A_47 = arith.constant 0 : i32
    %dma_start3A_48 = tpu.memref_slice %arg9[%dma_start3A_41, %dma_start3A_47] : memref<8x128xi32, #tpu.memory_space<vmem>> -> memref<1x128xi32, #tpu.memory_space<vmem>>
    %dma_start3A_49 = tpu.memref_squeeze %dma_start3A_48 : memref<1x128xi32, #tpu.memory_space<vmem>> -> memref<128xi32, #tpu.memory_space<vmem>>
    %dma_start3A_50 = arith.constant 0 : i32
    %dma_start3A_51 = tpu.memref_slice %arg3[%dma_start3A_50] : memref<100000xf32, #tpu.memory_space<hbm>> -> memref<100000xf32, #tpu.memory_space<hbm>>
    %dma_start3A_52 = tpu.memref_slice %arg14[%dma_start3A_43] : memref<13x!tpu.dma_semaphore, #tpu.memory_space<semaphore_mem>> -> memref<1x!tpu.dma_semaphore, #tpu.memory_space<semaphore_mem>>
    %dma_start3A_53 = tpu.memref_squeeze %dma_start3A_52 : memref<1x!tpu.dma_semaphore, #tpu.memory_space<semaphore_mem>> -> memref<!tpu.dma_semaphore, #tpu.memory_space<semaphore_mem>>
    tpu.enqueue_indirect_dma source(%dma_start3A_51 : memref<100000xf32, #tpu.memory_space<hbm>>) target(%dma_start3A_46 : memref<128xf32, #tpu.memory_space<vmem>>) offsets(%dma_start3A_49 : memref<128xi32, #tpu.memory_space<vmem>>) semaphore(%dma_start3A_53 : memref<!tpu.dma_semaphore, #tpu.memory_space<semaphore_mem>>)
    %dma_start3A_54 = arith.constant 4 : i32
    %dma_start3A_55 = arith.constant 4 : i32
    %dma_start3A_56 = arith.constant 12 : i32
    %dma_start3A_57 = arith.constant 0 : i32
    %dma_start3A_58 = tpu.memref_slice %arg11[%dma_start3A_55, %dma_start3A_57] : memref<8x128xf32, #tpu.memory_space<vmem>> -> memref<1x128xf32, #tpu.memory_space<vmem>>
    %dma_start3A_59 = tpu.memref_squeeze %dma_start3A_58 : memref<1x128xf32, #tpu.memory_space<vmem>> -> memref<128xf32, #tpu.memory_space<vmem>>
    %dma_start3A_60 = arith.constant 0 : i32
    %dma_start3A_61 = tpu.memref_slice %arg9[%dma_start3A_54, %dma_start3A_60] : memref<8x128xi32, #tpu.memory_space<vmem>> -> memref<1x128xi32, #tpu.memory_space<vmem>>
    %dma_start3A_62 = tpu.memref_squeeze %dma_start3A_61 : memref<1x128xi32, #tpu.memory_space<vmem>> -> memref<128xi32, #tpu.memory_space<vmem>>
    %dma_start3A_63 = arith.constant 0 : i32
    %dma_start3A_64 = tpu.memref_slice %arg3[%dma_start3A_63] : memref<100000xf32, #tpu.memory_space<hbm>> -> memref<100000xf32, #tpu.memory_space<hbm>>
    %dma_start3A_65 = tpu.memref_slice %arg14[%dma_start3A_56] : memref<13x!tpu.dma_semaphore, #tpu.memory_space<semaphore_mem>> -> memref<1x!tpu.dma_semaphore, #tpu.memory_space<semaphore_mem>>
    %dma_start3A_66 = tpu.memref_squeeze %dma_start3A_65 : memref<1x!tpu.dma_semaphore, #tpu.memory_space<semaphore_mem>> -> memref<!tpu.dma_semaphore, #tpu.memory_space<semaphore_mem>>
    tpu.enqueue_indirect_dma source(%dma_start3A_64 : memref<100000xf32, #tpu.memory_space<hbm>>) target(%dma_start3A_59 : memref<128xf32, #tpu.memory_space<vmem>>) offsets(%dma_start3A_62 : memref<128xi32, #tpu.memory_space<vmem>>) semaphore(%dma_start3A_66 : memref<!tpu.dma_semaphore, #tpu.memory_space<semaphore_mem>>)
    %dma_start3A_67 = arith.constant 5 : i32
    %dma_start3A_68 = arith.constant 5 : i32
    %dma_start3A_69 = arith.constant 12 : i32
    %dma_start3A_70 = arith.constant 0 : i32
    %dma_start3A_71 = tpu.memref_slice %arg11[%dma_start3A_68, %dma_start3A_70] : memref<8x128xf32, #tpu.memory_space<vmem>> -> memref<1x128xf32, #tpu.memory_space<vmem>>
    %dma_start3A_72 = tpu.memref_squeeze %dma_start3A_71 : memref<1x128xf32, #tpu.memory_space<vmem>> -> memref<128xf32, #tpu.memory_space<vmem>>
    %dma_start3A_73 = arith.constant 0 : i32
    %dma_start3A_74 = tpu.memref_slice %arg9[%dma_start3A_67, %dma_start3A_73] : memref<8x128xi32, #tpu.memory_space<vmem>> -> memref<1x128xi32, #tpu.memory_space<vmem>>
    %dma_start3A_75 = tpu.memref_squeeze %dma_start3A_74 : memref<1x128xi32, #tpu.memory_space<vmem>> -> memref<128xi32, #tpu.memory_space<vmem>>
    %dma_start3A_76 = arith.constant 0 : i32
    %dma_start3A_77 = tpu.memref_slice %arg3[%dma_start3A_76] : memref<100000xf32, #tpu.memory_space<hbm>> -> memref<100000xf32, #tpu.memory_space<hbm>>
    %dma_start3A_78 = tpu.memref_slice %arg14[%dma_start3A_69] : memref<13x!tpu.dma_semaphore, #tpu.memory_space<semaphore_mem>> -> memref<1x!tpu.dma_semaphore, #tpu.memory_space<semaphore_mem>>
    %dma_start3A_79 = tpu.memref_squeeze %dma_start3A_78 : memref<1x!tpu.dma_semaphore, #tpu.memory_space<semaphore_mem>> -> memref<!tpu.dma_semaphore, #tpu.memory_space<semaphore_mem>>
    tpu.enqueue_indirect_dma source(%dma_start3A_77 : memref<100000xf32, #tpu.memory_space<hbm>>) target(%dma_start3A_72 : memref<128xf32, #tpu.memory_space<vmem>>) offsets(%dma_start3A_75 : memref<128xi32, #tpu.memory_space<vmem>>) semaphore(%dma_start3A_79 : memref<!tpu.dma_semaphore, #tpu.memory_space<semaphore_mem>>)
    %dma_start3A_80 = arith.constant 6 : i32
    %dma_start3A_81 = arith.constant 6 : i32
    %dma_start3A_82 = arith.constant 12 : i32
    %dma_start3A_83 = arith.constant 0 : i32
    %dma_start3A_84 = tpu.memref_slice %arg11[%dma_start3A_81, %dma_start3A_83] : memref<8x128xf32, #tpu.memory_space<vmem>> -> memref<1x128xf32, #tpu.memory_space<vmem>>
    %dma_start3A_85 = tpu.memref_squeeze %dma_start3A_84 : memref<1x128xf32, #tpu.memory_space<vmem>> -> memref<128xf32, #tpu.memory_space<vmem>>
    %dma_start3A_86 = arith.constant 0 : i32
    %dma_start3A_87 = tpu.memref_slice %arg9[%dma_start3A_80, %dma_start3A_86] : memref<8x128xi32, #tpu.memory_space<vmem>> -> memref<1x128xi32, #tpu.memory_space<vmem>>
    %dma_start3A_88 = tpu.memref_squeeze %dma_start3A_87 : memref<1x128xi32, #tpu.memory_space<vmem>> -> memref<128xi32, #tpu.memory_space<vmem>>
    %dma_start3A_89 = arith.constant 0 : i32
    %dma_start3A_90 = tpu.memref_slice %arg3[%dma_start3A_89] : memref<100000xf32, #tpu.memory_space<hbm>> -> memref<100000xf32, #tpu.memory_space<hbm>>
    %dma_start3A_91 = tpu.memref_slice %arg14[%dma_start3A_82] : memref<13x!tpu.dma_semaphore, #tpu.memory_space<semaphore_mem>> -> memref<1x!tpu.dma_semaphore, #tpu.memory_space<semaphore_mem>>
    %dma_start3A_92 = tpu.memref_squeeze %dma_start3A_91 : memref<1x!tpu.dma_semaphore, #tpu.memory_space<semaphore_mem>> -> memref<!tpu.dma_semaphore, #tpu.memory_space<semaphore_mem>>
    tpu.enqueue_indirect_dma source(%dma_start3A_90 : memref<100000xf32, #tpu.memory_space<hbm>>) target(%dma_start3A_85 : memref<128xf32, #tpu.memory_space<vmem>>) offsets(%dma_start3A_88 : memref<128xi32, #tpu.memory_space<vmem>>) semaphore(%dma_start3A_92 : memref<!tpu.dma_semaphore, #tpu.memory_space<semaphore_mem>>)
    %dma_start3A_93 = arith.constant 7 : i32
    %dma_start3A_94 = arith.constant 7 : i32
    %dma_start3A_95 = arith.constant 12 : i32
    %dma_start3A_96 = arith.constant 0 : i32
    %dma_start3A_97 = tpu.memref_slice %arg11[%dma_start3A_94, %dma_start3A_96] : memref<8x128xf32, #tpu.memory_space<vmem>> -> memref<1x128xf32, #tpu.memory_space<vmem>>
    %dma_start3A_98 = tpu.memref_squeeze %dma_start3A_97 : memref<1x128xf32, #tpu.memory_space<vmem>> -> memref<128xf32, #tpu.memory_space<vmem>>
    %dma_start3A_99 = arith.constant 0 : i32
    %dma_start3A_100 = tpu.memref_slice %arg9[%dma_start3A_93, %dma_start3A_99] : memref<8x128xi32, #tpu.memory_space<vmem>> -> memref<1x128xi32, #tpu.memory_space<vmem>>
    %dma_start3A_101 = tpu.memref_squeeze %dma_start3A_100 : memref<1x128xi32, #tpu.memory_space<vmem>> -> memref<128xi32, #tpu.memory_space<vmem>>
    %dma_start3A_102 = arith.constant 0 : i32
    %dma_start3A_103 = tpu.memref_slice %arg3[%dma_start3A_102] : memref<100000xf32, #tpu.memory_space<hbm>> -> memref<100000xf32, #tpu.memory_space<hbm>>
    %dma_start3A_104 = tpu.memref_slice %arg14[%dma_start3A_95] : memref<13x!tpu.dma_semaphore, #tpu.memory_space<semaphore_mem>> -> memref<1x!tpu.dma_semaphore, #tpu.memory_space<semaphore_mem>>
    %dma_start3A_105 = tpu.memref_squeeze %dma_start3A_104 : memref<1x!tpu.dma_semaphore, #tpu.memory_space<semaphore_mem>> -> memref<!tpu.dma_semaphore, #tpu.memory_space<semaphore_mem>>
    tpu.enqueue_indirect_dma source(%dma_start3A_103 : memref<100000xf32, #tpu.memory_space<hbm>>) target(%dma_start3A_98 : memref<128xf32, #tpu.memory_space<vmem>>) offsets(%dma_start3A_101 : memref<128xi32, #tpu.memory_space<vmem>>) semaphore(%dma_start3A_105 : memref<!tpu.dma_semaphore, #tpu.memory_space<semaphore_mem>>)
    %broadcast_in_dim3A = arith.constant 0.000000e+00 : f32
    %broadcast_in_dim3A_106 = vector.broadcast %broadcast_in_dim3A : f32 to vector<16xf32>
    %broadcast_in_dim3A_107 = arith.constant 0.000000e+00 : f32
    %broadcast_in_dim3A_108 = vector.broadcast %broadcast_in_dim3A_107 : f32 to vector<16xf32>
    %broadcast_in_dim3A_109 = arith.constant 0.000000e+00 : f32
    %broadcast_in_dim3A_110 = vector.broadcast %broadcast_in_dim3A_109 : f32 to vector<16xf32>
    %broadcast_in_dim3A_111 = arith.constant 0.000000e+00 : f32
    %broadcast_in_dim3A_112 = vector.broadcast %broadcast_in_dim3A_111 : f32 to vector<16xf32>
    %broadcast_in_dim3A_113 = arith.constant 0.000000e+00 : f32
    %broadcast_in_dim3A_114 = vector.broadcast %broadcast_in_dim3A_113 : f32 to vector<16xf32>
    %broadcast_in_dim3A_115 = arith.constant 0.000000e+00 : f32
    %broadcast_in_dim3A_116 = vector.broadcast %broadcast_in_dim3A_115 : f32 to vector<16xf32>
    %broadcast_in_dim3A_117 = arith.constant 0.000000e+00 : f32
    %broadcast_in_dim3A_118 = vector.broadcast %broadcast_in_dim3A_117 : f32 to vector<16xf32>
    %broadcast_in_dim3A_119 = arith.constant 0.000000e+00 : f32
    %broadcast_in_dim3A_120 = vector.broadcast %broadcast_in_dim3A_119 : f32 to vector<16xf32>
    %broadcast_in_dim3A_121 = arith.constant 0.000000e+00 : f32
    %broadcast_in_dim3A_122 = vector.broadcast %broadcast_in_dim3A_121 : f32 to vector<16xf32>
    %broadcast_in_dim3A_123 = arith.constant 0.000000e+00 : f32
    %broadcast_in_dim3A_124 = vector.broadcast %broadcast_in_dim3A_123 : f32 to vector<16xf32>
    %broadcast_in_dim3A_125 = arith.constant 0.000000e+00 : f32
    %broadcast_in_dim3A_126 = vector.broadcast %broadcast_in_dim3A_125 : f32 to vector<16xf32>
    %broadcast_in_dim3A_127 = arith.constant 0.000000e+00 : f32
    %broadcast_in_dim3A_128 = vector.broadcast %broadcast_in_dim3A_127 : f32 to vector<16xf32>
    %broadcast_in_dim3A_129 = arith.constant 0.000000e+00 : f32
    %broadcast_in_dim3A_130 = vector.broadcast %broadcast_in_dim3A_129 : f32 to vector<16xf32>
    %broadcast_in_dim3A_131 = arith.constant 0.000000e+00 : f32
    %broadcast_in_dim3A_132 = vector.broadcast %broadcast_in_dim3A_131 : f32 to vector<16xf32>
    %broadcast_in_dim3A_133 = arith.constant 0.000000e+00 : f32
    %broadcast_in_dim3A_134 = vector.broadcast %broadcast_in_dim3A_133 : f32 to vector<16xf32>
    %broadcast_in_dim3A_135 = arith.constant 0.000000e+00 : f32
    %broadcast_in_dim3A_136 = vector.broadcast %broadcast_in_dim3A_135 : f32 to vector<16xf32>
    %dma_start3A_137 = arith.constant 0 : i32
    %dma_start3A_138 = arith.constant 0 : i32
    %dma_start3A_139 = arith.constant 0 : i32
    %dma_start3A_140 = arith.constant 0 : i32
    %dma_start3A_141 = arith.constant 0 : i32
    %dma_start3A_142 = tpu.memref_slice %arg10[%dma_start3A_138, %dma_start3A_140, %dma_start3A_141] : memref<6x128x128xf32, #tpu.memory_space<vmem>> -> memref<1x128x128xf32, #tpu.memory_space<vmem>>
    %dma_start3A_143 = tpu.memref_squeeze %dma_start3A_142 : memref<1x128x128xf32, #tpu.memory_space<vmem>> -> memref<128x128xf32, #tpu.memory_space<vmem>>
    %dma_start3A_144 = arith.constant 0 : i32
    %dma_start3A_145 = tpu.memref_slice %arg9[%dma_start3A_137, %dma_start3A_144] : memref<8x128xi32, #tpu.memory_space<vmem>> -> memref<1x128xi32, #tpu.memory_space<vmem>>
    %dma_start3A_146 = tpu.memref_squeeze %dma_start3A_145 : memref<1x128xi32, #tpu.memory_space<vmem>> -> memref<128xi32, #tpu.memory_space<vmem>>
    %dma_start3A_147 = arith.constant 0 : i32
    %dma_start3A_148 = arith.constant 0 : i32
    %dma_start3A_149 = tpu.memref_slice %arg2[%dma_start3A_147, %dma_start3A_148] : memref<100000x128xf32, #tpu.memory_space<hbm>> -> memref<100000x128xf32, #tpu.memory_space<hbm>>
    %dma_start3A_150 = tpu.memref_slice %arg14[%dma_start3A_139] : memref<13x!tpu.dma_semaphore, #tpu.memory_space<semaphore_mem>> -> memref<1x!tpu.dma_semaphore, #tpu.memory_space<semaphore_mem>>
    %dma_start3A_151 = tpu.memref_squeeze %dma_start3A_150 : memref<1x!tpu.dma_semaphore, #tpu.memory_space<semaphore_mem>> -> memref<!tpu.dma_semaphore, #tpu.memory_space<semaphore_mem>>
    tpu.enqueue_indirect_dma source(%dma_start3A_149 : memref<100000x128xf32, #tpu.memory_space<hbm>>) target(%dma_start3A_143 : memref<128x128xf32, #tpu.memory_space<vmem>>) offsets(%dma_start3A_146 : memref<128xi32, #tpu.memory_space<vmem>>) semaphore(%dma_start3A_151 : memref<!tpu.dma_semaphore, #tpu.memory_space<semaphore_mem>>)
    %dma_start3A_152 = arith.constant 1 : i32
    %dma_start3A_153 = arith.constant 1 : i32
    %dma_start3A_154 = arith.constant 1 : i32
    %dma_start3A_155 = arith.constant 0 : i32
    %dma_start3A_156 = arith.constant 0 : i32
    %dma_start3A_157 = tpu.memref_slice %arg10[%dma_start3A_153, %dma_start3A_155, %dma_start3A_156] : memref<6x128x128xf32, #tpu.memory_space<vmem>> -> memref<1x128x128xf32, #tpu.memory_space<vmem>>
    %dma_start3A_158 = tpu.memref_squeeze %dma_start3A_157 : memref<1x128x128xf32, #tpu.memory_space<vmem>> -> memref<128x128xf32, #tpu.memory_space<vmem>>
    %dma_start3A_159 = arith.constant 0 : i32
    %dma_start3A_160 = tpu.memref_slice %arg9[%dma_start3A_152, %dma_start3A_159] : memref<8x128xi32, #tpu.memory_space<vmem>> -> memref<1x128xi32, #tpu.memory_space<vmem>>
    %dma_start3A_161 = tpu.memref_squeeze %dma_start3A_160 : memref<1x128xi32, #tpu.memory_space<vmem>> -> memref<128xi32, #tpu.memory_space<vmem>>
    %dma_start3A_162 = arith.constant 0 : i32
    %dma_start3A_163 = arith.constant 0 : i32
    %dma_start3A_164 = tpu.memref_slice %arg2[%dma_start3A_162, %dma_start3A_163] : memref<100000x128xf32, #tpu.memory_space<hbm>> -> memref<100000x128xf32, #tpu.memory_space<hbm>>
    %dma_start3A_165 = tpu.memref_slice %arg14[%dma_start3A_154] : memref<13x!tpu.dma_semaphore, #tpu.memory_space<semaphore_mem>> -> memref<1x!tpu.dma_semaphore, #tpu.memory_space<semaphore_mem>>
    %dma_start3A_166 = tpu.memref_squeeze %dma_start3A_165 : memref<1x!tpu.dma_semaphore, #tpu.memory_space<semaphore_mem>> -> memref<!tpu.dma_semaphore, #tpu.memory_space<semaphore_mem>>
    tpu.enqueue_indirect_dma source(%dma_start3A_164 : memref<100000x128xf32, #tpu.memory_space<hbm>>) target(%dma_start3A_158 : memref<128x128xf32, #tpu.memory_space<vmem>>) offsets(%dma_start3A_161 : memref<128xi32, #tpu.memory_space<vmem>>) semaphore(%dma_start3A_166 : memref<!tpu.dma_semaphore, #tpu.memory_space<semaphore_mem>>)
    %dma_start3A_167 = arith.constant 2 : i32
    %dma_start3A_168 = arith.constant 2 : i32
    %dma_start3A_169 = arith.constant 2 : i32
    %dma_start3A_170 = arith.constant 0 : i32
    %dma_start3A_171 = arith.constant 0 : i32
    %dma_start3A_172 = tpu.memref_slice %arg10[%dma_start3A_168, %dma_start3A_170, %dma_start3A_171] : memref<6x128x128xf32, #tpu.memory_space<vmem>> -> memref<1x128x128xf32, #tpu.memory_space<vmem>>
    %dma_start3A_173 = tpu.memref_squeeze %dma_start3A_172 : memref<1x128x128xf32, #tpu.memory_space<vmem>> -> memref<128x128xf32, #tpu.memory_space<vmem>>
    %dma_start3A_174 = arith.constant 0 : i32
    %dma_start3A_175 = tpu.memref_slice %arg9[%dma_start3A_167, %dma_start3A_174] : memref<8x128xi32, #tpu.memory_space<vmem>> -> memref<1x128xi32, #tpu.memory_space<vmem>>
    %dma_start3A_176 = tpu.memref_squeeze %dma_start3A_175 : memref<1x128xi32, #tpu.memory_space<vmem>> -> memref<128xi32, #tpu.memory_space<vmem>>
    %dma_start3A_177 = arith.constant 0 : i32
    %dma_start3A_178 = arith.constant 0 : i32
    %dma_start3A_179 = tpu.memref_slice %arg2[%dma_start3A_177, %dma_start3A_178] : memref<100000x128xf32, #tpu.memory_space<hbm>> -> memref<100000x128xf32, #tpu.memory_space<hbm>>
    %dma_start3A_180 = tpu.memref_slice %arg14[%dma_start3A_169] : memref<13x!tpu.dma_semaphore, #tpu.memory_space<semaphore_mem>> -> memref<1x!tpu.dma_semaphore, #tpu.memory_space<semaphore_mem>>
    %dma_start3A_181 = tpu.memref_squeeze %dma_start3A_180 : memref<1x!tpu.dma_semaphore, #tpu.memory_space<semaphore_mem>> -> memref<!tpu.dma_semaphore, #tpu.memory_space<semaphore_mem>>
    tpu.enqueue_indirect_dma source(%dma_start3A_179 : memref<100000x128xf32, #tpu.memory_space<hbm>>) target(%dma_start3A_173 : memref<128x128xf32, #tpu.memory_space<vmem>>) offsets(%dma_start3A_176 : memref<128xi32, #tpu.memory_space<vmem>>) semaphore(%dma_start3A_181 : memref<!tpu.dma_semaphore, #tpu.memory_space<semaphore_mem>>)
    %dma_start3A_182 = arith.constant 3 : i32
    %dma_start3A_183 = arith.constant 3 : i32
    %dma_start3A_184 = arith.constant 3 : i32
    %dma_start3A_185 = arith.constant 0 : i32
    %dma_start3A_186 = arith.constant 0 : i32
    %dma_start3A_187 = tpu.memref_slice %arg10[%dma_start3A_183, %dma_start3A_185, %dma_start3A_186] : memref<6x128x128xf32, #tpu.memory_space<vmem>> -> memref<1x128x128xf32, #tpu.memory_space<vmem>>
    %dma_start3A_188 = tpu.memref_squeeze %dma_start3A_187 : memref<1x128x128xf32, #tpu.memory_space<vmem>> -> memref<128x128xf32, #tpu.memory_space<vmem>>
    %dma_start3A_189 = arith.constant 0 : i32
    %dma_start3A_190 = tpu.memref_slice %arg9[%dma_start3A_182, %dma_start3A_189] : memref<8x128xi32, #tpu.memory_space<vmem>> -> memref<1x128xi32, #tpu.memory_space<vmem>>
    %dma_start3A_191 = tpu.memref_squeeze %dma_start3A_190 : memref<1x128xi32, #tpu.memory_space<vmem>> -> memref<128xi32, #tpu.memory_space<vmem>>
    %dma_start3A_192 = arith.constant 0 : i32
    %dma_start3A_193 = arith.constant 0 : i32
    %dma_start3A_194 = tpu.memref_slice %arg2[%dma_start3A_192, %dma_start3A_193] : memref<100000x128xf32, #tpu.memory_space<hbm>> -> memref<100000x128xf32, #tpu.memory_space<hbm>>
    %dma_start3A_195 = tpu.memref_slice %arg14[%dma_start3A_184] : memref<13x!tpu.dma_semaphore, #tpu.memory_space<semaphore_mem>> -> memref<1x!tpu.dma_semaphore, #tpu.memory_space<semaphore_mem>>
    %dma_start3A_196 = tpu.memref_squeeze %dma_start3A_195 : memref<1x!tpu.dma_semaphore, #tpu.memory_space<semaphore_mem>> -> memref<!tpu.dma_semaphore, #tpu.memory_space<semaphore_mem>>
    tpu.enqueue_indirect_dma source(%dma_start3A_194 : memref<100000x128xf32, #tpu.memory_space<hbm>>) target(%dma_start3A_188 : memref<128x128xf32, #tpu.memory_space<vmem>>) offsets(%dma_start3A_191 : memref<128xi32, #tpu.memory_space<vmem>>) semaphore(%dma_start3A_196 : memref<!tpu.dma_semaphore, #tpu.memory_space<semaphore_mem>>)
    %dma_start3A_197 = arith.constant 4 : i32
    %dma_start3A_198 = arith.constant 4 : i32
    %dma_start3A_199 = arith.constant 4 : i32
    %dma_start3A_200 = arith.constant 0 : i32
    %dma_start3A_201 = arith.constant 0 : i32
    %dma_start3A_202 = tpu.memref_slice %arg10[%dma_start3A_198, %dma_start3A_200, %dma_start3A_201] : memref<6x128x128xf32, #tpu.memory_space<vmem>> -> memref<1x128x128xf32, #tpu.memory_space<vmem>>
    %dma_start3A_203 = tpu.memref_squeeze %dma_start3A_202 : memref<1x128x128xf32, #tpu.memory_space<vmem>> -> memref<128x128xf32, #tpu.memory_space<vmem>>
    %dma_start3A_204 = arith.constant 0 : i32
    %dma_start3A_205 = tpu.memref_slice %arg9[%dma_start3A_197, %dma_start3A_204] : memref<8x128xi32, #tpu.memory_space<vmem>> -> memref<1x128xi32, #tpu.memory_space<vmem>>
    %dma_start3A_206 = tpu.memref_squeeze %dma_start3A_205 : memref<1x128xi32, #tpu.memory_space<vmem>> -> memref<128xi32, #tpu.memory_space<vmem>>
    %dma_start3A_207 = arith.constant 0 : i32
    %dma_start3A_208 = arith.constant 0 : i32
    %dma_start3A_209 = tpu.memref_slice %arg2[%dma_start3A_207, %dma_start3A_208] : memref<100000x128xf32, #tpu.memory_space<hbm>> -> memref<100000x128xf32, #tpu.memory_space<hbm>>
    %dma_start3A_210 = tpu.memref_slice %arg14[%dma_start3A_199] : memref<13x!tpu.dma_semaphore, #tpu.memory_space<semaphore_mem>> -> memref<1x!tpu.dma_semaphore, #tpu.memory_space<semaphore_mem>>
    %dma_start3A_211 = tpu.memref_squeeze %dma_start3A_210 : memref<1x!tpu.dma_semaphore, #tpu.memory_space<semaphore_mem>> -> memref<!tpu.dma_semaphore, #tpu.memory_space<semaphore_mem>>
    tpu.enqueue_indirect_dma source(%dma_start3A_209 : memref<100000x128xf32, #tpu.memory_space<hbm>>) target(%dma_start3A_203 : memref<128x128xf32, #tpu.memory_space<vmem>>) offsets(%dma_start3A_206 : memref<128xi32, #tpu.memory_space<vmem>>) semaphore(%dma_start3A_211 : memref<!tpu.dma_semaphore, #tpu.memory_space<semaphore_mem>>)
    %dma_wait3A = arith.constant 0 : i32
    %dma_wait3A_212 = arith.constant 0 : i32
    %dma_wait3A_213 = arith.constant 0 : i32
    %dma_wait3A_214 = arith.constant 0 : i32
    %dma_wait3A_215 = arith.constant 0 : i32
    %dma_wait3A_216 = tpu.memref_slice %arg10[%dma_wait3A_212, %dma_wait3A_214, %dma_wait3A_215] : memref<6x128x128xf32, #tpu.memory_space<vmem>> -> memref<1x128x128xf32, #tpu.memory_space<vmem>>
    %dma_wait3A_217 = tpu.memref_squeeze %dma_wait3A_216 : memref<1x128x128xf32, #tpu.memory_space<vmem>> -> memref<128x128xf32, #tpu.memory_space<vmem>>
    %dma_wait3A_218 = arith.constant 0 : i32
    %dma_wait3A_219 = tpu.memref_slice %arg9[%dma_wait3A, %dma_wait3A_218] : memref<8x128xi32, #tpu.memory_space<vmem>> -> memref<1x128xi32, #tpu.memory_space<vmem>>
    %dma_wait3A_220 = tpu.memref_squeeze %dma_wait3A_219 : memref<1x128xi32, #tpu.memory_space<vmem>> -> memref<128xi32, #tpu.memory_space<vmem>>
    %dma_wait3A_221 = arith.constant 0 : i32
    %dma_wait3A_222 = arith.constant 0 : i32
    %dma_wait3A_223 = tpu.memref_slice %arg2[%dma_wait3A_221, %dma_wait3A_222] : memref<100000x128xf32, #tpu.memory_space<hbm>> -> memref<100000x128xf32, #tpu.memory_space<hbm>>
    %dma_wait3A_224 = tpu.memref_slice %arg14[%dma_wait3A_213] : memref<13x!tpu.dma_semaphore, #tpu.memory_space<semaphore_mem>> -> memref<1x!tpu.dma_semaphore, #tpu.memory_space<semaphore_mem>>
    %dma_wait3A_225 = tpu.memref_squeeze %dma_wait3A_224 : memref<1x!tpu.dma_semaphore, #tpu.memory_space<semaphore_mem>> -> memref<!tpu.dma_semaphore, #tpu.memory_space<semaphore_mem>>
    tpu.wait_indirect_dma semaphore(%dma_wait3A_225 : memref<!tpu.dma_semaphore, #tpu.memory_space<semaphore_mem>>) src(%dma_wait3A_223 : memref<100000x128xf32, #tpu.memory_space<hbm>>) dst(%dma_wait3A_217 : memref<128x128xf32, #tpu.memory_space<vmem>>)
    %scan3A = arith.constant 0 : i32
    %scan3A_226 = arith.constant 0 : i32
    %scan3A_227 = arith.constant 128 : i32
    %scan3A_228 = arith.addi %scan3A_226, %scan3A_227 : i32
    %scan3A_229 = arith.constant 2 : i32
    %scan3A_230:16 = scf.for %scan3A_1587 = %scan3A_226 to %scan3A_228 step %scan3A_229 iter_args(%scan3A_1588 = %broadcast_in_dim3A_106, %scan3A_1589 = %broadcast_in_dim3A_108, %scan3A_1590 = %broadcast_in_dim3A_110, %scan3A_1591 = %broadcast_in_dim3A_112, %scan3A_1592 = %broadcast_in_dim3A_114, %scan3A_1593 = %broadcast_in_dim3A_116, %scan3A_1594 = %broadcast_in_dim3A_118, %scan3A_1595 = %broadcast_in_dim3A_120, %scan3A_1596 = %broadcast_in_dim3A_122, %scan3A_1597 = %broadcast_in_dim3A_124, %scan3A_1598 = %broadcast_in_dim3A_126, %scan3A_1599 = %broadcast_in_dim3A_128, %scan3A_1600 = %broadcast_in_dim3A_130, %scan3A_1601 = %broadcast_in_dim3A_132, %scan3A_1602 = %broadcast_in_dim3A_134, %scan3A_1603 = %broadcast_in_dim3A_136) -> (vector<16xf32>, vector<16xf32>, vector<16xf32>, vector<16xf32>, vector<16xf32>, vector<16xf32>, vector<16xf32>, vector<16xf32>, vector<16xf32>, vector<16xf32>, vector<16xf32>, vector<16xf32>, vector<16xf32>, vector<16xf32>, vector<16xf32>, vector<16xf32>)  : i32 {
      %get3A_1604 = arith.constant 0 : i32
      %get3A_1605 = arith.constant 0 : i32
      %get3A_1606 = tpu.memref_slice %arg10[%scan3A, %get3A_1604, %get3A_1605] : memref<6x128x128xf32, #tpu.memory_space<vmem>> -> memref<1x128x128xf32, #tpu.memory_space<vmem>>
      %get3A_1607 = tpu.memref_squeeze %get3A_1606 : memref<1x128x128xf32, #tpu.memory_space<vmem>> -> memref<128x128xf32, #tpu.memory_space<vmem>>
      %get3A_1608 = arith.index_cast %scan3A_1587 : i32 to index
      %get3A_1609 = arith.constant 0 : index
      %get3A_1610 = tpu.vector_load %get3A_1607[%get3A_1608, %get3A_1609] {strides = array<i32>} : memref<128x128xf32, #tpu.memory_space<vmem>>, vector<1x16xf32>,
      %get3A_1611 = vector.shape_cast %get3A_1610 : vector<1x16xf32> to vector<16xf32>
      %add3A_1612 = arith.addf %scan3A_1588, %get3A_1611 : vector<16xf32>
      %mul3A_1613 = arith.mulf %get3A_1611, %get3A_1611 : vector<16xf32>
      %add3A_1614 = arith.addf %scan3A_1596, %mul3A_1613 : vector<16xf32>
      %get3A_1615 = arith.constant 0 : i32
      %get3A_1616 = arith.constant 0 : i32
      %get3A_1617 = tpu.memref_slice %arg10[%scan3A, %get3A_1615, %get3A_1616] : memref<6x128x128xf32, #tpu.memory_space<vmem>> -> memref<1x128x128xf32, #tpu.memory_space<vmem>>
      %get3A_1618 = tpu.memref_squeeze %get3A_1617 : memref<1x128x128xf32, #tpu.memory_space<vmem>> -> memref<128x128xf32, #tpu.memory_space<vmem>>
      %get3A_1619 = arith.index_cast %scan3A_1587 : i32 to index
      %get3A_1620 = arith.constant 16 : index
      %get3A_1621 = tpu.vector_load %get3A_1618[%get3A_1619, %get3A_1620] {strides = array<i32>} : memref<128x128xf32, #tpu.memory_space<vmem>>, vector<1x16xf32>,
      %get3A_1622 = vector.shape_cast %get3A_1621 : vector<1x16xf32> to vector<16xf32>
      %add3A_1623 = arith.addf %scan3A_1589, %get3A_1622 : vector<16xf32>
      %mul3A_1624 = arith.mulf %get3A_1622, %get3A_1622 : vector<16xf32>
      %add3A_1625 = arith.addf %scan3A_1597, %mul3A_1624 : vector<16xf32>
      %get3A_1626 = arith.constant 0 : i32
      %get3A_1627 = arith.constant 0 : i32
      %get3A_1628 = tpu.memref_slice %arg10[%scan3A, %get3A_1626, %get3A_1627] : memref<6x128x128xf32, #tpu.memory_space<vmem>> -> memref<1x128x128xf32, #tpu.memory_space<vmem>>
      %get3A_1629 = tpu.memref_squeeze %get3A_1628 : memref<1x128x128xf32, #tpu.memory_space<vmem>> -> memref<128x128xf32, #tpu.memory_space<vmem>>
      %get3A_1630 = arith.index_cast %scan3A_1587 : i32 to index
      %get3A_1631 = arith.constant 32 : index
      %get3A_1632 = tpu.vector_load %get3A_1629[%get3A_1630, %get3A_1631] {strides = array<i32>} : memref<128x128xf32, #tpu.memory_space<vmem>>, vector<1x16xf32>,
      %get3A_1633 = vector.shape_cast %get3A_1632 : vector<1x16xf32> to vector<16xf32>
      %add3A_1634 = arith.addf %scan3A_1590, %get3A_1633 : vector<16xf32>
      %mul3A_1635 = arith.mulf %get3A_1633, %get3A_1633 : vector<16xf32>
      %add3A_1636 = arith.addf %scan3A_1598, %mul3A_1635 : vector<16xf32>
      %get3A_1637 = arith.constant 0 : i32
      %get3A_1638 = arith.constant 0 : i32
      %get3A_1639 = tpu.memref_slice %arg10[%scan3A, %get3A_1637, %get3A_1638] : memref<6x128x128xf32, #tpu.memory_space<vmem>> -> memref<1x128x128xf32, #tpu.memory_space<vmem>>
      %get3A_1640 = tpu.memref_squeeze %get3A_1639 : memref<1x128x128xf32, #tpu.memory_space<vmem>> -> memref<128x128xf32, #tpu.memory_space<vmem>>
      %get3A_1641 = arith.index_cast %scan3A_1587 : i32 to index
      %get3A_1642 = arith.constant 48 : index
      %get3A_1643 = tpu.vector_load %get3A_1640[%get3A_1641, %get3A_1642] {strides = array<i32>} : memref<128x128xf32, #tpu.memory_space<vmem>>, vector<1x16xf32>,
      %get3A_1644 = vector.shape_cast %get3A_1643 : vector<1x16xf32> to vector<16xf32>
      %add3A_1645 = arith.addf %scan3A_1591, %get3A_1644 : vector<16xf32>
      %mul3A_1646 = arith.mulf %get3A_1644, %get3A_1644 : vector<16xf32>
      %add3A_1647 = arith.addf %scan3A_1599, %mul3A_1646 : vector<16xf32>
      %get3A_1648 = arith.constant 0 : i32
      %get3A_1649 = arith.constant 0 : i32
      %get3A_1650 = tpu.memref_slice %arg10[%scan3A, %get3A_1648, %get3A_1649] : memref<6x128x128xf32, #tpu.memory_space<vmem>> -> memref<1x128x128xf32, #tpu.memory_space<vmem>>
      %get3A_1651 = tpu.memref_squeeze %get3A_1650 : memref<1x128x128xf32, #tpu.memory_space<vmem>> -> memref<128x128xf32, #tpu.memory_space<vmem>>
      %get3A_1652 = arith.index_cast %scan3A_1587 : i32 to index
      %get3A_1653 = arith.constant 64 : index
      %get3A_1654 = tpu.vector_load %get3A_1651[%get3A_1652, %get3A_1653] {strides = array<i32>} : memref<128x128xf32, #tpu.memory_space<vmem>>, vector<1x16xf32>,
      %get3A_1655 = vector.shape_cast %get3A_1654 : vector<1x16xf32> to vector<16xf32>
      %add3A_1656 = arith.addf %scan3A_1592, %get3A_1655 : vector<16xf32>
      %mul3A_1657 = arith.mulf %get3A_1655, %get3A_1655 : vector<16xf32>
      %add3A_1658 = arith.addf %scan3A_1600, %mul3A_1657 : vector<16xf32>
      %get3A_1659 = arith.constant 0 : i32
      %get3A_1660 = arith.constant 0 : i32
      %get3A_1661 = tpu.memref_slice %arg10[%scan3A, %get3A_1659, %get3A_1660] : memref<6x128x128xf32, #tpu.memory_space<vmem>> -> memref<1x128x128xf32, #tpu.memory_space<vmem>>
      %get3A_1662 = tpu.memref_squeeze %get3A_1661 : memref<1x128x128xf32, #tpu.memory_space<vmem>> -> memref<128x128xf32, #tpu.memory_space<vmem>>
      %get3A_1663 = arith.index_cast %scan3A_1587 : i32 to index
      %get3A_1664 = arith.constant 80 : index
      %get3A_1665 = tpu.vector_load %get3A_1662[%get3A_1663, %get3A_1664] {strides = array<i32>} : memref<128x128xf32, #tpu.memory_space<vmem>>, vector<1x16xf32>,
      %get3A_1666 = vector.shape_cast %get3A_1665 : vector<1x16xf32> to vector<16xf32>
      %add3A_1667 = arith.addf %scan3A_1593, %get3A_1666 : vector<16xf32>
      %mul3A_1668 = arith.mulf %get3A_1666, %get3A_1666 : vector<16xf32>
      %add3A_1669 = arith.addf %scan3A_1601, %mul3A_1668 : vector<16xf32>
      %get3A_1670 = arith.constant 0 : i32
      %get3A_1671 = arith.constant 0 : i32
      %get3A_1672 = tpu.memref_slice %arg10[%scan3A, %get3A_1670, %get3A_1671] : memref<6x128x128xf32, #tpu.memory_space<vmem>> -> memref<1x128x128xf32, #tpu.memory_space<vmem>>
      %get3A_1673 = tpu.memref_squeeze %get3A_1672 : memref<1x128x128xf32, #tpu.memory_space<vmem>> -> memref<128x128xf32, #tpu.memory_space<vmem>>
      %get3A_1674 = arith.index_cast %scan3A_1587 : i32 to index
      %get3A_1675 = arith.constant 96 : index
      %get3A_1676 = tpu.vector_load %get3A_1673[%get3A_1674, %get3A_1675] {strides = array<i32>} : memref<128x128xf32, #tpu.memory_space<vmem>>, vector<1x16xf32>,
      %get3A_1677 = vector.shape_cast %get3A_1676 : vector<1x16xf32> to vector<16xf32>
      %add3A_1678 = arith.addf %scan3A_1594, %get3A_1677 : vector<16xf32>
      %mul3A_1679 = arith.mulf %get3A_1677, %get3A_1677 : vector<16xf32>
      %add3A_1680 = arith.addf %scan3A_1602, %mul3A_1679 : vector<16xf32>
      %get3A_1681 = arith.constant 0 : i32
      %get3A_1682 = arith.constant 0 : i32
      %get3A_1683 = tpu.memref_slice %arg10[%scan3A, %get3A_1681, %get3A_1682] : memref<6x128x128xf32, #tpu.memory_space<vmem>> -> memref<1x128x128xf32, #tpu.memory_space<vmem>>
      %get3A_1684 = tpu.memref_squeeze %get3A_1683 : memref<1x128x128xf32, #tpu.memory_space<vmem>> -> memref<128x128xf32, #tpu.memory_space<vmem>>
      %get3A_1685 = arith.index_cast %scan3A_1587 : i32 to index
      %get3A_1686 = arith.constant 112 : index
      %get3A_1687 = tpu.vector_load %get3A_1684[%get3A_1685, %get3A_1686] {strides = array<i32>} : memref<128x128xf32, #tpu.memory_space<vmem>>, vector<1x16xf32>,
      %get3A_1688 = vector.shape_cast %get3A_1687 : vector<1x16xf32> to vector<16xf32>
      %add3A_1689 = arith.addf %scan3A_1595, %get3A_1688 : vector<16xf32>
      %mul3A_1690 = arith.mulf %get3A_1688, %get3A_1688 : vector<16xf32>
      %add3A_1691 = arith.addf %scan3A_1603, %mul3A_1690 : vector<16xf32>
      %scan3A_1692 = arith.constant 1 : i32
      %scan3A_1693 = arith.addi %scan3A_1587, %scan3A_1692 : i32
      %get3A_1694 = arith.constant 0 : i32
      %get3A_1695 = arith.constant 0 : i32
      %get3A_1696 = tpu.memref_slice %arg10[%scan3A, %get3A_1694, %get3A_1695] : memref<6x128x128xf32, #tpu.memory_space<vmem>> -> memref<1x128x128xf32, #tpu.memory_space<vmem>>
      %get3A_1697 = tpu.memref_squeeze %get3A_1696 : memref<1x128x128xf32, #tpu.memory_space<vmem>> -> memref<128x128xf32, #tpu.memory_space<vmem>>
      %get3A_1698 = arith.index_cast %scan3A_1693 : i32 to index
      %get3A_1699 = arith.constant 0 : index
      %get3A_1700 = tpu.vector_load %get3A_1697[%get3A_1698, %get3A_1699] {strides = array<i32>} : memref<128x128xf32, #tpu.memory_space<vmem>>, vector<1x16xf32>,
      %get3A_1701 = vector.shape_cast %get3A_1700 : vector<1x16xf32> to vector<16xf32>
      %add3A_1702 = arith.addf %add3A_1612, %get3A_1701 : vector<16xf32>
      %mul3A_1703 = arith.mulf %get3A_1701, %get3A_1701 : vector<16xf32>
      %add3A_1704 = arith.addf %add3A_1614, %mul3A_1703 : vector<16xf32>
      %get3A_1705 = arith.constant 0 : i32
      %get3A_1706 = arith.constant 0 : i32
      %get3A_1707 = tpu.memref_slice %arg10[%scan3A, %get3A_1705, %get3A_1706] : memref<6x128x128xf32, #tpu.memory_space<vmem>> -> memref<1x128x128xf32, #tpu.memory_space<vmem>>
      %get3A_1708 = tpu.memref_squeeze %get3A_1707 : memref<1x128x128xf32, #tpu.memory_space<vmem>> -> memref<128x128xf32, #tpu.memory_space<vmem>>
      %get3A_1709 = arith.index_cast %scan3A_1693 : i32 to index
      %get3A_1710 = arith.constant 16 : index
      %get3A_1711 = tpu.vector_load %get3A_1708[%get3A_1709, %get3A_1710] {strides = array<i32>} : memref<128x128xf32, #tpu.memory_space<vmem>>, vector<1x16xf32>,
      %get3A_1712 = vector.shape_cast %get3A_1711 : vector<1x16xf32> to vector<16xf32>
      %add3A_1713 = arith.addf %add3A_1623, %get3A_1712 : vector<16xf32>
      %mul3A_1714 = arith.mulf %get3A_1712, %get3A_1712 : vector<16xf32>
      %add3A_1715 = arith.addf %add3A_1625, %mul3A_1714 : vector<16xf32>
      %get3A_1716 = arith.constant 0 : i32
      %get3A_1717 = arith.constant 0 : i32
      %get3A_1718 = tpu.memref_slice %arg10[%scan3A, %get3A_1716, %get3A_1717] : memref<6x128x128xf32, #tpu.memory_space<vmem>> -> memref<1x128x128xf32, #tpu.memory_space<vmem>>
      %get3A_1719 = tpu.memref_squeeze %get3A_1718 : memref<1x128x128xf32, #tpu.memory_space<vmem>> -> memref<128x128xf32, #tpu.memory_space<vmem>>
      %get3A_1720 = arith.index_cast %scan3A_1693 : i32 to index
      %get3A_1721 = arith.constant 32 : index
      %get3A_1722 = tpu.vector_load %get3A_1719[%get3A_1720, %get3A_1721] {strides = array<i32>} : memref<128x128xf32, #tpu.memory_space<vmem>>, vector<1x16xf32>,
      %get3A_1723 = vector.shape_cast %get3A_1722 : vector<1x16xf32> to vector<16xf32>
      %add3A_1724 = arith.addf %add3A_1634, %get3A_1723 : vector<16xf32>
      %mul3A_1725 = arith.mulf %get3A_1723, %get3A_1723 : vector<16xf32>
      %add3A_1726 = arith.addf %add3A_1636, %mul3A_1725 : vector<16xf32>
      %get3A_1727 = arith.constant 0 : i32
      %get3A_1728 = arith.constant 0 : i32
      %get3A_1729 = tpu.memref_slice %arg10[%scan3A, %get3A_1727, %get3A_1728] : memref<6x128x128xf32, #tpu.memory_space<vmem>> -> memref<1x128x128xf32, #tpu.memory_space<vmem>>
      %get3A_1730 = tpu.memref_squeeze %get3A_1729 : memref<1x128x128xf32, #tpu.memory_space<vmem>> -> memref<128x128xf32, #tpu.memory_space<vmem>>
      %get3A_1731 = arith.index_cast %scan3A_1693 : i32 to index
      %get3A_1732 = arith.constant 48 : index
      %get3A_1733 = tpu.vector_load %get3A_1730[%get3A_1731, %get3A_1732] {strides = array<i32>} : memref<128x128xf32, #tpu.memory_space<vmem>>, vector<1x16xf32>,
      %get3A_1734 = vector.shape_cast %get3A_1733 : vector<1x16xf32> to vector<16xf32>
      %add3A_1735 = arith.addf %add3A_1645, %get3A_1734 : vector<16xf32>
      %mul3A_1736 = arith.mulf %get3A_1734, %get3A_1734 : vector<16xf32>
      %add3A_1737 = arith.addf %add3A_1647, %mul3A_1736 : vector<16xf32>
      %get3A_1738 = arith.constant 0 : i32
      %get3A_1739 = arith.constant 0 : i32
      %get3A_1740 = tpu.memref_slice %arg10[%scan3A, %get3A_1738, %get3A_1739] : memref<6x128x128xf32, #tpu.memory_space<vmem>> -> memref<1x128x128xf32, #tpu.memory_space<vmem>>
      %get3A_1741 = tpu.memref_squeeze %get3A_1740 : memref<1x128x128xf32, #tpu.memory_space<vmem>> -> memref<128x128xf32, #tpu.memory_space<vmem>>
      %get3A_1742 = arith.index_cast %scan3A_1693 : i32 to index
      %get3A_1743 = arith.constant 64 : index
      %get3A_1744 = tpu.vector_load %get3A_1741[%get3A_1742, %get3A_1743] {strides = array<i32>} : memref<128x128xf32, #tpu.memory_space<vmem>>, vector<1x16xf32>,
      %get3A_1745 = vector.shape_cast %get3A_1744 : vector<1x16xf32> to vector<16xf32>
      %add3A_1746 = arith.addf %add3A_1656, %get3A_1745 : vector<16xf32>
      %mul3A_1747 = arith.mulf %get3A_1745, %get3A_1745 : vector<16xf32>
      %add3A_1748 = arith.addf %add3A_1658, %mul3A_1747 : vector<16xf32>
      %get3A_1749 = arith.constant 0 : i32
      %get3A_1750 = arith.constant 0 : i32
      %get3A_1751 = tpu.memref_slice %arg10[%scan3A, %get3A_1749, %get3A_1750] : memref<6x128x128xf32, #tpu.memory_space<vmem>> -> memref<1x128x128xf32, #tpu.memory_space<vmem>>
      %get3A_1752 = tpu.memref_squeeze %get3A_1751 : memref<1x128x128xf32, #tpu.memory_space<vmem>> -> memref<128x128xf32, #tpu.memory_space<vmem>>
      %get3A_1753 = arith.index_cast %scan3A_1693 : i32 to index
      %get3A_1754 = arith.constant 80 : index
      %get3A_1755 = tpu.vector_load %get3A_1752[%get3A_1753, %get3A_1754] {strides = array<i32>} : memref<128x128xf32, #tpu.memory_space<vmem>>, vector<1x16xf32>,
      %get3A_1756 = vector.shape_cast %get3A_1755 : vector<1x16xf32> to vector<16xf32>
      %add3A_1757 = arith.addf %add3A_1667, %get3A_1756 : vector<16xf32>
      %mul3A_1758 = arith.mulf %get3A_1756, %get3A_1756 : vector<16xf32>
      %add3A_1759 = arith.addf %add3A_1669, %mul3A_1758 : vector<16xf32>
      %get3A_1760 = arith.constant 0 : i32
      %get3A_1761 = arith.constant 0 : i32
      %get3A_1762 = tpu.memref_slice %arg10[%scan3A, %get3A_1760, %get3A_1761] : memref<6x128x128xf32, #tpu.memory_space<vmem>> -> memref<1x128x128xf32, #tpu.memory_space<vmem>>
      %get3A_1763 = tpu.memref_squeeze %get3A_1762 : memref<1x128x128xf32, #tpu.memory_space<vmem>> -> memref<128x128xf32, #tpu.memory_space<vmem>>
      %get3A_1764 = arith.index_cast %scan3A_1693 : i32 to index
      %get3A_1765 = arith.constant 96 : index
      %get3A_1766 = tpu.vector_load %get3A_1763[%get3A_1764, %get3A_1765] {strides = array<i32>} : memref<128x128xf32, #tpu.memory_space<vmem>>, vector<1x16xf32>,
      %get3A_1767 = vector.shape_cast %get3A_1766 : vector<1x16xf32> to vector<16xf32>
      %add3A_1768 = arith.addf %add3A_1678, %get3A_1767 : vector<16xf32>
      %mul3A_1769 = arith.mulf %get3A_1767, %get3A_1767 : vector<16xf32>
      %add3A_1770 = arith.addf %add3A_1680, %mul3A_1769 : vector<16xf32>
      %get3A_1771 = arith.constant 0 : i32
      %get3A_1772 = arith.constant 0 : i32
      %get3A_1773 = tpu.memref_slice %arg10[%scan3A, %get3A_1771, %get3A_1772] : memref<6x128x128xf32, #tpu.memory_space<vmem>> -> memref<1x128x128xf32, #tpu.memory_space<vmem>>
      %get3A_1774 = tpu.memref_squeeze %get3A_1773 : memref<1x128x128xf32, #tpu.memory_space<vmem>> -> memref<128x128xf32, #tpu.memory_space<vmem>>
      %get3A_1775 = arith.index_cast %scan3A_1693 : i32 to index
      %get3A_1776 = arith.constant 112 : index
      %get3A_1777 = tpu.vector_load %get3A_1774[%get3A_1775, %get3A_1776] {strides = array<i32>} : memref<128x128xf32, #tpu.memory_space<vmem>>, vector<1x16xf32>,
      %get3A_1778 = vector.shape_cast %get3A_1777 : vector<1x16xf32> to vector<16xf32>
      %add3A_1779 = arith.addf %add3A_1689, %get3A_1778 : vector<16xf32>
      %mul3A_1780 = arith.mulf %get3A_1778, %get3A_1778 : vector<16xf32>
      %add3A_1781 = arith.addf %add3A_1691, %mul3A_1780 : vector<16xf32>
      scf.yield %add3A_1702, %add3A_1713, %add3A_1724, %add3A_1735, %add3A_1746, %add3A_1757, %add3A_1768, %add3A_1779, %add3A_1704, %add3A_1715, %add3A_1726, %add3A_1737, %add3A_1748, %add3A_1759, %add3A_1770, %add3A_1781 : vector<16xf32>, vector<16xf32>, vector<16xf32>, vector<16xf32>, vector<16xf32>, vector<16xf32>, vector<16xf32>, vector<16xf32>, vector<16xf32>, vector<16xf32>, vector<16xf32>, vector<16xf32>, vector<16xf32>, vector<16xf32>, vector<16xf32>, vector<16xf32>
    }
    %scan3A_231 = arith.constant 128 : i32
    %add3A_232 = arith.constant 0 : i32
    %add3A_233 = arith.addi %mul3A_2, %add3A_232 : i32
    %dma_start3A_234 = arith.constant 0 : i32
    %dma_start3A_235 = arith.constant 6 : i32
    %dma_start3A_236 = arith.constant 0 : i32
    %dma_start3A_237 = arith.constant 0 : i32
    %dma_start3A_238 = tpu.memref_slice %arg10[%dma_start3A_234, %dma_start3A_236, %dma_start3A_237] : memref<6x128x128xf32, #tpu.memory_space<vmem>> -> memref<1x128x128xf32, #tpu.memory_space<vmem>>
    %dma_start3A_239 = tpu.memref_squeeze %dma_start3A_238 : memref<1x128x128xf32, #tpu.memory_space<vmem>> -> memref<128x128xf32, #tpu.memory_space<vmem>>
    %dma_start3A_240 = arith.constant 0 : i32
    %dma_start3A_241 = tpu.memref_slice %arg5[%add3A_233, %dma_start3A_240] : memref<16384x128xf32, #tpu.memory_space<hbm>> -> memref<128x128xf32, #tpu.memory_space<hbm>>
    %dma_start3A_242 = tpu.memref_slice %arg14[%dma_start3A_235] : memref<13x!tpu.dma_semaphore, #tpu.memory_space<semaphore_mem>> -> memref<1x!tpu.dma_semaphore, #tpu.memory_space<semaphore_mem>>
    %dma_start3A_243 = tpu.memref_squeeze %dma_start3A_242 : memref<1x!tpu.dma_semaphore, #tpu.memory_space<semaphore_mem>> -> memref<!tpu.dma_semaphore, #tpu.memory_space<semaphore_mem>>
    %dma_start3A_244 = arith.constant 0 : i32
    %dma_start3A_245 = tpu.memref_slice %arg5[%add3A_233, %dma_start3A_244] : memref<16384x128xf32, #tpu.memory_space<hbm>> -> memref<128x128xf32, #tpu.memory_space<hbm>>
    %dma_start3A_246 = arith.constant 0 : i32
    %dma_start3A_247 = arith.constant 0 : i32
    %dma_start3A_248 = tpu.memref_slice %arg10[%dma_start3A_234, %dma_start3A_246, %dma_start3A_247] : memref<6x128x128xf32, #tpu.memory_space<vmem>> -> memref<1x128x128xf32, #tpu.memory_space<vmem>>
    %dma_start3A_249 = tpu.memref_squeeze %dma_start3A_248 : memref<1x128x128xf32, #tpu.memory_space<vmem>> -> memref<128x128xf32, #tpu.memory_space<vmem>>
    tpu.enqueue_dma source(%dma_start3A_249 : memref<128x128xf32, #tpu.memory_space<vmem>>) target(%dma_start3A_245 : memref<128x128xf32, #tpu.memory_space<hbm>>) target_semaphore(%dma_start3A_243 : memref<!tpu.dma_semaphore, #tpu.memory_space<semaphore_mem>>)
    %dma_start3A_250 = arith.constant 5 : i32
    %dma_start3A_251 = arith.constant 5 : i32
    %dma_start3A_252 = arith.constant 5 : i32
    %dma_start3A_253 = arith.constant 0 : i32
    %dma_start3A_254 = arith.constant 0 : i32
    %dma_start3A_255 = tpu.memref_slice %arg10[%dma_start3A_251, %dma_start3A_253, %dma_start3A_254] : memref<6x128x128xf32, #tpu.memory_space<vmem>> -> memref<1x128x128xf32, #tpu.memory_space<vmem>>
    %dma_start3A_256 = tpu.memref_squeeze %dma_start3A_255 : memref<1x128x128xf32, #tpu.memory_space<vmem>> -> memref<128x128xf32, #tpu.memory_space<vmem>>
    %dma_start3A_257 = arith.constant 0 : i32
    %dma_start3A_258 = tpu.memref_slice %arg9[%dma_start3A_250, %dma_start3A_257] : memref<8x128xi32, #tpu.memory_space<vmem>> -> memref<1x128xi32, #tpu.memory_space<vmem>>
    %dma_start3A_259 = tpu.memref_squeeze %dma_start3A_258 : memref<1x128xi32, #tpu.memory_space<vmem>> -> memref<128xi32, #tpu.memory_space<vmem>>
    %dma_start3A_260 = arith.constant 0 : i32
    %dma_start3A_261 = arith.constant 0 : i32
    %dma_start3A_262 = tpu.memref_slice %arg2[%dma_start3A_260, %dma_start3A_261] : memref<100000x128xf32, #tpu.memory_space<hbm>> -> memref<100000x128xf32, #tpu.memory_space<hbm>>
    %dma_start3A_263 = tpu.memref_slice %arg14[%dma_start3A_252] : memref<13x!tpu.dma_semaphore, #tpu.memory_space<semaphore_mem>> -> memref<1x!tpu.dma_semaphore, #tpu.memory_space<semaphore_mem>>
    %dma_start3A_264 = tpu.memref_squeeze %dma_start3A_263 : memref<1x!tpu.dma_semaphore, #tpu.memory_space<semaphore_mem>> -> memref<!tpu.dma_semaphore, #tpu.memory_space<semaphore_mem>>
    tpu.enqueue_indirect_dma source(%dma_start3A_262 : memref<100000x128xf32, #tpu.memory_space<hbm>>) target(%dma_start3A_256 : memref<128x128xf32, #tpu.memory_space<vmem>>) offsets(%dma_start3A_259 : memref<128xi32, #tpu.memory_space<vmem>>) semaphore(%dma_start3A_264 : memref<!tpu.dma_semaphore, #tpu.memory_space<semaphore_mem>>)
    %dma_wait3A_265 = arith.constant 1 : i32
    %dma_wait3A_266 = arith.constant 1 : i32
    %dma_wait3A_267 = arith.constant 1 : i32
    %dma_wait3A_268 = arith.constant 0 : i32
    %dma_wait3A_269 = arith.constant 0 : i32
    %dma_wait3A_270 = tpu.memref_slice %arg10[%dma_wait3A_266, %dma_wait3A_268, %dma_wait3A_269] : memref<6x128x128xf32, #tpu.memory_space<vmem>> -> memref<1x128x128xf32, #tpu.memory_space<vmem>>
    %dma_wait3A_271 = tpu.memref_squeeze %dma_wait3A_270 : memref<1x128x128xf32, #tpu.memory_space<vmem>> -> memref<128x128xf32, #tpu.memory_space<vmem>>
    %dma_wait3A_272 = arith.constant 0 : i32
    %dma_wait3A_273 = tpu.memref_slice %arg9[%dma_wait3A_265, %dma_wait3A_272] : memref<8x128xi32, #tpu.memory_space<vmem>> -> memref<1x128xi32, #tpu.memory_space<vmem>>
    %dma_wait3A_274 = tpu.memref_squeeze %dma_wait3A_273 : memref<1x128xi32, #tpu.memory_space<vmem>> -> memref<128xi32, #tpu.memory_space<vmem>>
    %dma_wait3A_275 = arith.constant 0 : i32
    %dma_wait3A_276 = arith.constant 0 : i32
    %dma_wait3A_277 = tpu.memref_slice %arg2[%dma_wait3A_275, %dma_wait3A_276] : memref<100000x128xf32, #tpu.memory_space<hbm>> -> memref<100000x128xf32, #tpu.memory_space<hbm>>
    %dma_wait3A_278 = tpu.memref_slice %arg14[%dma_wait3A_267] : memref<13x!tpu.dma_semaphore, #tpu.memory_space<semaphore_mem>> -> memref<1x!tpu.dma_semaphore, #tpu.memory_space<semaphore_mem>>
    %dma_wait3A_279 = tpu.memref_squeeze %dma_wait3A_278 : memref<1x!tpu.dma_semaphore, #tpu.memory_space<semaphore_mem>> -> memref<!tpu.dma_semaphore, #tpu.memory_space<semaphore_mem>>
    tpu.wait_indirect_dma semaphore(%dma_wait3A_279 : memref<!tpu.dma_semaphore, #tpu.memory_space<semaphore_mem>>) src(%dma_wait3A_277 : memref<100000x128xf32, #tpu.memory_space<hbm>>) dst(%dma_wait3A_271 : memref<128x128xf32, #tpu.memory_space<vmem>>)
    %scan3A_280 = arith.constant 1 : i32
    %scan3A_281 = arith.constant 0 : i32
    %scan3A_282 = arith.constant 128 : i32
    %scan3A_283 = arith.addi %scan3A_281, %scan3A_282 : i32
    %scan3A_284 = arith.constant 2 : i32
    %scan3A_285:16 = scf.for %scan3A_1587 = %scan3A_281 to %scan3A_283 step %scan3A_284 iter_args(%scan3A_1588 = %scan3A_230#0, %scan3A_1589 = %scan3A_230#1, %scan3A_1590 = %scan3A_230#2, %scan3A_1591 = %scan3A_230#3, %scan3A_1592 = %scan3A_230#4, %scan3A_1593 = %scan3A_230#5, %scan3A_1594 = %scan3A_230#6, %scan3A_1595 = %scan3A_230#7, %scan3A_1596 = %scan3A_230#8, %scan3A_1597 = %scan3A_230#9, %scan3A_1598 = %scan3A_230#10, %scan3A_1599 = %scan3A_230#11, %scan3A_1600 = %scan3A_230#12, %scan3A_1601 = %scan3A_230#13, %scan3A_1602 = %scan3A_230#14, %scan3A_1603 = %scan3A_230#15) -> (vector<16xf32>, vector<16xf32>, vector<16xf32>, vector<16xf32>, vector<16xf32>, vector<16xf32>, vector<16xf32>, vector<16xf32>, vector<16xf32>, vector<16xf32>, vector<16xf32>, vector<16xf32>, vector<16xf32>, vector<16xf32>, vector<16xf32>, vector<16xf32>)  : i32 {
      %get3A_1604 = arith.constant 0 : i32
      %get3A_1605 = arith.constant 0 : i32
      %get3A_1606 = tpu.memref_slice %arg10[%scan3A_280, %get3A_1604, %get3A_1605] : memref<6x128x128xf32, #tpu.memory_space<vmem>> -> memref<1x128x128xf32, #tpu.memory_space<vmem>>
      %get3A_1607 = tpu.memref_squeeze %get3A_1606 : memref<1x128x128xf32, #tpu.memory_space<vmem>> -> memref<128x128xf32, #tpu.memory_space<vmem>>
      %get3A_1608 = arith.index_cast %scan3A_1587 : i32 to index
      %get3A_1609 = arith.constant 0 : index
      %get3A_1610 = tpu.vector_load %get3A_1607[%get3A_1608, %get3A_1609] {strides = array<i32>} : memref<128x128xf32, #tpu.memory_space<vmem>>, vector<1x16xf32>,
      %get3A_1611 = vector.shape_cast %get3A_1610 : vector<1x16xf32> to vector<16xf32>
      %add3A_1612 = arith.addf %scan3A_1588, %get3A_1611 : vector<16xf32>
      %mul3A_1613 = arith.mulf %get3A_1611, %get3A_1611 : vector<16xf32>
      %add3A_1614 = arith.addf %scan3A_1596, %mul3A_1613 : vector<16xf32>
      %get3A_1615 = arith.constant 0 : i32
      %get3A_1616 = arith.constant 0 : i32
      %get3A_1617 = tpu.memref_slice %arg10[%scan3A_280, %get3A_1615, %get3A_1616] : memref<6x128x128xf32, #tpu.memory_space<vmem>> -> memref<1x128x128xf32, #tpu.memory_space<vmem>>
      %get3A_1618 = tpu.memref_squeeze %get3A_1617 : memref<1x128x128xf32, #tpu.memory_space<vmem>> -> memref<128x128xf32, #tpu.memory_space<vmem>>
      %get3A_1619 = arith.index_cast %scan3A_1587 : i32 to index
      %get3A_1620 = arith.constant 16 : index
      %get3A_1621 = tpu.vector_load %get3A_1618[%get3A_1619, %get3A_1620] {strides = array<i32>} : memref<128x128xf32, #tpu.memory_space<vmem>>, vector<1x16xf32>,
      %get3A_1622 = vector.shape_cast %get3A_1621 : vector<1x16xf32> to vector<16xf32>
      %add3A_1623 = arith.addf %scan3A_1589, %get3A_1622 : vector<16xf32>
      %mul3A_1624 = arith.mulf %get3A_1622, %get3A_1622 : vector<16xf32>
      %add3A_1625 = arith.addf %scan3A_1597, %mul3A_1624 : vector<16xf32>
      %get3A_1626 = arith.constant 0 : i32
      %get3A_1627 = arith.constant 0 : i32
      %get3A_1628 = tpu.memref_slice %arg10[%scan3A_280, %get3A_1626, %get3A_1627] : memref<6x128x128xf32, #tpu.memory_space<vmem>> -> memref<1x128x128xf32, #tpu.memory_space<vmem>>
      %get3A_1629 = tpu.memref_squeeze %get3A_1628 : memref<1x128x128xf32, #tpu.memory_space<vmem>> -> memref<128x128xf32, #tpu.memory_space<vmem>>
      %get3A_1630 = arith.index_cast %scan3A_1587 : i32 to index
      %get3A_1631 = arith.constant 32 : index
      %get3A_1632 = tpu.vector_load %get3A_1629[%get3A_1630, %get3A_1631] {strides = array<i32>} : memref<128x128xf32, #tpu.memory_space<vmem>>, vector<1x16xf32>,
      %get3A_1633 = vector.shape_cast %get3A_1632 : vector<1x16xf32> to vector<16xf32>
      %add3A_1634 = arith.addf %scan3A_1590, %get3A_1633 : vector<16xf32>
      %mul3A_1635 = arith.mulf %get3A_1633, %get3A_1633 : vector<16xf32>
      %add3A_1636 = arith.addf %scan3A_1598, %mul3A_1635 : vector<16xf32>
      %get3A_1637 = arith.constant 0 : i32
      %get3A_1638 = arith.constant 0 : i32
      %get3A_1639 = tpu.memref_slice %arg10[%scan3A_280, %get3A_1637, %get3A_1638] : memref<6x128x128xf32, #tpu.memory_space<vmem>> -> memref<1x128x128xf32, #tpu.memory_space<vmem>>
      %get3A_1640 = tpu.memref_squeeze %get3A_1639 : memref<1x128x128xf32, #tpu.memory_space<vmem>> -> memref<128x128xf32, #tpu.memory_space<vmem>>
      %get3A_1641 = arith.index_cast %scan3A_1587 : i32 to index
      %get3A_1642 = arith.constant 48 : index
      %get3A_1643 = tpu.vector_load %get3A_1640[%get3A_1641, %get3A_1642] {strides = array<i32>} : memref<128x128xf32, #tpu.memory_space<vmem>>, vector<1x16xf32>,
      %get3A_1644 = vector.shape_cast %get3A_1643 : vector<1x16xf32> to vector<16xf32>
      %add3A_1645 = arith.addf %scan3A_1591, %get3A_1644 : vector<16xf32>
      %mul3A_1646 = arith.mulf %get3A_1644, %get3A_1644 : vector<16xf32>
      %add3A_1647 = arith.addf %scan3A_1599, %mul3A_1646 : vector<16xf32>
      %get3A_1648 = arith.constant 0 : i32
      %get3A_1649 = arith.constant 0 : i32
      %get3A_1650 = tpu.memref_slice %arg10[%scan3A_280, %get3A_1648, %get3A_1649] : memref<6x128x128xf32, #tpu.memory_space<vmem>> -> memref<1x128x128xf32, #tpu.memory_space<vmem>>
      %get3A_1651 = tpu.memref_squeeze %get3A_1650 : memref<1x128x128xf32, #tpu.memory_space<vmem>> -> memref<128x128xf32, #tpu.memory_space<vmem>>
      %get3A_1652 = arith.index_cast %scan3A_1587 : i32 to index
      %get3A_1653 = arith.constant 64 : index
      %get3A_1654 = tpu.vector_load %get3A_1651[%get3A_1652, %get3A_1653] {strides = array<i32>} : memref<128x128xf32, #tpu.memory_space<vmem>>, vector<1x16xf32>,
      %get3A_1655 = vector.shape_cast %get3A_1654 : vector<1x16xf32> to vector<16xf32>
      %add3A_1656 = arith.addf %scan3A_1592, %get3A_1655 : vector<16xf32>
      %mul3A_1657 = arith.mulf %get3A_1655, %get3A_1655 : vector<16xf32>
      %add3A_1658 = arith.addf %scan3A_1600, %mul3A_1657 : vector<16xf32>
      %get3A_1659 = arith.constant 0 : i32
      %get3A_1660 = arith.constant 0 : i32
      %get3A_1661 = tpu.memref_slice %arg10[%scan3A_280, %get3A_1659, %get3A_1660] : memref<6x128x128xf32, #tpu.memory_space<vmem>> -> memref<1x128x128xf32, #tpu.memory_space<vmem>>
      %get3A_1662 = tpu.memref_squeeze %get3A_1661 : memref<1x128x128xf32, #tpu.memory_space<vmem>> -> memref<128x128xf32, #tpu.memory_space<vmem>>
      %get3A_1663 = arith.index_cast %scan3A_1587 : i32 to index
      %get3A_1664 = arith.constant 80 : index
      %get3A_1665 = tpu.vector_load %get3A_1662[%get3A_1663, %get3A_1664] {strides = array<i32>} : memref<128x128xf32, #tpu.memory_space<vmem>>, vector<1x16xf32>,
      %get3A_1666 = vector.shape_cast %get3A_1665 : vector<1x16xf32> to vector<16xf32>
      %add3A_1667 = arith.addf %scan3A_1593, %get3A_1666 : vector<16xf32>
      %mul3A_1668 = arith.mulf %get3A_1666, %get3A_1666 : vector<16xf32>
      %add3A_1669 = arith.addf %scan3A_1601, %mul3A_1668 : vector<16xf32>
      %get3A_1670 = arith.constant 0 : i32
      %get3A_1671 = arith.constant 0 : i32
      %get3A_1672 = tpu.memref_slice %arg10[%scan3A_280, %get3A_1670, %get3A_1671] : memref<6x128x128xf32, #tpu.memory_space<vmem>> -> memref<1x128x128xf32, #tpu.memory_space<vmem>>
      %get3A_1673 = tpu.memref_squeeze %get3A_1672 : memref<1x128x128xf32, #tpu.memory_space<vmem>> -> memref<128x128xf32, #tpu.memory_space<vmem>>
      %get3A_1674 = arith.index_cast %scan3A_1587 : i32 to index
      %get3A_1675 = arith.constant 96 : index
      %get3A_1676 = tpu.vector_load %get3A_1673[%get3A_1674, %get3A_1675] {strides = array<i32>} : memref<128x128xf32, #tpu.memory_space<vmem>>, vector<1x16xf32>,
      %get3A_1677 = vector.shape_cast %get3A_1676 : vector<1x16xf32> to vector<16xf32>
      %add3A_1678 = arith.addf %scan3A_1594, %get3A_1677 : vector<16xf32>
      %mul3A_1679 = arith.mulf %get3A_1677, %get3A_1677 : vector<16xf32>
      %add3A_1680 = arith.addf %scan3A_1602, %mul3A_1679 : vector<16xf32>
      %get3A_1681 = arith.constant 0 : i32
      %get3A_1682 = arith.constant 0 : i32
      %get3A_1683 = tpu.memref_slice %arg10[%scan3A_280, %get3A_1681, %get3A_1682] : memref<6x128x128xf32, #tpu.memory_space<vmem>> -> memref<1x128x128xf32, #tpu.memory_space<vmem>>
      %get3A_1684 = tpu.memref_squeeze %get3A_1683 : memref<1x128x128xf32, #tpu.memory_space<vmem>> -> memref<128x128xf32, #tpu.memory_space<vmem>>
      %get3A_1685 = arith.index_cast %scan3A_1587 : i32 to index
      %get3A_1686 = arith.constant 112 : index
      %get3A_1687 = tpu.vector_load %get3A_1684[%get3A_1685, %get3A_1686] {strides = array<i32>} : memref<128x128xf32, #tpu.memory_space<vmem>>, vector<1x16xf32>,
      %get3A_1688 = vector.shape_cast %get3A_1687 : vector<1x16xf32> to vector<16xf32>
      %add3A_1689 = arith.addf %scan3A_1595, %get3A_1688 : vector<16xf32>
      %mul3A_1690 = arith.mulf %get3A_1688, %get3A_1688 : vector<16xf32>
      %add3A_1691 = arith.addf %scan3A_1603, %mul3A_1690 : vector<16xf32>
      %scan3A_1692 = arith.constant 1 : i32
      %scan3A_1693 = arith.addi %scan3A_1587, %scan3A_1692 : i32
      %get3A_1694 = arith.constant 0 : i32
      %get3A_1695 = arith.constant 0 : i32
      %get3A_1696 = tpu.memref_slice %arg10[%scan3A_280, %get3A_1694, %get3A_1695] : memref<6x128x128xf32, #tpu.memory_space<vmem>> -> memref<1x128x128xf32, #tpu.memory_space<vmem>>
      %get3A_1697 = tpu.memref_squeeze %get3A_1696 : memref<1x128x128xf32, #tpu.memory_space<vmem>> -> memref<128x128xf32, #tpu.memory_space<vmem>>
      %get3A_1698 = arith.index_cast %scan3A_1693 : i32 to index
      %get3A_1699 = arith.constant 0 : index
      %get3A_1700 = tpu.vector_load %get3A_1697[%get3A_1698, %get3A_1699] {strides = array<i32>} : memref<128x128xf32, #tpu.memory_space<vmem>>, vector<1x16xf32>,
      %get3A_1701 = vector.shape_cast %get3A_1700 : vector<1x16xf32> to vector<16xf32>
      %add3A_1702 = arith.addf %add3A_1612, %get3A_1701 : vector<16xf32>
      %mul3A_1703 = arith.mulf %get3A_1701, %get3A_1701 : vector<16xf32>
      %add3A_1704 = arith.addf %add3A_1614, %mul3A_1703 : vector<16xf32>
      %get3A_1705 = arith.constant 0 : i32
      %get3A_1706 = arith.constant 0 : i32
      %get3A_1707 = tpu.memref_slice %arg10[%scan3A_280, %get3A_1705, %get3A_1706] : memref<6x128x128xf32, #tpu.memory_space<vmem>> -> memref<1x128x128xf32, #tpu.memory_space<vmem>>
      %get3A_1708 = tpu.memref_squeeze %get3A_1707 : memref<1x128x128xf32, #tpu.memory_space<vmem>> -> memref<128x128xf32, #tpu.memory_space<vmem>>
      %get3A_1709 = arith.index_cast %scan3A_1693 : i32 to index
      %get3A_1710 = arith.constant 16 : index
      %get3A_1711 = tpu.vector_load %get3A_1708[%get3A_1709, %get3A_1710] {strides = array<i32>} : memref<128x128xf32, #tpu.memory_space<vmem>>, vector<1x16xf32>,
      %get3A_1712 = vector.shape_cast %get3A_1711 : vector<1x16xf32> to vector<16xf32>
      %add3A_1713 = arith.addf %add3A_1623, %get3A_1712 : vector<16xf32>
      %mul3A_1714 = arith.mulf %get3A_1712, %get3A_1712 : vector<16xf32>
      %add3A_1715 = arith.addf %add3A_1625, %mul3A_1714 : vector<16xf32>
      %get3A_1716 = arith.constant 0 : i32
      %get3A_1717 = arith.constant 0 : i32
      %get3A_1718 = tpu.memref_slice %arg10[%scan3A_280, %get3A_1716, %get3A_1717] : memref<6x128x128xf32, #tpu.memory_space<vmem>> -> memref<1x128x128xf32, #tpu.memory_space<vmem>>
      %get3A_1719 = tpu.memref_squeeze %get3A_1718 : memref<1x128x128xf32, #tpu.memory_space<vmem>> -> memref<128x128xf32, #tpu.memory_space<vmem>>
      %get3A_1720 = arith.index_cast %scan3A_1693 : i32 to index
      %get3A_1721 = arith.constant 32 : index
      %get3A_1722 = tpu.vector_load %get3A_1719[%get3A_1720, %get3A_1721] {strides = array<i32>} : memref<128x128xf32, #tpu.memory_space<vmem>>, vector<1x16xf32>,
      %get3A_1723 = vector.shape_cast %get3A_1722 : vector<1x16xf32> to vector<16xf32>
      %add3A_1724 = arith.addf %add3A_1634, %get3A_1723 : vector<16xf32>
      %mul3A_1725 = arith.mulf %get3A_1723, %get3A_1723 : vector<16xf32>
      %add3A_1726 = arith.addf %add3A_1636, %mul3A_1725 : vector<16xf32>
      %get3A_1727 = arith.constant 0 : i32
      %get3A_1728 = arith.constant 0 : i32
      %get3A_1729 = tpu.memref_slice %arg10[%scan3A_280, %get3A_1727, %get3A_1728] : memref<6x128x128xf32, #tpu.memory_space<vmem>> -> memref<1x128x128xf32, #tpu.memory_space<vmem>>
      %get3A_1730 = tpu.memref_squeeze %get3A_1729 : memref<1x128x128xf32, #tpu.memory_space<vmem>> -> memref<128x128xf32, #tpu.memory_space<vmem>>
      %get3A_1731 = arith.index_cast %scan3A_1693 : i32 to index
      %get3A_1732 = arith.constant 48 : index
      %get3A_1733 = tpu.vector_load %get3A_1730[%get3A_1731, %get3A_1732] {strides = array<i32>} : memref<128x128xf32, #tpu.memory_space<vmem>>, vector<1x16xf32>,
      %get3A_1734 = vector.shape_cast %get3A_1733 : vector<1x16xf32> to vector<16xf32>
      %add3A_1735 = arith.addf %add3A_1645, %get3A_1734 : vector<16xf32>
      %mul3A_1736 = arith.mulf %get3A_1734, %get3A_1734 : vector<16xf32>
      %add3A_1737 = arith.addf %add3A_1647, %mul3A_1736 : vector<16xf32>
      %get3A_1738 = arith.constant 0 : i32
      %get3A_1739 = arith.constant 0 : i32
      %get3A_1740 = tpu.memref_slice %arg10[%scan3A_280, %get3A_1738, %get3A_1739] : memref<6x128x128xf32, #tpu.memory_space<vmem>> -> memref<1x128x128xf32, #tpu.memory_space<vmem>>
      %get3A_1741 = tpu.memref_squeeze %get3A_1740 : memref<1x128x128xf32, #tpu.memory_space<vmem>> -> memref<128x128xf32, #tpu.memory_space<vmem>>
      %get3A_1742 = arith.index_cast %scan3A_1693 : i32 to index
      %get3A_1743 = arith.constant 64 : index
      %get3A_1744 = tpu.vector_load %get3A_1741[%get3A_1742, %get3A_1743] {strides = array<i32>} : memref<128x128xf32, #tpu.memory_space<vmem>>, vector<1x16xf32>,
      %get3A_1745 = vector.shape_cast %get3A_1744 : vector<1x16xf32> to vector<16xf32>
      %add3A_1746 = arith.addf %add3A_1656, %get3A_1745 : vector<16xf32>
      %mul3A_1747 = arith.mulf %get3A_1745, %get3A_1745 : vector<16xf32>
      %add3A_1748 = arith.addf %add3A_1658, %mul3A_1747 : vector<16xf32>
      %get3A_1749 = arith.constant 0 : i32
      %get3A_1750 = arith.constant 0 : i32
      %get3A_1751 = tpu.memref_slice %arg10[%scan3A_280, %get3A_1749, %get3A_1750] : memref<6x128x128xf32, #tpu.memory_space<vmem>> -> memref<1x128x128xf32, #tpu.memory_space<vmem>>
      %get3A_1752 = tpu.memref_squeeze %get3A_1751 : memref<1x128x128xf32, #tpu.memory_space<vmem>> -> memref<128x128xf32, #tpu.memory_space<vmem>>
      %get3A_1753 = arith.index_cast %scan3A_1693 : i32 to index
      %get3A_1754 = arith.constant 80 : index
      %get3A_1755 = tpu.vector_load %get3A_1752[%get3A_1753, %get3A_1754] {strides = array<i32>} : memref<128x128xf32, #tpu.memory_space<vmem>>, vector<1x16xf32>,
      %get3A_1756 = vector.shape_cast %get3A_1755 : vector<1x16xf32> to vector<16xf32>
      %add3A_1757 = arith.addf %add3A_1667, %get3A_1756 : vector<16xf32>
      %mul3A_1758 = arith.mulf %get3A_1756, %get3A_1756 : vector<16xf32>
      %add3A_1759 = arith.addf %add3A_1669, %mul3A_1758 : vector<16xf32>
      %get3A_1760 = arith.constant 0 : i32
      %get3A_1761 = arith.constant 0 : i32
      %get3A_1762 = tpu.memref_slice %arg10[%scan3A_280, %get3A_1760, %get3A_1761] : memref<6x128x128xf32, #tpu.memory_space<vmem>> -> memref<1x128x128xf32, #tpu.memory_space<vmem>>
      %get3A_1763 = tpu.memref_squeeze %get3A_1762 : memref<1x128x128xf32, #tpu.memory_space<vmem>> -> memref<128x128xf32, #tpu.memory_space<vmem>>
      %get3A_1764 = arith.index_cast %scan3A_1693 : i32 to index
      %get3A_1765 = arith.constant 96 : index
      %get3A_1766 = tpu.vector_load %get3A_1763[%get3A_1764, %get3A_1765] {strides = array<i32>} : memref<128x128xf32, #tpu.memory_space<vmem>>, vector<1x16xf32>,
      %get3A_1767 = vector.shape_cast %get3A_1766 : vector<1x16xf32> to vector<16xf32>
      %add3A_1768 = arith.addf %add3A_1678, %get3A_1767 : vector<16xf32>
      %mul3A_1769 = arith.mulf %get3A_1767, %get3A_1767 : vector<16xf32>
      %add3A_1770 = arith.addf %add3A_1680, %mul3A_1769 : vector<16xf32>
      %get3A_1771 = arith.constant 0 : i32
      %get3A_1772 = arith.constant 0 : i32
      %get3A_1773 = tpu.memref_slice %arg10[%scan3A_280, %get3A_1771, %get3A_1772] : memref<6x128x128xf32, #tpu.memory_space<vmem>> -> memref<1x128x128xf32, #tpu.memory_space<vmem>>
      %get3A_1774 = tpu.memref_squeeze %get3A_1773 : memref<1x128x128xf32, #tpu.memory_space<vmem>> -> memref<128x128xf32, #tpu.memory_space<vmem>>
      %get3A_1775 = arith.index_cast %scan3A_1693 : i32 to index
      %get3A_1776 = arith.constant 112 : index
      %get3A_1777 = tpu.vector_load %get3A_1774[%get3A_1775, %get3A_1776] {strides = array<i32>} : memref<128x128xf32, #tpu.memory_space<vmem>>, vector<1x16xf32>,
      %get3A_1778 = vector.shape_cast %get3A_1777 : vector<1x16xf32> to vector<16xf32>
      %add3A_1779 = arith.addf %add3A_1689, %get3A_1778 : vector<16xf32>
      %mul3A_1780 = arith.mulf %get3A_1778, %get3A_1778 : vector<16xf32>
      %add3A_1781 = arith.addf %add3A_1691, %mul3A_1780 : vector<16xf32>
      scf.yield %add3A_1702, %add3A_1713, %add3A_1724, %add3A_1735, %add3A_1746, %add3A_1757, %add3A_1768, %add3A_1779, %add3A_1704, %add3A_1715, %add3A_1726, %add3A_1737, %add3A_1748, %add3A_1759, %add3A_1770, %add3A_1781 : vector<16xf32>, vector<16xf32>, vector<16xf32>, vector<16xf32>, vector<16xf32>, vector<16xf32>, vector<16xf32>, vector<16xf32>, vector<16xf32>, vector<16xf32>, vector<16xf32>, vector<16xf32>, vector<16xf32>, vector<16xf32>, vector<16xf32>, vector<16xf32>
    }
    %scan3A_286 = arith.constant 128 : i32
    %add3A_287 = arith.constant 128 : i32
    %add3A_288 = arith.addi %mul3A_2, %add3A_287 : i32
    %dma_start3A_289 = arith.constant 1 : i32
    %dma_start3A_290 = arith.constant 7 : i32
    %dma_start3A_291 = arith.constant 0 : i32
    %dma_start3A_292 = arith.constant 0 : i32
    %dma_start3A_293 = tpu.memref_slice %arg10[%dma_start3A_289, %dma_start3A_291, %dma_start3A_292] : memref<6x128x128xf32, #tpu.memory_space<vmem>> -> memref<1x128x128xf32, #tpu.memory_space<vmem>>
    %dma_start3A_294 = tpu.memref_squeeze %dma_start3A_293 : memref<1x128x128xf32, #tpu.memory_space<vmem>> -> memref<128x128xf32, #tpu.memory_space<vmem>>
    %dma_start3A_295 = arith.constant 0 : i32
    %dma_start3A_296 = tpu.memref_slice %arg5[%add3A_288, %dma_start3A_295] : memref<16384x128xf32, #tpu.memory_space<hbm>> -> memref<128x128xf32, #tpu.memory_space<hbm>>
    %dma_start3A_297 = tpu.memref_slice %arg14[%dma_start3A_290] : memref<13x!tpu.dma_semaphore, #tpu.memory_space<semaphore_mem>> -> memref<1x!tpu.dma_semaphore, #tpu.memory_space<semaphore_mem>>
    %dma_start3A_298 = tpu.memref_squeeze %dma_start3A_297 : memref<1x!tpu.dma_semaphore, #tpu.memory_space<semaphore_mem>> -> memref<!tpu.dma_semaphore, #tpu.memory_space<semaphore_mem>>
    %dma_start3A_299 = arith.constant 0 : i32
    %dma_start3A_300 = tpu.memref_slice %arg5[%add3A_288, %dma_start3A_299] : memref<16384x128xf32, #tpu.memory_space<hbm>> -> memref<128x128xf32, #tpu.memory_space<hbm>>
    %dma_start3A_301 = arith.constant 0 : i32
    %dma_start3A_302 = arith.constant 0 : i32
    %dma_start3A_303 = tpu.memref_slice %arg10[%dma_start3A_289, %dma_start3A_301, %dma_start3A_302] : memref<6x128x128xf32, #tpu.memory_space<vmem>> -> memref<1x128x128xf32, #tpu.memory_space<vmem>>
    %dma_start3A_304 = tpu.memref_squeeze %dma_start3A_303 : memref<1x128x128xf32, #tpu.memory_space<vmem>> -> memref<128x128xf32, #tpu.memory_space<vmem>>
    tpu.enqueue_dma source(%dma_start3A_304 : memref<128x128xf32, #tpu.memory_space<vmem>>) target(%dma_start3A_300 : memref<128x128xf32, #tpu.memory_space<hbm>>) target_semaphore(%dma_start3A_298 : memref<!tpu.dma_semaphore, #tpu.memory_space<semaphore_mem>>)
    %dma_wait3A_305 = arith.constant 0 : i32
    %dma_wait3A_306 = arith.constant 6 : i32
    %dma_wait3A_307 = arith.constant 0 : i32
    %dma_wait3A_308 = arith.constant 0 : i32
    %dma_wait3A_309 = tpu.memref_slice %arg10[%dma_wait3A_305, %dma_wait3A_307, %dma_wait3A_308] : memref<6x128x128xf32, #tpu.memory_space<vmem>> -> memref<1x128x128xf32, #tpu.memory_space<vmem>>
    %dma_wait3A_310 = tpu.memref_squeeze %dma_wait3A_309 : memref<1x128x128xf32, #tpu.memory_space<vmem>> -> memref<128x128xf32, #tpu.memory_space<vmem>>
    %dma_wait3A_311 = arith.constant 0 : i32
    %dma_wait3A_312 = tpu.memref_slice %arg5[%add3A_233, %dma_wait3A_311] : memref<16384x128xf32, #tpu.memory_space<hbm>> -> memref<128x128xf32, #tpu.memory_space<hbm>>
    %dma_wait3A_313 = tpu.memref_slice %arg14[%dma_wait3A_306] : memref<13x!tpu.dma_semaphore, #tpu.memory_space<semaphore_mem>> -> memref<1x!tpu.dma_semaphore, #tpu.memory_space<semaphore_mem>>
    %dma_wait3A_314 = tpu.memref_squeeze %dma_wait3A_313 : memref<1x!tpu.dma_semaphore, #tpu.memory_space<semaphore_mem>> -> memref<!tpu.dma_semaphore, #tpu.memory_space<semaphore_mem>>
    %dma_wait3A_315 = arith.constant 0 : i32
    %dma_wait3A_316 = tpu.memref_slice %arg5[%add3A_233, %dma_wait3A_315] : memref<16384x128xf32, #tpu.memory_space<hbm>> -> memref<128x128xf32, #tpu.memory_space<hbm>>
    %dma_wait3A_317 = arith.constant 0 : i32
    %dma_wait3A_318 = arith.constant 0 : i32
    %dma_wait3A_319 = tpu.memref_slice %arg10[%dma_wait3A_305, %dma_wait3A_317, %dma_wait3A_318] : memref<6x128x128xf32, #tpu.memory_space<vmem>> -> memref<1x128x128xf32, #tpu.memory_space<vmem>>
    %dma_wait3A_320 = tpu.memref_squeeze %dma_wait3A_319 : memref<1x128x128xf32, #tpu.memory_space<vmem>> -> memref<128x128xf32, #tpu.memory_space<vmem>>
    tpu.wait_dma2 semaphore(%dma_wait3A_314 : memref<!tpu.dma_semaphore, #tpu.memory_space<semaphore_mem>>) src(%dma_wait3A_320 : memref<128x128xf32, #tpu.memory_space<vmem>>) dst(%dma_wait3A_316 : memref<128x128xf32, #tpu.memory_space<hbm>>)
    %dma_start3A_321 = arith.constant 6 : i32
    %dma_start3A_322 = arith.constant 0 : i32
    %dma_start3A_323 = arith.constant 0 : i32
    %dma_start3A_324 = arith.constant 0 : i32
    %dma_start3A_325 = arith.constant 0 : i32
    %dma_start3A_326 = tpu.memref_slice %arg10[%dma_start3A_322, %dma_start3A_324, %dma_start3A_325] : memref<6x128x128xf32, #tpu.memory_space<vmem>> -> memref<1x128x128xf32, #tpu.memory_space<vmem>>
    %dma_start3A_327 = tpu.memref_squeeze %dma_start3A_326 : memref<1x128x128xf32, #tpu.memory_space<vmem>> -> memref<128x128xf32, #tpu.memory_space<vmem>>
    %dma_start3A_328 = arith.constant 0 : i32
    %dma_start3A_329 = tpu.memref_slice %arg9[%dma_start3A_321, %dma_start3A_328] : memref<8x128xi32, #tpu.memory_space<vmem>> -> memref<1x128xi32, #tpu.memory_space<vmem>>
    %dma_start3A_330 = tpu.memref_squeeze %dma_start3A_329 : memref<1x128xi32, #tpu.memory_space<vmem>> -> memref<128xi32, #tpu.memory_space<vmem>>
    %dma_start3A_331 = arith.constant 0 : i32
    %dma_start3A_332 = arith.constant 0 : i32
    %dma_start3A_333 = tpu.memref_slice %arg2[%dma_start3A_331, %dma_start3A_332] : memref<100000x128xf32, #tpu.memory_space<hbm>> -> memref<100000x128xf32, #tpu.memory_space<hbm>>
    %dma_start3A_334 = tpu.memref_slice %arg14[%dma_start3A_323] : memref<13x!tpu.dma_semaphore, #tpu.memory_space<semaphore_mem>> -> memref<1x!tpu.dma_semaphore, #tpu.memory_space<semaphore_mem>>
    %dma_start3A_335 = tpu.memref_squeeze %dma_start3A_334 : memref<1x!tpu.dma_semaphore, #tpu.memory_space<semaphore_mem>> -> memref<!tpu.dma_semaphore, #tpu.memory_space<semaphore_mem>>
    tpu.enqueue_indirect_dma source(%dma_start3A_333 : memref<100000x128xf32, #tpu.memory_space<hbm>>) target(%dma_start3A_327 : memref<128x128xf32, #tpu.memory_space<vmem>>) offsets(%dma_start3A_330 : memref<128xi32, #tpu.memory_space<vmem>>) semaphore(%dma_start3A_335 : memref<!tpu.dma_semaphore, #tpu.memory_space<semaphore_mem>>)
    %dma_wait3A_336 = arith.constant 2 : i32
    %dma_wait3A_337 = arith.constant 2 : i32
    %dma_wait3A_338 = arith.constant 2 : i32
    %dma_wait3A_339 = arith.constant 0 : i32
    %dma_wait3A_340 = arith.constant 0 : i32
    %dma_wait3A_341 = tpu.memref_slice %arg10[%dma_wait3A_337, %dma_wait3A_339, %dma_wait3A_340] : memref<6x128x128xf32, #tpu.memory_space<vmem>> -> memref<1x128x128xf32, #tpu.memory_space<vmem>>
    %dma_wait3A_342 = tpu.memref_squeeze %dma_wait3A_341 : memref<1x128x128xf32, #tpu.memory_space<vmem>> -> memref<128x128xf32, #tpu.memory_space<vmem>>
    %dma_wait3A_343 = arith.constant 0 : i32
    %dma_wait3A_344 = tpu.memref_slice %arg9[%dma_wait3A_336, %dma_wait3A_343] : memref<8x128xi32, #tpu.memory_space<vmem>> -> memref<1x128xi32, #tpu.memory_space<vmem>>
    %dma_wait3A_345 = tpu.memref_squeeze %dma_wait3A_344 : memref<1x128xi32, #tpu.memory_space<vmem>> -> memref<128xi32, #tpu.memory_space<vmem>>
    %dma_wait3A_346 = arith.constant 0 : i32
    %dma_wait3A_347 = arith.constant 0 : i32
    %dma_wait3A_348 = tpu.memref_slice %arg2[%dma_wait3A_346, %dma_wait3A_347] : memref<100000x128xf32, #tpu.memory_space<hbm>> -> memref<100000x128xf32, #tpu.memory_space<hbm>>
    %dma_wait3A_349 = tpu.memref_slice %arg14[%dma_wait3A_338] : memref<13x!tpu.dma_semaphore, #tpu.memory_space<semaphore_mem>> -> memref<1x!tpu.dma_semaphore, #tpu.memory_space<semaphore_mem>>
    %dma_wait3A_350 = tpu.memref_squeeze %dma_wait3A_349 : memref<1x!tpu.dma_semaphore, #tpu.memory_space<semaphore_mem>> -> memref<!tpu.dma_semaphore, #tpu.memory_space<semaphore_mem>>
    tpu.wait_indirect_dma semaphore(%dma_wait3A_350 : memref<!tpu.dma_semaphore, #tpu.memory_space<semaphore_mem>>) src(%dma_wait3A_348 : memref<100000x128xf32, #tpu.memory_space<hbm>>) dst(%dma_wait3A_342 : memref<128x128xf32, #tpu.memory_space<vmem>>)
    %scan3A_351 = arith.constant 2 : i32
    %scan3A_352 = arith.constant 0 : i32
    %scan3A_353 = arith.constant 128 : i32
    %scan3A_354 = arith.addi %scan3A_352, %scan3A_353 : i32
    %scan3A_355 = arith.constant 2 : i32
    %scan3A_356:16 = scf.for %scan3A_1587 = %scan3A_352 to %scan3A_354 step %scan3A_355 iter_args(%scan3A_1588 = %scan3A_285#0, %scan3A_1589 = %scan3A_285#1, %scan3A_1590 = %scan3A_285#2, %scan3A_1591 = %scan3A_285#3, %scan3A_1592 = %scan3A_285#4, %scan3A_1593 = %scan3A_285#5, %scan3A_1594 = %scan3A_285#6, %scan3A_1595 = %scan3A_285#7, %scan3A_1596 = %scan3A_285#8, %scan3A_1597 = %scan3A_285#9, %scan3A_1598 = %scan3A_285#10, %scan3A_1599 = %scan3A_285#11, %scan3A_1600 = %scan3A_285#12, %scan3A_1601 = %scan3A_285#13, %scan3A_1602 = %scan3A_285#14, %scan3A_1603 = %scan3A_285#15) -> (vector<16xf32>, vector<16xf32>, vector<16xf32>, vector<16xf32>, vector<16xf32>, vector<16xf32>, vector<16xf32>, vector<16xf32>, vector<16xf32>, vector<16xf32>, vector<16xf32>, vector<16xf32>, vector<16xf32>, vector<16xf32>, vector<16xf32>, vector<16xf32>)  : i32 {
      %get3A_1604 = arith.constant 0 : i32
      %get3A_1605 = arith.constant 0 : i32
      %get3A_1606 = tpu.memref_slice %arg10[%scan3A_351, %get3A_1604, %get3A_1605] : memref<6x128x128xf32, #tpu.memory_space<vmem>> -> memref<1x128x128xf32, #tpu.memory_space<vmem>>
      %get3A_1607 = tpu.memref_squeeze %get3A_1606 : memref<1x128x128xf32, #tpu.memory_space<vmem>> -> memref<128x128xf32, #tpu.memory_space<vmem>>
      %get3A_1608 = arith.index_cast %scan3A_1587 : i32 to index
      %get3A_1609 = arith.constant 0 : index
      %get3A_1610 = tpu.vector_load %get3A_1607[%get3A_1608, %get3A_1609] {strides = array<i32>} : memref<128x128xf32, #tpu.memory_space<vmem>>, vector<1x16xf32>,
      %get3A_1611 = vector.shape_cast %get3A_1610 : vector<1x16xf32> to vector<16xf32>
      %add3A_1612 = arith.addf %scan3A_1588, %get3A_1611 : vector<16xf32>
      %mul3A_1613 = arith.mulf %get3A_1611, %get3A_1611 : vector<16xf32>
      %add3A_1614 = arith.addf %scan3A_1596, %mul3A_1613 : vector<16xf32>
      %get3A_1615 = arith.constant 0 : i32
      %get3A_1616 = arith.constant 0 : i32
      %get3A_1617 = tpu.memref_slice %arg10[%scan3A_351, %get3A_1615, %get3A_1616] : memref<6x128x128xf32, #tpu.memory_space<vmem>> -> memref<1x128x128xf32, #tpu.memory_space<vmem>>
      %get3A_1618 = tpu.memref_squeeze %get3A_1617 : memref<1x128x128xf32, #tpu.memory_space<vmem>> -> memref<128x128xf32, #tpu.memory_space<vmem>>
      %get3A_1619 = arith.index_cast %scan3A_1587 : i32 to index
      %get3A_1620 = arith.constant 16 : index
      %get3A_1621 = tpu.vector_load %get3A_1618[%get3A_1619, %get3A_1620] {strides = array<i32>} : memref<128x128xf32, #tpu.memory_space<vmem>>, vector<1x16xf32>,
      %get3A_1622 = vector.shape_cast %get3A_1621 : vector<1x16xf32> to vector<16xf32>
      %add3A_1623 = arith.addf %scan3A_1589, %get3A_1622 : vector<16xf32>
      %mul3A_1624 = arith.mulf %get3A_1622, %get3A_1622 : vector<16xf32>
      %add3A_1625 = arith.addf %scan3A_1597, %mul3A_1624 : vector<16xf32>
      %get3A_1626 = arith.constant 0 : i32
      %get3A_1627 = arith.constant 0 : i32
      %get3A_1628 = tpu.memref_slice %arg10[%scan3A_351, %get3A_1626, %get3A_1627] : memref<6x128x128xf32, #tpu.memory_space<vmem>> -> memref<1x128x128xf32, #tpu.memory_space<vmem>>
      %get3A_1629 = tpu.memref_squeeze %get3A_1628 : memref<1x128x128xf32, #tpu.memory_space<vmem>> -> memref<128x128xf32, #tpu.memory_space<vmem>>
      %get3A_1630 = arith.index_cast %scan3A_1587 : i32 to index
      %get3A_1631 = arith.constant 32 : index
      %get3A_1632 = tpu.vector_load %get3A_1629[%get3A_1630, %get3A_1631] {strides = array<i32>} : memref<128x128xf32, #tpu.memory_space<vmem>>, vector<1x16xf32>,
      %get3A_1633 = vector.shape_cast %get3A_1632 : vector<1x16xf32> to vector<16xf32>
      %add3A_1634 = arith.addf %scan3A_1590, %get3A_1633 : vector<16xf32>
      %mul3A_1635 = arith.mulf %get3A_1633, %get3A_1633 : vector<16xf32>
      %add3A_1636 = arith.addf %scan3A_1598, %mul3A_1635 : vector<16xf32>
      %get3A_1637 = arith.constant 0 : i32
      %get3A_1638 = arith.constant 0 : i32
      %get3A_1639 = tpu.memref_slice %arg10[%scan3A_351, %get3A_1637, %get3A_1638] : memref<6x128x128xf32, #tpu.memory_space<vmem>> -> memref<1x128x128xf32, #tpu.memory_space<vmem>>
      %get3A_1640 = tpu.memref_squeeze %get3A_1639 : memref<1x128x128xf32, #tpu.memory_space<vmem>> -> memref<128x128xf32, #tpu.memory_space<vmem>>
      %get3A_1641 = arith.index_cast %scan3A_1587 : i32 to index
      %get3A_1642 = arith.constant 48 : index
      %get3A_1643 = tpu.vector_load %get3A_1640[%get3A_1641, %get3A_1642] {strides = array<i32>} : memref<128x128xf32, #tpu.memory_space<vmem>>, vector<1x16xf32>,
      %get3A_1644 = vector.shape_cast %get3A_1643 : vector<1x16xf32> to vector<16xf32>
      %add3A_1645 = arith.addf %scan3A_1591, %get3A_1644 : vector<16xf32>
      %mul3A_1646 = arith.mulf %get3A_1644, %get3A_1644 : vector<16xf32>
      %add3A_1647 = arith.addf %scan3A_1599, %mul3A_1646 : vector<16xf32>
      %get3A_1648 = arith.constant 0 : i32
      %get3A_1649 = arith.constant 0 : i32
      %get3A_1650 = tpu.memref_slice %arg10[%scan3A_351, %get3A_1648, %get3A_1649] : memref<6x128x128xf32, #tpu.memory_space<vmem>> -> memref<1x128x128xf32, #tpu.memory_space<vmem>>
      %get3A_1651 = tpu.memref_squeeze %get3A_1650 : memref<1x128x128xf32, #tpu.memory_space<vmem>> -> memref<128x128xf32, #tpu.memory_space<vmem>>
      %get3A_1652 = arith.index_cast %scan3A_1587 : i32 to index
      %get3A_1653 = arith.constant 64 : index
      %get3A_1654 = tpu.vector_load %get3A_1651[%get3A_1652, %get3A_1653] {strides = array<i32>} : memref<128x128xf32, #tpu.memory_space<vmem>>, vector<1x16xf32>,
      %get3A_1655 = vector.shape_cast %get3A_1654 : vector<1x16xf32> to vector<16xf32>
      %add3A_1656 = arith.addf %scan3A_1592, %get3A_1655 : vector<16xf32>
      %mul3A_1657 = arith.mulf %get3A_1655, %get3A_1655 : vector<16xf32>
      %add3A_1658 = arith.addf %scan3A_1600, %mul3A_1657 : vector<16xf32>
      %get3A_1659 = arith.constant 0 : i32
      %get3A_1660 = arith.constant 0 : i32
      %get3A_1661 = tpu.memref_slice %arg10[%scan3A_351, %get3A_1659, %get3A_1660] : memref<6x128x128xf32, #tpu.memory_space<vmem>> -> memref<1x128x128xf32, #tpu.memory_space<vmem>>
      %get3A_1662 = tpu.memref_squeeze %get3A_1661 : memref<1x128x128xf32, #tpu.memory_space<vmem>> -> memref<128x128xf32, #tpu.memory_space<vmem>>
      %get3A_1663 = arith.index_cast %scan3A_1587 : i32 to index
      %get3A_1664 = arith.constant 80 : index
      %get3A_1665 = tpu.vector_load %get3A_1662[%get3A_1663, %get3A_1664] {strides = array<i32>} : memref<128x128xf32, #tpu.memory_space<vmem>>, vector<1x16xf32>,
      %get3A_1666 = vector.shape_cast %get3A_1665 : vector<1x16xf32> to vector<16xf32>
      %add3A_1667 = arith.addf %scan3A_1593, %get3A_1666 : vector<16xf32>
      %mul3A_1668 = arith.mulf %get3A_1666, %get3A_1666 : vector<16xf32>
      %add3A_1669 = arith.addf %scan3A_1601, %mul3A_1668 : vector<16xf32>
      %get3A_1670 = arith.constant 0 : i32
      %get3A_1671 = arith.constant 0 : i32
      %get3A_1672 = tpu.memref_slice %arg10[%scan3A_351, %get3A_1670, %get3A_1671] : memref<6x128x128xf32, #tpu.memory_space<vmem>> -> memref<1x128x128xf32, #tpu.memory_space<vmem>>
      %get3A_1673 = tpu.memref_squeeze %get3A_1672 : memref<1x128x128xf32, #tpu.memory_space<vmem>> -> memref<128x128xf32, #tpu.memory_space<vmem>>
      %get3A_1674 = arith.index_cast %scan3A_1587 : i32 to index
      %get3A_1675 = arith.constant 96 : index
      %get3A_1676 = tpu.vector_load %get3A_1673[%get3A_1674, %get3A_1675] {strides = array<i32>} : memref<128x128xf32, #tpu.memory_space<vmem>>, vector<1x16xf32>,
      %get3A_1677 = vector.shape_cast %get3A_1676 : vector<1x16xf32> to vector<16xf32>
      %add3A_1678 = arith.addf %scan3A_1594, %get3A_1677 : vector<16xf32>
      %mul3A_1679 = arith.mulf %get3A_1677, %get3A_1677 : vector<16xf32>
      %add3A_1680 = arith.addf %scan3A_1602, %mul3A_1679 : vector<16xf32>
      %get3A_1681 = arith.constant 0 : i32
      %get3A_1682 = arith.constant 0 : i32
      %get3A_1683 = tpu.memref_slice %arg10[%scan3A_351, %get3A_1681, %get3A_1682] : memref<6x128x128xf32, #tpu.memory_space<vmem>> -> memref<1x128x128xf32, #tpu.memory_space<vmem>>
      %get3A_1684 = tpu.memref_squeeze %get3A_1683 : memref<1x128x128xf32, #tpu.memory_space<vmem>> -> memref<128x128xf32, #tpu.memory_space<vmem>>
      %get3A_1685 = arith.index_cast %scan3A_1587 : i32 to index
      %get3A_1686 = arith.constant 112 : index
      %get3A_1687 = tpu.vector_load %get3A_1684[%get3A_1685, %get3A_1686] {strides = array<i32>} : memref<128x128xf32, #tpu.memory_space<vmem>>, vector<1x16xf32>,
      %get3A_1688 = vector.shape_cast %get3A_1687 : vector<1x16xf32> to vector<16xf32>
      %add3A_1689 = arith.addf %scan3A_1595, %get3A_1688 : vector<16xf32>
      %mul3A_1690 = arith.mulf %get3A_1688, %get3A_1688 : vector<16xf32>
      %add3A_1691 = arith.addf %scan3A_1603, %mul3A_1690 : vector<16xf32>
      %scan3A_1692 = arith.constant 1 : i32
      %scan3A_1693 = arith.addi %scan3A_1587, %scan3A_1692 : i32
      %get3A_1694 = arith.constant 0 : i32
      %get3A_1695 = arith.constant 0 : i32
      %get3A_1696 = tpu.memref_slice %arg10[%scan3A_351, %get3A_1694, %get3A_1695] : memref<6x128x128xf32, #tpu.memory_space<vmem>> -> memref<1x128x128xf32, #tpu.memory_space<vmem>>
      %get3A_1697 = tpu.memref_squeeze %get3A_1696 : memref<1x128x128xf32, #tpu.memory_space<vmem>> -> memref<128x128xf32, #tpu.memory_space<vmem>>
      %get3A_1698 = arith.index_cast %scan3A_1693 : i32 to index
      %get3A_1699 = arith.constant 0 : index
      %get3A_1700 = tpu.vector_load %get3A_1697[%get3A_1698, %get3A_1699] {strides = array<i32>} : memref<128x128xf32, #tpu.memory_space<vmem>>, vector<1x16xf32>,
      %get3A_1701 = vector.shape_cast %get3A_1700 : vector<1x16xf32> to vector<16xf32>
      %add3A_1702 = arith.addf %add3A_1612, %get3A_1701 : vector<16xf32>
      %mul3A_1703 = arith.mulf %get3A_1701, %get3A_1701 : vector<16xf32>
      %add3A_1704 = arith.addf %add3A_1614, %mul3A_1703 : vector<16xf32>
      %get3A_1705 = arith.constant 0 : i32
      %get3A_1706 = arith.constant 0 : i32
      %get3A_1707 = tpu.memref_slice %arg10[%scan3A_351, %get3A_1705, %get3A_1706] : memref<6x128x128xf32, #tpu.memory_space<vmem>> -> memref<1x128x128xf32, #tpu.memory_space<vmem>>
      %get3A_1708 = tpu.memref_squeeze %get3A_1707 : memref<1x128x128xf32, #tpu.memory_space<vmem>> -> memref<128x128xf32, #tpu.memory_space<vmem>>
      %get3A_1709 = arith.index_cast %scan3A_1693 : i32 to index
      %get3A_1710 = arith.constant 16 : index
      %get3A_1711 = tpu.vector_load %get3A_1708[%get3A_1709, %get3A_1710] {strides = array<i32>} : memref<128x128xf32, #tpu.memory_space<vmem>>, vector<1x16xf32>,
      %get3A_1712 = vector.shape_cast %get3A_1711 : vector<1x16xf32> to vector<16xf32>
      %add3A_1713 = arith.addf %add3A_1623, %get3A_1712 : vector<16xf32>
      %mul3A_1714 = arith.mulf %get3A_1712, %get3A_1712 : vector<16xf32>
      %add3A_1715 = arith.addf %add3A_1625, %mul3A_1714 : vector<16xf32>
      %get3A_1716 = arith.constant 0 : i32
      %get3A_1717 = arith.constant 0 : i32
      %get3A_1718 = tpu.memref_slice %arg10[%scan3A_351, %get3A_1716, %get3A_1717] : memref<6x128x128xf32, #tpu.memory_space<vmem>> -> memref<1x128x128xf32, #tpu.memory_space<vmem>>
      %get3A_1719 = tpu.memref_squeeze %get3A_1718 : memref<1x128x128xf32, #tpu.memory_space<vmem>> -> memref<128x128xf32, #tpu.memory_space<vmem>>
      %get3A_1720 = arith.index_cast %scan3A_1693 : i32 to index
      %get3A_1721 = arith.constant 32 : index
      %get3A_1722 = tpu.vector_load %get3A_1719[%get3A_1720, %get3A_1721] {strides = array<i32>} : memref<128x128xf32, #tpu.memory_space<vmem>>, vector<1x16xf32>,
      %get3A_1723 = vector.shape_cast %get3A_1722 : vector<1x16xf32> to vector<16xf32>
      %add3A_1724 = arith.addf %add3A_1634, %get3A_1723 : vector<16xf32>
      %mul3A_1725 = arith.mulf %get3A_1723, %get3A_1723 : vector<16xf32>
      %add3A_1726 = arith.addf %add3A_1636, %mul3A_1725 : vector<16xf32>
      %get3A_1727 = arith.constant 0 : i32
      %get3A_1728 = arith.constant 0 : i32
      %get3A_1729 = tpu.memref_slice %arg10[%scan3A_351, %get3A_1727, %get3A_1728] : memref<6x128x128xf32, #tpu.memory_space<vmem>> -> memref<1x128x128xf32, #tpu.memory_space<vmem>>
      %get3A_1730 = tpu.memref_squeeze %get3A_1729 : memref<1x128x128xf32, #tpu.memory_space<vmem>> -> memref<128x128xf32, #tpu.memory_space<vmem>>
      %get3A_1731 = arith.index_cast %scan3A_1693 : i32 to index
      %get3A_1732 = arith.constant 48 : index
      %get3A_1733 = tpu.vector_load %get3A_1730[%get3A_1731, %get3A_1732] {strides = array<i32>} : memref<128x128xf32, #tpu.memory_space<vmem>>, vector<1x16xf32>,
      %get3A_1734 = vector.shape_cast %get3A_1733 : vector<1x16xf32> to vector<16xf32>
      %add3A_1735 = arith.addf %add3A_1645, %get3A_1734 : vector<16xf32>
      %mul3A_1736 = arith.mulf %get3A_1734, %get3A_1734 : vector<16xf32>
      %add3A_1737 = arith.addf %add3A_1647, %mul3A_1736 : vector<16xf32>
      %get3A_1738 = arith.constant 0 : i32
      %get3A_1739 = arith.constant 0 : i32
      %get3A_1740 = tpu.memref_slice %arg10[%scan3A_351, %get3A_1738, %get3A_1739] : memref<6x128x128xf32, #tpu.memory_space<vmem>> -> memref<1x128x128xf32, #tpu.memory_space<vmem>>
      %get3A_1741 = tpu.memref_squeeze %get3A_1740 : memref<1x128x128xf32, #tpu.memory_space<vmem>> -> memref<128x128xf32, #tpu.memory_space<vmem>>
      %get3A_1742 = arith.index_cast %scan3A_1693 : i32 to index
      %get3A_1743 = arith.constant 64 : index
      %get3A_1744 = tpu.vector_load %get3A_1741[%get3A_1742, %get3A_1743] {strides = array<i32>} : memref<128x128xf32, #tpu.memory_space<vmem>>, vector<1x16xf32>,
      %get3A_1745 = vector.shape_cast %get3A_1744 : vector<1x16xf32> to vector<16xf32>
      %add3A_1746 = arith.addf %add3A_1656, %get3A_1745 : vector<16xf32>
      %mul3A_1747 = arith.mulf %get3A_1745, %get3A_1745 : vector<16xf32>
      %add3A_1748 = arith.addf %add3A_1658, %mul3A_1747 : vector<16xf32>
      %get3A_1749 = arith.constant 0 : i32
      %get3A_1750 = arith.constant 0 : i32
      %get3A_1751 = tpu.memref_slice %arg10[%scan3A_351, %get3A_1749, %get3A_1750] : memref<6x128x128xf32, #tpu.memory_space<vmem>> -> memref<1x128x128xf32, #tpu.memory_space<vmem>>
      %get3A_1752 = tpu.memref_squeeze %get3A_1751 : memref<1x128x128xf32, #tpu.memory_space<vmem>> -> memref<128x128xf32, #tpu.memory_space<vmem>>
      %get3A_1753 = arith.index_cast %scan3A_1693 : i32 to index
      %get3A_1754 = arith.constant 80 : index
      %get3A_1755 = tpu.vector_load %get3A_1752[%get3A_1753, %get3A_1754] {strides = array<i32>} : memref<128x128xf32, #tpu.memory_space<vmem>>, vector<1x16xf32>,
      %get3A_1756 = vector.shape_cast %get3A_1755 : vector<1x16xf32> to vector<16xf32>
      %add3A_1757 = arith.addf %add3A_1667, %get3A_1756 : vector<16xf32>
      %mul3A_1758 = arith.mulf %get3A_1756, %get3A_1756 : vector<16xf32>
      %add3A_1759 = arith.addf %add3A_1669, %mul3A_1758 : vector<16xf32>
      %get3A_1760 = arith.constant 0 : i32
      %get3A_1761 = arith.constant 0 : i32
      %get3A_1762 = tpu.memref_slice %arg10[%scan3A_351, %get3A_1760, %get3A_1761] : memref<6x128x128xf32, #tpu.memory_space<vmem>> -> memref<1x128x128xf32, #tpu.memory_space<vmem>>
      %get3A_1763 = tpu.memref_squeeze %get3A_1762 : memref<1x128x128xf32, #tpu.memory_space<vmem>> -> memref<128x128xf32, #tpu.memory_space<vmem>>
      %get3A_1764 = arith.index_cast %scan3A_1693 : i32 to index
      %get3A_1765 = arith.constant 96 : index
      %get3A_1766 = tpu.vector_load %get3A_1763[%get3A_1764, %get3A_1765] {strides = array<i32>} : memref<128x128xf32, #tpu.memory_space<vmem>>, vector<1x16xf32>,
      %get3A_1767 = vector.shape_cast %get3A_1766 : vector<1x16xf32> to vector<16xf32>
      %add3A_1768 = arith.addf %add3A_1678, %get3A_1767 : vector<16xf32>
      %mul3A_1769 = arith.mulf %get3A_1767, %get3A_1767 : vector<16xf32>
      %add3A_1770 = arith.addf %add3A_1680, %mul3A_1769 : vector<16xf32>
      %get3A_1771 = arith.constant 0 : i32
      %get3A_1772 = arith.constant 0 : i32
      %get3A_1773 = tpu.memref_slice %arg10[%scan3A_351, %get3A_1771, %get3A_1772] : memref<6x128x128xf32, #tpu.memory_space<vmem>> -> memref<1x128x128xf32, #tpu.memory_space<vmem>>
      %get3A_1774 = tpu.memref_squeeze %get3A_1773 : memref<1x128x128xf32, #tpu.memory_space<vmem>> -> memref<128x128xf32, #tpu.memory_space<vmem>>
      %get3A_1775 = arith.index_cast %scan3A_1693 : i32 to index
      %get3A_1776 = arith.constant 112 : index
      %get3A_1777 = tpu.vector_load %get3A_1774[%get3A_1775, %get3A_1776] {strides = array<i32>} : memref<128x128xf32, #tpu.memory_space<vmem>>, vector<1x16xf32>,
      %get3A_1778 = vector.shape_cast %get3A_1777 : vector<1x16xf32> to vector<16xf32>
      %add3A_1779 = arith.addf %add3A_1689, %get3A_1778 : vector<16xf32>
      %mul3A_1780 = arith.mulf %get3A_1778, %get3A_1778 : vector<16xf32>
      %add3A_1781 = arith.addf %add3A_1691, %mul3A_1780 : vector<16xf32>
      scf.yield %add3A_1702, %add3A_1713, %add3A_1724, %add3A_1735, %add3A_1746, %add3A_1757, %add3A_1768, %add3A_1779, %add3A_1704, %add3A_1715, %add3A_1726, %add3A_1737, %add3A_1748, %add3A_1759, %add3A_1770, %add3A_1781 : vector<16xf32>, vector<16xf32>, vector<16xf32>, vector<16xf32>, vector<16xf32>, vector<16xf32>, vector<16xf32>, vector<16xf32>, vector<16xf32>, vector<16xf32>, vector<16xf32>, vector<16xf32>, vector<16xf32>, vector<16xf32>, vector<16xf32>, vector<16xf32>
    }
    %scan3A_357 = arith.constant 128 : i32
    %add3A_358 = arith.constant 256 : i32
    %add3A_359 = arith.addi %mul3A_2, %add3A_358 : i32
    %dma_start3A_360 = arith.constant 2 : i32
    %dma_start3A_361 = arith.constant 8 : i32
    %dma_start3A_362 = arith.constant 0 : i32
    %dma_start3A_363 = arith.constant 0 : i32
    %dma_start3A_364 = tpu.memref_slice %arg10[%dma_start3A_360, %dma_start3A_362, %dma_start3A_363] : memref<6x128x128xf32, #tpu.memory_space<vmem>> -> memref<1x128x128xf32, #tpu.memory_space<vmem>>
    %dma_start3A_365 = tpu.memref_squeeze %dma_start3A_364 : memref<1x128x128xf32, #tpu.memory_space<vmem>> -> memref<128x128xf32, #tpu.memory_space<vmem>>
    %dma_start3A_366 = arith.constant 0 : i32
    %dma_start3A_367 = tpu.memref_slice %arg5[%add3A_359, %dma_start3A_366] : memref<16384x128xf32, #tpu.memory_space<hbm>> -> memref<128x128xf32, #tpu.memory_space<hbm>>
    %dma_start3A_368 = tpu.memref_slice %arg14[%dma_start3A_361] : memref<13x!tpu.dma_semaphore, #tpu.memory_space<semaphore_mem>> -> memref<1x!tpu.dma_semaphore, #tpu.memory_space<semaphore_mem>>
    %dma_start3A_369 = tpu.memref_squeeze %dma_start3A_368 : memref<1x!tpu.dma_semaphore, #tpu.memory_space<semaphore_mem>> -> memref<!tpu.dma_semaphore, #tpu.memory_space<semaphore_mem>>
    %dma_start3A_370 = arith.constant 0 : i32
    %dma_start3A_371 = tpu.memref_slice %arg5[%add3A_359, %dma_start3A_370] : memref<16384x128xf32, #tpu.memory_space<hbm>> -> memref<128x128xf32, #tpu.memory_space<hbm>>
    %dma_start3A_372 = arith.constant 0 : i32
    %dma_start3A_373 = arith.constant 0 : i32
    %dma_start3A_374 = tpu.memref_slice %arg10[%dma_start3A_360, %dma_start3A_372, %dma_start3A_373] : memref<6x128x128xf32, #tpu.memory_space<vmem>> -> memref<1x128x128xf32, #tpu.memory_space<vmem>>
    %dma_start3A_375 = tpu.memref_squeeze %dma_start3A_374 : memref<1x128x128xf32, #tpu.memory_space<vmem>> -> memref<128x128xf32, #tpu.memory_space<vmem>>
    tpu.enqueue_dma source(%dma_start3A_375 : memref<128x128xf32, #tpu.memory_space<vmem>>) target(%dma_start3A_371 : memref<128x128xf32, #tpu.memory_space<hbm>>) target_semaphore(%dma_start3A_369 : memref<!tpu.dma_semaphore, #tpu.memory_space<semaphore_mem>>)
    %dma_wait3A_376 = arith.constant 1 : i32
    %dma_wait3A_377 = arith.constant 7 : i32
    %dma_wait3A_378 = arith.constant 0 : i32
    %dma_wait3A_379 = arith.constant 0 : i32
    %dma_wait3A_380 = tpu.memref_slice %arg10[%dma_wait3A_376, %dma_wait3A_378, %dma_wait3A_379] : memref<6x128x128xf32, #tpu.memory_space<vmem>> -> memref<1x128x128xf32, #tpu.memory_space<vmem>>
    %dma_wait3A_381 = tpu.memref_squeeze %dma_wait3A_380 : memref<1x128x128xf32, #tpu.memory_space<vmem>> -> memref<128x128xf32, #tpu.memory_space<vmem>>
    %dma_wait3A_382 = arith.constant 0 : i32
    %dma_wait3A_383 = tpu.memref_slice %arg5[%add3A_288, %dma_wait3A_382] : memref<16384x128xf32, #tpu.memory_space<hbm>> -> memref<128x128xf32, #tpu.memory_space<hbm>>
    %dma_wait3A_384 = tpu.memref_slice %arg14[%dma_wait3A_377] : memref<13x!tpu.dma_semaphore, #tpu.memory_space<semaphore_mem>> -> memref<1x!tpu.dma_semaphore, #tpu.memory_space<semaphore_mem>>
    %dma_wait3A_385 = tpu.memref_squeeze %dma_wait3A_384 : memref<1x!tpu.dma_semaphore, #tpu.memory_space<semaphore_mem>> -> memref<!tpu.dma_semaphore, #tpu.memory_space<semaphore_mem>>
    %dma_wait3A_386 = arith.constant 0 : i32
    %dma_wait3A_387 = tpu.memref_slice %arg5[%add3A_288, %dma_wait3A_386] : memref<16384x128xf32, #tpu.memory_space<hbm>> -> memref<128x128xf32, #tpu.memory_space<hbm>>
    %dma_wait3A_388 = arith.constant 0 : i32
    %dma_wait3A_389 = arith.constant 0 : i32
    %dma_wait3A_390 = tpu.memref_slice %arg10[%dma_wait3A_376, %dma_wait3A_388, %dma_wait3A_389] : memref<6x128x128xf32, #tpu.memory_space<vmem>> -> memref<1x128x128xf32, #tpu.memory_space<vmem>>
    %dma_wait3A_391 = tpu.memref_squeeze %dma_wait3A_390 : memref<1x128x128xf32, #tpu.memory_space<vmem>> -> memref<128x128xf32, #tpu.memory_space<vmem>>
    tpu.wait_dma2 semaphore(%dma_wait3A_385 : memref<!tpu.dma_semaphore, #tpu.memory_space<semaphore_mem>>) src(%dma_wait3A_391 : memref<128x128xf32, #tpu.memory_space<vmem>>) dst(%dma_wait3A_387 : memref<128x128xf32, #tpu.memory_space<hbm>>)
    %dma_start3A_392 = arith.constant 7 : i32
    %dma_start3A_393 = arith.constant 1 : i32
    %dma_start3A_394 = arith.constant 1 : i32
    %dma_start3A_395 = arith.constant 0 : i32
    %dma_start3A_396 = arith.constant 0 : i32
    %dma_start3A_397 = tpu.memref_slice %arg10[%dma_start3A_393, %dma_start3A_395, %dma_start3A_396] : memref<6x128x128xf32, #tpu.memory_space<vmem>> -> memref<1x128x128xf32, #tpu.memory_space<vmem>>
    %dma_start3A_398 = tpu.memref_squeeze %dma_start3A_397 : memref<1x128x128xf32, #tpu.memory_space<vmem>> -> memref<128x128xf32, #tpu.memory_space<vmem>>
    %dma_start3A_399 = arith.constant 0 : i32
    %dma_start3A_400 = tpu.memref_slice %arg9[%dma_start3A_392, %dma_start3A_399] : memref<8x128xi32, #tpu.memory_space<vmem>> -> memref<1x128xi32, #tpu.memory_space<vmem>>
    %dma_start3A_401 = tpu.memref_squeeze %dma_start3A_400 : memref<1x128xi32, #tpu.memory_space<vmem>> -> memref<128xi32, #tpu.memory_space<vmem>>
    %dma_start3A_402 = arith.constant 0 : i32
    %dma_start3A_403 = arith.constant 0 : i32
    %dma_start3A_404 = tpu.memref_slice %arg2[%dma_start3A_402, %dma_start3A_403] : memref<100000x128xf32, #tpu.memory_space<hbm>> -> memref<100000x128xf32, #tpu.memory_space<hbm>>
    %dma_start3A_405 = tpu.memref_slice %arg14[%dma_start3A_394] : memref<13x!tpu.dma_semaphore, #tpu.memory_space<semaphore_mem>> -> memref<1x!tpu.dma_semaphore, #tpu.memory_space<semaphore_mem>>
    %dma_start3A_406 = tpu.memref_squeeze %dma_start3A_405 : memref<1x!tpu.dma_semaphore, #tpu.memory_space<semaphore_mem>> -> memref<!tpu.dma_semaphore, #tpu.memory_space<semaphore_mem>>
    tpu.enqueue_indirect_dma source(%dma_start3A_404 : memref<100000x128xf32, #tpu.memory_space<hbm>>) target(%dma_start3A_398 : memref<128x128xf32, #tpu.memory_space<vmem>>) offsets(%dma_start3A_401 : memref<128xi32, #tpu.memory_space<vmem>>) semaphore(%dma_start3A_406 : memref<!tpu.dma_semaphore, #tpu.memory_space<semaphore_mem>>)
    %dma_wait3A_407 = arith.constant 3 : i32
    %dma_wait3A_408 = arith.constant 3 : i32
    %dma_wait3A_409 = arith.constant 3 : i32
    %dma_wait3A_410 = arith.constant 0 : i32
    %dma_wait3A_411 = arith.constant 0 : i32
    %dma_wait3A_412 = tpu.memref_slice %arg10[%dma_wait3A_408, %dma_wait3A_410, %dma_wait3A_411] : memref<6x128x128xf32, #tpu.memory_space<vmem>> -> memref<1x128x128xf32, #tpu.memory_space<vmem>>
    %dma_wait3A_413 = tpu.memref_squeeze %dma_wait3A_412 : memref<1x128x128xf32, #tpu.memory_space<vmem>> -> memref<128x128xf32, #tpu.memory_space<vmem>>
    %dma_wait3A_414 = arith.constant 0 : i32
    %dma_wait3A_415 = tpu.memref_slice %arg9[%dma_wait3A_407, %dma_wait3A_414] : memref<8x128xi32, #tpu.memory_space<vmem>> -> memref<1x128xi32, #tpu.memory_space<vmem>>
    %dma_wait3A_416 = tpu.memref_squeeze %dma_wait3A_415 : memref<1x128xi32, #tpu.memory_space<vmem>> -> memref<128xi32, #tpu.memory_space<vmem>>
    %dma_wait3A_417 = arith.constant 0 : i32
    %dma_wait3A_418 = arith.constant 0 : i32
    %dma_wait3A_419 = tpu.memref_slice %arg2[%dma_wait3A_417, %dma_wait3A_418] : memref<100000x128xf32, #tpu.memory_space<hbm>> -> memref<100000x128xf32, #tpu.memory_space<hbm>>
    %dma_wait3A_420 = tpu.memref_slice %arg14[%dma_wait3A_409] : memref<13x!tpu.dma_semaphore, #tpu.memory_space<semaphore_mem>> -> memref<1x!tpu.dma_semaphore, #tpu.memory_space<semaphore_mem>>
    %dma_wait3A_421 = tpu.memref_squeeze %dma_wait3A_420 : memref<1x!tpu.dma_semaphore, #tpu.memory_space<semaphore_mem>> -> memref<!tpu.dma_semaphore, #tpu.memory_space<semaphore_mem>>
    tpu.wait_indirect_dma semaphore(%dma_wait3A_421 : memref<!tpu.dma_semaphore, #tpu.memory_space<semaphore_mem>>) src(%dma_wait3A_419 : memref<100000x128xf32, #tpu.memory_space<hbm>>) dst(%dma_wait3A_413 : memref<128x128xf32, #tpu.memory_space<vmem>>)
    %scan3A_422 = arith.constant 3 : i32
    %scan3A_423 = arith.constant 0 : i32
    %scan3A_424 = arith.constant 128 : i32
    %scan3A_425 = arith.addi %scan3A_423, %scan3A_424 : i32
    %scan3A_426 = arith.constant 2 : i32
    %scan3A_427:16 = scf.for %scan3A_1587 = %scan3A_423 to %scan3A_425 step %scan3A_426 iter_args(%scan3A_1588 = %scan3A_356#0, %scan3A_1589 = %scan3A_356#1, %scan3A_1590 = %scan3A_356#2, %scan3A_1591 = %scan3A_356#3, %scan3A_1592 = %scan3A_356#4, %scan3A_1593 = %scan3A_356#5, %scan3A_1594 = %scan3A_356#6, %scan3A_1595 = %scan3A_356#7, %scan3A_1596 = %scan3A_356#8, %scan3A_1597 = %scan3A_356#9, %scan3A_1598 = %scan3A_356#10, %scan3A_1599 = %scan3A_356#11, %scan3A_1600 = %scan3A_356#12, %scan3A_1601 = %scan3A_356#13, %scan3A_1602 = %scan3A_356#14, %scan3A_1603 = %scan3A_356#15) -> (vector<16xf32>, vector<16xf32>, vector<16xf32>, vector<16xf32>, vector<16xf32>, vector<16xf32>, vector<16xf32>, vector<16xf32>, vector<16xf32>, vector<16xf32>, vector<16xf32>, vector<16xf32>, vector<16xf32>, vector<16xf32>, vector<16xf32>, vector<16xf32>)  : i32 {
      %get3A_1604 = arith.constant 0 : i32
      %get3A_1605 = arith.constant 0 : i32
      %get3A_1606 = tpu.memref_slice %arg10[%scan3A_422, %get3A_1604, %get3A_1605] : memref<6x128x128xf32, #tpu.memory_space<vmem>> -> memref<1x128x128xf32, #tpu.memory_space<vmem>>
      %get3A_1607 = tpu.memref_squeeze %get3A_1606 : memref<1x128x128xf32, #tpu.memory_space<vmem>> -> memref<128x128xf32, #tpu.memory_space<vmem>>
      %get3A_1608 = arith.index_cast %scan3A_1587 : i32 to index
      %get3A_1609 = arith.constant 0 : index
      %get3A_1610 = tpu.vector_load %get3A_1607[%get3A_1608, %get3A_1609] {strides = array<i32>} : memref<128x128xf32, #tpu.memory_space<vmem>>, vector<1x16xf32>,
      %get3A_1611 = vector.shape_cast %get3A_1610 : vector<1x16xf32> to vector<16xf32>
      %add3A_1612 = arith.addf %scan3A_1588, %get3A_1611 : vector<16xf32>
      %mul3A_1613 = arith.mulf %get3A_1611, %get3A_1611 : vector<16xf32>
      %add3A_1614 = arith.addf %scan3A_1596, %mul3A_1613 : vector<16xf32>
      %get3A_1615 = arith.constant 0 : i32
      %get3A_1616 = arith.constant 0 : i32
      %get3A_1617 = tpu.memref_slice %arg10[%scan3A_422, %get3A_1615, %get3A_1616] : memref<6x128x128xf32, #tpu.memory_space<vmem>> -> memref<1x128x128xf32, #tpu.memory_space<vmem>>
      %get3A_1618 = tpu.memref_squeeze %get3A_1617 : memref<1x128x128xf32, #tpu.memory_space<vmem>> -> memref<128x128xf32, #tpu.memory_space<vmem>>
      %get3A_1619 = arith.index_cast %scan3A_1587 : i32 to index
      %get3A_1620 = arith.constant 16 : index
      %get3A_1621 = tpu.vector_load %get3A_1618[%get3A_1619, %get3A_1620] {strides = array<i32>} : memref<128x128xf32, #tpu.memory_space<vmem>>, vector<1x16xf32>,
      %get3A_1622 = vector.shape_cast %get3A_1621 : vector<1x16xf32> to vector<16xf32>
      %add3A_1623 = arith.addf %scan3A_1589, %get3A_1622 : vector<16xf32>
      %mul3A_1624 = arith.mulf %get3A_1622, %get3A_1622 : vector<16xf32>
      %add3A_1625 = arith.addf %scan3A_1597, %mul3A_1624 : vector<16xf32>
      %get3A_1626 = arith.constant 0 : i32
      %get3A_1627 = arith.constant 0 : i32
      %get3A_1628 = tpu.memref_slice %arg10[%scan3A_422, %get3A_1626, %get3A_1627] : memref<6x128x128xf32, #tpu.memory_space<vmem>> -> memref<1x128x128xf32, #tpu.memory_space<vmem>>
      %get3A_1629 = tpu.memref_squeeze %get3A_1628 : memref<1x128x128xf32, #tpu.memory_space<vmem>> -> memref<128x128xf32, #tpu.memory_space<vmem>>
      %get3A_1630 = arith.index_cast %scan3A_1587 : i32 to index
      %get3A_1631 = arith.constant 32 : index
      %get3A_1632 = tpu.vector_load %get3A_1629[%get3A_1630, %get3A_1631] {strides = array<i32>} : memref<128x128xf32, #tpu.memory_space<vmem>>, vector<1x16xf32>,
      %get3A_1633 = vector.shape_cast %get3A_1632 : vector<1x16xf32> to vector<16xf32>
      %add3A_1634 = arith.addf %scan3A_1590, %get3A_1633 : vector<16xf32>
      %mul3A_1635 = arith.mulf %get3A_1633, %get3A_1633 : vector<16xf32>
      %add3A_1636 = arith.addf %scan3A_1598, %mul3A_1635 : vector<16xf32>
      %get3A_1637 = arith.constant 0 : i32
      %get3A_1638 = arith.constant 0 : i32
      %get3A_1639 = tpu.memref_slice %arg10[%scan3A_422, %get3A_1637, %get3A_1638] : memref<6x128x128xf32, #tpu.memory_space<vmem>> -> memref<1x128x128xf32, #tpu.memory_space<vmem>>
      %get3A_1640 = tpu.memref_squeeze %get3A_1639 : memref<1x128x128xf32, #tpu.memory_space<vmem>> -> memref<128x128xf32, #tpu.memory_space<vmem>>
      %get3A_1641 = arith.index_cast %scan3A_1587 : i32 to index
      %get3A_1642 = arith.constant 48 : index
      %get3A_1643 = tpu.vector_load %get3A_1640[%get3A_1641, %get3A_1642] {strides = array<i32>} : memref<128x128xf32, #tpu.memory_space<vmem>>, vector<1x16xf32>,
      %get3A_1644 = vector.shape_cast %get3A_1643 : vector<1x16xf32> to vector<16xf32>
      %add3A_1645 = arith.addf %scan3A_1591, %get3A_1644 : vector<16xf32>
      %mul3A_1646 = arith.mulf %get3A_1644, %get3A_1644 : vector<16xf32>
      %add3A_1647 = arith.addf %scan3A_1599, %mul3A_1646 : vector<16xf32>
      %get3A_1648 = arith.constant 0 : i32
      %get3A_1649 = arith.constant 0 : i32
      %get3A_1650 = tpu.memref_slice %arg10[%scan3A_422, %get3A_1648, %get3A_1649] : memref<6x128x128xf32, #tpu.memory_space<vmem>> -> memref<1x128x128xf32, #tpu.memory_space<vmem>>
      %get3A_1651 = tpu.memref_squeeze %get3A_1650 : memref<1x128x128xf32, #tpu.memory_space<vmem>> -> memref<128x128xf32, #tpu.memory_space<vmem>>
      %get3A_1652 = arith.index_cast %scan3A_1587 : i32 to index
      %get3A_1653 = arith.constant 64 : index
      %get3A_1654 = tpu.vector_load %get3A_1651[%get3A_1652, %get3A_1653] {strides = array<i32>} : memref<128x128xf32, #tpu.memory_space<vmem>>, vector<1x16xf32>,
      %get3A_1655 = vector.shape_cast %get3A_1654 : vector<1x16xf32> to vector<16xf32>
      %add3A_1656 = arith.addf %scan3A_1592, %get3A_1655 : vector<16xf32>
      %mul3A_1657 = arith.mulf %get3A_1655, %get3A_1655 : vector<16xf32>
      %add3A_1658 = arith.addf %scan3A_1600, %mul3A_1657 : vector<16xf32>
      %get3A_1659 = arith.constant 0 : i32
      %get3A_1660 = arith.constant 0 : i32
      %get3A_1661 = tpu.memref_slice %arg10[%scan3A_422, %get3A_1659, %get3A_1660] : memref<6x128x128xf32, #tpu.memory_space<vmem>> -> memref<1x128x128xf32, #tpu.memory_space<vmem>>
      %get3A_1662 = tpu.memref_squeeze %get3A_1661 : memref<1x128x128xf32, #tpu.memory_space<vmem>> -> memref<128x128xf32, #tpu.memory_space<vmem>>
      %get3A_1663 = arith.index_cast %scan3A_1587 : i32 to index
      %get3A_1664 = arith.constant 80 : index
      %get3A_1665 = tpu.vector_load %get3A_1662[%get3A_1663, %get3A_1664] {strides = array<i32>} : memref<128x128xf32, #tpu.memory_space<vmem>>, vector<1x16xf32>,
      %get3A_1666 = vector.shape_cast %get3A_1665 : vector<1x16xf32> to vector<16xf32>
      %add3A_1667 = arith.addf %scan3A_1593, %get3A_1666 : vector<16xf32>
      %mul3A_1668 = arith.mulf %get3A_1666, %get3A_1666 : vector<16xf32>
      %add3A_1669 = arith.addf %scan3A_1601, %mul3A_1668 : vector<16xf32>
      %get3A_1670 = arith.constant 0 : i32
      %get3A_1671 = arith.constant 0 : i32
      %get3A_1672 = tpu.memref_slice %arg10[%scan3A_422, %get3A_1670, %get3A_1671] : memref<6x128x128xf32, #tpu.memory_space<vmem>> -> memref<1x128x128xf32, #tpu.memory_space<vmem>>
      %get3A_1673 = tpu.memref_squeeze %get3A_1672 : memref<1x128x128xf32, #tpu.memory_space<vmem>> -> memref<128x128xf32, #tpu.memory_space<vmem>>
      %get3A_1674 = arith.index_cast %scan3A_1587 : i32 to index
      %get3A_1675 = arith.constant 96 : index
      %get3A_1676 = tpu.vector_load %get3A_1673[%get3A_1674, %get3A_1675] {strides = array<i32>} : memref<128x128xf32, #tpu.memory_space<vmem>>, vector<1x16xf32>,
      %get3A_1677 = vector.shape_cast %get3A_1676 : vector<1x16xf32> to vector<16xf32>
      %add3A_1678 = arith.addf %scan3A_1594, %get3A_1677 : vector<16xf32>
      %mul3A_1679 = arith.mulf %get3A_1677, %get3A_1677 : vector<16xf32>
      %add3A_1680 = arith.addf %scan3A_1602, %mul3A_1679 : vector<16xf32>
      %get3A_1681 = arith.constant 0 : i32
      %get3A_1682 = arith.constant 0 : i32
      %get3A_1683 = tpu.memref_slice %arg10[%scan3A_422, %get3A_1681, %get3A_1682] : memref<6x128x128xf32, #tpu.memory_space<vmem>> -> memref<1x128x128xf32, #tpu.memory_space<vmem>>
      %get3A_1684 = tpu.memref_squeeze %get3A_1683 : memref<1x128x128xf32, #tpu.memory_space<vmem>> -> memref<128x128xf32, #tpu.memory_space<vmem>>
      %get3A_1685 = arith.index_cast %scan3A_1587 : i32 to index
      %get3A_1686 = arith.constant 112 : index
      %get3A_1687 = tpu.vector_load %get3A_1684[%get3A_1685, %get3A_1686] {strides = array<i32>} : memref<128x128xf32, #tpu.memory_space<vmem>>, vector<1x16xf32>,
      %get3A_1688 = vector.shape_cast %get3A_1687 : vector<1x16xf32> to vector<16xf32>
      %add3A_1689 = arith.addf %scan3A_1595, %get3A_1688 : vector<16xf32>
      %mul3A_1690 = arith.mulf %get3A_1688, %get3A_1688 : vector<16xf32>
      %add3A_1691 = arith.addf %scan3A_1603, %mul3A_1690 : vector<16xf32>
      %scan3A_1692 = arith.constant 1 : i32
      %scan3A_1693 = arith.addi %scan3A_1587, %scan3A_1692 : i32
      %get3A_1694 = arith.constant 0 : i32
      %get3A_1695 = arith.constant 0 : i32
      %get3A_1696 = tpu.memref_slice %arg10[%scan3A_422, %get3A_1694, %get3A_1695] : memref<6x128x128xf32, #tpu.memory_space<vmem>> -> memref<1x128x128xf32, #tpu.memory_space<vmem>>
      %get3A_1697 = tpu.memref_squeeze %get3A_1696 : memref<1x128x128xf32, #tpu.memory_space<vmem>> -> memref<128x128xf32, #tpu.memory_space<vmem>>
      %get3A_1698 = arith.index_cast %scan3A_1693 : i32 to index
      %get3A_1699 = arith.constant 0 : index
      %get3A_1700 = tpu.vector_load %get3A_1697[%get3A_1698, %get3A_1699] {strides = array<i32>} : memref<128x128xf32, #tpu.memory_space<vmem>>, vector<1x16xf32>,
      %get3A_1701 = vector.shape_cast %get3A_1700 : vector<1x16xf32> to vector<16xf32>
      %add3A_1702 = arith.addf %add3A_1612, %get3A_1701 : vector<16xf32>
      %mul3A_1703 = arith.mulf %get3A_1701, %get3A_1701 : vector<16xf32>
      %add3A_1704 = arith.addf %add3A_1614, %mul3A_1703 : vector<16xf32>
      %get3A_1705 = arith.constant 0 : i32
      %get3A_1706 = arith.constant 0 : i32
      %get3A_1707 = tpu.memref_slice %arg10[%scan3A_422, %get3A_1705, %get3A_1706] : memref<6x128x128xf32, #tpu.memory_space<vmem>> -> memref<1x128x128xf32, #tpu.memory_space<vmem>>
      %get3A_1708 = tpu.memref_squeeze %get3A_1707 : memref<1x128x128xf32, #tpu.memory_space<vmem>> -> memref<128x128xf32, #tpu.memory_space<vmem>>
      %get3A_1709 = arith.index_cast %scan3A_1693 : i32 to index
      %get3A_1710 = arith.constant 16 : index
      %get3A_1711 = tpu.vector_load %get3A_1708[%get3A_1709, %get3A_1710] {strides = array<i32>} : memref<128x128xf32, #tpu.memory_space<vmem>>, vector<1x16xf32>,
      %get3A_1712 = vector.shape_cast %get3A_1711 : vector<1x16xf32> to vector<16xf32>
      %add3A_1713 = arith.addf %add3A_1623, %get3A_1712 : vector<16xf32>
      %mul3A_1714 = arith.mulf %get3A_1712, %get3A_1712 : vector<16xf32>
      %add3A_1715 = arith.addf %add3A_1625, %mul3A_1714 : vector<16xf32>
      %get3A_1716 = arith.constant 0 : i32
      %get3A_1717 = arith.constant 0 : i32
      %get3A_1718 = tpu.memref_slice %arg10[%scan3A_422, %get3A_1716, %get3A_1717] : memref<6x128x128xf32, #tpu.memory_space<vmem>> -> memref<1x128x128xf32, #tpu.memory_space<vmem>>
      %get3A_1719 = tpu.memref_squeeze %get3A_1718 : memref<1x128x128xf32, #tpu.memory_space<vmem>> -> memref<128x128xf32, #tpu.memory_space<vmem>>
      %get3A_1720 = arith.index_cast %scan3A_1693 : i32 to index
      %get3A_1721 = arith.constant 32 : index
      %get3A_1722 = tpu.vector_load %get3A_1719[%get3A_1720, %get3A_1721] {strides = array<i32>} : memref<128x128xf32, #tpu.memory_space<vmem>>, vector<1x16xf32>,
      %get3A_1723 = vector.shape_cast %get3A_1722 : vector<1x16xf32> to vector<16xf32>
      %add3A_1724 = arith.addf %add3A_1634, %get3A_1723 : vector<16xf32>
      %mul3A_1725 = arith.mulf %get3A_1723, %get3A_1723 : vector<16xf32>
      %add3A_1726 = arith.addf %add3A_1636, %mul3A_1725 : vector<16xf32>
      %get3A_1727 = arith.constant 0 : i32
      %get3A_1728 = arith.constant 0 : i32
      %get3A_1729 = tpu.memref_slice %arg10[%scan3A_422, %get3A_1727, %get3A_1728] : memref<6x128x128xf32, #tpu.memory_space<vmem>> -> memref<1x128x128xf32, #tpu.memory_space<vmem>>
      %get3A_1730 = tpu.memref_squeeze %get3A_1729 : memref<1x128x128xf32, #tpu.memory_space<vmem>> -> memref<128x128xf32, #tpu.memory_space<vmem>>
      %get3A_1731 = arith.index_cast %scan3A_1693 : i32 to index
      %get3A_1732 = arith.constant 48 : index
      %get3A_1733 = tpu.vector_load %get3A_1730[%get3A_1731, %get3A_1732] {strides = array<i32>} : memref<128x128xf32, #tpu.memory_space<vmem>>, vector<1x16xf32>,
      %get3A_1734 = vector.shape_cast %get3A_1733 : vector<1x16xf32> to vector<16xf32>
      %add3A_1735 = arith.addf %add3A_1645, %get3A_1734 : vector<16xf32>
      %mul3A_1736 = arith.mulf %get3A_1734, %get3A_1734 : vector<16xf32>
      %add3A_1737 = arith.addf %add3A_1647, %mul3A_1736 : vector<16xf32>
      %get3A_1738 = arith.constant 0 : i32
      %get3A_1739 = arith.constant 0 : i32
      %get3A_1740 = tpu.memref_slice %arg10[%scan3A_422, %get3A_1738, %get3A_1739] : memref<6x128x128xf32, #tpu.memory_space<vmem>> -> memref<1x128x128xf32, #tpu.memory_space<vmem>>
      %get3A_1741 = tpu.memref_squeeze %get3A_1740 : memref<1x128x128xf32, #tpu.memory_space<vmem>> -> memref<128x128xf32, #tpu.memory_space<vmem>>
      %get3A_1742 = arith.index_cast %scan3A_1693 : i32 to index
      %get3A_1743 = arith.constant 64 : index
      %get3A_1744 = tpu.vector_load %get3A_1741[%get3A_1742, %get3A_1743] {strides = array<i32>} : memref<128x128xf32, #tpu.memory_space<vmem>>, vector<1x16xf32>,
      %get3A_1745 = vector.shape_cast %get3A_1744 : vector<1x16xf32> to vector<16xf32>
      %add3A_1746 = arith.addf %add3A_1656, %get3A_1745 : vector<16xf32>
      %mul3A_1747 = arith.mulf %get3A_1745, %get3A_1745 : vector<16xf32>
      %add3A_1748 = arith.addf %add3A_1658, %mul3A_1747 : vector<16xf32>
      %get3A_1749 = arith.constant 0 : i32
      %get3A_1750 = arith.constant 0 : i32
      %get3A_1751 = tpu.memref_slice %arg10[%scan3A_422, %get3A_1749, %get3A_1750] : memref<6x128x128xf32, #tpu.memory_space<vmem>> -> memref<1x128x128xf32, #tpu.memory_space<vmem>>
      %get3A_1752 = tpu.memref_squeeze %get3A_1751 : memref<1x128x128xf32, #tpu.memory_space<vmem>> -> memref<128x128xf32, #tpu.memory_space<vmem>>
      %get3A_1753 = arith.index_cast %scan3A_1693 : i32 to index
      %get3A_1754 = arith.constant 80 : index
      %get3A_1755 = tpu.vector_load %get3A_1752[%get3A_1753, %get3A_1754] {strides = array<i32>} : memref<128x128xf32, #tpu.memory_space<vmem>>, vector<1x16xf32>,
      %get3A_1756 = vector.shape_cast %get3A_1755 : vector<1x16xf32> to vector<16xf32>
      %add3A_1757 = arith.addf %add3A_1667, %get3A_1756 : vector<16xf32>
      %mul3A_1758 = arith.mulf %get3A_1756, %get3A_1756 : vector<16xf32>
      %add3A_1759 = arith.addf %add3A_1669, %mul3A_1758 : vector<16xf32>
      %get3A_1760 = arith.constant 0 : i32
      %get3A_1761 = arith.constant 0 : i32
      %get3A_1762 = tpu.memref_slice %arg10[%scan3A_422, %get3A_1760, %get3A_1761] : memref<6x128x128xf32, #tpu.memory_space<vmem>> -> memref<1x128x128xf32, #tpu.memory_space<vmem>>
      %get3A_1763 = tpu.memref_squeeze %get3A_1762 : memref<1x128x128xf32, #tpu.memory_space<vmem>> -> memref<128x128xf32, #tpu.memory_space<vmem>>
      %get3A_1764 = arith.index_cast %scan3A_1693 : i32 to index
      %get3A_1765 = arith.constant 96 : index
      %get3A_1766 = tpu.vector_load %get3A_1763[%get3A_1764, %get3A_1765] {strides = array<i32>} : memref<128x128xf32, #tpu.memory_space<vmem>>, vector<1x16xf32>,
      %get3A_1767 = vector.shape_cast %get3A_1766 : vector<1x16xf32> to vector<16xf32>
      %add3A_1768 = arith.addf %add3A_1678, %get3A_1767 : vector<16xf32>
      %mul3A_1769 = arith.mulf %get3A_1767, %get3A_1767 : vector<16xf32>
      %add3A_1770 = arith.addf %add3A_1680, %mul3A_1769 : vector<16xf32>
      %get3A_1771 = arith.constant 0 : i32
      %get3A_1772 = arith.constant 0 : i32
      %get3A_1773 = tpu.memref_slice %arg10[%scan3A_422, %get3A_1771, %get3A_1772] : memref<6x128x128xf32, #tpu.memory_space<vmem>> -> memref<1x128x128xf32, #tpu.memory_space<vmem>>
      %get3A_1774 = tpu.memref_squeeze %get3A_1773 : memref<1x128x128xf32, #tpu.memory_space<vmem>> -> memref<128x128xf32, #tpu.memory_space<vmem>>
      %get3A_1775 = arith.index_cast %scan3A_1693 : i32 to index
      %get3A_1776 = arith.constant 112 : index
      %get3A_1777 = tpu.vector_load %get3A_1774[%get3A_1775, %get3A_1776] {strides = array<i32>} : memref<128x128xf32, #tpu.memory_space<vmem>>, vector<1x16xf32>,
      %get3A_1778 = vector.shape_cast %get3A_1777 : vector<1x16xf32> to vector<16xf32>
      %add3A_1779 = arith.addf %add3A_1689, %get3A_1778 : vector<16xf32>
      %mul3A_1780 = arith.mulf %get3A_1778, %get3A_1778 : vector<16xf32>
      %add3A_1781 = arith.addf %add3A_1691, %mul3A_1780 : vector<16xf32>
      scf.yield %add3A_1702, %add3A_1713, %add3A_1724, %add3A_1735, %add3A_1746, %add3A_1757, %add3A_1768, %add3A_1779, %add3A_1704, %add3A_1715, %add3A_1726, %add3A_1737, %add3A_1748, %add3A_1759, %add3A_1770, %add3A_1781 : vector<16xf32>, vector<16xf32>, vector<16xf32>, vector<16xf32>, vector<16xf32>, vector<16xf32>, vector<16xf32>, vector<16xf32>, vector<16xf32>, vector<16xf32>, vector<16xf32>, vector<16xf32>, vector<16xf32>, vector<16xf32>, vector<16xf32>, vector<16xf32>
    }
    %scan3A_428 = arith.constant 128 : i32
    %add3A_429 = arith.constant 384 : i32
    %add3A_430 = arith.addi %mul3A_2, %add3A_429 : i32
    %dma_start3A_431 = arith.constant 3 : i32
    %dma_start3A_432 = arith.constant 9 : i32
    %dma_start3A_433 = arith.constant 0 : i32
    %dma_start3A_434 = arith.constant 0 : i32
    %dma_start3A_435 = tpu.memref_slice %arg10[%dma_start3A_431, %dma_start3A_433, %dma_start3A_434] : memref<6x128x128xf32, #tpu.memory_space<vmem>> -> memref<1x128x128xf32, #tpu.memory_space<vmem>>
    %dma_start3A_436 = tpu.memref_squeeze %dma_start3A_435 : memref<1x128x128xf32, #tpu.memory_space<vmem>> -> memref<128x128xf32, #tpu.memory_space<vmem>>
    %dma_start3A_437 = arith.constant 0 : i32
    %dma_start3A_438 = tpu.memref_slice %arg5[%add3A_430, %dma_start3A_437] : memref<16384x128xf32, #tpu.memory_space<hbm>> -> memref<128x128xf32, #tpu.memory_space<hbm>>
    %dma_start3A_439 = tpu.memref_slice %arg14[%dma_start3A_432] : memref<13x!tpu.dma_semaphore, #tpu.memory_space<semaphore_mem>> -> memref<1x!tpu.dma_semaphore, #tpu.memory_space<semaphore_mem>>
    %dma_start3A_440 = tpu.memref_squeeze %dma_start3A_439 : memref<1x!tpu.dma_semaphore, #tpu.memory_space<semaphore_mem>> -> memref<!tpu.dma_semaphore, #tpu.memory_space<semaphore_mem>>
    %dma_start3A_441 = arith.constant 0 : i32
    %dma_start3A_442 = tpu.memref_slice %arg5[%add3A_430, %dma_start3A_441] : memref<16384x128xf32, #tpu.memory_space<hbm>> -> memref<128x128xf32, #tpu.memory_space<hbm>>
    %dma_start3A_443 = arith.constant 0 : i32
    %dma_start3A_444 = arith.constant 0 : i32
    %dma_start3A_445 = tpu.memref_slice %arg10[%dma_start3A_431, %dma_start3A_443, %dma_start3A_444] : memref<6x128x128xf32, #tpu.memory_space<vmem>> -> memref<1x128x128xf32, #tpu.memory_space<vmem>>
    %dma_start3A_446 = tpu.memref_squeeze %dma_start3A_445 : memref<1x128x128xf32, #tpu.memory_space<vmem>> -> memref<128x128xf32, #tpu.memory_space<vmem>>
    tpu.enqueue_dma source(%dma_start3A_446 : memref<128x128xf32, #tpu.memory_space<vmem>>) target(%dma_start3A_442 : memref<128x128xf32, #tpu.memory_space<hbm>>) target_semaphore(%dma_start3A_440 : memref<!tpu.dma_semaphore, #tpu.memory_space<semaphore_mem>>)
    %dma_wait3A_447 = arith.constant 4 : i32
    %dma_wait3A_448 = arith.constant 4 : i32
    %dma_wait3A_449 = arith.constant 4 : i32
    %dma_wait3A_450 = arith.constant 0 : i32
    %dma_wait3A_451 = arith.constant 0 : i32
    %dma_wait3A_452 = tpu.memref_slice %arg10[%dma_wait3A_448, %dma_wait3A_450, %dma_wait3A_451] : memref<6x128x128xf32, #tpu.memory_space<vmem>> -> memref<1x128x128xf32, #tpu.memory_space<vmem>>
    %dma_wait3A_453 = tpu.memref_squeeze %dma_wait3A_452 : memref<1x128x128xf32, #tpu.memory_space<vmem>> -> memref<128x128xf32, #tpu.memory_space<vmem>>
    %dma_wait3A_454 = arith.constant 0 : i32
    %dma_wait3A_455 = tpu.memref_slice %arg9[%dma_wait3A_447, %dma_wait3A_454] : memref<8x128xi32, #tpu.memory_space<vmem>> -> memref<1x128xi32, #tpu.memory_space<vmem>>
    %dma_wait3A_456 = tpu.memref_squeeze %dma_wait3A_455 : memref<1x128xi32, #tpu.memory_space<vmem>> -> memref<128xi32, #tpu.memory_space<vmem>>
    %dma_wait3A_457 = arith.constant 0 : i32
    %dma_wait3A_458 = arith.constant 0 : i32
    %dma_wait3A_459 = tpu.memref_slice %arg2[%dma_wait3A_457, %dma_wait3A_458] : memref<100000x128xf32, #tpu.memory_space<hbm>> -> memref<100000x128xf32, #tpu.memory_space<hbm>>
    %dma_wait3A_460 = tpu.memref_slice %arg14[%dma_wait3A_449] : memref<13x!tpu.dma_semaphore, #tpu.memory_space<semaphore_mem>> -> memref<1x!tpu.dma_semaphore, #tpu.memory_space<semaphore_mem>>
    %dma_wait3A_461 = tpu.memref_squeeze %dma_wait3A_460 : memref<1x!tpu.dma_semaphore, #tpu.memory_space<semaphore_mem>> -> memref<!tpu.dma_semaphore, #tpu.memory_space<semaphore_mem>>
    tpu.wait_indirect_dma semaphore(%dma_wait3A_461 : memref<!tpu.dma_semaphore, #tpu.memory_space<semaphore_mem>>) src(%dma_wait3A_459 : memref<100000x128xf32, #tpu.memory_space<hbm>>) dst(%dma_wait3A_453 : memref<128x128xf32, #tpu.memory_space<vmem>>)
    %scan3A_462 = arith.constant 4 : i32
    %scan3A_463 = arith.constant 0 : i32
    %scan3A_464 = arith.constant 128 : i32
    %scan3A_465 = arith.addi %scan3A_463, %scan3A_464 : i32
    %scan3A_466 = arith.constant 2 : i32
    %scan3A_467:16 = scf.for %scan3A_1587 = %scan3A_463 to %scan3A_465 step %scan3A_466 iter_args(%scan3A_1588 = %broadcast_in_dim3A_106, %scan3A_1589 = %broadcast_in_dim3A_108, %scan3A_1590 = %broadcast_in_dim3A_110, %scan3A_1591 = %broadcast_in_dim3A_112, %scan3A_1592 = %broadcast_in_dim3A_114, %scan3A_1593 = %broadcast_in_dim3A_116, %scan3A_1594 = %broadcast_in_dim3A_118, %scan3A_1595 = %broadcast_in_dim3A_120, %scan3A_1596 = %broadcast_in_dim3A_122, %scan3A_1597 = %broadcast_in_dim3A_124, %scan3A_1598 = %broadcast_in_dim3A_126, %scan3A_1599 = %broadcast_in_dim3A_128, %scan3A_1600 = %broadcast_in_dim3A_130, %scan3A_1601 = %broadcast_in_dim3A_132, %scan3A_1602 = %broadcast_in_dim3A_134, %scan3A_1603 = %broadcast_in_dim3A_136) -> (vector<16xf32>, vector<16xf32>, vector<16xf32>, vector<16xf32>, vector<16xf32>, vector<16xf32>, vector<16xf32>, vector<16xf32>, vector<16xf32>, vector<16xf32>, vector<16xf32>, vector<16xf32>, vector<16xf32>, vector<16xf32>, vector<16xf32>, vector<16xf32>)  : i32 {
      %get3A_1604 = arith.constant 0 : i32
      %get3A_1605 = arith.constant 0 : i32
      %get3A_1606 = tpu.memref_slice %arg10[%scan3A_462, %get3A_1604, %get3A_1605] : memref<6x128x128xf32, #tpu.memory_space<vmem>> -> memref<1x128x128xf32, #tpu.memory_space<vmem>>
      %get3A_1607 = tpu.memref_squeeze %get3A_1606 : memref<1x128x128xf32, #tpu.memory_space<vmem>> -> memref<128x128xf32, #tpu.memory_space<vmem>>
      %get3A_1608 = arith.index_cast %scan3A_1587 : i32 to index
      %get3A_1609 = arith.constant 0 : index
      %get3A_1610 = tpu.vector_load %get3A_1607[%get3A_1608, %get3A_1609] {strides = array<i32>} : memref<128x128xf32, #tpu.memory_space<vmem>>, vector<1x16xf32>,
      %get3A_1611 = vector.shape_cast %get3A_1610 : vector<1x16xf32> to vector<16xf32>
      %add3A_1612 = arith.addf %scan3A_1588, %get3A_1611 : vector<16xf32>
      %mul3A_1613 = arith.mulf %get3A_1611, %get3A_1611 : vector<16xf32>
      %add3A_1614 = arith.addf %scan3A_1596, %mul3A_1613 : vector<16xf32>
      %get3A_1615 = arith.constant 0 : i32
      %get3A_1616 = arith.constant 0 : i32
      %get3A_1617 = tpu.memref_slice %arg10[%scan3A_462, %get3A_1615, %get3A_1616] : memref<6x128x128xf32, #tpu.memory_space<vmem>> -> memref<1x128x128xf32, #tpu.memory_space<vmem>>
      %get3A_1618 = tpu.memref_squeeze %get3A_1617 : memref<1x128x128xf32, #tpu.memory_space<vmem>> -> memref<128x128xf32, #tpu.memory_space<vmem>>
      %get3A_1619 = arith.index_cast %scan3A_1587 : i32 to index
      %get3A_1620 = arith.constant 16 : index
      %get3A_1621 = tpu.vector_load %get3A_1618[%get3A_1619, %get3A_1620] {strides = array<i32>} : memref<128x128xf32, #tpu.memory_space<vmem>>, vector<1x16xf32>,
      %get3A_1622 = vector.shape_cast %get3A_1621 : vector<1x16xf32> to vector<16xf32>
      %add3A_1623 = arith.addf %scan3A_1589, %get3A_1622 : vector<16xf32>
      %mul3A_1624 = arith.mulf %get3A_1622, %get3A_1622 : vector<16xf32>
      %add3A_1625 = arith.addf %scan3A_1597, %mul3A_1624 : vector<16xf32>
      %get3A_1626 = arith.constant 0 : i32
      %get3A_1627 = arith.constant 0 : i32
      %get3A_1628 = tpu.memref_slice %arg10[%scan3A_462, %get3A_1626, %get3A_1627] : memref<6x128x128xf32, #tpu.memory_space<vmem>> -> memref<1x128x128xf32, #tpu.memory_space<vmem>>
      %get3A_1629 = tpu.memref_squeeze %get3A_1628 : memref<1x128x128xf32, #tpu.memory_space<vmem>> -> memref<128x128xf32, #tpu.memory_space<vmem>>
      %get3A_1630 = arith.index_cast %scan3A_1587 : i32 to index
      %get3A_1631 = arith.constant 32 : index
      %get3A_1632 = tpu.vector_load %get3A_1629[%get3A_1630, %get3A_1631] {strides = array<i32>} : memref<128x128xf32, #tpu.memory_space<vmem>>, vector<1x16xf32>,
      %get3A_1633 = vector.shape_cast %get3A_1632 : vector<1x16xf32> to vector<16xf32>
      %add3A_1634 = arith.addf %scan3A_1590, %get3A_1633 : vector<16xf32>
      %mul3A_1635 = arith.mulf %get3A_1633, %get3A_1633 : vector<16xf32>
      %add3A_1636 = arith.addf %scan3A_1598, %mul3A_1635 : vector<16xf32>
      %get3A_1637 = arith.constant 0 : i32
      %get3A_1638 = arith.constant 0 : i32
      %get3A_1639 = tpu.memref_slice %arg10[%scan3A_462, %get3A_1637, %get3A_1638] : memref<6x128x128xf32, #tpu.memory_space<vmem>> -> memref<1x128x128xf32, #tpu.memory_space<vmem>>
      %get3A_1640 = tpu.memref_squeeze %get3A_1639 : memref<1x128x128xf32, #tpu.memory_space<vmem>> -> memref<128x128xf32, #tpu.memory_space<vmem>>
      %get3A_1641 = arith.index_cast %scan3A_1587 : i32 to index
      %get3A_1642 = arith.constant 48 : index
      %get3A_1643 = tpu.vector_load %get3A_1640[%get3A_1641, %get3A_1642] {strides = array<i32>} : memref<128x128xf32, #tpu.memory_space<vmem>>, vector<1x16xf32>,
      %get3A_1644 = vector.shape_cast %get3A_1643 : vector<1x16xf32> to vector<16xf32>
      %add3A_1645 = arith.addf %scan3A_1591, %get3A_1644 : vector<16xf32>
      %mul3A_1646 = arith.mulf %get3A_1644, %get3A_1644 : vector<16xf32>
      %add3A_1647 = arith.addf %scan3A_1599, %mul3A_1646 : vector<16xf32>
      %get3A_1648 = arith.constant 0 : i32
      %get3A_1649 = arith.constant 0 : i32
      %get3A_1650 = tpu.memref_slice %arg10[%scan3A_462, %get3A_1648, %get3A_1649] : memref<6x128x128xf32, #tpu.memory_space<vmem>> -> memref<1x128x128xf32, #tpu.memory_space<vmem>>
      %get3A_1651 = tpu.memref_squeeze %get3A_1650 : memref<1x128x128xf32, #tpu.memory_space<vmem>> -> memref<128x128xf32, #tpu.memory_space<vmem>>
      %get3A_1652 = arith.index_cast %scan3A_1587 : i32 to index
      %get3A_1653 = arith.constant 64 : index
      %get3A_1654 = tpu.vector_load %get3A_1651[%get3A_1652, %get3A_1653] {strides = array<i32>} : memref<128x128xf32, #tpu.memory_space<vmem>>, vector<1x16xf32>,
      %get3A_1655 = vector.shape_cast %get3A_1654 : vector<1x16xf32> to vector<16xf32>
      %add3A_1656 = arith.addf %scan3A_1592, %get3A_1655 : vector<16xf32>
      %mul3A_1657 = arith.mulf %get3A_1655, %get3A_1655 : vector<16xf32>
      %add3A_1658 = arith.addf %scan3A_1600, %mul3A_1657 : vector<16xf32>
      %get3A_1659 = arith.constant 0 : i32
      %get3A_1660 = arith.constant 0 : i32
      %get3A_1661 = tpu.memref_slice %arg10[%scan3A_462, %get3A_1659, %get3A_1660] : memref<6x128x128xf32, #tpu.memory_space<vmem>> -> memref<1x128x128xf32, #tpu.memory_space<vmem>>
      %get3A_1662 = tpu.memref_squeeze %get3A_1661 : memref<1x128x128xf32, #tpu.memory_space<vmem>> -> memref<128x128xf32, #tpu.memory_space<vmem>>
      %get3A_1663 = arith.index_cast %scan3A_1587 : i32 to index
      %get3A_1664 = arith.constant 80 : index
      %get3A_1665 = tpu.vector_load %get3A_1662[%get3A_1663, %get3A_1664] {strides = array<i32>} : memref<128x128xf32, #tpu.memory_space<vmem>>, vector<1x16xf32>,
      %get3A_1666 = vector.shape_cast %get3A_1665 : vector<1x16xf32> to vector<16xf32>
      %add3A_1667 = arith.addf %scan3A_1593, %get3A_1666 : vector<16xf32>
      %mul3A_1668 = arith.mulf %get3A_1666, %get3A_1666 : vector<16xf32>
      %add3A_1669 = arith.addf %scan3A_1601, %mul3A_1668 : vector<16xf32>
      %get3A_1670 = arith.constant 0 : i32
      %get3A_1671 = arith.constant 0 : i32
      %get3A_1672 = tpu.memref_slice %arg10[%scan3A_462, %get3A_1670, %get3A_1671] : memref<6x128x128xf32, #tpu.memory_space<vmem>> -> memref<1x128x128xf32, #tpu.memory_space<vmem>>
      %get3A_1673 = tpu.memref_squeeze %get3A_1672 : memref<1x128x128xf32, #tpu.memory_space<vmem>> -> memref<128x128xf32, #tpu.memory_space<vmem>>
      %get3A_1674 = arith.index_cast %scan3A_1587 : i32 to index
      %get3A_1675 = arith.constant 96 : index
      %get3A_1676 = tpu.vector_load %get3A_1673[%get3A_1674, %get3A_1675] {strides = array<i32>} : memref<128x128xf32, #tpu.memory_space<vmem>>, vector<1x16xf32>,
      %get3A_1677 = vector.shape_cast %get3A_1676 : vector<1x16xf32> to vector<16xf32>
      %add3A_1678 = arith.addf %scan3A_1594, %get3A_1677 : vector<16xf32>
      %mul3A_1679 = arith.mulf %get3A_1677, %get3A_1677 : vector<16xf32>
      %add3A_1680 = arith.addf %scan3A_1602, %mul3A_1679 : vector<16xf32>
      %get3A_1681 = arith.constant 0 : i32
      %get3A_1682 = arith.constant 0 : i32
      %get3A_1683 = tpu.memref_slice %arg10[%scan3A_462, %get3A_1681, %get3A_1682] : memref<6x128x128xf32, #tpu.memory_space<vmem>> -> memref<1x128x128xf32, #tpu.memory_space<vmem>>
      %get3A_1684 = tpu.memref_squeeze %get3A_1683 : memref<1x128x128xf32, #tpu.memory_space<vmem>> -> memref<128x128xf32, #tpu.memory_space<vmem>>
      %get3A_1685 = arith.index_cast %scan3A_1587 : i32 to index
      %get3A_1686 = arith.constant 112 : index
      %get3A_1687 = tpu.vector_load %get3A_1684[%get3A_1685, %get3A_1686] {strides = array<i32>} : memref<128x128xf32, #tpu.memory_space<vmem>>, vector<1x16xf32>,
      %get3A_1688 = vector.shape_cast %get3A_1687 : vector<1x16xf32> to vector<16xf32>
      %add3A_1689 = arith.addf %scan3A_1595, %get3A_1688 : vector<16xf32>
      %mul3A_1690 = arith.mulf %get3A_1688, %get3A_1688 : vector<16xf32>
      %add3A_1691 = arith.addf %scan3A_1603, %mul3A_1690 : vector<16xf32>
      %scan3A_1692 = arith.constant 1 : i32
      %scan3A_1693 = arith.addi %scan3A_1587, %scan3A_1692 : i32
      %get3A_1694 = arith.constant 0 : i32
      %get3A_1695 = arith.constant 0 : i32
      %get3A_1696 = tpu.memref_slice %arg10[%scan3A_462, %get3A_1694, %get3A_1695] : memref<6x128x128xf32, #tpu.memory_space<vmem>> -> memref<1x128x128xf32, #tpu.memory_space<vmem>>
      %get3A_1697 = tpu.memref_squeeze %get3A_1696 : memref<1x128x128xf32, #tpu.memory_space<vmem>> -> memref<128x128xf32, #tpu.memory_space<vmem>>
      %get3A_1698 = arith.index_cast %scan3A_1693 : i32 to index
      %get3A_1699 = arith.constant 0 : index
      %get3A_1700 = tpu.vector_load %get3A_1697[%get3A_1698, %get3A_1699] {strides = array<i32>} : memref<128x128xf32, #tpu.memory_space<vmem>>, vector<1x16xf32>,
      %get3A_1701 = vector.shape_cast %get3A_1700 : vector<1x16xf32> to vector<16xf32>
      %add3A_1702 = arith.addf %add3A_1612, %get3A_1701 : vector<16xf32>
      %mul3A_1703 = arith.mulf %get3A_1701, %get3A_1701 : vector<16xf32>
      %add3A_1704 = arith.addf %add3A_1614, %mul3A_1703 : vector<16xf32>
      %get3A_1705 = arith.constant 0 : i32
      %get3A_1706 = arith.constant 0 : i32
      %get3A_1707 = tpu.memref_slice %arg10[%scan3A_462, %get3A_1705, %get3A_1706] : memref<6x128x128xf32, #tpu.memory_space<vmem>> -> memref<1x128x128xf32, #tpu.memory_space<vmem>>
      %get3A_1708 = tpu.memref_squeeze %get3A_1707 : memref<1x128x128xf32, #tpu.memory_space<vmem>> -> memref<128x128xf32, #tpu.memory_space<vmem>>
      %get3A_1709 = arith.index_cast %scan3A_1693 : i32 to index
      %get3A_1710 = arith.constant 16 : index
      %get3A_1711 = tpu.vector_load %get3A_1708[%get3A_1709, %get3A_1710] {strides = array<i32>} : memref<128x128xf32, #tpu.memory_space<vmem>>, vector<1x16xf32>,
      %get3A_1712 = vector.shape_cast %get3A_1711 : vector<1x16xf32> to vector<16xf32>
      %add3A_1713 = arith.addf %add3A_1623, %get3A_1712 : vector<16xf32>
      %mul3A_1714 = arith.mulf %get3A_1712, %get3A_1712 : vector<16xf32>
      %add3A_1715 = arith.addf %add3A_1625, %mul3A_1714 : vector<16xf32>
      %get3A_1716 = arith.constant 0 : i32
      %get3A_1717 = arith.constant 0 : i32
      %get3A_1718 = tpu.memref_slice %arg10[%scan3A_462, %get3A_1716, %get3A_1717] : memref<6x128x128xf32, #tpu.memory_space<vmem>> -> memref<1x128x128xf32, #tpu.memory_space<vmem>>
      %get3A_1719 = tpu.memref_squeeze %get3A_1718 : memref<1x128x128xf32, #tpu.memory_space<vmem>> -> memref<128x128xf32, #tpu.memory_space<vmem>>
      %get3A_1720 = arith.index_cast %scan3A_1693 : i32 to index
      %get3A_1721 = arith.constant 32 : index
      %get3A_1722 = tpu.vector_load %get3A_1719[%get3A_1720, %get3A_1721] {strides = array<i32>} : memref<128x128xf32, #tpu.memory_space<vmem>>, vector<1x16xf32>,
      %get3A_1723 = vector.shape_cast %get3A_1722 : vector<1x16xf32> to vector<16xf32>
      %add3A_1724 = arith.addf %add3A_1634, %get3A_1723 : vector<16xf32>
      %mul3A_1725 = arith.mulf %get3A_1723, %get3A_1723 : vector<16xf32>
      %add3A_1726 = arith.addf %add3A_1636, %mul3A_1725 : vector<16xf32>
      %get3A_1727 = arith.constant 0 : i32
      %get3A_1728 = arith.constant 0 : i32
      %get3A_1729 = tpu.memref_slice %arg10[%scan3A_462, %get3A_1727, %get3A_1728] : memref<6x128x128xf32, #tpu.memory_space<vmem>> -> memref<1x128x128xf32, #tpu.memory_space<vmem>>
      %get3A_1730 = tpu.memref_squeeze %get3A_1729 : memref<1x128x128xf32, #tpu.memory_space<vmem>> -> memref<128x128xf32, #tpu.memory_space<vmem>>
      %get3A_1731 = arith.index_cast %scan3A_1693 : i32 to index
      %get3A_1732 = arith.constant 48 : index
      %get3A_1733 = tpu.vector_load %get3A_1730[%get3A_1731, %get3A_1732] {strides = array<i32>} : memref<128x128xf32, #tpu.memory_space<vmem>>, vector<1x16xf32>,
      %get3A_1734 = vector.shape_cast %get3A_1733 : vector<1x16xf32> to vector<16xf32>
      %add3A_1735 = arith.addf %add3A_1645, %get3A_1734 : vector<16xf32>
      %mul3A_1736 = arith.mulf %get3A_1734, %get3A_1734 : vector<16xf32>
      %add3A_1737 = arith.addf %add3A_1647, %mul3A_1736 : vector<16xf32>
      %get3A_1738 = arith.constant 0 : i32
      %get3A_1739 = arith.constant 0 : i32
      %get3A_1740 = tpu.memref_slice %arg10[%scan3A_462, %get3A_1738, %get3A_1739] : memref<6x128x128xf32, #tpu.memory_space<vmem>> -> memref<1x128x128xf32, #tpu.memory_space<vmem>>
      %get3A_1741 = tpu.memref_squeeze %get3A_1740 : memref<1x128x128xf32, #tpu.memory_space<vmem>> -> memref<128x128xf32, #tpu.memory_space<vmem>>
      %get3A_1742 = arith.index_cast %scan3A_1693 : i32 to index
      %get3A_1743 = arith.constant 64 : index
      %get3A_1744 = tpu.vector_load %get3A_1741[%get3A_1742, %get3A_1743] {strides = array<i32>} : memref<128x128xf32, #tpu.memory_space<vmem>>, vector<1x16xf32>,
      %get3A_1745 = vector.shape_cast %get3A_1744 : vector<1x16xf32> to vector<16xf32>
      %add3A_1746 = arith.addf %add3A_1656, %get3A_1745 : vector<16xf32>
      %mul3A_1747 = arith.mulf %get3A_1745, %get3A_1745 : vector<16xf32>
      %add3A_1748 = arith.addf %add3A_1658, %mul3A_1747 : vector<16xf32>
      %get3A_1749 = arith.constant 0 : i32
      %get3A_1750 = arith.constant 0 : i32
      %get3A_1751 = tpu.memref_slice %arg10[%scan3A_462, %get3A_1749, %get3A_1750] : memref<6x128x128xf32, #tpu.memory_space<vmem>> -> memref<1x128x128xf32, #tpu.memory_space<vmem>>
      %get3A_1752 = tpu.memref_squeeze %get3A_1751 : memref<1x128x128xf32, #tpu.memory_space<vmem>> -> memref<128x128xf32, #tpu.memory_space<vmem>>
      %get3A_1753 = arith.index_cast %scan3A_1693 : i32 to index
      %get3A_1754 = arith.constant 80 : index
      %get3A_1755 = tpu.vector_load %get3A_1752[%get3A_1753, %get3A_1754] {strides = array<i32>} : memref<128x128xf32, #tpu.memory_space<vmem>>, vector<1x16xf32>,
      %get3A_1756 = vector.shape_cast %get3A_1755 : vector<1x16xf32> to vector<16xf32>
      %add3A_1757 = arith.addf %add3A_1667, %get3A_1756 : vector<16xf32>
      %mul3A_1758 = arith.mulf %get3A_1756, %get3A_1756 : vector<16xf32>
      %add3A_1759 = arith.addf %add3A_1669, %mul3A_1758 : vector<16xf32>
      %get3A_1760 = arith.constant 0 : i32
      %get3A_1761 = arith.constant 0 : i32
      %get3A_1762 = tpu.memref_slice %arg10[%scan3A_462, %get3A_1760, %get3A_1761] : memref<6x128x128xf32, #tpu.memory_space<vmem>> -> memref<1x128x128xf32, #tpu.memory_space<vmem>>
      %get3A_1763 = tpu.memref_squeeze %get3A_1762 : memref<1x128x128xf32, #tpu.memory_space<vmem>> -> memref<128x128xf32, #tpu.memory_space<vmem>>
      %get3A_1764 = arith.index_cast %scan3A_1693 : i32 to index
      %get3A_1765 = arith.constant 96 : index
      %get3A_1766 = tpu.vector_load %get3A_1763[%get3A_1764, %get3A_1765] {strides = array<i32>} : memref<128x128xf32, #tpu.memory_space<vmem>>, vector<1x16xf32>,
      %get3A_1767 = vector.shape_cast %get3A_1766 : vector<1x16xf32> to vector<16xf32>
      %add3A_1768 = arith.addf %add3A_1678, %get3A_1767 : vector<16xf32>
      %mul3A_1769 = arith.mulf %get3A_1767, %get3A_1767 : vector<16xf32>
      %add3A_1770 = arith.addf %add3A_1680, %mul3A_1769 : vector<16xf32>
      %get3A_1771 = arith.constant 0 : i32
      %get3A_1772 = arith.constant 0 : i32
      %get3A_1773 = tpu.memref_slice %arg10[%scan3A_462, %get3A_1771, %get3A_1772] : memref<6x128x128xf32, #tpu.memory_space<vmem>> -> memref<1x128x128xf32, #tpu.memory_space<vmem>>
      %get3A_1774 = tpu.memref_squeeze %get3A_1773 : memref<1x128x128xf32, #tpu.memory_space<vmem>> -> memref<128x128xf32, #tpu.memory_space<vmem>>
      %get3A_1775 = arith.index_cast %scan3A_1693 : i32 to index
      %get3A_1776 = arith.constant 112 : index
      %get3A_1777 = tpu.vector_load %get3A_1774[%get3A_1775, %get3A_1776] {strides = array<i32>} : memref<128x128xf32, #tpu.memory_space<vmem>>, vector<1x16xf32>,
      %get3A_1778 = vector.shape_cast %get3A_1777 : vector<1x16xf32> to vector<16xf32>
      %add3A_1779 = arith.addf %add3A_1689, %get3A_1778 : vector<16xf32>
      %mul3A_1780 = arith.mulf %get3A_1778, %get3A_1778 : vector<16xf32>
      %add3A_1781 = arith.addf %add3A_1691, %mul3A_1780 : vector<16xf32>
      scf.yield %add3A_1702, %add3A_1713, %add3A_1724, %add3A_1735, %add3A_1746, %add3A_1757, %add3A_1768, %add3A_1779, %add3A_1704, %add3A_1715, %add3A_1726, %add3A_1737, %add3A_1748, %add3A_1759, %add3A_1770, %add3A_1781 : vector<16xf32>, vector<16xf32>, vector<16xf32>, vector<16xf32>, vector<16xf32>, vector<16xf32>, vector<16xf32>, vector<16xf32>, vector<16xf32>, vector<16xf32>, vector<16xf32>, vector<16xf32>, vector<16xf32>, vector<16xf32>, vector<16xf32>, vector<16xf32>
    }
    %scan3A_468 = arith.constant 128 : i32
    %add3A_469 = arith.constant 0 : i32
    %add3A_470 = arith.addi %mul3A_2, %add3A_469 : i32
    %dma_start3A_471 = arith.constant 4 : i32
    %dma_start3A_472 = arith.constant 10 : i32
    %dma_start3A_473 = arith.constant 0 : i32
    %dma_start3A_474 = arith.constant 0 : i32
    %dma_start3A_475 = tpu.memref_slice %arg10[%dma_start3A_471, %dma_start3A_473, %dma_start3A_474] : memref<6x128x128xf32, #tpu.memory_space<vmem>> -> memref<1x128x128xf32, #tpu.memory_space<vmem>>
    %dma_start3A_476 = tpu.memref_squeeze %dma_start3A_475 : memref<1x128x128xf32, #tpu.memory_space<vmem>> -> memref<128x128xf32, #tpu.memory_space<vmem>>
    %dma_start3A_477 = arith.constant 0 : i32
    %dma_start3A_478 = tpu.memref_slice %arg6[%add3A_470, %dma_start3A_477] : memref<16384x128xf32, #tpu.memory_space<hbm>> -> memref<128x128xf32, #tpu.memory_space<hbm>>
    %dma_start3A_479 = tpu.memref_slice %arg14[%dma_start3A_472] : memref<13x!tpu.dma_semaphore, #tpu.memory_space<semaphore_mem>> -> memref<1x!tpu.dma_semaphore, #tpu.memory_space<semaphore_mem>>
    %dma_start3A_480 = tpu.memref_squeeze %dma_start3A_479 : memref<1x!tpu.dma_semaphore, #tpu.memory_space<semaphore_mem>> -> memref<!tpu.dma_semaphore, #tpu.memory_space<semaphore_mem>>
    %dma_start3A_481 = arith.constant 0 : i32
    %dma_start3A_482 = tpu.memref_slice %arg6[%add3A_470, %dma_start3A_481] : memref<16384x128xf32, #tpu.memory_space<hbm>> -> memref<128x128xf32, #tpu.memory_space<hbm>>
    %dma_start3A_483 = arith.constant 0 : i32
    %dma_start3A_484 = arith.constant 0 : i32
    %dma_start3A_485 = tpu.memref_slice %arg10[%dma_start3A_471, %dma_start3A_483, %dma_start3A_484] : memref<6x128x128xf32, #tpu.memory_space<vmem>> -> memref<1x128x128xf32, #tpu.memory_space<vmem>>
    %dma_start3A_486 = tpu.memref_squeeze %dma_start3A_485 : memref<1x128x128xf32, #tpu.memory_space<vmem>> -> memref<128x128xf32, #tpu.memory_space<vmem>>
    tpu.enqueue_dma source(%dma_start3A_486 : memref<128x128xf32, #tpu.memory_space<vmem>>) target(%dma_start3A_482 : memref<128x128xf32, #tpu.memory_space<hbm>>) target_semaphore(%dma_start3A_480 : memref<!tpu.dma_semaphore, #tpu.memory_space<semaphore_mem>>)
    %dma_wait3A_487 = arith.constant 5 : i32
    %dma_wait3A_488 = arith.constant 5 : i32
    %dma_wait3A_489 = arith.constant 5 : i32
    %dma_wait3A_490 = arith.constant 0 : i32
    %dma_wait3A_491 = arith.constant 0 : i32
    %dma_wait3A_492 = tpu.memref_slice %arg10[%dma_wait3A_488, %dma_wait3A_490, %dma_wait3A_491] : memref<6x128x128xf32, #tpu.memory_space<vmem>> -> memref<1x128x128xf32, #tpu.memory_space<vmem>>
    %dma_wait3A_493 = tpu.memref_squeeze %dma_wait3A_492 : memref<1x128x128xf32, #tpu.memory_space<vmem>> -> memref<128x128xf32, #tpu.memory_space<vmem>>
    %dma_wait3A_494 = arith.constant 0 : i32
    %dma_wait3A_495 = tpu.memref_slice %arg9[%dma_wait3A_487, %dma_wait3A_494] : memref<8x128xi32, #tpu.memory_space<vmem>> -> memref<1x128xi32, #tpu.memory_space<vmem>>
    %dma_wait3A_496 = tpu.memref_squeeze %dma_wait3A_495 : memref<1x128xi32, #tpu.memory_space<vmem>> -> memref<128xi32, #tpu.memory_space<vmem>>
    %dma_wait3A_497 = arith.constant 0 : i32
    %dma_wait3A_498 = arith.constant 0 : i32
    %dma_wait3A_499 = tpu.memref_slice %arg2[%dma_wait3A_497, %dma_wait3A_498] : memref<100000x128xf32, #tpu.memory_space<hbm>> -> memref<100000x128xf32, #tpu.memory_space<hbm>>
    %dma_wait3A_500 = tpu.memref_slice %arg14[%dma_wait3A_489] : memref<13x!tpu.dma_semaphore, #tpu.memory_space<semaphore_mem>> -> memref<1x!tpu.dma_semaphore, #tpu.memory_space<semaphore_mem>>
    %dma_wait3A_501 = tpu.memref_squeeze %dma_wait3A_500 : memref<1x!tpu.dma_semaphore, #tpu.memory_space<semaphore_mem>> -> memref<!tpu.dma_semaphore, #tpu.memory_space<semaphore_mem>>
    tpu.wait_indirect_dma semaphore(%dma_wait3A_501 : memref<!tpu.dma_semaphore, #tpu.memory_space<semaphore_mem>>) src(%dma_wait3A_499 : memref<100000x128xf32, #tpu.memory_space<hbm>>) dst(%dma_wait3A_493 : memref<128x128xf32, #tpu.memory_space<vmem>>)
    %scan3A_502 = arith.constant 5 : i32
    %scan3A_503 = arith.constant 0 : i32
    %scan3A_504 = arith.constant 128 : i32
    %scan3A_505 = arith.addi %scan3A_503, %scan3A_504 : i32
    %scan3A_506 = arith.constant 2 : i32
    %scan3A_507:16 = scf.for %scan3A_1587 = %scan3A_503 to %scan3A_505 step %scan3A_506 iter_args(%scan3A_1588 = %scan3A_467#0, %scan3A_1589 = %scan3A_467#1, %scan3A_1590 = %scan3A_467#2, %scan3A_1591 = %scan3A_467#3, %scan3A_1592 = %scan3A_467#4, %scan3A_1593 = %scan3A_467#5, %scan3A_1594 = %scan3A_467#6, %scan3A_1595 = %scan3A_467#7, %scan3A_1596 = %scan3A_467#8, %scan3A_1597 = %scan3A_467#9, %scan3A_1598 = %scan3A_467#10, %scan3A_1599 = %scan3A_467#11, %scan3A_1600 = %scan3A_467#12, %scan3A_1601 = %scan3A_467#13, %scan3A_1602 = %scan3A_467#14, %scan3A_1603 = %scan3A_467#15) -> (vector<16xf32>, vector<16xf32>, vector<16xf32>, vector<16xf32>, vector<16xf32>, vector<16xf32>, vector<16xf32>, vector<16xf32>, vector<16xf32>, vector<16xf32>, vector<16xf32>, vector<16xf32>, vector<16xf32>, vector<16xf32>, vector<16xf32>, vector<16xf32>)  : i32 {
      %get3A_1604 = arith.constant 0 : i32
      %get3A_1605 = arith.constant 0 : i32
      %get3A_1606 = tpu.memref_slice %arg10[%scan3A_502, %get3A_1604, %get3A_1605] : memref<6x128x128xf32, #tpu.memory_space<vmem>> -> memref<1x128x128xf32, #tpu.memory_space<vmem>>
      %get3A_1607 = tpu.memref_squeeze %get3A_1606 : memref<1x128x128xf32, #tpu.memory_space<vmem>> -> memref<128x128xf32, #tpu.memory_space<vmem>>
      %get3A_1608 = arith.index_cast %scan3A_1587 : i32 to index
      %get3A_1609 = arith.constant 0 : index
      %get3A_1610 = tpu.vector_load %get3A_1607[%get3A_1608, %get3A_1609] {strides = array<i32>} : memref<128x128xf32, #tpu.memory_space<vmem>>, vector<1x16xf32>,
      %get3A_1611 = vector.shape_cast %get3A_1610 : vector<1x16xf32> to vector<16xf32>
      %add3A_1612 = arith.addf %scan3A_1588, %get3A_1611 : vector<16xf32>
      %mul3A_1613 = arith.mulf %get3A_1611, %get3A_1611 : vector<16xf32>
      %add3A_1614 = arith.addf %scan3A_1596, %mul3A_1613 : vector<16xf32>
      %get3A_1615 = arith.constant 0 : i32
      %get3A_1616 = arith.constant 0 : i32
      %get3A_1617 = tpu.memref_slice %arg10[%scan3A_502, %get3A_1615, %get3A_1616] : memref<6x128x128xf32, #tpu.memory_space<vmem>> -> memref<1x128x128xf32, #tpu.memory_space<vmem>>
      %get3A_1618 = tpu.memref_squeeze %get3A_1617 : memref<1x128x128xf32, #tpu.memory_space<vmem>> -> memref<128x128xf32, #tpu.memory_space<vmem>>
      %get3A_1619 = arith.index_cast %scan3A_1587 : i32 to index
      %get3A_1620 = arith.constant 16 : index
      %get3A_1621 = tpu.vector_load %get3A_1618[%get3A_1619, %get3A_1620] {strides = array<i32>} : memref<128x128xf32, #tpu.memory_space<vmem>>, vector<1x16xf32>,
      %get3A_1622 = vector.shape_cast %get3A_1621 : vector<1x16xf32> to vector<16xf32>
      %add3A_1623 = arith.addf %scan3A_1589, %get3A_1622 : vector<16xf32>
      %mul3A_1624 = arith.mulf %get3A_1622, %get3A_1622 : vector<16xf32>
      %add3A_1625 = arith.addf %scan3A_1597, %mul3A_1624 : vector<16xf32>
      %get3A_1626 = arith.constant 0 : i32
      %get3A_1627 = arith.constant 0 : i32
      %get3A_1628 = tpu.memref_slice %arg10[%scan3A_502, %get3A_1626, %get3A_1627] : memref<6x128x128xf32, #tpu.memory_space<vmem>> -> memref<1x128x128xf32, #tpu.memory_space<vmem>>
      %get3A_1629 = tpu.memref_squeeze %get3A_1628 : memref<1x128x128xf32, #tpu.memory_space<vmem>> -> memref<128x128xf32, #tpu.memory_space<vmem>>
      %get3A_1630 = arith.index_cast %scan3A_1587 : i32 to index
      %get3A_1631 = arith.constant 32 : index
      %get3A_1632 = tpu.vector_load %get3A_1629[%get3A_1630, %get3A_1631] {strides = array<i32>} : memref<128x128xf32, #tpu.memory_space<vmem>>, vector<1x16xf32>,
      %get3A_1633 = vector.shape_cast %get3A_1632 : vector<1x16xf32> to vector<16xf32>
      %add3A_1634 = arith.addf %scan3A_1590, %get3A_1633 : vector<16xf32>
      %mul3A_1635 = arith.mulf %get3A_1633, %get3A_1633 : vector<16xf32>
      %add3A_1636 = arith.addf %scan3A_1598, %mul3A_1635 : vector<16xf32>
      %get3A_1637 = arith.constant 0 : i32
      %get3A_1638 = arith.constant 0 : i32
      %get3A_1639 = tpu.memref_slice %arg10[%scan3A_502, %get3A_1637, %get3A_1638] : memref<6x128x128xf32, #tpu.memory_space<vmem>> -> memref<1x128x128xf32, #tpu.memory_space<vmem>>
      %get3A_1640 = tpu.memref_squeeze %get3A_1639 : memref<1x128x128xf32, #tpu.memory_space<vmem>> -> memref<128x128xf32, #tpu.memory_space<vmem>>
      %get3A_1641 = arith.index_cast %scan3A_1587 : i32 to index
      %get3A_1642 = arith.constant 48 : index
      %get3A_1643 = tpu.vector_load %get3A_1640[%get3A_1641, %get3A_1642] {strides = array<i32>} : memref<128x128xf32, #tpu.memory_space<vmem>>, vector<1x16xf32>,
      %get3A_1644 = vector.shape_cast %get3A_1643 : vector<1x16xf32> to vector<16xf32>
      %add3A_1645 = arith.addf %scan3A_1591, %get3A_1644 : vector<16xf32>
      %mul3A_1646 = arith.mulf %get3A_1644, %get3A_1644 : vector<16xf32>
      %add3A_1647 = arith.addf %scan3A_1599, %mul3A_1646 : vector<16xf32>
      %get3A_1648 = arith.constant 0 : i32
      %get3A_1649 = arith.constant 0 : i32
      %get3A_1650 = tpu.memref_slice %arg10[%scan3A_502, %get3A_1648, %get3A_1649] : memref<6x128x128xf32, #tpu.memory_space<vmem>> -> memref<1x128x128xf32, #tpu.memory_space<vmem>>
      %get3A_1651 = tpu.memref_squeeze %get3A_1650 : memref<1x128x128xf32, #tpu.memory_space<vmem>> -> memref<128x128xf32, #tpu.memory_space<vmem>>
      %get3A_1652 = arith.index_cast %scan3A_1587 : i32 to index
      %get3A_1653 = arith.constant 64 : index
      %get3A_1654 = tpu.vector_load %get3A_1651[%get3A_1652, %get3A_1653] {strides = array<i32>} : memref<128x128xf32, #tpu.memory_space<vmem>>, vector<1x16xf32>,
      %get3A_1655 = vector.shape_cast %get3A_1654 : vector<1x16xf32> to vector<16xf32>
      %add3A_1656 = arith.addf %scan3A_1592, %get3A_1655 : vector<16xf32>
      %mul3A_1657 = arith.mulf %get3A_1655, %get3A_1655 : vector<16xf32>
      %add3A_1658 = arith.addf %scan3A_1600, %mul3A_1657 : vector<16xf32>
      %get3A_1659 = arith.constant 0 : i32
      %get3A_1660 = arith.constant 0 : i32
      %get3A_1661 = tpu.memref_slice %arg10[%scan3A_502, %get3A_1659, %get3A_1660] : memref<6x128x128xf32, #tpu.memory_space<vmem>> -> memref<1x128x128xf32, #tpu.memory_space<vmem>>
      %get3A_1662 = tpu.memref_squeeze %get3A_1661 : memref<1x128x128xf32, #tpu.memory_space<vmem>> -> memref<128x128xf32, #tpu.memory_space<vmem>>
      %get3A_1663 = arith.index_cast %scan3A_1587 : i32 to index
      %get3A_1664 = arith.constant 80 : index
      %get3A_1665 = tpu.vector_load %get3A_1662[%get3A_1663, %get3A_1664] {strides = array<i32>} : memref<128x128xf32, #tpu.memory_space<vmem>>, vector<1x16xf32>,
      %get3A_1666 = vector.shape_cast %get3A_1665 : vector<1x16xf32> to vector<16xf32>
      %add3A_1667 = arith.addf %scan3A_1593, %get3A_1666 : vector<16xf32>
      %mul3A_1668 = arith.mulf %get3A_1666, %get3A_1666 : vector<16xf32>
      %add3A_1669 = arith.addf %scan3A_1601, %mul3A_1668 : vector<16xf32>
      %get3A_1670 = arith.constant 0 : i32
      %get3A_1671 = arith.constant 0 : i32
      %get3A_1672 = tpu.memref_slice %arg10[%scan3A_502, %get3A_1670, %get3A_1671] : memref<6x128x128xf32, #tpu.memory_space<vmem>> -> memref<1x128x128xf32, #tpu.memory_space<vmem>>
      %get3A_1673 = tpu.memref_squeeze %get3A_1672 : memref<1x128x128xf32, #tpu.memory_space<vmem>> -> memref<128x128xf32, #tpu.memory_space<vmem>>
      %get3A_1674 = arith.index_cast %scan3A_1587 : i32 to index
      %get3A_1675 = arith.constant 96 : index
      %get3A_1676 = tpu.vector_load %get3A_1673[%get3A_1674, %get3A_1675] {strides = array<i32>} : memref<128x128xf32, #tpu.memory_space<vmem>>, vector<1x16xf32>,
      %get3A_1677 = vector.shape_cast %get3A_1676 : vector<1x16xf32> to vector<16xf32>
      %add3A_1678 = arith.addf %scan3A_1594, %get3A_1677 : vector<16xf32>
      %mul3A_1679 = arith.mulf %get3A_1677, %get3A_1677 : vector<16xf32>
      %add3A_1680 = arith.addf %scan3A_1602, %mul3A_1679 : vector<16xf32>
      %get3A_1681 = arith.constant 0 : i32
      %get3A_1682 = arith.constant 0 : i32
      %get3A_1683 = tpu.memref_slice %arg10[%scan3A_502, %get3A_1681, %get3A_1682] : memref<6x128x128xf32, #tpu.memory_space<vmem>> -> memref<1x128x128xf32, #tpu.memory_space<vmem>>
      %get3A_1684 = tpu.memref_squeeze %get3A_1683 : memref<1x128x128xf32, #tpu.memory_space<vmem>> -> memref<128x128xf32, #tpu.memory_space<vmem>>
      %get3A_1685 = arith.index_cast %scan3A_1587 : i32 to index
      %get3A_1686 = arith.constant 112 : index
      %get3A_1687 = tpu.vector_load %get3A_1684[%get3A_1685, %get3A_1686] {strides = array<i32>} : memref<128x128xf32, #tpu.memory_space<vmem>>, vector<1x16xf32>,
      %get3A_1688 = vector.shape_cast %get3A_1687 : vector<1x16xf32> to vector<16xf32>
      %add3A_1689 = arith.addf %scan3A_1595, %get3A_1688 : vector<16xf32>
      %mul3A_1690 = arith.mulf %get3A_1688, %get3A_1688 : vector<16xf32>
      %add3A_1691 = arith.addf %scan3A_1603, %mul3A_1690 : vector<16xf32>
      %scan3A_1692 = arith.constant 1 : i32
      %scan3A_1693 = arith.addi %scan3A_1587, %scan3A_1692 : i32
      %get3A_1694 = arith.constant 0 : i32
      %get3A_1695 = arith.constant 0 : i32
      %get3A_1696 = tpu.memref_slice %arg10[%scan3A_502, %get3A_1694, %get3A_1695] : memref<6x128x128xf32, #tpu.memory_space<vmem>> -> memref<1x128x128xf32, #tpu.memory_space<vmem>>
      %get3A_1697 = tpu.memref_squeeze %get3A_1696 : memref<1x128x128xf32, #tpu.memory_space<vmem>> -> memref<128x128xf32, #tpu.memory_space<vmem>>
      %get3A_1698 = arith.index_cast %scan3A_1693 : i32 to index
      %get3A_1699 = arith.constant 0 : index
      %get3A_1700 = tpu.vector_load %get3A_1697[%get3A_1698, %get3A_1699] {strides = array<i32>} : memref<128x128xf32, #tpu.memory_space<vmem>>, vector<1x16xf32>,
      %get3A_1701 = vector.shape_cast %get3A_1700 : vector<1x16xf32> to vector<16xf32>
      %add3A_1702 = arith.addf %add3A_1612, %get3A_1701 : vector<16xf32>
      %mul3A_1703 = arith.mulf %get3A_1701, %get3A_1701 : vector<16xf32>
      %add3A_1704 = arith.addf %add3A_1614, %mul3A_1703 : vector<16xf32>
      %get3A_1705 = arith.constant 0 : i32
      %get3A_1706 = arith.constant 0 : i32
      %get3A_1707 = tpu.memref_slice %arg10[%scan3A_502, %get3A_1705, %get3A_1706] : memref<6x128x128xf32, #tpu.memory_space<vmem>> -> memref<1x128x128xf32, #tpu.memory_space<vmem>>
      %get3A_1708 = tpu.memref_squeeze %get3A_1707 : memref<1x128x128xf32, #tpu.memory_space<vmem>> -> memref<128x128xf32, #tpu.memory_space<vmem>>
      %get3A_1709 = arith.index_cast %scan3A_1693 : i32 to index
      %get3A_1710 = arith.constant 16 : index
      %get3A_1711 = tpu.vector_load %get3A_1708[%get3A_1709, %get3A_1710] {strides = array<i32>} : memref<128x128xf32, #tpu.memory_space<vmem>>, vector<1x16xf32>,
      %get3A_1712 = vector.shape_cast %get3A_1711 : vector<1x16xf32> to vector<16xf32>
      %add3A_1713 = arith.addf %add3A_1623, %get3A_1712 : vector<16xf32>
      %mul3A_1714 = arith.mulf %get3A_1712, %get3A_1712 : vector<16xf32>
      %add3A_1715 = arith.addf %add3A_1625, %mul3A_1714 : vector<16xf32>
      %get3A_1716 = arith.constant 0 : i32
      %get3A_1717 = arith.constant 0 : i32
      %get3A_1718 = tpu.memref_slice %arg10[%scan3A_502, %get3A_1716, %get3A_1717] : memref<6x128x128xf32, #tpu.memory_space<vmem>> -> memref<1x128x128xf32, #tpu.memory_space<vmem>>
      %get3A_1719 = tpu.memref_squeeze %get3A_1718 : memref<1x128x128xf32, #tpu.memory_space<vmem>> -> memref<128x128xf32, #tpu.memory_space<vmem>>
      %get3A_1720 = arith.index_cast %scan3A_1693 : i32 to index
      %get3A_1721 = arith.constant 32 : index
      %get3A_1722 = tpu.vector_load %get3A_1719[%get3A_1720, %get3A_1721] {strides = array<i32>} : memref<128x128xf32, #tpu.memory_space<vmem>>, vector<1x16xf32>,
      %get3A_1723 = vector.shape_cast %get3A_1722 : vector<1x16xf32> to vector<16xf32>
      %add3A_1724 = arith.addf %add3A_1634, %get3A_1723 : vector<16xf32>
      %mul3A_1725 = arith.mulf %get3A_1723, %get3A_1723 : vector<16xf32>
      %add3A_1726 = arith.addf %add3A_1636, %mul3A_1725 : vector<16xf32>
      %get3A_1727 = arith.constant 0 : i32
      %get3A_1728 = arith.constant 0 : i32
      %get3A_1729 = tpu.memref_slice %arg10[%scan3A_502, %get3A_1727, %get3A_1728] : memref<6x128x128xf32, #tpu.memory_space<vmem>> -> memref<1x128x128xf32, #tpu.memory_space<vmem>>
      %get3A_1730 = tpu.memref_squeeze %get3A_1729 : memref<1x128x128xf32, #tpu.memory_space<vmem>> -> memref<128x128xf32, #tpu.memory_space<vmem>>
      %get3A_1731 = arith.index_cast %scan3A_1693 : i32 to index
      %get3A_1732 = arith.constant 48 : index
      %get3A_1733 = tpu.vector_load %get3A_1730[%get3A_1731, %get3A_1732] {strides = array<i32>} : memref<128x128xf32, #tpu.memory_space<vmem>>, vector<1x16xf32>,
      %get3A_1734 = vector.shape_cast %get3A_1733 : vector<1x16xf32> to vector<16xf32>
      %add3A_1735 = arith.addf %add3A_1645, %get3A_1734 : vector<16xf32>
      %mul3A_1736 = arith.mulf %get3A_1734, %get3A_1734 : vector<16xf32>
      %add3A_1737 = arith.addf %add3A_1647, %mul3A_1736 : vector<16xf32>
      %get3A_1738 = arith.constant 0 : i32
      %get3A_1739 = arith.constant 0 : i32
      %get3A_1740 = tpu.memref_slice %arg10[%scan3A_502, %get3A_1738, %get3A_1739] : memref<6x128x128xf32, #tpu.memory_space<vmem>> -> memref<1x128x128xf32, #tpu.memory_space<vmem>>
      %get3A_1741 = tpu.memref_squeeze %get3A_1740 : memref<1x128x128xf32, #tpu.memory_space<vmem>> -> memref<128x128xf32, #tpu.memory_space<vmem>>
      %get3A_1742 = arith.index_cast %scan3A_1693 : i32 to index
      %get3A_1743 = arith.constant 64 : index
      %get3A_1744 = tpu.vector_load %get3A_1741[%get3A_1742, %get3A_1743] {strides = array<i32>} : memref<128x128xf32, #tpu.memory_space<vmem>>, vector<1x16xf32>,
      %get3A_1745 = vector.shape_cast %get3A_1744 : vector<1x16xf32> to vector<16xf32>
      %add3A_1746 = arith.addf %add3A_1656, %get3A_1745 : vector<16xf32>
      %mul3A_1747 = arith.mulf %get3A_1745, %get3A_1745 : vector<16xf32>
      %add3A_1748 = arith.addf %add3A_1658, %mul3A_1747 : vector<16xf32>
      %get3A_1749 = arith.constant 0 : i32
      %get3A_1750 = arith.constant 0 : i32
      %get3A_1751 = tpu.memref_slice %arg10[%scan3A_502, %get3A_1749, %get3A_1750] : memref<6x128x128xf32, #tpu.memory_space<vmem>> -> memref<1x128x128xf32, #tpu.memory_space<vmem>>
      %get3A_1752 = tpu.memref_squeeze %get3A_1751 : memref<1x128x128xf32, #tpu.memory_space<vmem>> -> memref<128x128xf32, #tpu.memory_space<vmem>>
      %get3A_1753 = arith.index_cast %scan3A_1693 : i32 to index
      %get3A_1754 = arith.constant 80 : index
      %get3A_1755 = tpu.vector_load %get3A_1752[%get3A_1753, %get3A_1754] {strides = array<i32>} : memref<128x128xf32, #tpu.memory_space<vmem>>, vector<1x16xf32>,
      %get3A_1756 = vector.shape_cast %get3A_1755 : vector<1x16xf32> to vector<16xf32>
      %add3A_1757 = arith.addf %add3A_1667, %get3A_1756 : vector<16xf32>
      %mul3A_1758 = arith.mulf %get3A_1756, %get3A_1756 : vector<16xf32>
      %add3A_1759 = arith.addf %add3A_1669, %mul3A_1758 : vector<16xf32>
      %get3A_1760 = arith.constant 0 : i32
      %get3A_1761 = arith.constant 0 : i32
      %get3A_1762 = tpu.memref_slice %arg10[%scan3A_502, %get3A_1760, %get3A_1761] : memref<6x128x128xf32, #tpu.memory_space<vmem>> -> memref<1x128x128xf32, #tpu.memory_space<vmem>>
      %get3A_1763 = tpu.memref_squeeze %get3A_1762 : memref<1x128x128xf32, #tpu.memory_space<vmem>> -> memref<128x128xf32, #tpu.memory_space<vmem>>
      %get3A_1764 = arith.index_cast %scan3A_1693 : i32 to index
      %get3A_1765 = arith.constant 96 : index
      %get3A_1766 = tpu.vector_load %get3A_1763[%get3A_1764, %get3A_1765] {strides = array<i32>} : memref<128x128xf32, #tpu.memory_space<vmem>>, vector<1x16xf32>,
      %get3A_1767 = vector.shape_cast %get3A_1766 : vector<1x16xf32> to vector<16xf32>
      %add3A_1768 = arith.addf %add3A_1678, %get3A_1767 : vector<16xf32>
      %mul3A_1769 = arith.mulf %get3A_1767, %get3A_1767 : vector<16xf32>
      %add3A_1770 = arith.addf %add3A_1680, %mul3A_1769 : vector<16xf32>
      %get3A_1771 = arith.constant 0 : i32
      %get3A_1772 = arith.constant 0 : i32
      %get3A_1773 = tpu.memref_slice %arg10[%scan3A_502, %get3A_1771, %get3A_1772] : memref<6x128x128xf32, #tpu.memory_space<vmem>> -> memref<1x128x128xf32, #tpu.memory_space<vmem>>
      %get3A_1774 = tpu.memref_squeeze %get3A_1773 : memref<1x128x128xf32, #tpu.memory_space<vmem>> -> memref<128x128xf32, #tpu.memory_space<vmem>>
      %get3A_1775 = arith.index_cast %scan3A_1693 : i32 to index
      %get3A_1776 = arith.constant 112 : index
      %get3A_1777 = tpu.vector_load %get3A_1774[%get3A_1775, %get3A_1776] {strides = array<i32>} : memref<128x128xf32, #tpu.memory_space<vmem>>, vector<1x16xf32>,
      %get3A_1778 = vector.shape_cast %get3A_1777 : vector<1x16xf32> to vector<16xf32>
      %add3A_1779 = arith.addf %add3A_1689, %get3A_1778 : vector<16xf32>
      %mul3A_1780 = arith.mulf %get3A_1778, %get3A_1778 : vector<16xf32>
      %add3A_1781 = arith.addf %add3A_1691, %mul3A_1780 : vector<16xf32>
      scf.yield %add3A_1702, %add3A_1713, %add3A_1724, %add3A_1735, %add3A_1746, %add3A_1757, %add3A_1768, %add3A_1779, %add3A_1704, %add3A_1715, %add3A_1726, %add3A_1737, %add3A_1748, %add3A_1759, %add3A_1770, %add3A_1781 : vector<16xf32>, vector<16xf32>, vector<16xf32>, vector<16xf32>, vector<16xf32>, vector<16xf32>, vector<16xf32>, vector<16xf32>, vector<16xf32>, vector<16xf32>, vector<16xf32>, vector<16xf32>, vector<16xf32>, vector<16xf32>, vector<16xf32>, vector<16xf32>
    }
    %scan3A_508 = arith.constant 128 : i32
    %add3A_509 = arith.constant 128 : i32
    %add3A_510 = arith.addi %mul3A_2, %add3A_509 : i32
    %dma_start3A_511 = arith.constant 5 : i32
    %dma_start3A_512 = arith.constant 11 : i32
    %dma_start3A_513 = arith.constant 0 : i32
    %dma_start3A_514 = arith.constant 0 : i32
    %dma_start3A_515 = tpu.memref_slice %arg10[%dma_start3A_511, %dma_start3A_513, %dma_start3A_514] : memref<6x128x128xf32, #tpu.memory_space<vmem>> -> memref<1x128x128xf32, #tpu.memory_space<vmem>>
    %dma_start3A_516 = tpu.memref_squeeze %dma_start3A_515 : memref<1x128x128xf32, #tpu.memory_space<vmem>> -> memref<128x128xf32, #tpu.memory_space<vmem>>
    %dma_start3A_517 = arith.constant 0 : i32
    %dma_start3A_518 = tpu.memref_slice %arg6[%add3A_510, %dma_start3A_517] : memref<16384x128xf32, #tpu.memory_space<hbm>> -> memref<128x128xf32, #tpu.memory_space<hbm>>
    %dma_start3A_519 = tpu.memref_slice %arg14[%dma_start3A_512] : memref<13x!tpu.dma_semaphore, #tpu.memory_space<semaphore_mem>> -> memref<1x!tpu.dma_semaphore, #tpu.memory_space<semaphore_mem>>
    %dma_start3A_520 = tpu.memref_squeeze %dma_start3A_519 : memref<1x!tpu.dma_semaphore, #tpu.memory_space<semaphore_mem>> -> memref<!tpu.dma_semaphore, #tpu.memory_space<semaphore_mem>>
    %dma_start3A_521 = arith.constant 0 : i32
    %dma_start3A_522 = tpu.memref_slice %arg6[%add3A_510, %dma_start3A_521] : memref<16384x128xf32, #tpu.memory_space<hbm>> -> memref<128x128xf32, #tpu.memory_space<hbm>>
    %dma_start3A_523 = arith.constant 0 : i32
    %dma_start3A_524 = arith.constant 0 : i32
    %dma_start3A_525 = tpu.memref_slice %arg10[%dma_start3A_511, %dma_start3A_523, %dma_start3A_524] : memref<6x128x128xf32, #tpu.memory_space<vmem>> -> memref<1x128x128xf32, #tpu.memory_space<vmem>>
    %dma_start3A_526 = tpu.memref_squeeze %dma_start3A_525 : memref<1x128x128xf32, #tpu.memory_space<vmem>> -> memref<128x128xf32, #tpu.memory_space<vmem>>
    tpu.enqueue_dma source(%dma_start3A_526 : memref<128x128xf32, #tpu.memory_space<vmem>>) target(%dma_start3A_522 : memref<128x128xf32, #tpu.memory_space<hbm>>) target_semaphore(%dma_start3A_520 : memref<!tpu.dma_semaphore, #tpu.memory_space<semaphore_mem>>)
    %dma_wait3A_527 = arith.constant 6 : i32
    %dma_wait3A_528 = arith.constant 0 : i32
    %dma_wait3A_529 = arith.constant 0 : i32
    %dma_wait3A_530 = arith.constant 0 : i32
    %dma_wait3A_531 = arith.constant 0 : i32
    %dma_wait3A_532 = tpu.memref_slice %arg10[%dma_wait3A_528, %dma_wait3A_530, %dma_wait3A_531] : memref<6x128x128xf32, #tpu.memory_space<vmem>> -> memref<1x128x128xf32, #tpu.memory_space<vmem>>
    %dma_wait3A_533 = tpu.memref_squeeze %dma_wait3A_532 : memref<1x128x128xf32, #tpu.memory_space<vmem>> -> memref<128x128xf32, #tpu.memory_space<vmem>>
    %dma_wait3A_534 = arith.constant 0 : i32
    %dma_wait3A_535 = tpu.memref_slice %arg9[%dma_wait3A_527, %dma_wait3A_534] : memref<8x128xi32, #tpu.memory_space<vmem>> -> memref<1x128xi32, #tpu.memory_space<vmem>>
    %dma_wait3A_536 = tpu.memref_squeeze %dma_wait3A_535 : memref<1x128xi32, #tpu.memory_space<vmem>> -> memref<128xi32, #tpu.memory_space<vmem>>
    %dma_wait3A_537 = arith.constant 0 : i32
    %dma_wait3A_538 = arith.constant 0 : i32
    %dma_wait3A_539 = tpu.memref_slice %arg2[%dma_wait3A_537, %dma_wait3A_538] : memref<100000x128xf32, #tpu.memory_space<hbm>> -> memref<100000x128xf32, #tpu.memory_space<hbm>>
    %dma_wait3A_540 = tpu.memref_slice %arg14[%dma_wait3A_529] : memref<13x!tpu.dma_semaphore, #tpu.memory_space<semaphore_mem>> -> memref<1x!tpu.dma_semaphore, #tpu.memory_space<semaphore_mem>>
    %dma_wait3A_541 = tpu.memref_squeeze %dma_wait3A_540 : memref<1x!tpu.dma_semaphore, #tpu.memory_space<semaphore_mem>> -> memref<!tpu.dma_semaphore, #tpu.memory_space<semaphore_mem>>
    tpu.wait_indirect_dma semaphore(%dma_wait3A_541 : memref<!tpu.dma_semaphore, #tpu.memory_space<semaphore_mem>>) src(%dma_wait3A_539 : memref<100000x128xf32, #tpu.memory_space<hbm>>) dst(%dma_wait3A_533 : memref<128x128xf32, #tpu.memory_space<vmem>>)
    %scan3A_542 = arith.constant 0 : i32
    %scan3A_543 = arith.constant 0 : i32
    %scan3A_544 = arith.constant 128 : i32
    %scan3A_545 = arith.addi %scan3A_543, %scan3A_544 : i32
    %scan3A_546 = arith.constant 2 : i32
    %scan3A_547:16 = scf.for %scan3A_1587 = %scan3A_543 to %scan3A_545 step %scan3A_546 iter_args(%scan3A_1588 = %scan3A_507#0, %scan3A_1589 = %scan3A_507#1, %scan3A_1590 = %scan3A_507#2, %scan3A_1591 = %scan3A_507#3, %scan3A_1592 = %scan3A_507#4, %scan3A_1593 = %scan3A_507#5, %scan3A_1594 = %scan3A_507#6, %scan3A_1595 = %scan3A_507#7, %scan3A_1596 = %scan3A_507#8, %scan3A_1597 = %scan3A_507#9, %scan3A_1598 = %scan3A_507#10, %scan3A_1599 = %scan3A_507#11, %scan3A_1600 = %scan3A_507#12, %scan3A_1601 = %scan3A_507#13, %scan3A_1602 = %scan3A_507#14, %scan3A_1603 = %scan3A_507#15) -> (vector<16xf32>, vector<16xf32>, vector<16xf32>, vector<16xf32>, vector<16xf32>, vector<16xf32>, vector<16xf32>, vector<16xf32>, vector<16xf32>, vector<16xf32>, vector<16xf32>, vector<16xf32>, vector<16xf32>, vector<16xf32>, vector<16xf32>, vector<16xf32>)  : i32 {
      %get3A_1604 = arith.constant 0 : i32
      %get3A_1605 = arith.constant 0 : i32
      %get3A_1606 = tpu.memref_slice %arg10[%scan3A_542, %get3A_1604, %get3A_1605] : memref<6x128x128xf32, #tpu.memory_space<vmem>> -> memref<1x128x128xf32, #tpu.memory_space<vmem>>
      %get3A_1607 = tpu.memref_squeeze %get3A_1606 : memref<1x128x128xf32, #tpu.memory_space<vmem>> -> memref<128x128xf32, #tpu.memory_space<vmem>>
      %get3A_1608 = arith.index_cast %scan3A_1587 : i32 to index
      %get3A_1609 = arith.constant 0 : index
      %get3A_1610 = tpu.vector_load %get3A_1607[%get3A_1608, %get3A_1609] {strides = array<i32>} : memref<128x128xf32, #tpu.memory_space<vmem>>, vector<1x16xf32>,
      %get3A_1611 = vector.shape_cast %get3A_1610 : vector<1x16xf32> to vector<16xf32>
      %add3A_1612 = arith.addf %scan3A_1588, %get3A_1611 : vector<16xf32>
      %mul3A_1613 = arith.mulf %get3A_1611, %get3A_1611 : vector<16xf32>
      %add3A_1614 = arith.addf %scan3A_1596, %mul3A_1613 : vector<16xf32>
      %get3A_1615 = arith.constant 0 : i32
      %get3A_1616 = arith.constant 0 : i32
      %get3A_1617 = tpu.memref_slice %arg10[%scan3A_542, %get3A_1615, %get3A_1616] : memref<6x128x128xf32, #tpu.memory_space<vmem>> -> memref<1x128x128xf32, #tpu.memory_space<vmem>>
      %get3A_1618 = tpu.memref_squeeze %get3A_1617 : memref<1x128x128xf32, #tpu.memory_space<vmem>> -> memref<128x128xf32, #tpu.memory_space<vmem>>
      %get3A_1619 = arith.index_cast %scan3A_1587 : i32 to index
      %get3A_1620 = arith.constant 16 : index
      %get3A_1621 = tpu.vector_load %get3A_1618[%get3A_1619, %get3A_1620] {strides = array<i32>} : memref<128x128xf32, #tpu.memory_space<vmem>>, vector<1x16xf32>,
      %get3A_1622 = vector.shape_cast %get3A_1621 : vector<1x16xf32> to vector<16xf32>
      %add3A_1623 = arith.addf %scan3A_1589, %get3A_1622 : vector<16xf32>
      %mul3A_1624 = arith.mulf %get3A_1622, %get3A_1622 : vector<16xf32>
      %add3A_1625 = arith.addf %scan3A_1597, %mul3A_1624 : vector<16xf32>
      %get3A_1626 = arith.constant 0 : i32
      %get3A_1627 = arith.constant 0 : i32
      %get3A_1628 = tpu.memref_slice %arg10[%scan3A_542, %get3A_1626, %get3A_1627] : memref<6x128x128xf32, #tpu.memory_space<vmem>> -> memref<1x128x128xf32, #tpu.memory_space<vmem>>
      %get3A_1629 = tpu.memref_squeeze %get3A_1628 : memref<1x128x128xf32, #tpu.memory_space<vmem>> -> memref<128x128xf32, #tpu.memory_space<vmem>>
      %get3A_1630 = arith.index_cast %scan3A_1587 : i32 to index
      %get3A_1631 = arith.constant 32 : index
      %get3A_1632 = tpu.vector_load %get3A_1629[%get3A_1630, %get3A_1631] {strides = array<i32>} : memref<128x128xf32, #tpu.memory_space<vmem>>, vector<1x16xf32>,
      %get3A_1633 = vector.shape_cast %get3A_1632 : vector<1x16xf32> to vector<16xf32>
      %add3A_1634 = arith.addf %scan3A_1590, %get3A_1633 : vector<16xf32>
      %mul3A_1635 = arith.mulf %get3A_1633, %get3A_1633 : vector<16xf32>
      %add3A_1636 = arith.addf %scan3A_1598, %mul3A_1635 : vector<16xf32>
      %get3A_1637 = arith.constant 0 : i32
      %get3A_1638 = arith.constant 0 : i32
      %get3A_1639 = tpu.memref_slice %arg10[%scan3A_542, %get3A_1637, %get3A_1638] : memref<6x128x128xf32, #tpu.memory_space<vmem>> -> memref<1x128x128xf32, #tpu.memory_space<vmem>>
      %get3A_1640 = tpu.memref_squeeze %get3A_1639 : memref<1x128x128xf32, #tpu.memory_space<vmem>> -> memref<128x128xf32, #tpu.memory_space<vmem>>
      %get3A_1641 = arith.index_cast %scan3A_1587 : i32 to index
      %get3A_1642 = arith.constant 48 : index
      %get3A_1643 = tpu.vector_load %get3A_1640[%get3A_1641, %get3A_1642] {strides = array<i32>} : memref<128x128xf32, #tpu.memory_space<vmem>>, vector<1x16xf32>,
      %get3A_1644 = vector.shape_cast %get3A_1643 : vector<1x16xf32> to vector<16xf32>
      %add3A_1645 = arith.addf %scan3A_1591, %get3A_1644 : vector<16xf32>
      %mul3A_1646 = arith.mulf %get3A_1644, %get3A_1644 : vector<16xf32>
      %add3A_1647 = arith.addf %scan3A_1599, %mul3A_1646 : vector<16xf32>
      %get3A_1648 = arith.constant 0 : i32
      %get3A_1649 = arith.constant 0 : i32
      %get3A_1650 = tpu.memref_slice %arg10[%scan3A_542, %get3A_1648, %get3A_1649] : memref<6x128x128xf32, #tpu.memory_space<vmem>> -> memref<1x128x128xf32, #tpu.memory_space<vmem>>
      %get3A_1651 = tpu.memref_squeeze %get3A_1650 : memref<1x128x128xf32, #tpu.memory_space<vmem>> -> memref<128x128xf32, #tpu.memory_space<vmem>>
      %get3A_1652 = arith.index_cast %scan3A_1587 : i32 to index
      %get3A_1653 = arith.constant 64 : index
      %get3A_1654 = tpu.vector_load %get3A_1651[%get3A_1652, %get3A_1653] {strides = array<i32>} : memref<128x128xf32, #tpu.memory_space<vmem>>, vector<1x16xf32>,
      %get3A_1655 = vector.shape_cast %get3A_1654 : vector<1x16xf32> to vector<16xf32>
      %add3A_1656 = arith.addf %scan3A_1592, %get3A_1655 : vector<16xf32>
      %mul3A_1657 = arith.mulf %get3A_1655, %get3A_1655 : vector<16xf32>
      %add3A_1658 = arith.addf %scan3A_1600, %mul3A_1657 : vector<16xf32>
      %get3A_1659 = arith.constant 0 : i32
      %get3A_1660 = arith.constant 0 : i32
      %get3A_1661 = tpu.memref_slice %arg10[%scan3A_542, %get3A_1659, %get3A_1660] : memref<6x128x128xf32, #tpu.memory_space<vmem>> -> memref<1x128x128xf32, #tpu.memory_space<vmem>>
      %get3A_1662 = tpu.memref_squeeze %get3A_1661 : memref<1x128x128xf32, #tpu.memory_space<vmem>> -> memref<128x128xf32, #tpu.memory_space<vmem>>
      %get3A_1663 = arith.index_cast %scan3A_1587 : i32 to index
      %get3A_1664 = arith.constant 80 : index
      %get3A_1665 = tpu.vector_load %get3A_1662[%get3A_1663, %get3A_1664] {strides = array<i32>} : memref<128x128xf32, #tpu.memory_space<vmem>>, vector<1x16xf32>,
      %get3A_1666 = vector.shape_cast %get3A_1665 : vector<1x16xf32> to vector<16xf32>
      %add3A_1667 = arith.addf %scan3A_1593, %get3A_1666 : vector<16xf32>
      %mul3A_1668 = arith.mulf %get3A_1666, %get3A_1666 : vector<16xf32>
      %add3A_1669 = arith.addf %scan3A_1601, %mul3A_1668 : vector<16xf32>
      %get3A_1670 = arith.constant 0 : i32
      %get3A_1671 = arith.constant 0 : i32
      %get3A_1672 = tpu.memref_slice %arg10[%scan3A_542, %get3A_1670, %get3A_1671] : memref<6x128x128xf32, #tpu.memory_space<vmem>> -> memref<1x128x128xf32, #tpu.memory_space<vmem>>
      %get3A_1673 = tpu.memref_squeeze %get3A_1672 : memref<1x128x128xf32, #tpu.memory_space<vmem>> -> memref<128x128xf32, #tpu.memory_space<vmem>>
      %get3A_1674 = arith.index_cast %scan3A_1587 : i32 to index
      %get3A_1675 = arith.constant 96 : index
      %get3A_1676 = tpu.vector_load %get3A_1673[%get3A_1674, %get3A_1675] {strides = array<i32>} : memref<128x128xf32, #tpu.memory_space<vmem>>, vector<1x16xf32>,
      %get3A_1677 = vector.shape_cast %get3A_1676 : vector<1x16xf32> to vector<16xf32>
      %add3A_1678 = arith.addf %scan3A_1594, %get3A_1677 : vector<16xf32>
      %mul3A_1679 = arith.mulf %get3A_1677, %get3A_1677 : vector<16xf32>
      %add3A_1680 = arith.addf %scan3A_1602, %mul3A_1679 : vector<16xf32>
      %get3A_1681 = arith.constant 0 : i32
      %get3A_1682 = arith.constant 0 : i32
      %get3A_1683 = tpu.memref_slice %arg10[%scan3A_542, %get3A_1681, %get3A_1682] : memref<6x128x128xf32, #tpu.memory_space<vmem>> -> memref<1x128x128xf32, #tpu.memory_space<vmem>>
      %get3A_1684 = tpu.memref_squeeze %get3A_1683 : memref<1x128x128xf32, #tpu.memory_space<vmem>> -> memref<128x128xf32, #tpu.memory_space<vmem>>
      %get3A_1685 = arith.index_cast %scan3A_1587 : i32 to index
      %get3A_1686 = arith.constant 112 : index
      %get3A_1687 = tpu.vector_load %get3A_1684[%get3A_1685, %get3A_1686] {strides = array<i32>} : memref<128x128xf32, #tpu.memory_space<vmem>>, vector<1x16xf32>,
      %get3A_1688 = vector.shape_cast %get3A_1687 : vector<1x16xf32> to vector<16xf32>
      %add3A_1689 = arith.addf %scan3A_1595, %get3A_1688 : vector<16xf32>
      %mul3A_1690 = arith.mulf %get3A_1688, %get3A_1688 : vector<16xf32>
      %add3A_1691 = arith.addf %scan3A_1603, %mul3A_1690 : vector<16xf32>
      %scan3A_1692 = arith.constant 1 : i32
      %scan3A_1693 = arith.addi %scan3A_1587, %scan3A_1692 : i32
      %get3A_1694 = arith.constant 0 : i32
      %get3A_1695 = arith.constant 0 : i32
      %get3A_1696 = tpu.memref_slice %arg10[%scan3A_542, %get3A_1694, %get3A_1695] : memref<6x128x128xf32, #tpu.memory_space<vmem>> -> memref<1x128x128xf32, #tpu.memory_space<vmem>>
      %get3A_1697 = tpu.memref_squeeze %get3A_1696 : memref<1x128x128xf32, #tpu.memory_space<vmem>> -> memref<128x128xf32, #tpu.memory_space<vmem>>
      %get3A_1698 = arith.index_cast %scan3A_1693 : i32 to index
      %get3A_1699 = arith.constant 0 : index
      %get3A_1700 = tpu.vector_load %get3A_1697[%get3A_1698, %get3A_1699] {strides = array<i32>} : memref<128x128xf32, #tpu.memory_space<vmem>>, vector<1x16xf32>,
      %get3A_1701 = vector.shape_cast %get3A_1700 : vector<1x16xf32> to vector<16xf32>
      %add3A_1702 = arith.addf %add3A_1612, %get3A_1701 : vector<16xf32>
      %mul3A_1703 = arith.mulf %get3A_1701, %get3A_1701 : vector<16xf32>
      %add3A_1704 = arith.addf %add3A_1614, %mul3A_1703 : vector<16xf32>
      %get3A_1705 = arith.constant 0 : i32
      %get3A_1706 = arith.constant 0 : i32
      %get3A_1707 = tpu.memref_slice %arg10[%scan3A_542, %get3A_1705, %get3A_1706] : memref<6x128x128xf32, #tpu.memory_space<vmem>> -> memref<1x128x128xf32, #tpu.memory_space<vmem>>
      %get3A_1708 = tpu.memref_squeeze %get3A_1707 : memref<1x128x128xf32, #tpu.memory_space<vmem>> -> memref<128x128xf32, #tpu.memory_space<vmem>>
      %get3A_1709 = arith.index_cast %scan3A_1693 : i32 to index
      %get3A_1710 = arith.constant 16 : index
      %get3A_1711 = tpu.vector_load %get3A_1708[%get3A_1709, %get3A_1710] {strides = array<i32>} : memref<128x128xf32, #tpu.memory_space<vmem>>, vector<1x16xf32>,
      %get3A_1712 = vector.shape_cast %get3A_1711 : vector<1x16xf32> to vector<16xf32>
      %add3A_1713 = arith.addf %add3A_1623, %get3A_1712 : vector<16xf32>
      %mul3A_1714 = arith.mulf %get3A_1712, %get3A_1712 : vector<16xf32>
      %add3A_1715 = arith.addf %add3A_1625, %mul3A_1714 : vector<16xf32>
      %get3A_1716 = arith.constant 0 : i32
      %get3A_1717 = arith.constant 0 : i32
      %get3A_1718 = tpu.memref_slice %arg10[%scan3A_542, %get3A_1716, %get3A_1717] : memref<6x128x128xf32, #tpu.memory_space<vmem>> -> memref<1x128x128xf32, #tpu.memory_space<vmem>>
      %get3A_1719 = tpu.memref_squeeze %get3A_1718 : memref<1x128x128xf32, #tpu.memory_space<vmem>> -> memref<128x128xf32, #tpu.memory_space<vmem>>
      %get3A_1720 = arith.index_cast %scan3A_1693 : i32 to index
      %get3A_1721 = arith.constant 32 : index
      %get3A_1722 = tpu.vector_load %get3A_1719[%get3A_1720, %get3A_1721] {strides = array<i32>} : memref<128x128xf32, #tpu.memory_space<vmem>>, vector<1x16xf32>,
      %get3A_1723 = vector.shape_cast %get3A_1722 : vector<1x16xf32> to vector<16xf32>
      %add3A_1724 = arith.addf %add3A_1634, %get3A_1723 : vector<16xf32>
      %mul3A_1725 = arith.mulf %get3A_1723, %get3A_1723 : vector<16xf32>
      %add3A_1726 = arith.addf %add3A_1636, %mul3A_1725 : vector<16xf32>
      %get3A_1727 = arith.constant 0 : i32
      %get3A_1728 = arith.constant 0 : i32
      %get3A_1729 = tpu.memref_slice %arg10[%scan3A_542, %get3A_1727, %get3A_1728] : memref<6x128x128xf32, #tpu.memory_space<vmem>> -> memref<1x128x128xf32, #tpu.memory_space<vmem>>
      %get3A_1730 = tpu.memref_squeeze %get3A_1729 : memref<1x128x128xf32, #tpu.memory_space<vmem>> -> memref<128x128xf32, #tpu.memory_space<vmem>>
      %get3A_1731 = arith.index_cast %scan3A_1693 : i32 to index
      %get3A_1732 = arith.constant 48 : index
      %get3A_1733 = tpu.vector_load %get3A_1730[%get3A_1731, %get3A_1732] {strides = array<i32>} : memref<128x128xf32, #tpu.memory_space<vmem>>, vector<1x16xf32>,
      %get3A_1734 = vector.shape_cast %get3A_1733 : vector<1x16xf32> to vector<16xf32>
      %add3A_1735 = arith.addf %add3A_1645, %get3A_1734 : vector<16xf32>
      %mul3A_1736 = arith.mulf %get3A_1734, %get3A_1734 : vector<16xf32>
      %add3A_1737 = arith.addf %add3A_1647, %mul3A_1736 : vector<16xf32>
      %get3A_1738 = arith.constant 0 : i32
      %get3A_1739 = arith.constant 0 : i32
      %get3A_1740 = tpu.memref_slice %arg10[%scan3A_542, %get3A_1738, %get3A_1739] : memref<6x128x128xf32, #tpu.memory_space<vmem>> -> memref<1x128x128xf32, #tpu.memory_space<vmem>>
      %get3A_1741 = tpu.memref_squeeze %get3A_1740 : memref<1x128x128xf32, #tpu.memory_space<vmem>> -> memref<128x128xf32, #tpu.memory_space<vmem>>
      %get3A_1742 = arith.index_cast %scan3A_1693 : i32 to index
      %get3A_1743 = arith.constant 64 : index
      %get3A_1744 = tpu.vector_load %get3A_1741[%get3A_1742, %get3A_1743] {strides = array<i32>} : memref<128x128xf32, #tpu.memory_space<vmem>>, vector<1x16xf32>,
      %get3A_1745 = vector.shape_cast %get3A_1744 : vector<1x16xf32> to vector<16xf32>
      %add3A_1746 = arith.addf %add3A_1656, %get3A_1745 : vector<16xf32>
      %mul3A_1747 = arith.mulf %get3A_1745, %get3A_1745 : vector<16xf32>
      %add3A_1748 = arith.addf %add3A_1658, %mul3A_1747 : vector<16xf32>
      %get3A_1749 = arith.constant 0 : i32
      %get3A_1750 = arith.constant 0 : i32
      %get3A_1751 = tpu.memref_slice %arg10[%scan3A_542, %get3A_1749, %get3A_1750] : memref<6x128x128xf32, #tpu.memory_space<vmem>> -> memref<1x128x128xf32, #tpu.memory_space<vmem>>
      %get3A_1752 = tpu.memref_squeeze %get3A_1751 : memref<1x128x128xf32, #tpu.memory_space<vmem>> -> memref<128x128xf32, #tpu.memory_space<vmem>>
      %get3A_1753 = arith.index_cast %scan3A_1693 : i32 to index
      %get3A_1754 = arith.constant 80 : index
      %get3A_1755 = tpu.vector_load %get3A_1752[%get3A_1753, %get3A_1754] {strides = array<i32>} : memref<128x128xf32, #tpu.memory_space<vmem>>, vector<1x16xf32>,
      %get3A_1756 = vector.shape_cast %get3A_1755 : vector<1x16xf32> to vector<16xf32>
      %add3A_1757 = arith.addf %add3A_1667, %get3A_1756 : vector<16xf32>
      %mul3A_1758 = arith.mulf %get3A_1756, %get3A_1756 : vector<16xf32>
      %add3A_1759 = arith.addf %add3A_1669, %mul3A_1758 : vector<16xf32>
      %get3A_1760 = arith.constant 0 : i32
      %get3A_1761 = arith.constant 0 : i32
      %get3A_1762 = tpu.memref_slice %arg10[%scan3A_542, %get3A_1760, %get3A_1761] : memref<6x128x128xf32, #tpu.memory_space<vmem>> -> memref<1x128x128xf32, #tpu.memory_space<vmem>>
      %get3A_1763 = tpu.memref_squeeze %get3A_1762 : memref<1x128x128xf32, #tpu.memory_space<vmem>> -> memref<128x128xf32, #tpu.memory_space<vmem>>
      %get3A_1764 = arith.index_cast %scan3A_1693 : i32 to index
      %get3A_1765 = arith.constant 96 : index
      %get3A_1766 = tpu.vector_load %get3A_1763[%get3A_1764, %get3A_1765] {strides = array<i32>} : memref<128x128xf32, #tpu.memory_space<vmem>>, vector<1x16xf32>,
      %get3A_1767 = vector.shape_cast %get3A_1766 : vector<1x16xf32> to vector<16xf32>
      %add3A_1768 = arith.addf %add3A_1678, %get3A_1767 : vector<16xf32>
      %mul3A_1769 = arith.mulf %get3A_1767, %get3A_1767 : vector<16xf32>
      %add3A_1770 = arith.addf %add3A_1680, %mul3A_1769 : vector<16xf32>
      %get3A_1771 = arith.constant 0 : i32
      %get3A_1772 = arith.constant 0 : i32
      %get3A_1773 = tpu.memref_slice %arg10[%scan3A_542, %get3A_1771, %get3A_1772] : memref<6x128x128xf32, #tpu.memory_space<vmem>> -> memref<1x128x128xf32, #tpu.memory_space<vmem>>
      %get3A_1774 = tpu.memref_squeeze %get3A_1773 : memref<1x128x128xf32, #tpu.memory_space<vmem>> -> memref<128x128xf32, #tpu.memory_space<vmem>>
      %get3A_1775 = arith.index_cast %scan3A_1693 : i32 to index
      %get3A_1776 = arith.constant 112 : index
      %get3A_1777 = tpu.vector_load %get3A_1774[%get3A_1775, %get3A_1776] {strides = array<i32>} : memref<128x128xf32, #tpu.memory_space<vmem>>, vector<1x16xf32>,
      %get3A_1778 = vector.shape_cast %get3A_1777 : vector<1x16xf32> to vector<16xf32>
      %add3A_1779 = arith.addf %add3A_1689, %get3A_1778 : vector<16xf32>
      %mul3A_1780 = arith.mulf %get3A_1778, %get3A_1778 : vector<16xf32>
      %add3A_1781 = arith.addf %add3A_1691, %mul3A_1780 : vector<16xf32>
      scf.yield %add3A_1702, %add3A_1713, %add3A_1724, %add3A_1735, %add3A_1746, %add3A_1757, %add3A_1768, %add3A_1779, %add3A_1704, %add3A_1715, %add3A_1726, %add3A_1737, %add3A_1748, %add3A_1759, %add3A_1770, %add3A_1781 : vector<16xf32>, vector<16xf32>, vector<16xf32>, vector<16xf32>, vector<16xf32>, vector<16xf32>, vector<16xf32>, vector<16xf32>, vector<16xf32>, vector<16xf32>, vector<16xf32>, vector<16xf32>, vector<16xf32>, vector<16xf32>, vector<16xf32>, vector<16xf32>
    }
    %scan3A_548 = arith.constant 128 : i32
    %add3A_549 = arith.constant 256 : i32
    %add3A_550 = arith.addi %mul3A_2, %add3A_549 : i32
    %dma_start3A_551 = arith.constant 0 : i32
    %dma_start3A_552 = arith.constant 6 : i32
    %dma_start3A_553 = arith.constant 0 : i32
    %dma_start3A_554 = arith.constant 0 : i32
    %dma_start3A_555 = tpu.memref_slice %arg10[%dma_start3A_551, %dma_start3A_553, %dma_start3A_554] : memref<6x128x128xf32, #tpu.memory_space<vmem>> -> memref<1x128x128xf32, #tpu.memory_space<vmem>>
    %dma_start3A_556 = tpu.memref_squeeze %dma_start3A_555 : memref<1x128x128xf32, #tpu.memory_space<vmem>> -> memref<128x128xf32, #tpu.memory_space<vmem>>
    %dma_start3A_557 = arith.constant 0 : i32
    %dma_start3A_558 = tpu.memref_slice %arg6[%add3A_550, %dma_start3A_557] : memref<16384x128xf32, #tpu.memory_space<hbm>> -> memref<128x128xf32, #tpu.memory_space<hbm>>
    %dma_start3A_559 = tpu.memref_slice %arg14[%dma_start3A_552] : memref<13x!tpu.dma_semaphore, #tpu.memory_space<semaphore_mem>> -> memref<1x!tpu.dma_semaphore, #tpu.memory_space<semaphore_mem>>
    %dma_start3A_560 = tpu.memref_squeeze %dma_start3A_559 : memref<1x!tpu.dma_semaphore, #tpu.memory_space<semaphore_mem>> -> memref<!tpu.dma_semaphore, #tpu.memory_space<semaphore_mem>>
    %dma_start3A_561 = arith.constant 0 : i32
    %dma_start3A_562 = tpu.memref_slice %arg6[%add3A_550, %dma_start3A_561] : memref<16384x128xf32, #tpu.memory_space<hbm>> -> memref<128x128xf32, #tpu.memory_space<hbm>>
    %dma_start3A_563 = arith.constant 0 : i32
    %dma_start3A_564 = arith.constant 0 : i32
    %dma_start3A_565 = tpu.memref_slice %arg10[%dma_start3A_551, %dma_start3A_563, %dma_start3A_564] : memref<6x128x128xf32, #tpu.memory_space<vmem>> -> memref<1x128x128xf32, #tpu.memory_space<vmem>>
    %dma_start3A_566 = tpu.memref_squeeze %dma_start3A_565 : memref<1x128x128xf32, #tpu.memory_space<vmem>> -> memref<128x128xf32, #tpu.memory_space<vmem>>
    tpu.enqueue_dma source(%dma_start3A_566 : memref<128x128xf32, #tpu.memory_space<vmem>>) target(%dma_start3A_562 : memref<128x128xf32, #tpu.memory_space<hbm>>) target_semaphore(%dma_start3A_560 : memref<!tpu.dma_semaphore, #tpu.memory_space<semaphore_mem>>)
    %dma_wait3A_567 = arith.constant 7 : i32
    %dma_wait3A_568 = arith.constant 1 : i32
    %dma_wait3A_569 = arith.constant 1 : i32
    %dma_wait3A_570 = arith.constant 0 : i32
    %dma_wait3A_571 = arith.constant 0 : i32
    %dma_wait3A_572 = tpu.memref_slice %arg10[%dma_wait3A_568, %dma_wait3A_570, %dma_wait3A_571] : memref<6x128x128xf32, #tpu.memory_space<vmem>> -> memref<1x128x128xf32, #tpu.memory_space<vmem>>
    %dma_wait3A_573 = tpu.memref_squeeze %dma_wait3A_572 : memref<1x128x128xf32, #tpu.memory_space<vmem>> -> memref<128x128xf32, #tpu.memory_space<vmem>>
    %dma_wait3A_574 = arith.constant 0 : i32
    %dma_wait3A_575 = tpu.memref_slice %arg9[%dma_wait3A_567, %dma_wait3A_574] : memref<8x128xi32, #tpu.memory_space<vmem>> -> memref<1x128xi32, #tpu.memory_space<vmem>>
    %dma_wait3A_576 = tpu.memref_squeeze %dma_wait3A_575 : memref<1x128xi32, #tpu.memory_space<vmem>> -> memref<128xi32, #tpu.memory_space<vmem>>
    %dma_wait3A_577 = arith.constant 0 : i32
    %dma_wait3A_578 = arith.constant 0 : i32
    %dma_wait3A_579 = tpu.memref_slice %arg2[%dma_wait3A_577, %dma_wait3A_578] : memref<100000x128xf32, #tpu.memory_space<hbm>> -> memref<100000x128xf32, #tpu.memory_space<hbm>>
    %dma_wait3A_580 = tpu.memref_slice %arg14[%dma_wait3A_569] : memref<13x!tpu.dma_semaphore, #tpu.memory_space<semaphore_mem>> -> memref<1x!tpu.dma_semaphore, #tpu.memory_space<semaphore_mem>>
    %dma_wait3A_581 = tpu.memref_squeeze %dma_wait3A_580 : memref<1x!tpu.dma_semaphore, #tpu.memory_space<semaphore_mem>> -> memref<!tpu.dma_semaphore, #tpu.memory_space<semaphore_mem>>
    tpu.wait_indirect_dma semaphore(%dma_wait3A_581 : memref<!tpu.dma_semaphore, #tpu.memory_space<semaphore_mem>>) src(%dma_wait3A_579 : memref<100000x128xf32, #tpu.memory_space<hbm>>) dst(%dma_wait3A_573 : memref<128x128xf32, #tpu.memory_space<vmem>>)
    %scan3A_582 = arith.constant 1 : i32
    %scan3A_583 = arith.constant 0 : i32
    %scan3A_584 = arith.constant 128 : i32
    %scan3A_585 = arith.addi %scan3A_583, %scan3A_584 : i32
    %scan3A_586 = arith.constant 2 : i32
    %scan3A_587:16 = scf.for %scan3A_1587 = %scan3A_583 to %scan3A_585 step %scan3A_586 iter_args(%scan3A_1588 = %scan3A_547#0, %scan3A_1589 = %scan3A_547#1, %scan3A_1590 = %scan3A_547#2, %scan3A_1591 = %scan3A_547#3, %scan3A_1592 = %scan3A_547#4, %scan3A_1593 = %scan3A_547#5, %scan3A_1594 = %scan3A_547#6, %scan3A_1595 = %scan3A_547#7, %scan3A_1596 = %scan3A_547#8, %scan3A_1597 = %scan3A_547#9, %scan3A_1598 = %scan3A_547#10, %scan3A_1599 = %scan3A_547#11, %scan3A_1600 = %scan3A_547#12, %scan3A_1601 = %scan3A_547#13, %scan3A_1602 = %scan3A_547#14, %scan3A_1603 = %scan3A_547#15) -> (vector<16xf32>, vector<16xf32>, vector<16xf32>, vector<16xf32>, vector<16xf32>, vector<16xf32>, vector<16xf32>, vector<16xf32>, vector<16xf32>, vector<16xf32>, vector<16xf32>, vector<16xf32>, vector<16xf32>, vector<16xf32>, vector<16xf32>, vector<16xf32>)  : i32 {
      %get3A_1604 = arith.constant 0 : i32
      %get3A_1605 = arith.constant 0 : i32
      %get3A_1606 = tpu.memref_slice %arg10[%scan3A_582, %get3A_1604, %get3A_1605] : memref<6x128x128xf32, #tpu.memory_space<vmem>> -> memref<1x128x128xf32, #tpu.memory_space<vmem>>
      %get3A_1607 = tpu.memref_squeeze %get3A_1606 : memref<1x128x128xf32, #tpu.memory_space<vmem>> -> memref<128x128xf32, #tpu.memory_space<vmem>>
      %get3A_1608 = arith.index_cast %scan3A_1587 : i32 to index
      %get3A_1609 = arith.constant 0 : index
      %get3A_1610 = tpu.vector_load %get3A_1607[%get3A_1608, %get3A_1609] {strides = array<i32>} : memref<128x128xf32, #tpu.memory_space<vmem>>, vector<1x16xf32>,
      %get3A_1611 = vector.shape_cast %get3A_1610 : vector<1x16xf32> to vector<16xf32>
      %add3A_1612 = arith.addf %scan3A_1588, %get3A_1611 : vector<16xf32>
      %mul3A_1613 = arith.mulf %get3A_1611, %get3A_1611 : vector<16xf32>
      %add3A_1614 = arith.addf %scan3A_1596, %mul3A_1613 : vector<16xf32>
      %get3A_1615 = arith.constant 0 : i32
      %get3A_1616 = arith.constant 0 : i32
      %get3A_1617 = tpu.memref_slice %arg10[%scan3A_582, %get3A_1615, %get3A_1616] : memref<6x128x128xf32, #tpu.memory_space<vmem>> -> memref<1x128x128xf32, #tpu.memory_space<vmem>>
      %get3A_1618 = tpu.memref_squeeze %get3A_1617 : memref<1x128x128xf32, #tpu.memory_space<vmem>> -> memref<128x128xf32, #tpu.memory_space<vmem>>
      %get3A_1619 = arith.index_cast %scan3A_1587 : i32 to index
      %get3A_1620 = arith.constant 16 : index
      %get3A_1621 = tpu.vector_load %get3A_1618[%get3A_1619, %get3A_1620] {strides = array<i32>} : memref<128x128xf32, #tpu.memory_space<vmem>>, vector<1x16xf32>,
      %get3A_1622 = vector.shape_cast %get3A_1621 : vector<1x16xf32> to vector<16xf32>
      %add3A_1623 = arith.addf %scan3A_1589, %get3A_1622 : vector<16xf32>
      %mul3A_1624 = arith.mulf %get3A_1622, %get3A_1622 : vector<16xf32>
      %add3A_1625 = arith.addf %scan3A_1597, %mul3A_1624 : vector<16xf32>
      %get3A_1626 = arith.constant 0 : i32
      %get3A_1627 = arith.constant 0 : i32
      %get3A_1628 = tpu.memref_slice %arg10[%scan3A_582, %get3A_1626, %get3A_1627] : memref<6x128x128xf32, #tpu.memory_space<vmem>> -> memref<1x128x128xf32, #tpu.memory_space<vmem>>
      %get3A_1629 = tpu.memref_squeeze %get3A_1628 : memref<1x128x128xf32, #tpu.memory_space<vmem>> -> memref<128x128xf32, #tpu.memory_space<vmem>>
      %get3A_1630 = arith.index_cast %scan3A_1587 : i32 to index
      %get3A_1631 = arith.constant 32 : index
      %get3A_1632 = tpu.vector_load %get3A_1629[%get3A_1630, %get3A_1631] {strides = array<i32>} : memref<128x128xf32, #tpu.memory_space<vmem>>, vector<1x16xf32>,
      %get3A_1633 = vector.shape_cast %get3A_1632 : vector<1x16xf32> to vector<16xf32>
      %add3A_1634 = arith.addf %scan3A_1590, %get3A_1633 : vector<16xf32>
      %mul3A_1635 = arith.mulf %get3A_1633, %get3A_1633 : vector<16xf32>
      %add3A_1636 = arith.addf %scan3A_1598, %mul3A_1635 : vector<16xf32>
      %get3A_1637 = arith.constant 0 : i32
      %get3A_1638 = arith.constant 0 : i32
      %get3A_1639 = tpu.memref_slice %arg10[%scan3A_582, %get3A_1637, %get3A_1638] : memref<6x128x128xf32, #tpu.memory_space<vmem>> -> memref<1x128x128xf32, #tpu.memory_space<vmem>>
      %get3A_1640 = tpu.memref_squeeze %get3A_1639 : memref<1x128x128xf32, #tpu.memory_space<vmem>> -> memref<128x128xf32, #tpu.memory_space<vmem>>
      %get3A_1641 = arith.index_cast %scan3A_1587 : i32 to index
      %get3A_1642 = arith.constant 48 : index
      %get3A_1643 = tpu.vector_load %get3A_1640[%get3A_1641, %get3A_1642] {strides = array<i32>} : memref<128x128xf32, #tpu.memory_space<vmem>>, vector<1x16xf32>,
      %get3A_1644 = vector.shape_cast %get3A_1643 : vector<1x16xf32> to vector<16xf32>
      %add3A_1645 = arith.addf %scan3A_1591, %get3A_1644 : vector<16xf32>
      %mul3A_1646 = arith.mulf %get3A_1644, %get3A_1644 : vector<16xf32>
      %add3A_1647 = arith.addf %scan3A_1599, %mul3A_1646 : vector<16xf32>
      %get3A_1648 = arith.constant 0 : i32
      %get3A_1649 = arith.constant 0 : i32
      %get3A_1650 = tpu.memref_slice %arg10[%scan3A_582, %get3A_1648, %get3A_1649] : memref<6x128x128xf32, #tpu.memory_space<vmem>> -> memref<1x128x128xf32, #tpu.memory_space<vmem>>
      %get3A_1651 = tpu.memref_squeeze %get3A_1650 : memref<1x128x128xf32, #tpu.memory_space<vmem>> -> memref<128x128xf32, #tpu.memory_space<vmem>>
      %get3A_1652 = arith.index_cast %scan3A_1587 : i32 to index
      %get3A_1653 = arith.constant 64 : index
      %get3A_1654 = tpu.vector_load %get3A_1651[%get3A_1652, %get3A_1653] {strides = array<i32>} : memref<128x128xf32, #tpu.memory_space<vmem>>, vector<1x16xf32>,
      %get3A_1655 = vector.shape_cast %get3A_1654 : vector<1x16xf32> to vector<16xf32>
      %add3A_1656 = arith.addf %scan3A_1592, %get3A_1655 : vector<16xf32>
      %mul3A_1657 = arith.mulf %get3A_1655, %get3A_1655 : vector<16xf32>
      %add3A_1658 = arith.addf %scan3A_1600, %mul3A_1657 : vector<16xf32>
      %get3A_1659 = arith.constant 0 : i32
      %get3A_1660 = arith.constant 0 : i32
      %get3A_1661 = tpu.memref_slice %arg10[%scan3A_582, %get3A_1659, %get3A_1660] : memref<6x128x128xf32, #tpu.memory_space<vmem>> -> memref<1x128x128xf32, #tpu.memory_space<vmem>>
      %get3A_1662 = tpu.memref_squeeze %get3A_1661 : memref<1x128x128xf32, #tpu.memory_space<vmem>> -> memref<128x128xf32, #tpu.memory_space<vmem>>
      %get3A_1663 = arith.index_cast %scan3A_1587 : i32 to index
      %get3A_1664 = arith.constant 80 : index
      %get3A_1665 = tpu.vector_load %get3A_1662[%get3A_1663, %get3A_1664] {strides = array<i32>} : memref<128x128xf32, #tpu.memory_space<vmem>>, vector<1x16xf32>,
      %get3A_1666 = vector.shape_cast %get3A_1665 : vector<1x16xf32> to vector<16xf32>
      %add3A_1667 = arith.addf %scan3A_1593, %get3A_1666 : vector<16xf32>
      %mul3A_1668 = arith.mulf %get3A_1666, %get3A_1666 : vector<16xf32>
      %add3A_1669 = arith.addf %scan3A_1601, %mul3A_1668 : vector<16xf32>
      %get3A_1670 = arith.constant 0 : i32
      %get3A_1671 = arith.constant 0 : i32
      %get3A_1672 = tpu.memref_slice %arg10[%scan3A_582, %get3A_1670, %get3A_1671] : memref<6x128x128xf32, #tpu.memory_space<vmem>> -> memref<1x128x128xf32, #tpu.memory_space<vmem>>
      %get3A_1673 = tpu.memref_squeeze %get3A_1672 : memref<1x128x128xf32, #tpu.memory_space<vmem>> -> memref<128x128xf32, #tpu.memory_space<vmem>>
      %get3A_1674 = arith.index_cast %scan3A_1587 : i32 to index
      %get3A_1675 = arith.constant 96 : index
      %get3A_1676 = tpu.vector_load %get3A_1673[%get3A_1674, %get3A_1675] {strides = array<i32>} : memref<128x128xf32, #tpu.memory_space<vmem>>, vector<1x16xf32>,
      %get3A_1677 = vector.shape_cast %get3A_1676 : vector<1x16xf32> to vector<16xf32>
      %add3A_1678 = arith.addf %scan3A_1594, %get3A_1677 : vector<16xf32>
      %mul3A_1679 = arith.mulf %get3A_1677, %get3A_1677 : vector<16xf32>
      %add3A_1680 = arith.addf %scan3A_1602, %mul3A_1679 : vector<16xf32>
      %get3A_1681 = arith.constant 0 : i32
      %get3A_1682 = arith.constant 0 : i32
      %get3A_1683 = tpu.memref_slice %arg10[%scan3A_582, %get3A_1681, %get3A_1682] : memref<6x128x128xf32, #tpu.memory_space<vmem>> -> memref<1x128x128xf32, #tpu.memory_space<vmem>>
      %get3A_1684 = tpu.memref_squeeze %get3A_1683 : memref<1x128x128xf32, #tpu.memory_space<vmem>> -> memref<128x128xf32, #tpu.memory_space<vmem>>
      %get3A_1685 = arith.index_cast %scan3A_1587 : i32 to index
      %get3A_1686 = arith.constant 112 : index
      %get3A_1687 = tpu.vector_load %get3A_1684[%get3A_1685, %get3A_1686] {strides = array<i32>} : memref<128x128xf32, #tpu.memory_space<vmem>>, vector<1x16xf32>,
      %get3A_1688 = vector.shape_cast %get3A_1687 : vector<1x16xf32> to vector<16xf32>
      %add3A_1689 = arith.addf %scan3A_1595, %get3A_1688 : vector<16xf32>
      %mul3A_1690 = arith.mulf %get3A_1688, %get3A_1688 : vector<16xf32>
      %add3A_1691 = arith.addf %scan3A_1603, %mul3A_1690 : vector<16xf32>
      %scan3A_1692 = arith.constant 1 : i32
      %scan3A_1693 = arith.addi %scan3A_1587, %scan3A_1692 : i32
      %get3A_1694 = arith.constant 0 : i32
      %get3A_1695 = arith.constant 0 : i32
      %get3A_1696 = tpu.memref_slice %arg10[%scan3A_582, %get3A_1694, %get3A_1695] : memref<6x128x128xf32, #tpu.memory_space<vmem>> -> memref<1x128x128xf32, #tpu.memory_space<vmem>>
      %get3A_1697 = tpu.memref_squeeze %get3A_1696 : memref<1x128x128xf32, #tpu.memory_space<vmem>> -> memref<128x128xf32, #tpu.memory_space<vmem>>
      %get3A_1698 = arith.index_cast %scan3A_1693 : i32 to index
      %get3A_1699 = arith.constant 0 : index
      %get3A_1700 = tpu.vector_load %get3A_1697[%get3A_1698, %get3A_1699] {strides = array<i32>} : memref<128x128xf32, #tpu.memory_space<vmem>>, vector<1x16xf32>,
      %get3A_1701 = vector.shape_cast %get3A_1700 : vector<1x16xf32> to vector<16xf32>
      %add3A_1702 = arith.addf %add3A_1612, %get3A_1701 : vector<16xf32>
      %mul3A_1703 = arith.mulf %get3A_1701, %get3A_1701 : vector<16xf32>
      %add3A_1704 = arith.addf %add3A_1614, %mul3A_1703 : vector<16xf32>
      %get3A_1705 = arith.constant 0 : i32
      %get3A_1706 = arith.constant 0 : i32
      %get3A_1707 = tpu.memref_slice %arg10[%scan3A_582, %get3A_1705, %get3A_1706] : memref<6x128x128xf32, #tpu.memory_space<vmem>> -> memref<1x128x128xf32, #tpu.memory_space<vmem>>
      %get3A_1708 = tpu.memref_squeeze %get3A_1707 : memref<1x128x128xf32, #tpu.memory_space<vmem>> -> memref<128x128xf32, #tpu.memory_space<vmem>>
      %get3A_1709 = arith.index_cast %scan3A_1693 : i32 to index
      %get3A_1710 = arith.constant 16 : index
      %get3A_1711 = tpu.vector_load %get3A_1708[%get3A_1709, %get3A_1710] {strides = array<i32>} : memref<128x128xf32, #tpu.memory_space<vmem>>, vector<1x16xf32>,
      %get3A_1712 = vector.shape_cast %get3A_1711 : vector<1x16xf32> to vector<16xf32>
      %add3A_1713 = arith.addf %add3A_1623, %get3A_1712 : vector<16xf32>
      %mul3A_1714 = arith.mulf %get3A_1712, %get3A_1712 : vector<16xf32>
      %add3A_1715 = arith.addf %add3A_1625, %mul3A_1714 : vector<16xf32>
      %get3A_1716 = arith.constant 0 : i32
      %get3A_1717 = arith.constant 0 : i32
      %get3A_1718 = tpu.memref_slice %arg10[%scan3A_582, %get3A_1716, %get3A_1717] : memref<6x128x128xf32, #tpu.memory_space<vmem>> -> memref<1x128x128xf32, #tpu.memory_space<vmem>>
      %get3A_1719 = tpu.memref_squeeze %get3A_1718 : memref<1x128x128xf32, #tpu.memory_space<vmem>> -> memref<128x128xf32, #tpu.memory_space<vmem>>
      %get3A_1720 = arith.index_cast %scan3A_1693 : i32 to index
      %get3A_1721 = arith.constant 32 : index
      %get3A_1722 = tpu.vector_load %get3A_1719[%get3A_1720, %get3A_1721] {strides = array<i32>} : memref<128x128xf32, #tpu.memory_space<vmem>>, vector<1x16xf32>,
      %get3A_1723 = vector.shape_cast %get3A_1722 : vector<1x16xf32> to vector<16xf32>
      %add3A_1724 = arith.addf %add3A_1634, %get3A_1723 : vector<16xf32>
      %mul3A_1725 = arith.mulf %get3A_1723, %get3A_1723 : vector<16xf32>
      %add3A_1726 = arith.addf %add3A_1636, %mul3A_1725 : vector<16xf32>
      %get3A_1727 = arith.constant 0 : i32
      %get3A_1728 = arith.constant 0 : i32
      %get3A_1729 = tpu.memref_slice %arg10[%scan3A_582, %get3A_1727, %get3A_1728] : memref<6x128x128xf32, #tpu.memory_space<vmem>> -> memref<1x128x128xf32, #tpu.memory_space<vmem>>
      %get3A_1730 = tpu.memref_squeeze %get3A_1729 : memref<1x128x128xf32, #tpu.memory_space<vmem>> -> memref<128x128xf32, #tpu.memory_space<vmem>>
      %get3A_1731 = arith.index_cast %scan3A_1693 : i32 to index
      %get3A_1732 = arith.constant 48 : index
      %get3A_1733 = tpu.vector_load %get3A_1730[%get3A_1731, %get3A_1732] {strides = array<i32>} : memref<128x128xf32, #tpu.memory_space<vmem>>, vector<1x16xf32>,
      %get3A_1734 = vector.shape_cast %get3A_1733 : vector<1x16xf32> to vector<16xf32>
      %add3A_1735 = arith.addf %add3A_1645, %get3A_1734 : vector<16xf32>
      %mul3A_1736 = arith.mulf %get3A_1734, %get3A_1734 : vector<16xf32>
      %add3A_1737 = arith.addf %add3A_1647, %mul3A_1736 : vector<16xf32>
      %get3A_1738 = arith.constant 0 : i32
      %get3A_1739 = arith.constant 0 : i32
      %get3A_1740 = tpu.memref_slice %arg10[%scan3A_582, %get3A_1738, %get3A_1739] : memref<6x128x128xf32, #tpu.memory_space<vmem>> -> memref<1x128x128xf32, #tpu.memory_space<vmem>>
      %get3A_1741 = tpu.memref_squeeze %get3A_1740 : memref<1x128x128xf32, #tpu.memory_space<vmem>> -> memref<128x128xf32, #tpu.memory_space<vmem>>
      %get3A_1742 = arith.index_cast %scan3A_1693 : i32 to index
      %get3A_1743 = arith.constant 64 : index
      %get3A_1744 = tpu.vector_load %get3A_1741[%get3A_1742, %get3A_1743] {strides = array<i32>} : memref<128x128xf32, #tpu.memory_space<vmem>>, vector<1x16xf32>,
      %get3A_1745 = vector.shape_cast %get3A_1744 : vector<1x16xf32> to vector<16xf32>
      %add3A_1746 = arith.addf %add3A_1656, %get3A_1745 : vector<16xf32>
      %mul3A_1747 = arith.mulf %get3A_1745, %get3A_1745 : vector<16xf32>
      %add3A_1748 = arith.addf %add3A_1658, %mul3A_1747 : vector<16xf32>
      %get3A_1749 = arith.constant 0 : i32
      %get3A_1750 = arith.constant 0 : i32
      %get3A_1751 = tpu.memref_slice %arg10[%scan3A_582, %get3A_1749, %get3A_1750] : memref<6x128x128xf32, #tpu.memory_space<vmem>> -> memref<1x128x128xf32, #tpu.memory_space<vmem>>
      %get3A_1752 = tpu.memref_squeeze %get3A_1751 : memref<1x128x128xf32, #tpu.memory_space<vmem>> -> memref<128x128xf32, #tpu.memory_space<vmem>>
      %get3A_1753 = arith.index_cast %scan3A_1693 : i32 to index
      %get3A_1754 = arith.constant 80 : index
      %get3A_1755 = tpu.vector_load %get3A_1752[%get3A_1753, %get3A_1754] {strides = array<i32>} : memref<128x128xf32, #tpu.memory_space<vmem>>, vector<1x16xf32>,
      %get3A_1756 = vector.shape_cast %get3A_1755 : vector<1x16xf32> to vector<16xf32>
      %add3A_1757 = arith.addf %add3A_1667, %get3A_1756 : vector<16xf32>
      %mul3A_1758 = arith.mulf %get3A_1756, %get3A_1756 : vector<16xf32>
      %add3A_1759 = arith.addf %add3A_1669, %mul3A_1758 : vector<16xf32>
      %get3A_1760 = arith.constant 0 : i32
      %get3A_1761 = arith.constant 0 : i32
      %get3A_1762 = tpu.memref_slice %arg10[%scan3A_582, %get3A_1760, %get3A_1761] : memref<6x128x128xf32, #tpu.memory_space<vmem>> -> memref<1x128x128xf32, #tpu.memory_space<vmem>>
      %get3A_1763 = tpu.memref_squeeze %get3A_1762 : memref<1x128x128xf32, #tpu.memory_space<vmem>> -> memref<128x128xf32, #tpu.memory_space<vmem>>
      %get3A_1764 = arith.index_cast %scan3A_1693 : i32 to index
      %get3A_1765 = arith.constant 96 : index
      %get3A_1766 = tpu.vector_load %get3A_1763[%get3A_1764, %get3A_1765] {strides = array<i32>} : memref<128x128xf32, #tpu.memory_space<vmem>>, vector<1x16xf32>,
      %get3A_1767 = vector.shape_cast %get3A_1766 : vector<1x16xf32> to vector<16xf32>
      %add3A_1768 = arith.addf %add3A_1678, %get3A_1767 : vector<16xf32>
      %mul3A_1769 = arith.mulf %get3A_1767, %get3A_1767 : vector<16xf32>
      %add3A_1770 = arith.addf %add3A_1680, %mul3A_1769 : vector<16xf32>
      %get3A_1771 = arith.constant 0 : i32
      %get3A_1772 = arith.constant 0 : i32
      %get3A_1773 = tpu.memref_slice %arg10[%scan3A_582, %get3A_1771, %get3A_1772] : memref<6x128x128xf32, #tpu.memory_space<vmem>> -> memref<1x128x128xf32, #tpu.memory_space<vmem>>
      %get3A_1774 = tpu.memref_squeeze %get3A_1773 : memref<1x128x128xf32, #tpu.memory_space<vmem>> -> memref<128x128xf32, #tpu.memory_space<vmem>>
      %get3A_1775 = arith.index_cast %scan3A_1693 : i32 to index
      %get3A_1776 = arith.constant 112 : index
      %get3A_1777 = tpu.vector_load %get3A_1774[%get3A_1775, %get3A_1776] {strides = array<i32>} : memref<128x128xf32, #tpu.memory_space<vmem>>, vector<1x16xf32>,
      %get3A_1778 = vector.shape_cast %get3A_1777 : vector<1x16xf32> to vector<16xf32>
      %add3A_1779 = arith.addf %add3A_1689, %get3A_1778 : vector<16xf32>
      %mul3A_1780 = arith.mulf %get3A_1778, %get3A_1778 : vector<16xf32>
      %add3A_1781 = arith.addf %add3A_1691, %mul3A_1780 : vector<16xf32>
      scf.yield %add3A_1702, %add3A_1713, %add3A_1724, %add3A_1735, %add3A_1746, %add3A_1757, %add3A_1768, %add3A_1779, %add3A_1704, %add3A_1715, %add3A_1726, %add3A_1737, %add3A_1748, %add3A_1759, %add3A_1770, %add3A_1781 : vector<16xf32>, vector<16xf32>, vector<16xf32>, vector<16xf32>, vector<16xf32>, vector<16xf32>, vector<16xf32>, vector<16xf32>, vector<16xf32>, vector<16xf32>, vector<16xf32>, vector<16xf32>, vector<16xf32>, vector<16xf32>, vector<16xf32>, vector<16xf32>
    }
    %scan3A_588 = arith.constant 128 : i32
    %add3A_589 = arith.constant 384 : i32
    %add3A_590 = arith.addi %mul3A_2, %add3A_589 : i32
    %dma_start3A_591 = arith.constant 1 : i32
    %dma_start3A_592 = arith.constant 7 : i32
    %dma_start3A_593 = arith.constant 0 : i32
    %dma_start3A_594 = arith.constant 0 : i32
    %dma_start3A_595 = tpu.memref_slice %arg10[%dma_start3A_591, %dma_start3A_593, %dma_start3A_594] : memref<6x128x128xf32, #tpu.memory_space<vmem>> -> memref<1x128x128xf32, #tpu.memory_space<vmem>>
    %dma_start3A_596 = tpu.memref_squeeze %dma_start3A_595 : memref<1x128x128xf32, #tpu.memory_space<vmem>> -> memref<128x128xf32, #tpu.memory_space<vmem>>
    %dma_start3A_597 = arith.constant 0 : i32
    %dma_start3A_598 = tpu.memref_slice %arg6[%add3A_590, %dma_start3A_597] : memref<16384x128xf32, #tpu.memory_space<hbm>> -> memref<128x128xf32, #tpu.memory_space<hbm>>
    %dma_start3A_599 = tpu.memref_slice %arg14[%dma_start3A_592] : memref<13x!tpu.dma_semaphore, #tpu.memory_space<semaphore_mem>> -> memref<1x!tpu.dma_semaphore, #tpu.memory_space<semaphore_mem>>
    %dma_start3A_600 = tpu.memref_squeeze %dma_start3A_599 : memref<1x!tpu.dma_semaphore, #tpu.memory_space<semaphore_mem>> -> memref<!tpu.dma_semaphore, #tpu.memory_space<semaphore_mem>>
    %dma_start3A_601 = arith.constant 0 : i32
    %dma_start3A_602 = tpu.memref_slice %arg6[%add3A_590, %dma_start3A_601] : memref<16384x128xf32, #tpu.memory_space<hbm>> -> memref<128x128xf32, #tpu.memory_space<hbm>>
    %dma_start3A_603 = arith.constant 0 : i32
    %dma_start3A_604 = arith.constant 0 : i32
    %dma_start3A_605 = tpu.memref_slice %arg10[%dma_start3A_591, %dma_start3A_603, %dma_start3A_604] : memref<6x128x128xf32, #tpu.memory_space<vmem>> -> memref<1x128x128xf32, #tpu.memory_space<vmem>>
    %dma_start3A_606 = tpu.memref_squeeze %dma_start3A_605 : memref<1x128x128xf32, #tpu.memory_space<vmem>> -> memref<128x128xf32, #tpu.memory_space<vmem>>
    tpu.enqueue_dma source(%dma_start3A_606 : memref<128x128xf32, #tpu.memory_space<vmem>>) target(%dma_start3A_602 : memref<128x128xf32, #tpu.memory_space<hbm>>) target_semaphore(%dma_start3A_600 : memref<!tpu.dma_semaphore, #tpu.memory_space<semaphore_mem>>)
    %swap3A = arith.constant 0 : i32
    %swap3A_607 = arith.index_cast %swap3A : i32 to index
    %swap3A_608 = arith.constant 0 : index
    %swap3A_609 = tpu.vector_load %arg13[%swap3A_607, %swap3A_608] {strides = array<i32>} : memref<4x128xf32, #tpu.memory_space<vmem>>, vector<1x16xf32>,
    %swap3A_610 = vector.shape_cast %swap3A_609 : vector<1x16xf32> to vector<16xf32>
    %swap3A_611 = vector.shape_cast %scan3A_427#0 : vector<16xf32> to vector<1x16xf32>
    tpu.vector_store %arg13[%swap3A_607, %swap3A_608], %swap3A_611 {strides = array<i32>} : memref<4x128xf32, #tpu.memory_space<vmem>>, vector<1x16xf32>,
    %swap3A_612 = arith.constant 1 : i32
    %swap3A_613 = arith.index_cast %swap3A_612 : i32 to index
    %swap3A_614 = arith.constant 0 : index
    %swap3A_615 = tpu.vector_load %arg13[%swap3A_613, %swap3A_614] {strides = array<i32>} : memref<4x128xf32, #tpu.memory_space<vmem>>, vector<1x16xf32>,
    %swap3A_616 = vector.shape_cast %swap3A_615 : vector<1x16xf32> to vector<16xf32>
    %swap3A_617 = vector.shape_cast %scan3A_427#8 : vector<16xf32> to vector<1x16xf32>
    tpu.vector_store %arg13[%swap3A_613, %swap3A_614], %swap3A_617 {strides = array<i32>} : memref<4x128xf32, #tpu.memory_space<vmem>>, vector<1x16xf32>,
    %swap3A_618 = arith.constant 2 : i32
    %swap3A_619 = arith.index_cast %swap3A_618 : i32 to index
    %swap3A_620 = arith.constant 0 : index
    %swap3A_621 = tpu.vector_load %arg13[%swap3A_619, %swap3A_620] {strides = array<i32>} : memref<4x128xf32, #tpu.memory_space<vmem>>, vector<1x16xf32>,
    %swap3A_622 = vector.shape_cast %swap3A_621 : vector<1x16xf32> to vector<16xf32>
    %swap3A_623 = vector.shape_cast %scan3A_587#0 : vector<16xf32> to vector<1x16xf32>
    tpu.vector_store %arg13[%swap3A_619, %swap3A_620], %swap3A_623 {strides = array<i32>} : memref<4x128xf32, #tpu.memory_space<vmem>>, vector<1x16xf32>,
    %swap3A_624 = arith.constant 3 : i32
    %swap3A_625 = arith.index_cast %swap3A_624 : i32 to index
    %swap3A_626 = arith.constant 0 : index
    %swap3A_627 = tpu.vector_load %arg13[%swap3A_625, %swap3A_626] {strides = array<i32>} : memref<4x128xf32, #tpu.memory_space<vmem>>, vector<1x16xf32>,
    %swap3A_628 = vector.shape_cast %swap3A_627 : vector<1x16xf32> to vector<16xf32>
    %swap3A_629 = vector.shape_cast %scan3A_587#8 : vector<16xf32> to vector<1x16xf32>
    tpu.vector_store %arg13[%swap3A_625, %swap3A_626], %swap3A_629 {strides = array<i32>} : memref<4x128xf32, #tpu.memory_space<vmem>>, vector<1x16xf32>,
    %swap3A_630 = arith.constant 0 : i32
    %swap3A_631 = arith.index_cast %swap3A_630 : i32 to index
    %swap3A_632 = arith.constant 16 : index
    %swap3A_633 = tpu.vector_load %arg13[%swap3A_631, %swap3A_632] {strides = array<i32>} : memref<4x128xf32, #tpu.memory_space<vmem>>, vector<1x16xf32>,
    %swap3A_634 = vector.shape_cast %swap3A_633 : vector<1x16xf32> to vector<16xf32>
    %swap3A_635 = vector.shape_cast %scan3A_427#1 : vector<16xf32> to vector<1x16xf32>
    tpu.vector_store %arg13[%swap3A_631, %swap3A_632], %swap3A_635 {strides = array<i32>} : memref<4x128xf32, #tpu.memory_space<vmem>>, vector<1x16xf32>,
    %swap3A_636 = arith.constant 1 : i32
    %swap3A_637 = arith.index_cast %swap3A_636 : i32 to index
    %swap3A_638 = arith.constant 16 : index
    %swap3A_639 = tpu.vector_load %arg13[%swap3A_637, %swap3A_638] {strides = array<i32>} : memref<4x128xf32, #tpu.memory_space<vmem>>, vector<1x16xf32>,
    %swap3A_640 = vector.shape_cast %swap3A_639 : vector<1x16xf32> to vector<16xf32>
    %swap3A_641 = vector.shape_cast %scan3A_427#9 : vector<16xf32> to vector<1x16xf32>
    tpu.vector_store %arg13[%swap3A_637, %swap3A_638], %swap3A_641 {strides = array<i32>} : memref<4x128xf32, #tpu.memory_space<vmem>>, vector<1x16xf32>,
    %swap3A_642 = arith.constant 2 : i32
    %swap3A_643 = arith.index_cast %swap3A_642 : i32 to index
    %swap3A_644 = arith.constant 16 : index
    %swap3A_645 = tpu.vector_load %arg13[%swap3A_643, %swap3A_644] {strides = array<i32>} : memref<4x128xf32, #tpu.memory_space<vmem>>, vector<1x16xf32>,
    %swap3A_646 = vector.shape_cast %swap3A_645 : vector<1x16xf32> to vector<16xf32>
    %swap3A_647 = vector.shape_cast %scan3A_587#1 : vector<16xf32> to vector<1x16xf32>
    tpu.vector_store %arg13[%swap3A_643, %swap3A_644], %swap3A_647 {strides = array<i32>} : memref<4x128xf32, #tpu.memory_space<vmem>>, vector<1x16xf32>,
    %swap3A_648 = arith.constant 3 : i32
    %swap3A_649 = arith.index_cast %swap3A_648 : i32 to index
    %swap3A_650 = arith.constant 16 : index
    %swap3A_651 = tpu.vector_load %arg13[%swap3A_649, %swap3A_650] {strides = array<i32>} : memref<4x128xf32, #tpu.memory_space<vmem>>, vector<1x16xf32>,
    %swap3A_652 = vector.shape_cast %swap3A_651 : vector<1x16xf32> to vector<16xf32>
    %swap3A_653 = vector.shape_cast %scan3A_587#9 : vector<16xf32> to vector<1x16xf32>
    tpu.vector_store %arg13[%swap3A_649, %swap3A_650], %swap3A_653 {strides = array<i32>} : memref<4x128xf32, #tpu.memory_space<vmem>>, vector<1x16xf32>,
    %swap3A_654 = arith.constant 0 : i32
    %swap3A_655 = arith.index_cast %swap3A_654 : i32 to index
    %swap3A_656 = arith.constant 32 : index
    %swap3A_657 = tpu.vector_load %arg13[%swap3A_655, %swap3A_656] {strides = array<i32>} : memref<4x128xf32, #tpu.memory_space<vmem>>, vector<1x16xf32>,
    %swap3A_658 = vector.shape_cast %swap3A_657 : vector<1x16xf32> to vector<16xf32>
    %swap3A_659 = vector.shape_cast %scan3A_427#2 : vector<16xf32> to vector<1x16xf32>
    tpu.vector_store %arg13[%swap3A_655, %swap3A_656], %swap3A_659 {strides = array<i32>} : memref<4x128xf32, #tpu.memory_space<vmem>>, vector<1x16xf32>,
    %swap3A_660 = arith.constant 1 : i32
    %swap3A_661 = arith.index_cast %swap3A_660 : i32 to index
    %swap3A_662 = arith.constant 32 : index
    %swap3A_663 = tpu.vector_load %arg13[%swap3A_661, %swap3A_662] {strides = array<i32>} : memref<4x128xf32, #tpu.memory_space<vmem>>, vector<1x16xf32>,
    %swap3A_664 = vector.shape_cast %swap3A_663 : vector<1x16xf32> to vector<16xf32>
    %swap3A_665 = vector.shape_cast %scan3A_427#10 : vector<16xf32> to vector<1x16xf32>
    tpu.vector_store %arg13[%swap3A_661, %swap3A_662], %swap3A_665 {strides = array<i32>} : memref<4x128xf32, #tpu.memory_space<vmem>>, vector<1x16xf32>,
    %swap3A_666 = arith.constant 2 : i32
    %swap3A_667 = arith.index_cast %swap3A_666 : i32 to index
    %swap3A_668 = arith.constant 32 : index
    %swap3A_669 = tpu.vector_load %arg13[%swap3A_667, %swap3A_668] {strides = array<i32>} : memref<4x128xf32, #tpu.memory_space<vmem>>, vector<1x16xf32>,
    %swap3A_670 = vector.shape_cast %swap3A_669 : vector<1x16xf32> to vector<16xf32>
    %swap3A_671 = vector.shape_cast %scan3A_587#2 : vector<16xf32> to vector<1x16xf32>
    tpu.vector_store %arg13[%swap3A_667, %swap3A_668], %swap3A_671 {strides = array<i32>} : memref<4x128xf32, #tpu.memory_space<vmem>>, vector<1x16xf32>,
    %swap3A_672 = arith.constant 3 : i32
    %swap3A_673 = arith.index_cast %swap3A_672 : i32 to index
    %swap3A_674 = arith.constant 32 : index
    %swap3A_675 = tpu.vector_load %arg13[%swap3A_673, %swap3A_674] {strides = array<i32>} : memref<4x128xf32, #tpu.memory_space<vmem>>, vector<1x16xf32>,
    %swap3A_676 = vector.shape_cast %swap3A_675 : vector<1x16xf32> to vector<16xf32>
    %swap3A_677 = vector.shape_cast %scan3A_587#10 : vector<16xf32> to vector<1x16xf32>
    tpu.vector_store %arg13[%swap3A_673, %swap3A_674], %swap3A_677 {strides = array<i32>} : memref<4x128xf32, #tpu.memory_space<vmem>>, vector<1x16xf32>,
    %swap3A_678 = arith.constant 0 : i32
    %swap3A_679 = arith.index_cast %swap3A_678 : i32 to index
    %swap3A_680 = arith.constant 48 : index
    %swap3A_681 = tpu.vector_load %arg13[%swap3A_679, %swap3A_680] {strides = array<i32>} : memref<4x128xf32, #tpu.memory_space<vmem>>, vector<1x16xf32>,
    %swap3A_682 = vector.shape_cast %swap3A_681 : vector<1x16xf32> to vector<16xf32>
    %swap3A_683 = vector.shape_cast %scan3A_427#3 : vector<16xf32> to vector<1x16xf32>
    tpu.vector_store %arg13[%swap3A_679, %swap3A_680], %swap3A_683 {strides = array<i32>} : memref<4x128xf32, #tpu.memory_space<vmem>>, vector<1x16xf32>,
    %swap3A_684 = arith.constant 1 : i32
    %swap3A_685 = arith.index_cast %swap3A_684 : i32 to index
    %swap3A_686 = arith.constant 48 : index
    %swap3A_687 = tpu.vector_load %arg13[%swap3A_685, %swap3A_686] {strides = array<i32>} : memref<4x128xf32, #tpu.memory_space<vmem>>, vector<1x16xf32>,
    %swap3A_688 = vector.shape_cast %swap3A_687 : vector<1x16xf32> to vector<16xf32>
    %swap3A_689 = vector.shape_cast %scan3A_427#11 : vector<16xf32> to vector<1x16xf32>
    tpu.vector_store %arg13[%swap3A_685, %swap3A_686], %swap3A_689 {strides = array<i32>} : memref<4x128xf32, #tpu.memory_space<vmem>>, vector<1x16xf32>,
    %swap3A_690 = arith.constant 2 : i32
    %swap3A_691 = arith.index_cast %swap3A_690 : i32 to index
    %swap3A_692 = arith.constant 48 : index
    %swap3A_693 = tpu.vector_load %arg13[%swap3A_691, %swap3A_692] {strides = array<i32>} : memref<4x128xf32, #tpu.memory_space<vmem>>, vector<1x16xf32>,
    %swap3A_694 = vector.shape_cast %swap3A_693 : vector<1x16xf32> to vector<16xf32>
    %swap3A_695 = vector.shape_cast %scan3A_587#3 : vector<16xf32> to vector<1x16xf32>
    tpu.vector_store %arg13[%swap3A_691, %swap3A_692], %swap3A_695 {strides = array<i32>} : memref<4x128xf32, #tpu.memory_space<vmem>>, vector<1x16xf32>,
    %swap3A_696 = arith.constant 3 : i32
    %swap3A_697 = arith.index_cast %swap3A_696 : i32 to index
    %swap3A_698 = arith.constant 48 : index
    %swap3A_699 = tpu.vector_load %arg13[%swap3A_697, %swap3A_698] {strides = array<i32>} : memref<4x128xf32, #tpu.memory_space<vmem>>, vector<1x16xf32>,
    %swap3A_700 = vector.shape_cast %swap3A_699 : vector<1x16xf32> to vector<16xf32>
    %swap3A_701 = vector.shape_cast %scan3A_587#11 : vector<16xf32> to vector<1x16xf32>
    tpu.vector_store %arg13[%swap3A_697, %swap3A_698], %swap3A_701 {strides = array<i32>} : memref<4x128xf32, #tpu.memory_space<vmem>>, vector<1x16xf32>,
    %swap3A_702 = arith.constant 0 : i32
    %swap3A_703 = arith.index_cast %swap3A_702 : i32 to index
    %swap3A_704 = arith.constant 64 : index
    %swap3A_705 = tpu.vector_load %arg13[%swap3A_703, %swap3A_704] {strides = array<i32>} : memref<4x128xf32, #tpu.memory_space<vmem>>, vector<1x16xf32>,
    %swap3A_706 = vector.shape_cast %swap3A_705 : vector<1x16xf32> to vector<16xf32>
    %swap3A_707 = vector.shape_cast %scan3A_427#4 : vector<16xf32> to vector<1x16xf32>
    tpu.vector_store %arg13[%swap3A_703, %swap3A_704], %swap3A_707 {strides = array<i32>} : memref<4x128xf32, #tpu.memory_space<vmem>>, vector<1x16xf32>,
    %swap3A_708 = arith.constant 1 : i32
    %swap3A_709 = arith.index_cast %swap3A_708 : i32 to index
    %swap3A_710 = arith.constant 64 : index
    %swap3A_711 = tpu.vector_load %arg13[%swap3A_709, %swap3A_710] {strides = array<i32>} : memref<4x128xf32, #tpu.memory_space<vmem>>, vector<1x16xf32>,
    %swap3A_712 = vector.shape_cast %swap3A_711 : vector<1x16xf32> to vector<16xf32>
    %swap3A_713 = vector.shape_cast %scan3A_427#12 : vector<16xf32> to vector<1x16xf32>
    tpu.vector_store %arg13[%swap3A_709, %swap3A_710], %swap3A_713 {strides = array<i32>} : memref<4x128xf32, #tpu.memory_space<vmem>>, vector<1x16xf32>,
    %swap3A_714 = arith.constant 2 : i32
    %swap3A_715 = arith.index_cast %swap3A_714 : i32 to index
    %swap3A_716 = arith.constant 64 : index
    %swap3A_717 = tpu.vector_load %arg13[%swap3A_715, %swap3A_716] {strides = array<i32>} : memref<4x128xf32, #tpu.memory_space<vmem>>, vector<1x16xf32>,
    %swap3A_718 = vector.shape_cast %swap3A_717 : vector<1x16xf32> to vector<16xf32>
    %swap3A_719 = vector.shape_cast %scan3A_587#4 : vector<16xf32> to vector<1x16xf32>
    tpu.vector_store %arg13[%swap3A_715, %swap3A_716], %swap3A_719 {strides = array<i32>} : memref<4x128xf32, #tpu.memory_space<vmem>>, vector<1x16xf32>,
    %swap3A_720 = arith.constant 3 : i32
    %swap3A_721 = arith.index_cast %swap3A_720 : i32 to index
    %swap3A_722 = arith.constant 64 : index
    %swap3A_723 = tpu.vector_load %arg13[%swap3A_721, %swap3A_722] {strides = array<i32>} : memref<4x128xf32, #tpu.memory_space<vmem>>, vector<1x16xf32>,
    %swap3A_724 = vector.shape_cast %swap3A_723 : vector<1x16xf32> to vector<16xf32>
    %swap3A_725 = vector.shape_cast %scan3A_587#12 : vector<16xf32> to vector<1x16xf32>
    tpu.vector_store %arg13[%swap3A_721, %swap3A_722], %swap3A_725 {strides = array<i32>} : memref<4x128xf32, #tpu.memory_space<vmem>>, vector<1x16xf32>,
    %swap3A_726 = arith.constant 0 : i32
    %swap3A_727 = arith.index_cast %swap3A_726 : i32 to index
    %swap3A_728 = arith.constant 80 : index
    %swap3A_729 = tpu.vector_load %arg13[%swap3A_727, %swap3A_728] {strides = array<i32>} : memref<4x128xf32, #tpu.memory_space<vmem>>, vector<1x16xf32>,
    %swap3A_730 = vector.shape_cast %swap3A_729 : vector<1x16xf32> to vector<16xf32>
    %swap3A_731 = vector.shape_cast %scan3A_427#5 : vector<16xf32> to vector<1x16xf32>
    tpu.vector_store %arg13[%swap3A_727, %swap3A_728], %swap3A_731 {strides = array<i32>} : memref<4x128xf32, #tpu.memory_space<vmem>>, vector<1x16xf32>,
    %swap3A_732 = arith.constant 1 : i32
    %swap3A_733 = arith.index_cast %swap3A_732 : i32 to index
    %swap3A_734 = arith.constant 80 : index
    %swap3A_735 = tpu.vector_load %arg13[%swap3A_733, %swap3A_734] {strides = array<i32>} : memref<4x128xf32, #tpu.memory_space<vmem>>, vector<1x16xf32>,
    %swap3A_736 = vector.shape_cast %swap3A_735 : vector<1x16xf32> to vector<16xf32>
    %swap3A_737 = vector.shape_cast %scan3A_427#13 : vector<16xf32> to vector<1x16xf32>
    tpu.vector_store %arg13[%swap3A_733, %swap3A_734], %swap3A_737 {strides = array<i32>} : memref<4x128xf32, #tpu.memory_space<vmem>>, vector<1x16xf32>,
    %swap3A_738 = arith.constant 2 : i32
    %swap3A_739 = arith.index_cast %swap3A_738 : i32 to index
    %swap3A_740 = arith.constant 80 : index
    %swap3A_741 = tpu.vector_load %arg13[%swap3A_739, %swap3A_740] {strides = array<i32>} : memref<4x128xf32, #tpu.memory_space<vmem>>, vector<1x16xf32>,
    %swap3A_742 = vector.shape_cast %swap3A_741 : vector<1x16xf32> to vector<16xf32>
    %swap3A_743 = vector.shape_cast %scan3A_587#5 : vector<16xf32> to vector<1x16xf32>
    tpu.vector_store %arg13[%swap3A_739, %swap3A_740], %swap3A_743 {strides = array<i32>} : memref<4x128xf32, #tpu.memory_space<vmem>>, vector<1x16xf32>,
    %swap3A_744 = arith.constant 3 : i32
    %swap3A_745 = arith.index_cast %swap3A_744 : i32 to index
    %swap3A_746 = arith.constant 80 : index
    %swap3A_747 = tpu.vector_load %arg13[%swap3A_745, %swap3A_746] {strides = array<i32>} : memref<4x128xf32, #tpu.memory_space<vmem>>, vector<1x16xf32>,
    %swap3A_748 = vector.shape_cast %swap3A_747 : vector<1x16xf32> to vector<16xf32>
    %swap3A_749 = vector.shape_cast %scan3A_587#13 : vector<16xf32> to vector<1x16xf32>
    tpu.vector_store %arg13[%swap3A_745, %swap3A_746], %swap3A_749 {strides = array<i32>} : memref<4x128xf32, #tpu.memory_space<vmem>>, vector<1x16xf32>,
    %swap3A_750 = arith.constant 0 : i32
    %swap3A_751 = arith.index_cast %swap3A_750 : i32 to index
    %swap3A_752 = arith.constant 96 : index
    %swap3A_753 = tpu.vector_load %arg13[%swap3A_751, %swap3A_752] {strides = array<i32>} : memref<4x128xf32, #tpu.memory_space<vmem>>, vector<1x16xf32>,
    %swap3A_754 = vector.shape_cast %swap3A_753 : vector<1x16xf32> to vector<16xf32>
    %swap3A_755 = vector.shape_cast %scan3A_427#6 : vector<16xf32> to vector<1x16xf32>
    tpu.vector_store %arg13[%swap3A_751, %swap3A_752], %swap3A_755 {strides = array<i32>} : memref<4x128xf32, #tpu.memory_space<vmem>>, vector<1x16xf32>,
    %swap3A_756 = arith.constant 1 : i32
    %swap3A_757 = arith.index_cast %swap3A_756 : i32 to index
    %swap3A_758 = arith.constant 96 : index
    %swap3A_759 = tpu.vector_load %arg13[%swap3A_757, %swap3A_758] {strides = array<i32>} : memref<4x128xf32, #tpu.memory_space<vmem>>, vector<1x16xf32>,
    %swap3A_760 = vector.shape_cast %swap3A_759 : vector<1x16xf32> to vector<16xf32>
    %swap3A_761 = vector.shape_cast %scan3A_427#14 : vector<16xf32> to vector<1x16xf32>
    tpu.vector_store %arg13[%swap3A_757, %swap3A_758], %swap3A_761 {strides = array<i32>} : memref<4x128xf32, #tpu.memory_space<vmem>>, vector<1x16xf32>,
    %swap3A_762 = arith.constant 2 : i32
    %swap3A_763 = arith.index_cast %swap3A_762 : i32 to index
    %swap3A_764 = arith.constant 96 : index
    %swap3A_765 = tpu.vector_load %arg13[%swap3A_763, %swap3A_764] {strides = array<i32>} : memref<4x128xf32, #tpu.memory_space<vmem>>, vector<1x16xf32>,
    %swap3A_766 = vector.shape_cast %swap3A_765 : vector<1x16xf32> to vector<16xf32>
    %swap3A_767 = vector.shape_cast %scan3A_587#6 : vector<16xf32> to vector<1x16xf32>
    tpu.vector_store %arg13[%swap3A_763, %swap3A_764], %swap3A_767 {strides = array<i32>} : memref<4x128xf32, #tpu.memory_space<vmem>>, vector<1x16xf32>,
    %swap3A_768 = arith.constant 3 : i32
    %swap3A_769 = arith.index_cast %swap3A_768 : i32 to index
    %swap3A_770 = arith.constant 96 : index
    %swap3A_771 = tpu.vector_load %arg13[%swap3A_769, %swap3A_770] {strides = array<i32>} : memref<4x128xf32, #tpu.memory_space<vmem>>, vector<1x16xf32>,
    %swap3A_772 = vector.shape_cast %swap3A_771 : vector<1x16xf32> to vector<16xf32>
    %swap3A_773 = vector.shape_cast %scan3A_587#14 : vector<16xf32> to vector<1x16xf32>
    tpu.vector_store %arg13[%swap3A_769, %swap3A_770], %swap3A_773 {strides = array<i32>} : memref<4x128xf32, #tpu.memory_space<vmem>>, vector<1x16xf32>,
    %swap3A_774 = arith.constant 0 : i32
    %swap3A_775 = arith.index_cast %swap3A_774 : i32 to index
    %swap3A_776 = arith.constant 112 : index
    %swap3A_777 = tpu.vector_load %arg13[%swap3A_775, %swap3A_776] {strides = array<i32>} : memref<4x128xf32, #tpu.memory_space<vmem>>, vector<1x16xf32>,
    %swap3A_778 = vector.shape_cast %swap3A_777 : vector<1x16xf32> to vector<16xf32>
    %swap3A_779 = vector.shape_cast %scan3A_427#7 : vector<16xf32> to vector<1x16xf32>
    tpu.vector_store %arg13[%swap3A_775, %swap3A_776], %swap3A_779 {strides = array<i32>} : memref<4x128xf32, #tpu.memory_space<vmem>>, vector<1x16xf32>,
    %swap3A_780 = arith.constant 1 : i32
    %swap3A_781 = arith.index_cast %swap3A_780 : i32 to index
    %swap3A_782 = arith.constant 112 : index
    %swap3A_783 = tpu.vector_load %arg13[%swap3A_781, %swap3A_782] {strides = array<i32>} : memref<4x128xf32, #tpu.memory_space<vmem>>, vector<1x16xf32>,
    %swap3A_784 = vector.shape_cast %swap3A_783 : vector<1x16xf32> to vector<16xf32>
    %swap3A_785 = vector.shape_cast %scan3A_427#15 : vector<16xf32> to vector<1x16xf32>
    tpu.vector_store %arg13[%swap3A_781, %swap3A_782], %swap3A_785 {strides = array<i32>} : memref<4x128xf32, #tpu.memory_space<vmem>>, vector<1x16xf32>,
    %swap3A_786 = arith.constant 2 : i32
    %swap3A_787 = arith.index_cast %swap3A_786 : i32 to index
    %swap3A_788 = arith.constant 112 : index
    %swap3A_789 = tpu.vector_load %arg13[%swap3A_787, %swap3A_788] {strides = array<i32>} : memref<4x128xf32, #tpu.memory_space<vmem>>, vector<1x16xf32>,
    %swap3A_790 = vector.shape_cast %swap3A_789 : vector<1x16xf32> to vector<16xf32>
    %swap3A_791 = vector.shape_cast %scan3A_587#7 : vector<16xf32> to vector<1x16xf32>
    tpu.vector_store %arg13[%swap3A_787, %swap3A_788], %swap3A_791 {strides = array<i32>} : memref<4x128xf32, #tpu.memory_space<vmem>>, vector<1x16xf32>,
    %swap3A_792 = arith.constant 3 : i32
    %swap3A_793 = arith.index_cast %swap3A_792 : i32 to index
    %swap3A_794 = arith.constant 112 : index
    %swap3A_795 = tpu.vector_load %arg13[%swap3A_793, %swap3A_794] {strides = array<i32>} : memref<4x128xf32, #tpu.memory_space<vmem>>, vector<1x16xf32>,
    %swap3A_796 = vector.shape_cast %swap3A_795 : vector<1x16xf32> to vector<16xf32>
    %swap3A_797 = vector.shape_cast %scan3A_587#15 : vector<16xf32> to vector<1x16xf32>
    tpu.vector_store %arg13[%swap3A_793, %swap3A_794], %swap3A_797 {strides = array<i32>} : memref<4x128xf32, #tpu.memory_space<vmem>>, vector<1x16xf32>,
    "tpu.region"() ({
      %run_scoped3A = tpu.sem_alloc : memref<!tpu.dma_semaphore, #tpu.memory_space<semaphore_mem>>
      %dma_start3A_1587 = arith.constant 0 : i32
      %dma_start3A_1588 = arith.constant 0 : i32
      %dma_start3A_1589 = tpu.memref_slice %arg8[%add3A, %dma_start3A_1587, %dma_start3A_1588] : memref<32x4x128xf32, #tpu.memory_space<hbm>> -> memref<1x4x128xf32, #tpu.memory_space<hbm>>
      %dma_start3A_1590 = tpu.memref_squeeze %dma_start3A_1589 : memref<1x4x128xf32, #tpu.memory_space<hbm>> -> memref<4x128xf32, #tpu.memory_space<hbm>>
      %dma_start3A_1591 = arith.constant 0 : i32
      %dma_start3A_1592 = arith.constant 0 : i32
      %dma_start3A_1593 = tpu.memref_slice %arg8[%add3A, %dma_start3A_1591, %dma_start3A_1592] : memref<32x4x128xf32, #tpu.memory_space<hbm>> -> memref<1x4x128xf32, #tpu.memory_space<hbm>>
      %dma_start3A_1594 = tpu.memref_squeeze %dma_start3A_1593 : memref<1x4x128xf32, #tpu.memory_space<hbm>> -> memref<4x128xf32, #tpu.memory_space<hbm>>
      tpu.enqueue_dma source(%arg13 : memref<4x128xf32, #tpu.memory_space<vmem>>) target(%dma_start3A_1594 : memref<4x128xf32, #tpu.memory_space<hbm>>) target_semaphore(%run_scoped3A : memref<!tpu.dma_semaphore, #tpu.memory_space<semaphore_mem>>)
      %dma_wait3A_1595 = arith.constant 0 : i32
      %dma_wait3A_1596 = arith.constant 0 : i32
      %dma_wait3A_1597 = tpu.memref_slice %arg8[%add3A, %dma_wait3A_1595, %dma_wait3A_1596] : memref<32x4x128xf32, #tpu.memory_space<hbm>> -> memref<1x4x128xf32, #tpu.memory_space<hbm>>
      %dma_wait3A_1598 = tpu.memref_squeeze %dma_wait3A_1597 : memref<1x4x128xf32, #tpu.memory_space<hbm>> -> memref<4x128xf32, #tpu.memory_space<hbm>>
      %dma_wait3A_1599 = arith.constant 0 : i32
      %dma_wait3A_1600 = arith.constant 0 : i32
      %dma_wait3A_1601 = tpu.memref_slice %arg8[%add3A, %dma_wait3A_1599, %dma_wait3A_1600] : memref<32x4x128xf32, #tpu.memory_space<hbm>> -> memref<1x4x128xf32, #tpu.memory_space<hbm>>
      %dma_wait3A_1602 = tpu.memref_squeeze %dma_wait3A_1601 : memref<1x4x128xf32, #tpu.memory_space<hbm>> -> memref<4x128xf32, #tpu.memory_space<hbm>>
      tpu.wait_dma2 semaphore(%run_scoped3A : memref<!tpu.dma_semaphore, #tpu.memory_space<semaphore_mem>>) src(%arg13 : memref<4x128xf32, #tpu.memory_space<vmem>>) dst(%dma_wait3A_1602 : memref<4x128xf32, #tpu.memory_space<hbm>>)
      tpu.yield
    }) : () -> ()
    %dma_wait3A_798 = arith.constant 0 : i32
    %dma_wait3A_799 = arith.constant 0 : i32
    %dma_wait3A_800 = arith.constant 12 : i32
    %dma_wait3A_801 = arith.constant 0 : i32
    %dma_wait3A_802 = tpu.memref_slice %arg11[%dma_wait3A_799, %dma_wait3A_801] : memref<8x128xf32, #tpu.memory_space<vmem>> -> memref<1x128xf32, #tpu.memory_space<vmem>>
    %dma_wait3A_803 = tpu.memref_squeeze %dma_wait3A_802 : memref<1x128xf32, #tpu.memory_space<vmem>> -> memref<128xf32, #tpu.memory_space<vmem>>
    %dma_wait3A_804 = arith.constant 0 : i32
    %dma_wait3A_805 = tpu.memref_slice %arg9[%dma_wait3A_798, %dma_wait3A_804] : memref<8x128xi32, #tpu.memory_space<vmem>> -> memref<1x128xi32, #tpu.memory_space<vmem>>
    %dma_wait3A_806 = tpu.memref_squeeze %dma_wait3A_805 : memref<1x128xi32, #tpu.memory_space<vmem>> -> memref<128xi32, #tpu.memory_space<vmem>>
    %dma_wait3A_807 = arith.constant 0 : i32
    %dma_wait3A_808 = tpu.memref_slice %arg3[%dma_wait3A_807] : memref<100000xf32, #tpu.memory_space<hbm>> -> memref<100000xf32, #tpu.memory_space<hbm>>
    %dma_wait3A_809 = tpu.memref_slice %arg14[%dma_wait3A_800] : memref<13x!tpu.dma_semaphore, #tpu.memory_space<semaphore_mem>> -> memref<1x!tpu.dma_semaphore, #tpu.memory_space<semaphore_mem>>
    %dma_wait3A_810 = tpu.memref_squeeze %dma_wait3A_809 : memref<1x!tpu.dma_semaphore, #tpu.memory_space<semaphore_mem>> -> memref<!tpu.dma_semaphore, #tpu.memory_space<semaphore_mem>>
    tpu.wait_indirect_dma semaphore(%dma_wait3A_810 : memref<!tpu.dma_semaphore, #tpu.memory_space<semaphore_mem>>) src(%dma_wait3A_808 : memref<100000xf32, #tpu.memory_space<hbm>>) dst(%dma_wait3A_803 : memref<128xf32, #tpu.memory_space<vmem>>)
    %dma_wait3A_811 = arith.constant 1 : i32
    %dma_wait3A_812 = arith.constant 1 : i32
    %dma_wait3A_813 = arith.constant 12 : i32
    %dma_wait3A_814 = arith.constant 0 : i32
    %dma_wait3A_815 = tpu.memref_slice %arg11[%dma_wait3A_812, %dma_wait3A_814] : memref<8x128xf32, #tpu.memory_space<vmem>> -> memref<1x128xf32, #tpu.memory_space<vmem>>
    %dma_wait3A_816 = tpu.memref_squeeze %dma_wait3A_815 : memref<1x128xf32, #tpu.memory_space<vmem>> -> memref<128xf32, #tpu.memory_space<vmem>>
    %dma_wait3A_817 = arith.constant 0 : i32
    %dma_wait3A_818 = tpu.memref_slice %arg9[%dma_wait3A_811, %dma_wait3A_817] : memref<8x128xi32, #tpu.memory_space<vmem>> -> memref<1x128xi32, #tpu.memory_space<vmem>>
    %dma_wait3A_819 = tpu.memref_squeeze %dma_wait3A_818 : memref<1x128xi32, #tpu.memory_space<vmem>> -> memref<128xi32, #tpu.memory_space<vmem>>
    %dma_wait3A_820 = arith.constant 0 : i32
    %dma_wait3A_821 = tpu.memref_slice %arg3[%dma_wait3A_820] : memref<100000xf32, #tpu.memory_space<hbm>> -> memref<100000xf32, #tpu.memory_space<hbm>>
    %dma_wait3A_822 = tpu.memref_slice %arg14[%dma_wait3A_813] : memref<13x!tpu.dma_semaphore, #tpu.memory_space<semaphore_mem>> -> memref<1x!tpu.dma_semaphore, #tpu.memory_space<semaphore_mem>>
    %dma_wait3A_823 = tpu.memref_squeeze %dma_wait3A_822 : memref<1x!tpu.dma_semaphore, #tpu.memory_space<semaphore_mem>> -> memref<!tpu.dma_semaphore, #tpu.memory_space<semaphore_mem>>
    tpu.wait_indirect_dma semaphore(%dma_wait3A_823 : memref<!tpu.dma_semaphore, #tpu.memory_space<semaphore_mem>>) src(%dma_wait3A_821 : memref<100000xf32, #tpu.memory_space<hbm>>) dst(%dma_wait3A_816 : memref<128xf32, #tpu.memory_space<vmem>>)
    %dma_wait3A_824 = arith.constant 2 : i32
    %dma_wait3A_825 = arith.constant 2 : i32
    %dma_wait3A_826 = arith.constant 12 : i32
    %dma_wait3A_827 = arith.constant 0 : i32
    %dma_wait3A_828 = tpu.memref_slice %arg11[%dma_wait3A_825, %dma_wait3A_827] : memref<8x128xf32, #tpu.memory_space<vmem>> -> memref<1x128xf32, #tpu.memory_space<vmem>>
    %dma_wait3A_829 = tpu.memref_squeeze %dma_wait3A_828 : memref<1x128xf32, #tpu.memory_space<vmem>> -> memref<128xf32, #tpu.memory_space<vmem>>
    %dma_wait3A_830 = arith.constant 0 : i32
    %dma_wait3A_831 = tpu.memref_slice %arg9[%dma_wait3A_824, %dma_wait3A_830] : memref<8x128xi32, #tpu.memory_space<vmem>> -> memref<1x128xi32, #tpu.memory_space<vmem>>
    %dma_wait3A_832 = tpu.memref_squeeze %dma_wait3A_831 : memref<1x128xi32, #tpu.memory_space<vmem>> -> memref<128xi32, #tpu.memory_space<vmem>>
    %dma_wait3A_833 = arith.constant 0 : i32
    %dma_wait3A_834 = tpu.memref_slice %arg3[%dma_wait3A_833] : memref<100000xf32, #tpu.memory_space<hbm>> -> memref<100000xf32, #tpu.memory_space<hbm>>
    %dma_wait3A_835 = tpu.memref_slice %arg14[%dma_wait3A_826] : memref<13x!tpu.dma_semaphore, #tpu.memory_space<semaphore_mem>> -> memref<1x!tpu.dma_semaphore, #tpu.memory_space<semaphore_mem>>
    %dma_wait3A_836 = tpu.memref_squeeze %dma_wait3A_835 : memref<1x!tpu.dma_semaphore, #tpu.memory_space<semaphore_mem>> -> memref<!tpu.dma_semaphore, #tpu.memory_space<semaphore_mem>>
    tpu.wait_indirect_dma semaphore(%dma_wait3A_836 : memref<!tpu.dma_semaphore, #tpu.memory_space<semaphore_mem>>) src(%dma_wait3A_834 : memref<100000xf32, #tpu.memory_space<hbm>>) dst(%dma_wait3A_829 : memref<128xf32, #tpu.memory_space<vmem>>)
    %dma_wait3A_837 = arith.constant 3 : i32
    %dma_wait3A_838 = arith.constant 3 : i32
    %dma_wait3A_839 = arith.constant 12 : i32
    %dma_wait3A_840 = arith.constant 0 : i32
    %dma_wait3A_841 = tpu.memref_slice %arg11[%dma_wait3A_838, %dma_wait3A_840] : memref<8x128xf32, #tpu.memory_space<vmem>> -> memref<1x128xf32, #tpu.memory_space<vmem>>
    %dma_wait3A_842 = tpu.memref_squeeze %dma_wait3A_841 : memref<1x128xf32, #tpu.memory_space<vmem>> -> memref<128xf32, #tpu.memory_space<vmem>>
    %dma_wait3A_843 = arith.constant 0 : i32
    %dma_wait3A_844 = tpu.memref_slice %arg9[%dma_wait3A_837, %dma_wait3A_843] : memref<8x128xi32, #tpu.memory_space<vmem>> -> memref<1x128xi32, #tpu.memory_space<vmem>>
    %dma_wait3A_845 = tpu.memref_squeeze %dma_wait3A_844 : memref<1x128xi32, #tpu.memory_space<vmem>> -> memref<128xi32, #tpu.memory_space<vmem>>
    %dma_wait3A_846 = arith.constant 0 : i32
    %dma_wait3A_847 = tpu.memref_slice %arg3[%dma_wait3A_846] : memref<100000xf32, #tpu.memory_space<hbm>> -> memref<100000xf32, #tpu.memory_space<hbm>>
    %dma_wait3A_848 = tpu.memref_slice %arg14[%dma_wait3A_839] : memref<13x!tpu.dma_semaphore, #tpu.memory_space<semaphore_mem>> -> memref<1x!tpu.dma_semaphore, #tpu.memory_space<semaphore_mem>>
    %dma_wait3A_849 = tpu.memref_squeeze %dma_wait3A_848 : memref<1x!tpu.dma_semaphore, #tpu.memory_space<semaphore_mem>> -> memref<!tpu.dma_semaphore, #tpu.memory_space<semaphore_mem>>
    tpu.wait_indirect_dma semaphore(%dma_wait3A_849 : memref<!tpu.dma_semaphore, #tpu.memory_space<semaphore_mem>>) src(%dma_wait3A_847 : memref<100000xf32, #tpu.memory_space<hbm>>) dst(%dma_wait3A_842 : memref<128xf32, #tpu.memory_space<vmem>>)
    %dma_wait3A_850 = arith.constant 4 : i32
    %dma_wait3A_851 = arith.constant 4 : i32
    %dma_wait3A_852 = arith.constant 12 : i32
    %dma_wait3A_853 = arith.constant 0 : i32
    %dma_wait3A_854 = tpu.memref_slice %arg11[%dma_wait3A_851, %dma_wait3A_853] : memref<8x128xf32, #tpu.memory_space<vmem>> -> memref<1x128xf32, #tpu.memory_space<vmem>>
    %dma_wait3A_855 = tpu.memref_squeeze %dma_wait3A_854 : memref<1x128xf32, #tpu.memory_space<vmem>> -> memref<128xf32, #tpu.memory_space<vmem>>
    %dma_wait3A_856 = arith.constant 0 : i32
    %dma_wait3A_857 = tpu.memref_slice %arg9[%dma_wait3A_850, %dma_wait3A_856] : memref<8x128xi32, #tpu.memory_space<vmem>> -> memref<1x128xi32, #tpu.memory_space<vmem>>
    %dma_wait3A_858 = tpu.memref_squeeze %dma_wait3A_857 : memref<1x128xi32, #tpu.memory_space<vmem>> -> memref<128xi32, #tpu.memory_space<vmem>>
    %dma_wait3A_859 = arith.constant 0 : i32
    %dma_wait3A_860 = tpu.memref_slice %arg3[%dma_wait3A_859] : memref<100000xf32, #tpu.memory_space<hbm>> -> memref<100000xf32, #tpu.memory_space<hbm>>
    %dma_wait3A_861 = tpu.memref_slice %arg14[%dma_wait3A_852] : memref<13x!tpu.dma_semaphore, #tpu.memory_space<semaphore_mem>> -> memref<1x!tpu.dma_semaphore, #tpu.memory_space<semaphore_mem>>
    %dma_wait3A_862 = tpu.memref_squeeze %dma_wait3A_861 : memref<1x!tpu.dma_semaphore, #tpu.memory_space<semaphore_mem>> -> memref<!tpu.dma_semaphore, #tpu.memory_space<semaphore_mem>>
    tpu.wait_indirect_dma semaphore(%dma_wait3A_862 : memref<!tpu.dma_semaphore, #tpu.memory_space<semaphore_mem>>) src(%dma_wait3A_860 : memref<100000xf32, #tpu.memory_space<hbm>>) dst(%dma_wait3A_855 : memref<128xf32, #tpu.memory_space<vmem>>)
    %dma_wait3A_863 = arith.constant 5 : i32
    %dma_wait3A_864 = arith.constant 5 : i32
    %dma_wait3A_865 = arith.constant 12 : i32
    %dma_wait3A_866 = arith.constant 0 : i32
    %dma_wait3A_867 = tpu.memref_slice %arg11[%dma_wait3A_864, %dma_wait3A_866] : memref<8x128xf32, #tpu.memory_space<vmem>> -> memref<1x128xf32, #tpu.memory_space<vmem>>
    %dma_wait3A_868 = tpu.memref_squeeze %dma_wait3A_867 : memref<1x128xf32, #tpu.memory_space<vmem>> -> memref<128xf32, #tpu.memory_space<vmem>>
    %dma_wait3A_869 = arith.constant 0 : i32
    %dma_wait3A_870 = tpu.memref_slice %arg9[%dma_wait3A_863, %dma_wait3A_869] : memref<8x128xi32, #tpu.memory_space<vmem>> -> memref<1x128xi32, #tpu.memory_space<vmem>>
    %dma_wait3A_871 = tpu.memref_squeeze %dma_wait3A_870 : memref<1x128xi32, #tpu.memory_space<vmem>> -> memref<128xi32, #tpu.memory_space<vmem>>
    %dma_wait3A_872 = arith.constant 0 : i32
    %dma_wait3A_873 = tpu.memref_slice %arg3[%dma_wait3A_872] : memref<100000xf32, #tpu.memory_space<hbm>> -> memref<100000xf32, #tpu.memory_space<hbm>>
    %dma_wait3A_874 = tpu.memref_slice %arg14[%dma_wait3A_865] : memref<13x!tpu.dma_semaphore, #tpu.memory_space<semaphore_mem>> -> memref<1x!tpu.dma_semaphore, #tpu.memory_space<semaphore_mem>>
    %dma_wait3A_875 = tpu.memref_squeeze %dma_wait3A_874 : memref<1x!tpu.dma_semaphore, #tpu.memory_space<semaphore_mem>> -> memref<!tpu.dma_semaphore, #tpu.memory_space<semaphore_mem>>
    tpu.wait_indirect_dma semaphore(%dma_wait3A_875 : memref<!tpu.dma_semaphore, #tpu.memory_space<semaphore_mem>>) src(%dma_wait3A_873 : memref<100000xf32, #tpu.memory_space<hbm>>) dst(%dma_wait3A_868 : memref<128xf32, #tpu.memory_space<vmem>>)
    %dma_wait3A_876 = arith.constant 6 : i32
    %dma_wait3A_877 = arith.constant 6 : i32
    %dma_wait3A_878 = arith.constant 12 : i32
    %dma_wait3A_879 = arith.constant 0 : i32
    %dma_wait3A_880 = tpu.memref_slice %arg11[%dma_wait3A_877, %dma_wait3A_879] : memref<8x128xf32, #tpu.memory_space<vmem>> -> memref<1x128xf32, #tpu.memory_space<vmem>>
    %dma_wait3A_881 = tpu.memref_squeeze %dma_wait3A_880 : memref<1x128xf32, #tpu.memory_space<vmem>> -> memref<128xf32, #tpu.memory_space<vmem>>
    %dma_wait3A_882 = arith.constant 0 : i32
    %dma_wait3A_883 = tpu.memref_slice %arg9[%dma_wait3A_876, %dma_wait3A_882] : memref<8x128xi32, #tpu.memory_space<vmem>> -> memref<1x128xi32, #tpu.memory_space<vmem>>
    %dma_wait3A_884 = tpu.memref_squeeze %dma_wait3A_883 : memref<1x128xi32, #tpu.memory_space<vmem>> -> memref<128xi32, #tpu.memory_space<vmem>>
    %dma_wait3A_885 = arith.constant 0 : i32
    %dma_wait3A_886 = tpu.memref_slice %arg3[%dma_wait3A_885] : memref<100000xf32, #tpu.memory_space<hbm>> -> memref<100000xf32, #tpu.memory_space<hbm>>
    %dma_wait3A_887 = tpu.memref_slice %arg14[%dma_wait3A_878] : memref<13x!tpu.dma_semaphore, #tpu.memory_space<semaphore_mem>> -> memref<1x!tpu.dma_semaphore, #tpu.memory_space<semaphore_mem>>
    %dma_wait3A_888 = tpu.memref_squeeze %dma_wait3A_887 : memref<1x!tpu.dma_semaphore, #tpu.memory_space<semaphore_mem>> -> memref<!tpu.dma_semaphore, #tpu.memory_space<semaphore_mem>>
    tpu.wait_indirect_dma semaphore(%dma_wait3A_888 : memref<!tpu.dma_semaphore, #tpu.memory_space<semaphore_mem>>) src(%dma_wait3A_886 : memref<100000xf32, #tpu.memory_space<hbm>>) dst(%dma_wait3A_881 : memref<128xf32, #tpu.memory_space<vmem>>)
    %dma_wait3A_889 = arith.constant 7 : i32
    %dma_wait3A_890 = arith.constant 7 : i32
    %dma_wait3A_891 = arith.constant 12 : i32
    %dma_wait3A_892 = arith.constant 0 : i32
    %dma_wait3A_893 = tpu.memref_slice %arg11[%dma_wait3A_890, %dma_wait3A_892] : memref<8x128xf32, #tpu.memory_space<vmem>> -> memref<1x128xf32, #tpu.memory_space<vmem>>
    %dma_wait3A_894 = tpu.memref_squeeze %dma_wait3A_893 : memref<1x128xf32, #tpu.memory_space<vmem>> -> memref<128xf32, #tpu.memory_space<vmem>>
    %dma_wait3A_895 = arith.constant 0 : i32
    %dma_wait3A_896 = tpu.memref_slice %arg9[%dma_wait3A_889, %dma_wait3A_895] : memref<8x128xi32, #tpu.memory_space<vmem>> -> memref<1x128xi32, #tpu.memory_space<vmem>>
    %dma_wait3A_897 = tpu.memref_squeeze %dma_wait3A_896 : memref<1x128xi32, #tpu.memory_space<vmem>> -> memref<128xi32, #tpu.memory_space<vmem>>
    %dma_wait3A_898 = arith.constant 0 : i32
    %dma_wait3A_899 = tpu.memref_slice %arg3[%dma_wait3A_898] : memref<100000xf32, #tpu.memory_space<hbm>> -> memref<100000xf32, #tpu.memory_space<hbm>>
    %dma_wait3A_900 = tpu.memref_slice %arg14[%dma_wait3A_891] : memref<13x!tpu.dma_semaphore, #tpu.memory_space<semaphore_mem>> -> memref<1x!tpu.dma_semaphore, #tpu.memory_space<semaphore_mem>>
    %dma_wait3A_901 = tpu.memref_squeeze %dma_wait3A_900 : memref<1x!tpu.dma_semaphore, #tpu.memory_space<semaphore_mem>> -> memref<!tpu.dma_semaphore, #tpu.memory_space<semaphore_mem>>
    tpu.wait_indirect_dma semaphore(%dma_wait3A_901 : memref<!tpu.dma_semaphore, #tpu.memory_space<semaphore_mem>>) src(%dma_wait3A_899 : memref<100000xf32, #tpu.memory_space<hbm>>) dst(%dma_wait3A_894 : memref<128xf32, #tpu.memory_space<vmem>>)
    %get3A = arith.constant 0 : i32
    %get3A_902 = arith.index_cast %get3A : i32 to index
    %get3A_903 = arith.constant 0 : index
    %get3A_904 = tpu.vector_load %arg11[%get3A_902, %get3A_903] {strides = array<i32>} : memref<8x128xf32, #tpu.memory_space<vmem>>, vector<1x16xf32>,
    %get3A_905 = vector.shape_cast %get3A_904 : vector<1x16xf32> to vector<16xf32>
    %abs3A = math.absf %get3A_905 : vector<16xf32>
    %get3A_906 = arith.constant 4 : i32
    %get3A_907 = arith.index_cast %get3A_906 : i32 to index
    %get3A_908 = arith.constant 0 : index
    %get3A_909 = tpu.vector_load %arg11[%get3A_907, %get3A_908] {strides = array<i32>} : memref<8x128xf32, #tpu.memory_space<vmem>>, vector<1x16xf32>,
    %get3A_910 = vector.shape_cast %get3A_909 : vector<1x16xf32> to vector<16xf32>
    %abs3A_911 = math.absf %get3A_910 : vector<16xf32>
    %sub3A = arith.subf %abs3A, %abs3A_911 : vector<16xf32>
    %swap3A_912 = arith.constant 0 : i32
    %swap3A_913 = arith.index_cast %swap3A_912 : i32 to index
    %swap3A_914 = arith.constant 0 : index
    %swap3A_915 = tpu.vector_load %arg12[%swap3A_913, %swap3A_914] {strides = array<i32>} : memref<4x128xf32, #tpu.memory_space<vmem>>, vector<1x16xf32>,
    %swap3A_916 = vector.shape_cast %swap3A_915 : vector<1x16xf32> to vector<16xf32>
    %swap3A_917 = vector.shape_cast %sub3A : vector<16xf32> to vector<1x16xf32>
    tpu.vector_store %arg12[%swap3A_913, %swap3A_914], %swap3A_917 {strides = array<i32>} : memref<4x128xf32, #tpu.memory_space<vmem>>, vector<1x16xf32>,
    %get3A_918 = arith.constant 0 : i32
    %get3A_919 = arith.index_cast %get3A_918 : i32 to index
    %get3A_920 = arith.constant 16 : index
    %get3A_921 = tpu.vector_load %arg11[%get3A_919, %get3A_920] {strides = array<i32>} : memref<8x128xf32, #tpu.memory_space<vmem>>, vector<1x16xf32>,
    %get3A_922 = vector.shape_cast %get3A_921 : vector<1x16xf32> to vector<16xf32>
    %abs3A_923 = math.absf %get3A_922 : vector<16xf32>
    %get3A_924 = arith.constant 4 : i32
    %get3A_925 = arith.index_cast %get3A_924 : i32 to index
    %get3A_926 = arith.constant 16 : index
    %get3A_927 = tpu.vector_load %arg11[%get3A_925, %get3A_926] {strides = array<i32>} : memref<8x128xf32, #tpu.memory_space<vmem>>, vector<1x16xf32>,
    %get3A_928 = vector.shape_cast %get3A_927 : vector<1x16xf32> to vector<16xf32>
    %abs3A_929 = math.absf %get3A_928 : vector<16xf32>
    %sub3A_930 = arith.subf %abs3A_923, %abs3A_929 : vector<16xf32>
    %swap3A_931 = arith.constant 0 : i32
    %swap3A_932 = arith.index_cast %swap3A_931 : i32 to index
    %swap3A_933 = arith.constant 16 : index
    %swap3A_934 = tpu.vector_load %arg12[%swap3A_932, %swap3A_933] {strides = array<i32>} : memref<4x128xf32, #tpu.memory_space<vmem>>, vector<1x16xf32>,
    %swap3A_935 = vector.shape_cast %swap3A_934 : vector<1x16xf32> to vector<16xf32>
    %swap3A_936 = vector.shape_cast %sub3A_930 : vector<16xf32> to vector<1x16xf32>
    tpu.vector_store %arg12[%swap3A_932, %swap3A_933], %swap3A_936 {strides = array<i32>} : memref<4x128xf32, #tpu.memory_space<vmem>>, vector<1x16xf32>,
    %get3A_937 = arith.constant 0 : i32
    %get3A_938 = arith.index_cast %get3A_937 : i32 to index
    %get3A_939 = arith.constant 32 : index
    %get3A_940 = tpu.vector_load %arg11[%get3A_938, %get3A_939] {strides = array<i32>} : memref<8x128xf32, #tpu.memory_space<vmem>>, vector<1x16xf32>,
    %get3A_941 = vector.shape_cast %get3A_940 : vector<1x16xf32> to vector<16xf32>
    %abs3A_942 = math.absf %get3A_941 : vector<16xf32>
    %get3A_943 = arith.constant 4 : i32
    %get3A_944 = arith.index_cast %get3A_943 : i32 to index
    %get3A_945 = arith.constant 32 : index
    %get3A_946 = tpu.vector_load %arg11[%get3A_944, %get3A_945] {strides = array<i32>} : memref<8x128xf32, #tpu.memory_space<vmem>>, vector<1x16xf32>,
    %get3A_947 = vector.shape_cast %get3A_946 : vector<1x16xf32> to vector<16xf32>
    %abs3A_948 = math.absf %get3A_947 : vector<16xf32>
    %sub3A_949 = arith.subf %abs3A_942, %abs3A_948 : vector<16xf32>
    %swap3A_950 = arith.constant 0 : i32
    %swap3A_951 = arith.index_cast %swap3A_950 : i32 to index
    %swap3A_952 = arith.constant 32 : index
    %swap3A_953 = tpu.vector_load %arg12[%swap3A_951, %swap3A_952] {strides = array<i32>} : memref<4x128xf32, #tpu.memory_space<vmem>>, vector<1x16xf32>,
    %swap3A_954 = vector.shape_cast %swap3A_953 : vector<1x16xf32> to vector<16xf32>
    %swap3A_955 = vector.shape_cast %sub3A_949 : vector<16xf32> to vector<1x16xf32>
    tpu.vector_store %arg12[%swap3A_951, %swap3A_952], %swap3A_955 {strides = array<i32>} : memref<4x128xf32, #tpu.memory_space<vmem>>, vector<1x16xf32>,
    %get3A_956 = arith.constant 0 : i32
    %get3A_957 = arith.index_cast %get3A_956 : i32 to index
    %get3A_958 = arith.constant 48 : index
    %get3A_959 = tpu.vector_load %arg11[%get3A_957, %get3A_958] {strides = array<i32>} : memref<8x128xf32, #tpu.memory_space<vmem>>, vector<1x16xf32>,
    %get3A_960 = vector.shape_cast %get3A_959 : vector<1x16xf32> to vector<16xf32>
    %abs3A_961 = math.absf %get3A_960 : vector<16xf32>
    %get3A_962 = arith.constant 4 : i32
    %get3A_963 = arith.index_cast %get3A_962 : i32 to index
    %get3A_964 = arith.constant 48 : index
    %get3A_965 = tpu.vector_load %arg11[%get3A_963, %get3A_964] {strides = array<i32>} : memref<8x128xf32, #tpu.memory_space<vmem>>, vector<1x16xf32>,
    %get3A_966 = vector.shape_cast %get3A_965 : vector<1x16xf32> to vector<16xf32>
    %abs3A_967 = math.absf %get3A_966 : vector<16xf32>
    %sub3A_968 = arith.subf %abs3A_961, %abs3A_967 : vector<16xf32>
    %swap3A_969 = arith.constant 0 : i32
    %swap3A_970 = arith.index_cast %swap3A_969 : i32 to index
    %swap3A_971 = arith.constant 48 : index
    %swap3A_972 = tpu.vector_load %arg12[%swap3A_970, %swap3A_971] {strides = array<i32>} : memref<4x128xf32, #tpu.memory_space<vmem>>, vector<1x16xf32>,
    %swap3A_973 = vector.shape_cast %swap3A_972 : vector<1x16xf32> to vector<16xf32>
    %swap3A_974 = vector.shape_cast %sub3A_968 : vector<16xf32> to vector<1x16xf32>
    tpu.vector_store %arg12[%swap3A_970, %swap3A_971], %swap3A_974 {strides = array<i32>} : memref<4x128xf32, #tpu.memory_space<vmem>>, vector<1x16xf32>,
    %get3A_975 = arith.constant 0 : i32
    %get3A_976 = arith.index_cast %get3A_975 : i32 to index
    %get3A_977 = arith.constant 64 : index
    %get3A_978 = tpu.vector_load %arg11[%get3A_976, %get3A_977] {strides = array<i32>} : memref<8x128xf32, #tpu.memory_space<vmem>>, vector<1x16xf32>,
    %get3A_979 = vector.shape_cast %get3A_978 : vector<1x16xf32> to vector<16xf32>
    %abs3A_980 = math.absf %get3A_979 : vector<16xf32>
    %get3A_981 = arith.constant 4 : i32
    %get3A_982 = arith.index_cast %get3A_981 : i32 to index
    %get3A_983 = arith.constant 64 : index
    %get3A_984 = tpu.vector_load %arg11[%get3A_982, %get3A_983] {strides = array<i32>} : memref<8x128xf32, #tpu.memory_space<vmem>>, vector<1x16xf32>,
    %get3A_985 = vector.shape_cast %get3A_984 : vector<1x16xf32> to vector<16xf32>
    %abs3A_986 = math.absf %get3A_985 : vector<16xf32>
    %sub3A_987 = arith.subf %abs3A_980, %abs3A_986 : vector<16xf32>
    %swap3A_988 = arith.constant 0 : i32
    %swap3A_989 = arith.index_cast %swap3A_988 : i32 to index
    %swap3A_990 = arith.constant 64 : index
    %swap3A_991 = tpu.vector_load %arg12[%swap3A_989, %swap3A_990] {strides = array<i32>} : memref<4x128xf32, #tpu.memory_space<vmem>>, vector<1x16xf32>,
    %swap3A_992 = vector.shape_cast %swap3A_991 : vector<1x16xf32> to vector<16xf32>
    %swap3A_993 = vector.shape_cast %sub3A_987 : vector<16xf32> to vector<1x16xf32>
    tpu.vector_store %arg12[%swap3A_989, %swap3A_990], %swap3A_993 {strides = array<i32>} : memref<4x128xf32, #tpu.memory_space<vmem>>, vector<1x16xf32>,
    %get3A_994 = arith.constant 0 : i32
    %get3A_995 = arith.index_cast %get3A_994 : i32 to index
    %get3A_996 = arith.constant 80 : index
    %get3A_997 = tpu.vector_load %arg11[%get3A_995, %get3A_996] {strides = array<i32>} : memref<8x128xf32, #tpu.memory_space<vmem>>, vector<1x16xf32>,
    %get3A_998 = vector.shape_cast %get3A_997 : vector<1x16xf32> to vector<16xf32>
    %abs3A_999 = math.absf %get3A_998 : vector<16xf32>
    %get3A_1000 = arith.constant 4 : i32
    %get3A_1001 = arith.index_cast %get3A_1000 : i32 to index
    %get3A_1002 = arith.constant 80 : index
    %get3A_1003 = tpu.vector_load %arg11[%get3A_1001, %get3A_1002] {strides = array<i32>} : memref<8x128xf32, #tpu.memory_space<vmem>>, vector<1x16xf32>,
    %get3A_1004 = vector.shape_cast %get3A_1003 : vector<1x16xf32> to vector<16xf32>
    %abs3A_1005 = math.absf %get3A_1004 : vector<16xf32>
    %sub3A_1006 = arith.subf %abs3A_999, %abs3A_1005 : vector<16xf32>
    %swap3A_1007 = arith.constant 0 : i32
    %swap3A_1008 = arith.index_cast %swap3A_1007 : i32 to index
    %swap3A_1009 = arith.constant 80 : index
    %swap3A_1010 = tpu.vector_load %arg12[%swap3A_1008, %swap3A_1009] {strides = array<i32>} : memref<4x128xf32, #tpu.memory_space<vmem>>, vector<1x16xf32>,
    %swap3A_1011 = vector.shape_cast %swap3A_1010 : vector<1x16xf32> to vector<16xf32>
    %swap3A_1012 = vector.shape_cast %sub3A_1006 : vector<16xf32> to vector<1x16xf32>
    tpu.vector_store %arg12[%swap3A_1008, %swap3A_1009], %swap3A_1012 {strides = array<i32>} : memref<4x128xf32, #tpu.memory_space<vmem>>, vector<1x16xf32>,
    %get3A_1013 = arith.constant 0 : i32
    %get3A_1014 = arith.index_cast %get3A_1013 : i32 to index
    %get3A_1015 = arith.constant 96 : index
    %get3A_1016 = tpu.vector_load %arg11[%get3A_1014, %get3A_1015] {strides = array<i32>} : memref<8x128xf32, #tpu.memory_space<vmem>>, vector<1x16xf32>,
    %get3A_1017 = vector.shape_cast %get3A_1016 : vector<1x16xf32> to vector<16xf32>
    %abs3A_1018 = math.absf %get3A_1017 : vector<16xf32>
    %get3A_1019 = arith.constant 4 : i32
    %get3A_1020 = arith.index_cast %get3A_1019 : i32 to index
    %get3A_1021 = arith.constant 96 : index
    %get3A_1022 = tpu.vector_load %arg11[%get3A_1020, %get3A_1021] {strides = array<i32>} : memref<8x128xf32, #tpu.memory_space<vmem>>, vector<1x16xf32>,
    %get3A_1023 = vector.shape_cast %get3A_1022 : vector<1x16xf32> to vector<16xf32>
    %abs3A_1024 = math.absf %get3A_1023 : vector<16xf32>
    %sub3A_1025 = arith.subf %abs3A_1018, %abs3A_1024 : vector<16xf32>
    %swap3A_1026 = arith.constant 0 : i32
    %swap3A_1027 = arith.index_cast %swap3A_1026 : i32 to index
    %swap3A_1028 = arith.constant 96 : index
    %swap3A_1029 = tpu.vector_load %arg12[%swap3A_1027, %swap3A_1028] {strides = array<i32>} : memref<4x128xf32, #tpu.memory_space<vmem>>, vector<1x16xf32>,
    %swap3A_1030 = vector.shape_cast %swap3A_1029 : vector<1x16xf32> to vector<16xf32>
    %swap3A_1031 = vector.shape_cast %sub3A_1025 : vector<16xf32> to vector<1x16xf32>
    tpu.vector_store %arg12[%swap3A_1027, %swap3A_1028], %swap3A_1031 {strides = array<i32>} : memref<4x128xf32, #tpu.memory_space<vmem>>, vector<1x16xf32>,
    %get3A_1032 = arith.constant 0 : i32
    %get3A_1033 = arith.index_cast %get3A_1032 : i32 to index
    %get3A_1034 = arith.constant 112 : index
    %get3A_1035 = tpu.vector_load %arg11[%get3A_1033, %get3A_1034] {strides = array<i32>} : memref<8x128xf32, #tpu.memory_space<vmem>>, vector<1x16xf32>,
    %get3A_1036 = vector.shape_cast %get3A_1035 : vector<1x16xf32> to vector<16xf32>
    %abs3A_1037 = math.absf %get3A_1036 : vector<16xf32>
    %get3A_1038 = arith.constant 4 : i32
    %get3A_1039 = arith.index_cast %get3A_1038 : i32 to index
    %get3A_1040 = arith.constant 112 : index
    %get3A_1041 = tpu.vector_load %arg11[%get3A_1039, %get3A_1040] {strides = array<i32>} : memref<8x128xf32, #tpu.memory_space<vmem>>, vector<1x16xf32>,
    %get3A_1042 = vector.shape_cast %get3A_1041 : vector<1x16xf32> to vector<16xf32>
    %abs3A_1043 = math.absf %get3A_1042 : vector<16xf32>
    %sub3A_1044 = arith.subf %abs3A_1037, %abs3A_1043 : vector<16xf32>
    %swap3A_1045 = arith.constant 0 : i32
    %swap3A_1046 = arith.index_cast %swap3A_1045 : i32 to index
    %swap3A_1047 = arith.constant 112 : index
    %swap3A_1048 = tpu.vector_load %arg12[%swap3A_1046, %swap3A_1047] {strides = array<i32>} : memref<4x128xf32, #tpu.memory_space<vmem>>, vector<1x16xf32>,
    %swap3A_1049 = vector.shape_cast %swap3A_1048 : vector<1x16xf32> to vector<16xf32>
    %swap3A_1050 = vector.shape_cast %sub3A_1044 : vector<16xf32> to vector<1x16xf32>
    tpu.vector_store %arg12[%swap3A_1046, %swap3A_1047], %swap3A_1050 {strides = array<i32>} : memref<4x128xf32, #tpu.memory_space<vmem>>, vector<1x16xf32>,
    %get3A_1051 = arith.constant 1 : i32
    %get3A_1052 = arith.index_cast %get3A_1051 : i32 to index
    %get3A_1053 = arith.constant 0 : index
    %get3A_1054 = tpu.vector_load %arg11[%get3A_1052, %get3A_1053] {strides = array<i32>} : memref<8x128xf32, #tpu.memory_space<vmem>>, vector<1x16xf32>,
    %get3A_1055 = vector.shape_cast %get3A_1054 : vector<1x16xf32> to vector<16xf32>
    %abs3A_1056 = math.absf %get3A_1055 : vector<16xf32>
    %get3A_1057 = arith.constant 5 : i32
    %get3A_1058 = arith.index_cast %get3A_1057 : i32 to index
    %get3A_1059 = arith.constant 0 : index
    %get3A_1060 = tpu.vector_load %arg11[%get3A_1058, %get3A_1059] {strides = array<i32>} : memref<8x128xf32, #tpu.memory_space<vmem>>, vector<1x16xf32>,
    %get3A_1061 = vector.shape_cast %get3A_1060 : vector<1x16xf32> to vector<16xf32>
    %abs3A_1062 = math.absf %get3A_1061 : vector<16xf32>
    %sub3A_1063 = arith.subf %abs3A_1056, %abs3A_1062 : vector<16xf32>
    %swap3A_1064 = arith.constant 1 : i32
    %swap3A_1065 = arith.index_cast %swap3A_1064 : i32 to index
    %swap3A_1066 = arith.constant 0 : index
    %swap3A_1067 = tpu.vector_load %arg12[%swap3A_1065, %swap3A_1066] {strides = array<i32>} : memref<4x128xf32, #tpu.memory_space<vmem>>, vector<1x16xf32>,
    %swap3A_1068 = vector.shape_cast %swap3A_1067 : vector<1x16xf32> to vector<16xf32>
    %swap3A_1069 = vector.shape_cast %sub3A_1063 : vector<16xf32> to vector<1x16xf32>
    tpu.vector_store %arg12[%swap3A_1065, %swap3A_1066], %swap3A_1069 {strides = array<i32>} : memref<4x128xf32, #tpu.memory_space<vmem>>, vector<1x16xf32>,
    %get3A_1070 = arith.constant 1 : i32
    %get3A_1071 = arith.index_cast %get3A_1070 : i32 to index
    %get3A_1072 = arith.constant 16 : index
    %get3A_1073 = tpu.vector_load %arg11[%get3A_1071, %get3A_1072] {strides = array<i32>} : memref<8x128xf32, #tpu.memory_space<vmem>>, vector<1x16xf32>,
    %get3A_1074 = vector.shape_cast %get3A_1073 : vector<1x16xf32> to vector<16xf32>
    %abs3A_1075 = math.absf %get3A_1074 : vector<16xf32>
    %get3A_1076 = arith.constant 5 : i32
    %get3A_1077 = arith.index_cast %get3A_1076 : i32 to index
    %get3A_1078 = arith.constant 16 : index
    %get3A_1079 = tpu.vector_load %arg11[%get3A_1077, %get3A_1078] {strides = array<i32>} : memref<8x128xf32, #tpu.memory_space<vmem>>, vector<1x16xf32>,
    %get3A_1080 = vector.shape_cast %get3A_1079 : vector<1x16xf32> to vector<16xf32>
    %abs3A_1081 = math.absf %get3A_1080 : vector<16xf32>
    %sub3A_1082 = arith.subf %abs3A_1075, %abs3A_1081 : vector<16xf32>
    %swap3A_1083 = arith.constant 1 : i32
    %swap3A_1084 = arith.index_cast %swap3A_1083 : i32 to index
    %swap3A_1085 = arith.constant 16 : index
    %swap3A_1086 = tpu.vector_load %arg12[%swap3A_1084, %swap3A_1085] {strides = array<i32>} : memref<4x128xf32, #tpu.memory_space<vmem>>, vector<1x16xf32>,
    %swap3A_1087 = vector.shape_cast %swap3A_1086 : vector<1x16xf32> to vector<16xf32>
    %swap3A_1088 = vector.shape_cast %sub3A_1082 : vector<16xf32> to vector<1x16xf32>
    tpu.vector_store %arg12[%swap3A_1084, %swap3A_1085], %swap3A_1088 {strides = array<i32>} : memref<4x128xf32, #tpu.memory_space<vmem>>, vector<1x16xf32>,
    %get3A_1089 = arith.constant 1 : i32
    %get3A_1090 = arith.index_cast %get3A_1089 : i32 to index
    %get3A_1091 = arith.constant 32 : index
    %get3A_1092 = tpu.vector_load %arg11[%get3A_1090, %get3A_1091] {strides = array<i32>} : memref<8x128xf32, #tpu.memory_space<vmem>>, vector<1x16xf32>,
    %get3A_1093 = vector.shape_cast %get3A_1092 : vector<1x16xf32> to vector<16xf32>
    %abs3A_1094 = math.absf %get3A_1093 : vector<16xf32>
    %get3A_1095 = arith.constant 5 : i32
    %get3A_1096 = arith.index_cast %get3A_1095 : i32 to index
    %get3A_1097 = arith.constant 32 : index
    %get3A_1098 = tpu.vector_load %arg11[%get3A_1096, %get3A_1097] {strides = array<i32>} : memref<8x128xf32, #tpu.memory_space<vmem>>, vector<1x16xf32>,
    %get3A_1099 = vector.shape_cast %get3A_1098 : vector<1x16xf32> to vector<16xf32>
    %abs3A_1100 = math.absf %get3A_1099 : vector<16xf32>
    %sub3A_1101 = arith.subf %abs3A_1094, %abs3A_1100 : vector<16xf32>
    %swap3A_1102 = arith.constant 1 : i32
    %swap3A_1103 = arith.index_cast %swap3A_1102 : i32 to index
    %swap3A_1104 = arith.constant 32 : index
    %swap3A_1105 = tpu.vector_load %arg12[%swap3A_1103, %swap3A_1104] {strides = array<i32>} : memref<4x128xf32, #tpu.memory_space<vmem>>, vector<1x16xf32>,
    %swap3A_1106 = vector.shape_cast %swap3A_1105 : vector<1x16xf32> to vector<16xf32>
    %swap3A_1107 = vector.shape_cast %sub3A_1101 : vector<16xf32> to vector<1x16xf32>
    tpu.vector_store %arg12[%swap3A_1103, %swap3A_1104], %swap3A_1107 {strides = array<i32>} : memref<4x128xf32, #tpu.memory_space<vmem>>, vector<1x16xf32>,
    %get3A_1108 = arith.constant 1 : i32
    %get3A_1109 = arith.index_cast %get3A_1108 : i32 to index
    %get3A_1110 = arith.constant 48 : index
    %get3A_1111 = tpu.vector_load %arg11[%get3A_1109, %get3A_1110] {strides = array<i32>} : memref<8x128xf32, #tpu.memory_space<vmem>>, vector<1x16xf32>,
    %get3A_1112 = vector.shape_cast %get3A_1111 : vector<1x16xf32> to vector<16xf32>
    %abs3A_1113 = math.absf %get3A_1112 : vector<16xf32>
    %get3A_1114 = arith.constant 5 : i32
    %get3A_1115 = arith.index_cast %get3A_1114 : i32 to index
    %get3A_1116 = arith.constant 48 : index
    %get3A_1117 = tpu.vector_load %arg11[%get3A_1115, %get3A_1116] {strides = array<i32>} : memref<8x128xf32, #tpu.memory_space<vmem>>, vector<1x16xf32>,
    %get3A_1118 = vector.shape_cast %get3A_1117 : vector<1x16xf32> to vector<16xf32>
    %abs3A_1119 = math.absf %get3A_1118 : vector<16xf32>
    %sub3A_1120 = arith.subf %abs3A_1113, %abs3A_1119 : vector<16xf32>
    %swap3A_1121 = arith.constant 1 : i32
    %swap3A_1122 = arith.index_cast %swap3A_1121 : i32 to index
    %swap3A_1123 = arith.constant 48 : index
    %swap3A_1124 = tpu.vector_load %arg12[%swap3A_1122, %swap3A_1123] {strides = array<i32>} : memref<4x128xf32, #tpu.memory_space<vmem>>, vector<1x16xf32>,
    %swap3A_1125 = vector.shape_cast %swap3A_1124 : vector<1x16xf32> to vector<16xf32>
    %swap3A_1126 = vector.shape_cast %sub3A_1120 : vector<16xf32> to vector<1x16xf32>
    tpu.vector_store %arg12[%swap3A_1122, %swap3A_1123], %swap3A_1126 {strides = array<i32>} : memref<4x128xf32, #tpu.memory_space<vmem>>, vector<1x16xf32>,
    %get3A_1127 = arith.constant 1 : i32
    %get3A_1128 = arith.index_cast %get3A_1127 : i32 to index
    %get3A_1129 = arith.constant 64 : index
    %get3A_1130 = tpu.vector_load %arg11[%get3A_1128, %get3A_1129] {strides = array<i32>} : memref<8x128xf32, #tpu.memory_space<vmem>>, vector<1x16xf32>,
    %get3A_1131 = vector.shape_cast %get3A_1130 : vector<1x16xf32> to vector<16xf32>
    %abs3A_1132 = math.absf %get3A_1131 : vector<16xf32>
    %get3A_1133 = arith.constant 5 : i32
    %get3A_1134 = arith.index_cast %get3A_1133 : i32 to index
    %get3A_1135 = arith.constant 64 : index
    %get3A_1136 = tpu.vector_load %arg11[%get3A_1134, %get3A_1135] {strides = array<i32>} : memref<8x128xf32, #tpu.memory_space<vmem>>, vector<1x16xf32>,
    %get3A_1137 = vector.shape_cast %get3A_1136 : vector<1x16xf32> to vector<16xf32>
    %abs3A_1138 = math.absf %get3A_1137 : vector<16xf32>
    %sub3A_1139 = arith.subf %abs3A_1132, %abs3A_1138 : vector<16xf32>
    %swap3A_1140 = arith.constant 1 : i32
    %swap3A_1141 = arith.index_cast %swap3A_1140 : i32 to index
    %swap3A_1142 = arith.constant 64 : index
    %swap3A_1143 = tpu.vector_load %arg12[%swap3A_1141, %swap3A_1142] {strides = array<i32>} : memref<4x128xf32, #tpu.memory_space<vmem>>, vector<1x16xf32>,
    %swap3A_1144 = vector.shape_cast %swap3A_1143 : vector<1x16xf32> to vector<16xf32>
    %swap3A_1145 = vector.shape_cast %sub3A_1139 : vector<16xf32> to vector<1x16xf32>
    tpu.vector_store %arg12[%swap3A_1141, %swap3A_1142], %swap3A_1145 {strides = array<i32>} : memref<4x128xf32, #tpu.memory_space<vmem>>, vector<1x16xf32>,
    %get3A_1146 = arith.constant 1 : i32
    %get3A_1147 = arith.index_cast %get3A_1146 : i32 to index
    %get3A_1148 = arith.constant 80 : index
    %get3A_1149 = tpu.vector_load %arg11[%get3A_1147, %get3A_1148] {strides = array<i32>} : memref<8x128xf32, #tpu.memory_space<vmem>>, vector<1x16xf32>,
    %get3A_1150 = vector.shape_cast %get3A_1149 : vector<1x16xf32> to vector<16xf32>
    %abs3A_1151 = math.absf %get3A_1150 : vector<16xf32>
    %get3A_1152 = arith.constant 5 : i32
    %get3A_1153 = arith.index_cast %get3A_1152 : i32 to index
    %get3A_1154 = arith.constant 80 : index
    %get3A_1155 = tpu.vector_load %arg11[%get3A_1153, %get3A_1154] {strides = array<i32>} : memref<8x128xf32, #tpu.memory_space<vmem>>, vector<1x16xf32>,
    %get3A_1156 = vector.shape_cast %get3A_1155 : vector<1x16xf32> to vector<16xf32>
    %abs3A_1157 = math.absf %get3A_1156 : vector<16xf32>
    %sub3A_1158 = arith.subf %abs3A_1151, %abs3A_1157 : vector<16xf32>
    %swap3A_1159 = arith.constant 1 : i32
    %swap3A_1160 = arith.index_cast %swap3A_1159 : i32 to index
    %swap3A_1161 = arith.constant 80 : index
    %swap3A_1162 = tpu.vector_load %arg12[%swap3A_1160, %swap3A_1161] {strides = array<i32>} : memref<4x128xf32, #tpu.memory_space<vmem>>, vector<1x16xf32>,
    %swap3A_1163 = vector.shape_cast %swap3A_1162 : vector<1x16xf32> to vector<16xf32>
    %swap3A_1164 = vector.shape_cast %sub3A_1158 : vector<16xf32> to vector<1x16xf32>
    tpu.vector_store %arg12[%swap3A_1160, %swap3A_1161], %swap3A_1164 {strides = array<i32>} : memref<4x128xf32, #tpu.memory_space<vmem>>, vector<1x16xf32>,
    %get3A_1165 = arith.constant 1 : i32
    %get3A_1166 = arith.index_cast %get3A_1165 : i32 to index
    %get3A_1167 = arith.constant 96 : index
    %get3A_1168 = tpu.vector_load %arg11[%get3A_1166, %get3A_1167] {strides = array<i32>} : memref<8x128xf32, #tpu.memory_space<vmem>>, vector<1x16xf32>,
    %get3A_1169 = vector.shape_cast %get3A_1168 : vector<1x16xf32> to vector<16xf32>
    %abs3A_1170 = math.absf %get3A_1169 : vector<16xf32>
    %get3A_1171 = arith.constant 5 : i32
    %get3A_1172 = arith.index_cast %get3A_1171 : i32 to index
    %get3A_1173 = arith.constant 96 : index
    %get3A_1174 = tpu.vector_load %arg11[%get3A_1172, %get3A_1173] {strides = array<i32>} : memref<8x128xf32, #tpu.memory_space<vmem>>, vector<1x16xf32>,
    %get3A_1175 = vector.shape_cast %get3A_1174 : vector<1x16xf32> to vector<16xf32>
    %abs3A_1176 = math.absf %get3A_1175 : vector<16xf32>
    %sub3A_1177 = arith.subf %abs3A_1170, %abs3A_1176 : vector<16xf32>
    %swap3A_1178 = arith.constant 1 : i32
    %swap3A_1179 = arith.index_cast %swap3A_1178 : i32 to index
    %swap3A_1180 = arith.constant 96 : index
    %swap3A_1181 = tpu.vector_load %arg12[%swap3A_1179, %swap3A_1180] {strides = array<i32>} : memref<4x128xf32, #tpu.memory_space<vmem>>, vector<1x16xf32>,
    %swap3A_1182 = vector.shape_cast %swap3A_1181 : vector<1x16xf32> to vector<16xf32>
    %swap3A_1183 = vector.shape_cast %sub3A_1177 : vector<16xf32> to vector<1x16xf32>
    tpu.vector_store %arg12[%swap3A_1179, %swap3A_1180], %swap3A_1183 {strides = array<i32>} : memref<4x128xf32, #tpu.memory_space<vmem>>, vector<1x16xf32>,
    %get3A_1184 = arith.constant 1 : i32
    %get3A_1185 = arith.index_cast %get3A_1184 : i32 to index
    %get3A_1186 = arith.constant 112 : index
    %get3A_1187 = tpu.vector_load %arg11[%get3A_1185, %get3A_1186] {strides = array<i32>} : memref<8x128xf32, #tpu.memory_space<vmem>>, vector<1x16xf32>,
    %get3A_1188 = vector.shape_cast %get3A_1187 : vector<1x16xf32> to vector<16xf32>
    %abs3A_1189 = math.absf %get3A_1188 : vector<16xf32>
    %get3A_1190 = arith.constant 5 : i32
    %get3A_1191 = arith.index_cast %get3A_1190 : i32 to index
    %get3A_1192 = arith.constant 112 : index
    %get3A_1193 = tpu.vector_load %arg11[%get3A_1191, %get3A_1192] {strides = array<i32>} : memref<8x128xf32, #tpu.memory_space<vmem>>, vector<1x16xf32>,
    %get3A_1194 = vector.shape_cast %get3A_1193 : vector<1x16xf32> to vector<16xf32>
    %abs3A_1195 = math.absf %get3A_1194 : vector<16xf32>
    %sub3A_1196 = arith.subf %abs3A_1189, %abs3A_1195 : vector<16xf32>
    %swap3A_1197 = arith.constant 1 : i32
    %swap3A_1198 = arith.index_cast %swap3A_1197 : i32 to index
    %swap3A_1199 = arith.constant 112 : index
    %swap3A_1200 = tpu.vector_load %arg12[%swap3A_1198, %swap3A_1199] {strides = array<i32>} : memref<4x128xf32, #tpu.memory_space<vmem>>, vector<1x16xf32>,
    %swap3A_1201 = vector.shape_cast %swap3A_1200 : vector<1x16xf32> to vector<16xf32>
    %swap3A_1202 = vector.shape_cast %sub3A_1196 : vector<16xf32> to vector<1x16xf32>
    tpu.vector_store %arg12[%swap3A_1198, %swap3A_1199], %swap3A_1202 {strides = array<i32>} : memref<4x128xf32, #tpu.memory_space<vmem>>, vector<1x16xf32>,
    %get3A_1203 = arith.constant 2 : i32
    %get3A_1204 = arith.index_cast %get3A_1203 : i32 to index
    %get3A_1205 = arith.constant 0 : index
    %get3A_1206 = tpu.vector_load %arg11[%get3A_1204, %get3A_1205] {strides = array<i32>} : memref<8x128xf32, #tpu.memory_space<vmem>>, vector<1x16xf32>,
    %get3A_1207 = vector.shape_cast %get3A_1206 : vector<1x16xf32> to vector<16xf32>
    %abs3A_1208 = math.absf %get3A_1207 : vector<16xf32>
    %get3A_1209 = arith.constant 6 : i32
    %get3A_1210 = arith.index_cast %get3A_1209 : i32 to index
    %get3A_1211 = arith.constant 0 : index
    %get3A_1212 = tpu.vector_load %arg11[%get3A_1210, %get3A_1211] {strides = array<i32>} : memref<8x128xf32, #tpu.memory_space<vmem>>, vector<1x16xf32>,
    %get3A_1213 = vector.shape_cast %get3A_1212 : vector<1x16xf32> to vector<16xf32>
    %abs3A_1214 = math.absf %get3A_1213 : vector<16xf32>
    %sub3A_1215 = arith.subf %abs3A_1208, %abs3A_1214 : vector<16xf32>
    %swap3A_1216 = arith.constant 2 : i32
    %swap3A_1217 = arith.index_cast %swap3A_1216 : i32 to index
    %swap3A_1218 = arith.constant 0 : index
    %swap3A_1219 = tpu.vector_load %arg12[%swap3A_1217, %swap3A_1218] {strides = array<i32>} : memref<4x128xf32, #tpu.memory_space<vmem>>, vector<1x16xf32>,
    %swap3A_1220 = vector.shape_cast %swap3A_1219 : vector<1x16xf32> to vector<16xf32>
    %swap3A_1221 = vector.shape_cast %sub3A_1215 : vector<16xf32> to vector<1x16xf32>
    tpu.vector_store %arg12[%swap3A_1217, %swap3A_1218], %swap3A_1221 {strides = array<i32>} : memref<4x128xf32, #tpu.memory_space<vmem>>, vector<1x16xf32>,
    %get3A_1222 = arith.constant 2 : i32
    %get3A_1223 = arith.index_cast %get3A_1222 : i32 to index
    %get3A_1224 = arith.constant 16 : index
    %get3A_1225 = tpu.vector_load %arg11[%get3A_1223, %get3A_1224] {strides = array<i32>} : memref<8x128xf32, #tpu.memory_space<vmem>>, vector<1x16xf32>,
    %get3A_1226 = vector.shape_cast %get3A_1225 : vector<1x16xf32> to vector<16xf32>
    %abs3A_1227 = math.absf %get3A_1226 : vector<16xf32>
    %get3A_1228 = arith.constant 6 : i32
    %get3A_1229 = arith.index_cast %get3A_1228 : i32 to index
    %get3A_1230 = arith.constant 16 : index
    %get3A_1231 = tpu.vector_load %arg11[%get3A_1229, %get3A_1230] {strides = array<i32>} : memref<8x128xf32, #tpu.memory_space<vmem>>, vector<1x16xf32>,
    %get3A_1232 = vector.shape_cast %get3A_1231 : vector<1x16xf32> to vector<16xf32>
    %abs3A_1233 = math.absf %get3A_1232 : vector<16xf32>
    %sub3A_1234 = arith.subf %abs3A_1227, %abs3A_1233 : vector<16xf32>
    %swap3A_1235 = arith.constant 2 : i32
    %swap3A_1236 = arith.index_cast %swap3A_1235 : i32 to index
    %swap3A_1237 = arith.constant 16 : index
    %swap3A_1238 = tpu.vector_load %arg12[%swap3A_1236, %swap3A_1237] {strides = array<i32>} : memref<4x128xf32, #tpu.memory_space<vmem>>, vector<1x16xf32>,
    %swap3A_1239 = vector.shape_cast %swap3A_1238 : vector<1x16xf32> to vector<16xf32>
    %swap3A_1240 = vector.shape_cast %sub3A_1234 : vector<16xf32> to vector<1x16xf32>
    tpu.vector_store %arg12[%swap3A_1236, %swap3A_1237], %swap3A_1240 {strides = array<i32>} : memref<4x128xf32, #tpu.memory_space<vmem>>, vector<1x16xf32>,
    %get3A_1241 = arith.constant 2 : i32
    %get3A_1242 = arith.index_cast %get3A_1241 : i32 to index
    %get3A_1243 = arith.constant 32 : index
    %get3A_1244 = tpu.vector_load %arg11[%get3A_1242, %get3A_1243] {strides = array<i32>} : memref<8x128xf32, #tpu.memory_space<vmem>>, vector<1x16xf32>,
    %get3A_1245 = vector.shape_cast %get3A_1244 : vector<1x16xf32> to vector<16xf32>
    %abs3A_1246 = math.absf %get3A_1245 : vector<16xf32>
    %get3A_1247 = arith.constant 6 : i32
    %get3A_1248 = arith.index_cast %get3A_1247 : i32 to index
    %get3A_1249 = arith.constant 32 : index
    %get3A_1250 = tpu.vector_load %arg11[%get3A_1248, %get3A_1249] {strides = array<i32>} : memref<8x128xf32, #tpu.memory_space<vmem>>, vector<1x16xf32>,
    %get3A_1251 = vector.shape_cast %get3A_1250 : vector<1x16xf32> to vector<16xf32>
    %abs3A_1252 = math.absf %get3A_1251 : vector<16xf32>
    %sub3A_1253 = arith.subf %abs3A_1246, %abs3A_1252 : vector<16xf32>
    %swap3A_1254 = arith.constant 2 : i32
    %swap3A_1255 = arith.index_cast %swap3A_1254 : i32 to index
    %swap3A_1256 = arith.constant 32 : index
    %swap3A_1257 = tpu.vector_load %arg12[%swap3A_1255, %swap3A_1256] {strides = array<i32>} : memref<4x128xf32, #tpu.memory_space<vmem>>, vector<1x16xf32>,
    %swap3A_1258 = vector.shape_cast %swap3A_1257 : vector<1x16xf32> to vector<16xf32>
    %swap3A_1259 = vector.shape_cast %sub3A_1253 : vector<16xf32> to vector<1x16xf32>
    tpu.vector_store %arg12[%swap3A_1255, %swap3A_1256], %swap3A_1259 {strides = array<i32>} : memref<4x128xf32, #tpu.memory_space<vmem>>, vector<1x16xf32>,
    %get3A_1260 = arith.constant 2 : i32
    %get3A_1261 = arith.index_cast %get3A_1260 : i32 to index
    %get3A_1262 = arith.constant 48 : index
    %get3A_1263 = tpu.vector_load %arg11[%get3A_1261, %get3A_1262] {strides = array<i32>} : memref<8x128xf32, #tpu.memory_space<vmem>>, vector<1x16xf32>,
    %get3A_1264 = vector.shape_cast %get3A_1263 : vector<1x16xf32> to vector<16xf32>
    %abs3A_1265 = math.absf %get3A_1264 : vector<16xf32>
    %get3A_1266 = arith.constant 6 : i32
    %get3A_1267 = arith.index_cast %get3A_1266 : i32 to index
    %get3A_1268 = arith.constant 48 : index
    %get3A_1269 = tpu.vector_load %arg11[%get3A_1267, %get3A_1268] {strides = array<i32>} : memref<8x128xf32, #tpu.memory_space<vmem>>, vector<1x16xf32>,
    %get3A_1270 = vector.shape_cast %get3A_1269 : vector<1x16xf32> to vector<16xf32>
    %abs3A_1271 = math.absf %get3A_1270 : vector<16xf32>
    %sub3A_1272 = arith.subf %abs3A_1265, %abs3A_1271 : vector<16xf32>
    %swap3A_1273 = arith.constant 2 : i32
    %swap3A_1274 = arith.index_cast %swap3A_1273 : i32 to index
    %swap3A_1275 = arith.constant 48 : index
    %swap3A_1276 = tpu.vector_load %arg12[%swap3A_1274, %swap3A_1275] {strides = array<i32>} : memref<4x128xf32, #tpu.memory_space<vmem>>, vector<1x16xf32>,
    %swap3A_1277 = vector.shape_cast %swap3A_1276 : vector<1x16xf32> to vector<16xf32>
    %swap3A_1278 = vector.shape_cast %sub3A_1272 : vector<16xf32> to vector<1x16xf32>
    tpu.vector_store %arg12[%swap3A_1274, %swap3A_1275], %swap3A_1278 {strides = array<i32>} : memref<4x128xf32, #tpu.memory_space<vmem>>, vector<1x16xf32>,
    %get3A_1279 = arith.constant 2 : i32
    %get3A_1280 = arith.index_cast %get3A_1279 : i32 to index
    %get3A_1281 = arith.constant 64 : index
    %get3A_1282 = tpu.vector_load %arg11[%get3A_1280, %get3A_1281] {strides = array<i32>} : memref<8x128xf32, #tpu.memory_space<vmem>>, vector<1x16xf32>,
    %get3A_1283 = vector.shape_cast %get3A_1282 : vector<1x16xf32> to vector<16xf32>
    %abs3A_1284 = math.absf %get3A_1283 : vector<16xf32>
    %get3A_1285 = arith.constant 6 : i32
    %get3A_1286 = arith.index_cast %get3A_1285 : i32 to index
    %get3A_1287 = arith.constant 64 : index
    %get3A_1288 = tpu.vector_load %arg11[%get3A_1286, %get3A_1287] {strides = array<i32>} : memref<8x128xf32, #tpu.memory_space<vmem>>, vector<1x16xf32>,
    %get3A_1289 = vector.shape_cast %get3A_1288 : vector<1x16xf32> to vector<16xf32>
    %abs3A_1290 = math.absf %get3A_1289 : vector<16xf32>
    %sub3A_1291 = arith.subf %abs3A_1284, %abs3A_1290 : vector<16xf32>
    %swap3A_1292 = arith.constant 2 : i32
    %swap3A_1293 = arith.index_cast %swap3A_1292 : i32 to index
    %swap3A_1294 = arith.constant 64 : index
    %swap3A_1295 = tpu.vector_load %arg12[%swap3A_1293, %swap3A_1294] {strides = array<i32>} : memref<4x128xf32, #tpu.memory_space<vmem>>, vector<1x16xf32>,
    %swap3A_1296 = vector.shape_cast %swap3A_1295 : vector<1x16xf32> to vector<16xf32>
    %swap3A_1297 = vector.shape_cast %sub3A_1291 : vector<16xf32> to vector<1x16xf32>
    tpu.vector_store %arg12[%swap3A_1293, %swap3A_1294], %swap3A_1297 {strides = array<i32>} : memref<4x128xf32, #tpu.memory_space<vmem>>, vector<1x16xf32>,
    %get3A_1298 = arith.constant 2 : i32
    %get3A_1299 = arith.index_cast %get3A_1298 : i32 to index
    %get3A_1300 = arith.constant 80 : index
    %get3A_1301 = tpu.vector_load %arg11[%get3A_1299, %get3A_1300] {strides = array<i32>} : memref<8x128xf32, #tpu.memory_space<vmem>>, vector<1x16xf32>,
    %get3A_1302 = vector.shape_cast %get3A_1301 : vector<1x16xf32> to vector<16xf32>
    %abs3A_1303 = math.absf %get3A_1302 : vector<16xf32>
    %get3A_1304 = arith.constant 6 : i32
    %get3A_1305 = arith.index_cast %get3A_1304 : i32 to index
    %get3A_1306 = arith.constant 80 : index
    %get3A_1307 = tpu.vector_load %arg11[%get3A_1305, %get3A_1306] {strides = array<i32>} : memref<8x128xf32, #tpu.memory_space<vmem>>, vector<1x16xf32>,
    %get3A_1308 = vector.shape_cast %get3A_1307 : vector<1x16xf32> to vector<16xf32>
    %abs3A_1309 = math.absf %get3A_1308 : vector<16xf32>
    %sub3A_1310 = arith.subf %abs3A_1303, %abs3A_1309 : vector<16xf32>
    %swap3A_1311 = arith.constant 2 : i32
    %swap3A_1312 = arith.index_cast %swap3A_1311 : i32 to index
    %swap3A_1313 = arith.constant 80 : index
    %swap3A_1314 = tpu.vector_load %arg12[%swap3A_1312, %swap3A_1313] {strides = array<i32>} : memref<4x128xf32, #tpu.memory_space<vmem>>, vector<1x16xf32>,
    %swap3A_1315 = vector.shape_cast %swap3A_1314 : vector<1x16xf32> to vector<16xf32>
    %swap3A_1316 = vector.shape_cast %sub3A_1310 : vector<16xf32> to vector<1x16xf32>
    tpu.vector_store %arg12[%swap3A_1312, %swap3A_1313], %swap3A_1316 {strides = array<i32>} : memref<4x128xf32, #tpu.memory_space<vmem>>, vector<1x16xf32>,
    %get3A_1317 = arith.constant 2 : i32
    %get3A_1318 = arith.index_cast %get3A_1317 : i32 to index
    %get3A_1319 = arith.constant 96 : index
    %get3A_1320 = tpu.vector_load %arg11[%get3A_1318, %get3A_1319] {strides = array<i32>} : memref<8x128xf32, #tpu.memory_space<vmem>>, vector<1x16xf32>,
    %get3A_1321 = vector.shape_cast %get3A_1320 : vector<1x16xf32> to vector<16xf32>
    %abs3A_1322 = math.absf %get3A_1321 : vector<16xf32>
    %get3A_1323 = arith.constant 6 : i32
    %get3A_1324 = arith.index_cast %get3A_1323 : i32 to index
    %get3A_1325 = arith.constant 96 : index
    %get3A_1326 = tpu.vector_load %arg11[%get3A_1324, %get3A_1325] {strides = array<i32>} : memref<8x128xf32, #tpu.memory_space<vmem>>, vector<1x16xf32>,
    %get3A_1327 = vector.shape_cast %get3A_1326 : vector<1x16xf32> to vector<16xf32>
    %abs3A_1328 = math.absf %get3A_1327 : vector<16xf32>
    %sub3A_1329 = arith.subf %abs3A_1322, %abs3A_1328 : vector<16xf32>
    %swap3A_1330 = arith.constant 2 : i32
    %swap3A_1331 = arith.index_cast %swap3A_1330 : i32 to index
    %swap3A_1332 = arith.constant 96 : index
    %swap3A_1333 = tpu.vector_load %arg12[%swap3A_1331, %swap3A_1332] {strides = array<i32>} : memref<4x128xf32, #tpu.memory_space<vmem>>, vector<1x16xf32>,
    %swap3A_1334 = vector.shape_cast %swap3A_1333 : vector<1x16xf32> to vector<16xf32>
    %swap3A_1335 = vector.shape_cast %sub3A_1329 : vector<16xf32> to vector<1x16xf32>
    tpu.vector_store %arg12[%swap3A_1331, %swap3A_1332], %swap3A_1335 {strides = array<i32>} : memref<4x128xf32, #tpu.memory_space<vmem>>, vector<1x16xf32>,
    %get3A_1336 = arith.constant 2 : i32
    %get3A_1337 = arith.index_cast %get3A_1336 : i32 to index
    %get3A_1338 = arith.constant 112 : index
    %get3A_1339 = tpu.vector_load %arg11[%get3A_1337, %get3A_1338] {strides = array<i32>} : memref<8x128xf32, #tpu.memory_space<vmem>>, vector<1x16xf32>,
    %get3A_1340 = vector.shape_cast %get3A_1339 : vector<1x16xf32> to vector<16xf32>
    %abs3A_1341 = math.absf %get3A_1340 : vector<16xf32>
    %get3A_1342 = arith.constant 6 : i32
    %get3A_1343 = arith.index_cast %get3A_1342 : i32 to index
    %get3A_1344 = arith.constant 112 : index
    %get3A_1345 = tpu.vector_load %arg11[%get3A_1343, %get3A_1344] {strides = array<i32>} : memref<8x128xf32, #tpu.memory_space<vmem>>, vector<1x16xf32>,
    %get3A_1346 = vector.shape_cast %get3A_1345 : vector<1x16xf32> to vector<16xf32>
    %abs3A_1347 = math.absf %get3A_1346 : vector<16xf32>
    %sub3A_1348 = arith.subf %abs3A_1341, %abs3A_1347 : vector<16xf32>
    %swap3A_1349 = arith.constant 2 : i32
    %swap3A_1350 = arith.index_cast %swap3A_1349 : i32 to index
    %swap3A_1351 = arith.constant 112 : index
    %swap3A_1352 = tpu.vector_load %arg12[%swap3A_1350, %swap3A_1351] {strides = array<i32>} : memref<4x128xf32, #tpu.memory_space<vmem>>, vector<1x16xf32>,
    %swap3A_1353 = vector.shape_cast %swap3A_1352 : vector<1x16xf32> to vector<16xf32>
    %swap3A_1354 = vector.shape_cast %sub3A_1348 : vector<16xf32> to vector<1x16xf32>
    tpu.vector_store %arg12[%swap3A_1350, %swap3A_1351], %swap3A_1354 {strides = array<i32>} : memref<4x128xf32, #tpu.memory_space<vmem>>, vector<1x16xf32>,
    %get3A_1355 = arith.constant 3 : i32
    %get3A_1356 = arith.index_cast %get3A_1355 : i32 to index
    %get3A_1357 = arith.constant 0 : index
    %get3A_1358 = tpu.vector_load %arg11[%get3A_1356, %get3A_1357] {strides = array<i32>} : memref<8x128xf32, #tpu.memory_space<vmem>>, vector<1x16xf32>,
    %get3A_1359 = vector.shape_cast %get3A_1358 : vector<1x16xf32> to vector<16xf32>
    %abs3A_1360 = math.absf %get3A_1359 : vector<16xf32>
    %get3A_1361 = arith.constant 7 : i32
    %get3A_1362 = arith.index_cast %get3A_1361 : i32 to index
    %get3A_1363 = arith.constant 0 : index
    %get3A_1364 = tpu.vector_load %arg11[%get3A_1362, %get3A_1363] {strides = array<i32>} : memref<8x128xf32, #tpu.memory_space<vmem>>, vector<1x16xf32>,
    %get3A_1365 = vector.shape_cast %get3A_1364 : vector<1x16xf32> to vector<16xf32>
    %abs3A_1366 = math.absf %get3A_1365 : vector<16xf32>
    %sub3A_1367 = arith.subf %abs3A_1360, %abs3A_1366 : vector<16xf32>
    %swap3A_1368 = arith.constant 3 : i32
    %swap3A_1369 = arith.index_cast %swap3A_1368 : i32 to index
    %swap3A_1370 = arith.constant 0 : index
    %swap3A_1371 = tpu.vector_load %arg12[%swap3A_1369, %swap3A_1370] {strides = array<i32>} : memref<4x128xf32, #tpu.memory_space<vmem>>, vector<1x16xf32>,
    %swap3A_1372 = vector.shape_cast %swap3A_1371 : vector<1x16xf32> to vector<16xf32>
    %swap3A_1373 = vector.shape_cast %sub3A_1367 : vector<16xf32> to vector<1x16xf32>
    tpu.vector_store %arg12[%swap3A_1369, %swap3A_1370], %swap3A_1373 {strides = array<i32>} : memref<4x128xf32, #tpu.memory_space<vmem>>, vector<1x16xf32>,
    %get3A_1374 = arith.constant 3 : i32
    %get3A_1375 = arith.index_cast %get3A_1374 : i32 to index
    %get3A_1376 = arith.constant 16 : index
    %get3A_1377 = tpu.vector_load %arg11[%get3A_1375, %get3A_1376] {strides = array<i32>} : memref<8x128xf32, #tpu.memory_space<vmem>>, vector<1x16xf32>,
    %get3A_1378 = vector.shape_cast %get3A_1377 : vector<1x16xf32> to vector<16xf32>
    %abs3A_1379 = math.absf %get3A_1378 : vector<16xf32>
    %get3A_1380 = arith.constant 7 : i32
    %get3A_1381 = arith.index_cast %get3A_1380 : i32 to index
    %get3A_1382 = arith.constant 16 : index
    %get3A_1383 = tpu.vector_load %arg11[%get3A_1381, %get3A_1382] {strides = array<i32>} : memref<8x128xf32, #tpu.memory_space<vmem>>, vector<1x16xf32>,
    %get3A_1384 = vector.shape_cast %get3A_1383 : vector<1x16xf32> to vector<16xf32>
    %abs3A_1385 = math.absf %get3A_1384 : vector<16xf32>
    %sub3A_1386 = arith.subf %abs3A_1379, %abs3A_1385 : vector<16xf32>
    %swap3A_1387 = arith.constant 3 : i32
    %swap3A_1388 = arith.index_cast %swap3A_1387 : i32 to index
    %swap3A_1389 = arith.constant 16 : index
    %swap3A_1390 = tpu.vector_load %arg12[%swap3A_1388, %swap3A_1389] {strides = array<i32>} : memref<4x128xf32, #tpu.memory_space<vmem>>, vector<1x16xf32>,
    %swap3A_1391 = vector.shape_cast %swap3A_1390 : vector<1x16xf32> to vector<16xf32>
    %swap3A_1392 = vector.shape_cast %sub3A_1386 : vector<16xf32> to vector<1x16xf32>
    tpu.vector_store %arg12[%swap3A_1388, %swap3A_1389], %swap3A_1392 {strides = array<i32>} : memref<4x128xf32, #tpu.memory_space<vmem>>, vector<1x16xf32>,
    %get3A_1393 = arith.constant 3 : i32
    %get3A_1394 = arith.index_cast %get3A_1393 : i32 to index
    %get3A_1395 = arith.constant 32 : index
    %get3A_1396 = tpu.vector_load %arg11[%get3A_1394, %get3A_1395] {strides = array<i32>} : memref<8x128xf32, #tpu.memory_space<vmem>>, vector<1x16xf32>,
    %get3A_1397 = vector.shape_cast %get3A_1396 : vector<1x16xf32> to vector<16xf32>
    %abs3A_1398 = math.absf %get3A_1397 : vector<16xf32>
    %get3A_1399 = arith.constant 7 : i32
    %get3A_1400 = arith.index_cast %get3A_1399 : i32 to index
    %get3A_1401 = arith.constant 32 : index
    %get3A_1402 = tpu.vector_load %arg11[%get3A_1400, %get3A_1401] {strides = array<i32>} : memref<8x128xf32, #tpu.memory_space<vmem>>, vector<1x16xf32>,
    %get3A_1403 = vector.shape_cast %get3A_1402 : vector<1x16xf32> to vector<16xf32>
    %abs3A_1404 = math.absf %get3A_1403 : vector<16xf32>
    %sub3A_1405 = arith.subf %abs3A_1398, %abs3A_1404 : vector<16xf32>
    %swap3A_1406 = arith.constant 3 : i32
    %swap3A_1407 = arith.index_cast %swap3A_1406 : i32 to index
    %swap3A_1408 = arith.constant 32 : index
    %swap3A_1409 = tpu.vector_load %arg12[%swap3A_1407, %swap3A_1408] {strides = array<i32>} : memref<4x128xf32, #tpu.memory_space<vmem>>, vector<1x16xf32>,
    %swap3A_1410 = vector.shape_cast %swap3A_1409 : vector<1x16xf32> to vector<16xf32>
    %swap3A_1411 = vector.shape_cast %sub3A_1405 : vector<16xf32> to vector<1x16xf32>
    tpu.vector_store %arg12[%swap3A_1407, %swap3A_1408], %swap3A_1411 {strides = array<i32>} : memref<4x128xf32, #tpu.memory_space<vmem>>, vector<1x16xf32>,
    %get3A_1412 = arith.constant 3 : i32
    %get3A_1413 = arith.index_cast %get3A_1412 : i32 to index
    %get3A_1414 = arith.constant 48 : index
    %get3A_1415 = tpu.vector_load %arg11[%get3A_1413, %get3A_1414] {strides = array<i32>} : memref<8x128xf32, #tpu.memory_space<vmem>>, vector<1x16xf32>,
    %get3A_1416 = vector.shape_cast %get3A_1415 : vector<1x16xf32> to vector<16xf32>
    %abs3A_1417 = math.absf %get3A_1416 : vector<16xf32>
    %get3A_1418 = arith.constant 7 : i32
    %get3A_1419 = arith.index_cast %get3A_1418 : i32 to index
    %get3A_1420 = arith.constant 48 : index
    %get3A_1421 = tpu.vector_load %arg11[%get3A_1419, %get3A_1420] {strides = array<i32>} : memref<8x128xf32, #tpu.memory_space<vmem>>, vector<1x16xf32>,
    %get3A_1422 = vector.shape_cast %get3A_1421 : vector<1x16xf32> to vector<16xf32>
    %abs3A_1423 = math.absf %get3A_1422 : vector<16xf32>
    %sub3A_1424 = arith.subf %abs3A_1417, %abs3A_1423 : vector<16xf32>
    %swap3A_1425 = arith.constant 3 : i32
    %swap3A_1426 = arith.index_cast %swap3A_1425 : i32 to index
    %swap3A_1427 = arith.constant 48 : index
    %swap3A_1428 = tpu.vector_load %arg12[%swap3A_1426, %swap3A_1427] {strides = array<i32>} : memref<4x128xf32, #tpu.memory_space<vmem>>, vector<1x16xf32>,
    %swap3A_1429 = vector.shape_cast %swap3A_1428 : vector<1x16xf32> to vector<16xf32>
    %swap3A_1430 = vector.shape_cast %sub3A_1424 : vector<16xf32> to vector<1x16xf32>
    tpu.vector_store %arg12[%swap3A_1426, %swap3A_1427], %swap3A_1430 {strides = array<i32>} : memref<4x128xf32, #tpu.memory_space<vmem>>, vector<1x16xf32>,
    %get3A_1431 = arith.constant 3 : i32
    %get3A_1432 = arith.index_cast %get3A_1431 : i32 to index
    %get3A_1433 = arith.constant 64 : index
    %get3A_1434 = tpu.vector_load %arg11[%get3A_1432, %get3A_1433] {strides = array<i32>} : memref<8x128xf32, #tpu.memory_space<vmem>>, vector<1x16xf32>,
    %get3A_1435 = vector.shape_cast %get3A_1434 : vector<1x16xf32> to vector<16xf32>
    %abs3A_1436 = math.absf %get3A_1435 : vector<16xf32>
    %get3A_1437 = arith.constant 7 : i32
    %get3A_1438 = arith.index_cast %get3A_1437 : i32 to index
    %get3A_1439 = arith.constant 64 : index
    %get3A_1440 = tpu.vector_load %arg11[%get3A_1438, %get3A_1439] {strides = array<i32>} : memref<8x128xf32, #tpu.memory_space<vmem>>, vector<1x16xf32>,
    %get3A_1441 = vector.shape_cast %get3A_1440 : vector<1x16xf32> to vector<16xf32>
    %abs3A_1442 = math.absf %get3A_1441 : vector<16xf32>
    %sub3A_1443 = arith.subf %abs3A_1436, %abs3A_1442 : vector<16xf32>
    %swap3A_1444 = arith.constant 3 : i32
    %swap3A_1445 = arith.index_cast %swap3A_1444 : i32 to index
    %swap3A_1446 = arith.constant 64 : index
    %swap3A_1447 = tpu.vector_load %arg12[%swap3A_1445, %swap3A_1446] {strides = array<i32>} : memref<4x128xf32, #tpu.memory_space<vmem>>, vector<1x16xf32>,
    %swap3A_1448 = vector.shape_cast %swap3A_1447 : vector<1x16xf32> to vector<16xf32>
    %swap3A_1449 = vector.shape_cast %sub3A_1443 : vector<16xf32> to vector<1x16xf32>
    tpu.vector_store %arg12[%swap3A_1445, %swap3A_1446], %swap3A_1449 {strides = array<i32>} : memref<4x128xf32, #tpu.memory_space<vmem>>, vector<1x16xf32>,
    %get3A_1450 = arith.constant 3 : i32
    %get3A_1451 = arith.index_cast %get3A_1450 : i32 to index
    %get3A_1452 = arith.constant 80 : index
    %get3A_1453 = tpu.vector_load %arg11[%get3A_1451, %get3A_1452] {strides = array<i32>} : memref<8x128xf32, #tpu.memory_space<vmem>>, vector<1x16xf32>,
    %get3A_1454 = vector.shape_cast %get3A_1453 : vector<1x16xf32> to vector<16xf32>
    %abs3A_1455 = math.absf %get3A_1454 : vector<16xf32>
    %get3A_1456 = arith.constant 7 : i32
    %get3A_1457 = arith.index_cast %get3A_1456 : i32 to index
    %get3A_1458 = arith.constant 80 : index
    %get3A_1459 = tpu.vector_load %arg11[%get3A_1457, %get3A_1458] {strides = array<i32>} : memref<8x128xf32, #tpu.memory_space<vmem>>, vector<1x16xf32>,
    %get3A_1460 = vector.shape_cast %get3A_1459 : vector<1x16xf32> to vector<16xf32>
    %abs3A_1461 = math.absf %get3A_1460 : vector<16xf32>
    %sub3A_1462 = arith.subf %abs3A_1455, %abs3A_1461 : vector<16xf32>
    %swap3A_1463 = arith.constant 3 : i32
    %swap3A_1464 = arith.index_cast %swap3A_1463 : i32 to index
    %swap3A_1465 = arith.constant 80 : index
    %swap3A_1466 = tpu.vector_load %arg12[%swap3A_1464, %swap3A_1465] {strides = array<i32>} : memref<4x128xf32, #tpu.memory_space<vmem>>, vector<1x16xf32>,
    %swap3A_1467 = vector.shape_cast %swap3A_1466 : vector<1x16xf32> to vector<16xf32>
    %swap3A_1468 = vector.shape_cast %sub3A_1462 : vector<16xf32> to vector<1x16xf32>
    tpu.vector_store %arg12[%swap3A_1464, %swap3A_1465], %swap3A_1468 {strides = array<i32>} : memref<4x128xf32, #tpu.memory_space<vmem>>, vector<1x16xf32>,
    %get3A_1469 = arith.constant 3 : i32
    %get3A_1470 = arith.index_cast %get3A_1469 : i32 to index
    %get3A_1471 = arith.constant 96 : index
    %get3A_1472 = tpu.vector_load %arg11[%get3A_1470, %get3A_1471] {strides = array<i32>} : memref<8x128xf32, #tpu.memory_space<vmem>>, vector<1x16xf32>,
    %get3A_1473 = vector.shape_cast %get3A_1472 : vector<1x16xf32> to vector<16xf32>
    %abs3A_1474 = math.absf %get3A_1473 : vector<16xf32>
    %get3A_1475 = arith.constant 7 : i32
    %get3A_1476 = arith.index_cast %get3A_1475 : i32 to index
    %get3A_1477 = arith.constant 96 : index
    %get3A_1478 = tpu.vector_load %arg11[%get3A_1476, %get3A_1477] {strides = array<i32>} : memref<8x128xf32, #tpu.memory_space<vmem>>, vector<1x16xf32>,
    %get3A_1479 = vector.shape_cast %get3A_1478 : vector<1x16xf32> to vector<16xf32>
    %abs3A_1480 = math.absf %get3A_1479 : vector<16xf32>
    %sub3A_1481 = arith.subf %abs3A_1474, %abs3A_1480 : vector<16xf32>
    %swap3A_1482 = arith.constant 3 : i32
    %swap3A_1483 = arith.index_cast %swap3A_1482 : i32 to index
    %swap3A_1484 = arith.constant 96 : index
    %swap3A_1485 = tpu.vector_load %arg12[%swap3A_1483, %swap3A_1484] {strides = array<i32>} : memref<4x128xf32, #tpu.memory_space<vmem>>, vector<1x16xf32>,
    %swap3A_1486 = vector.shape_cast %swap3A_1485 : vector<1x16xf32> to vector<16xf32>
    %swap3A_1487 = vector.shape_cast %sub3A_1481 : vector<16xf32> to vector<1x16xf32>
    tpu.vector_store %arg12[%swap3A_1483, %swap3A_1484], %swap3A_1487 {strides = array<i32>} : memref<4x128xf32, #tpu.memory_space<vmem>>, vector<1x16xf32>,
    %get3A_1488 = arith.constant 3 : i32
    %get3A_1489 = arith.index_cast %get3A_1488 : i32 to index
    %get3A_1490 = arith.constant 112 : index
    %get3A_1491 = tpu.vector_load %arg11[%get3A_1489, %get3A_1490] {strides = array<i32>} : memref<8x128xf32, #tpu.memory_space<vmem>>, vector<1x16xf32>,
    %get3A_1492 = vector.shape_cast %get3A_1491 : vector<1x16xf32> to vector<16xf32>
    %abs3A_1493 = math.absf %get3A_1492 : vector<16xf32>
    %get3A_1494 = arith.constant 7 : i32
    %get3A_1495 = arith.index_cast %get3A_1494 : i32 to index
    %get3A_1496 = arith.constant 112 : index
    %get3A_1497 = tpu.vector_load %arg11[%get3A_1495, %get3A_1496] {strides = array<i32>} : memref<8x128xf32, #tpu.memory_space<vmem>>, vector<1x16xf32>,
    %get3A_1498 = vector.shape_cast %get3A_1497 : vector<1x16xf32> to vector<16xf32>
    %abs3A_1499 = math.absf %get3A_1498 : vector<16xf32>
    %sub3A_1500 = arith.subf %abs3A_1493, %abs3A_1499 : vector<16xf32>
    %swap3A_1501 = arith.constant 3 : i32
    %swap3A_1502 = arith.index_cast %swap3A_1501 : i32 to index
    %swap3A_1503 = arith.constant 112 : index
    %swap3A_1504 = tpu.vector_load %arg12[%swap3A_1502, %swap3A_1503] {strides = array<i32>} : memref<4x128xf32, #tpu.memory_space<vmem>>, vector<1x16xf32>,
    %swap3A_1505 = vector.shape_cast %swap3A_1504 : vector<1x16xf32> to vector<16xf32>
    %swap3A_1506 = vector.shape_cast %sub3A_1500 : vector<16xf32> to vector<1x16xf32>
    tpu.vector_store %arg12[%swap3A_1502, %swap3A_1503], %swap3A_1506 {strides = array<i32>} : memref<4x128xf32, #tpu.memory_space<vmem>>, vector<1x16xf32>,
    "tpu.region"() ({
      %run_scoped3A = tpu.sem_alloc : memref<!tpu.dma_semaphore, #tpu.memory_space<semaphore_mem>>
      %dma_start3A_1587 = arith.constant 0 : i32
      %dma_start3A_1588 = arith.constant 0 : i32
      %dma_start3A_1589 = tpu.memref_slice %arg7[%add3A, %dma_start3A_1587, %dma_start3A_1588] : memref<32x4x128xf32, #tpu.memory_space<hbm>> -> memref<1x4x128xf32, #tpu.memory_space<hbm>>
      %dma_start3A_1590 = tpu.memref_squeeze %dma_start3A_1589 : memref<1x4x128xf32, #tpu.memory_space<hbm>> -> memref<4x128xf32, #tpu.memory_space<hbm>>
      %dma_start3A_1591 = arith.constant 0 : i32
      %dma_start3A_1592 = arith.constant 0 : i32
      %dma_start3A_1593 = tpu.memref_slice %arg7[%add3A, %dma_start3A_1591, %dma_start3A_1592] : memref<32x4x128xf32, #tpu.memory_space<hbm>> -> memref<1x4x128xf32, #tpu.memory_space<hbm>>
      %dma_start3A_1594 = tpu.memref_squeeze %dma_start3A_1593 : memref<1x4x128xf32, #tpu.memory_space<hbm>> -> memref<4x128xf32, #tpu.memory_space<hbm>>
      tpu.enqueue_dma source(%arg12 : memref<4x128xf32, #tpu.memory_space<vmem>>) target(%dma_start3A_1594 : memref<4x128xf32, #tpu.memory_space<hbm>>) target_semaphore(%run_scoped3A : memref<!tpu.dma_semaphore, #tpu.memory_space<semaphore_mem>>)
      %dma_wait3A_1595 = arith.constant 0 : i32
      %dma_wait3A_1596 = arith.constant 0 : i32
      %dma_wait3A_1597 = tpu.memref_slice %arg7[%add3A, %dma_wait3A_1595, %dma_wait3A_1596] : memref<32x4x128xf32, #tpu.memory_space<hbm>> -> memref<1x4x128xf32, #tpu.memory_space<hbm>>
      %dma_wait3A_1598 = tpu.memref_squeeze %dma_wait3A_1597 : memref<1x4x128xf32, #tpu.memory_space<hbm>> -> memref<4x128xf32, #tpu.memory_space<hbm>>
      %dma_wait3A_1599 = arith.constant 0 : i32
      %dma_wait3A_1600 = arith.constant 0 : i32
      %dma_wait3A_1601 = tpu.memref_slice %arg7[%add3A, %dma_wait3A_1599, %dma_wait3A_1600] : memref<32x4x128xf32, #tpu.memory_space<hbm>> -> memref<1x4x128xf32, #tpu.memory_space<hbm>>
      %dma_wait3A_1602 = tpu.memref_squeeze %dma_wait3A_1601 : memref<1x4x128xf32, #tpu.memory_space<hbm>> -> memref<4x128xf32, #tpu.memory_space<hbm>>
      tpu.wait_dma2 semaphore(%run_scoped3A : memref<!tpu.dma_semaphore, #tpu.memory_space<semaphore_mem>>) src(%arg12 : memref<4x128xf32, #tpu.memory_space<vmem>>) dst(%dma_wait3A_1602 : memref<4x128xf32, #tpu.memory_space<hbm>>)
      tpu.yield
    }) : () -> ()
    %dma_wait3A_1507 = arith.constant 3 : i32
    %dma_wait3A_1508 = arith.constant 9 : i32
    %dma_wait3A_1509 = arith.constant 0 : i32
    %dma_wait3A_1510 = arith.constant 0 : i32
    %dma_wait3A_1511 = tpu.memref_slice %arg10[%dma_wait3A_1507, %dma_wait3A_1509, %dma_wait3A_1510] : memref<6x128x128xf32, #tpu.memory_space<vmem>> -> memref<1x128x128xf32, #tpu.memory_space<vmem>>
    %dma_wait3A_1512 = tpu.memref_squeeze %dma_wait3A_1511 : memref<1x128x128xf32, #tpu.memory_space<vmem>> -> memref<128x128xf32, #tpu.memory_space<vmem>>
    %dma_wait3A_1513 = arith.constant 0 : i32
    %dma_wait3A_1514 = tpu.memref_slice %arg5[%add3A_430, %dma_wait3A_1513] : memref<16384x128xf32, #tpu.memory_space<hbm>> -> memref<128x128xf32, #tpu.memory_space<hbm>>
    %dma_wait3A_1515 = tpu.memref_slice %arg14[%dma_wait3A_1508] : memref<13x!tpu.dma_semaphore, #tpu.memory_space<semaphore_mem>> -> memref<1x!tpu.dma_semaphore, #tpu.memory_space<semaphore_mem>>
    %dma_wait3A_1516 = tpu.memref_squeeze %dma_wait3A_1515 : memref<1x!tpu.dma_semaphore, #tpu.memory_space<semaphore_mem>> -> memref<!tpu.dma_semaphore, #tpu.memory_space<semaphore_mem>>
    %dma_wait3A_1517 = arith.constant 0 : i32
    %dma_wait3A_1518 = tpu.memref_slice %arg5[%add3A_430, %dma_wait3A_1517] : memref<16384x128xf32, #tpu.memory_space<hbm>> -> memref<128x128xf32, #tpu.memory_space<hbm>>
    %dma_wait3A_1519 = arith.constant 0 : i32
    %dma_wait3A_1520 = arith.constant 0 : i32
    %dma_wait3A_1521 = tpu.memref_slice %arg10[%dma_wait3A_1507, %dma_wait3A_1519, %dma_wait3A_1520] : memref<6x128x128xf32, #tpu.memory_space<vmem>> -> memref<1x128x128xf32, #tpu.memory_space<vmem>>
    %dma_wait3A_1522 = tpu.memref_squeeze %dma_wait3A_1521 : memref<1x128x128xf32, #tpu.memory_space<vmem>> -> memref<128x128xf32, #tpu.memory_space<vmem>>
    tpu.wait_dma2 semaphore(%dma_wait3A_1516 : memref<!tpu.dma_semaphore, #tpu.memory_space<semaphore_mem>>) src(%dma_wait3A_1522 : memref<128x128xf32, #tpu.memory_space<vmem>>) dst(%dma_wait3A_1518 : memref<128x128xf32, #tpu.memory_space<hbm>>)
    %dma_wait3A_1523 = arith.constant 4 : i32
    %dma_wait3A_1524 = arith.constant 10 : i32
    %dma_wait3A_1525 = arith.constant 0 : i32
    %dma_wait3A_1526 = arith.constant 0 : i32
    %dma_wait3A_1527 = tpu.memref_slice %arg10[%dma_wait3A_1523, %dma_wait3A_1525, %dma_wait3A_1526] : memref<6x128x128xf32, #tpu.memory_space<vmem>> -> memref<1x128x128xf32, #tpu.memory_space<vmem>>
    %dma_wait3A_1528 = tpu.memref_squeeze %dma_wait3A_1527 : memref<1x128x128xf32, #tpu.memory_space<vmem>> -> memref<128x128xf32, #tpu.memory_space<vmem>>
    %dma_wait3A_1529 = arith.constant 0 : i32
    %dma_wait3A_1530 = tpu.memref_slice %arg6[%add3A_470, %dma_wait3A_1529] : memref<16384x128xf32, #tpu.memory_space<hbm>> -> memref<128x128xf32, #tpu.memory_space<hbm>>
    %dma_wait3A_1531 = tpu.memref_slice %arg14[%dma_wait3A_1524] : memref<13x!tpu.dma_semaphore, #tpu.memory_space<semaphore_mem>> -> memref<1x!tpu.dma_semaphore, #tpu.memory_space<semaphore_mem>>
    %dma_wait3A_1532 = tpu.memref_squeeze %dma_wait3A_1531 : memref<1x!tpu.dma_semaphore, #tpu.memory_space<semaphore_mem>> -> memref<!tpu.dma_semaphore, #tpu.memory_space<semaphore_mem>>
    %dma_wait3A_1533 = arith.constant 0 : i32
    %dma_wait3A_1534 = tpu.memref_slice %arg6[%add3A_470, %dma_wait3A_1533] : memref<16384x128xf32, #tpu.memory_space<hbm>> -> memref<128x128xf32, #tpu.memory_space<hbm>>
    %dma_wait3A_1535 = arith.constant 0 : i32
    %dma_wait3A_1536 = arith.constant 0 : i32
    %dma_wait3A_1537 = tpu.memref_slice %arg10[%dma_wait3A_1523, %dma_wait3A_1535, %dma_wait3A_1536] : memref<6x128x128xf32, #tpu.memory_space<vmem>> -> memref<1x128x128xf32, #tpu.memory_space<vmem>>
    %dma_wait3A_1538 = tpu.memref_squeeze %dma_wait3A_1537 : memref<1x128x128xf32, #tpu.memory_space<vmem>> -> memref<128x128xf32, #tpu.memory_space<vmem>>
    tpu.wait_dma2 semaphore(%dma_wait3A_1532 : memref<!tpu.dma_semaphore, #tpu.memory_space<semaphore_mem>>) src(%dma_wait3A_1538 : memref<128x128xf32, #tpu.memory_space<vmem>>) dst(%dma_wait3A_1534 : memref<128x128xf32, #tpu.memory_space<hbm>>)
    %dma_wait3A_1539 = arith.constant 5 : i32
    %dma_wait3A_1540 = arith.constant 11 : i32
    %dma_wait3A_1541 = arith.constant 0 : i32
    %dma_wait3A_1542 = arith.constant 0 : i32
    %dma_wait3A_1543 = tpu.memref_slice %arg10[%dma_wait3A_1539, %dma_wait3A_1541, %dma_wait3A_1542] : memref<6x128x128xf32, #tpu.memory_space<vmem>> -> memref<1x128x128xf32, #tpu.memory_space<vmem>>
    %dma_wait3A_1544 = tpu.memref_squeeze %dma_wait3A_1543 : memref<1x128x128xf32, #tpu.memory_space<vmem>> -> memref<128x128xf32, #tpu.memory_space<vmem>>
    %dma_wait3A_1545 = arith.constant 0 : i32
    %dma_wait3A_1546 = tpu.memref_slice %arg6[%add3A_510, %dma_wait3A_1545] : memref<16384x128xf32, #tpu.memory_space<hbm>> -> memref<128x128xf32, #tpu.memory_space<hbm>>
    %dma_wait3A_1547 = tpu.memref_slice %arg14[%dma_wait3A_1540] : memref<13x!tpu.dma_semaphore, #tpu.memory_space<semaphore_mem>> -> memref<1x!tpu.dma_semaphore, #tpu.memory_space<semaphore_mem>>
    %dma_wait3A_1548 = tpu.memref_squeeze %dma_wait3A_1547 : memref<1x!tpu.dma_semaphore, #tpu.memory_space<semaphore_mem>> -> memref<!tpu.dma_semaphore, #tpu.memory_space<semaphore_mem>>
    %dma_wait3A_1549 = arith.constant 0 : i32
    %dma_wait3A_1550 = tpu.memref_slice %arg6[%add3A_510, %dma_wait3A_1549] : memref<16384x128xf32, #tpu.memory_space<hbm>> -> memref<128x128xf32, #tpu.memory_space<hbm>>
    %dma_wait3A_1551 = arith.constant 0 : i32
    %dma_wait3A_1552 = arith.constant 0 : i32
    %dma_wait3A_1553 = tpu.memref_slice %arg10[%dma_wait3A_1539, %dma_wait3A_1551, %dma_wait3A_1552] : memref<6x128x128xf32, #tpu.memory_space<vmem>> -> memref<1x128x128xf32, #tpu.memory_space<vmem>>
    %dma_wait3A_1554 = tpu.memref_squeeze %dma_wait3A_1553 : memref<1x128x128xf32, #tpu.memory_space<vmem>> -> memref<128x128xf32, #tpu.memory_space<vmem>>
    tpu.wait_dma2 semaphore(%dma_wait3A_1548 : memref<!tpu.dma_semaphore, #tpu.memory_space<semaphore_mem>>) src(%dma_wait3A_1554 : memref<128x128xf32, #tpu.memory_space<vmem>>) dst(%dma_wait3A_1550 : memref<128x128xf32, #tpu.memory_space<hbm>>)
    %dma_wait3A_1555 = arith.constant 0 : i32
    %dma_wait3A_1556 = arith.constant 6 : i32
    %dma_wait3A_1557 = arith.constant 0 : i32
    %dma_wait3A_1558 = arith.constant 0 : i32
    %dma_wait3A_1559 = tpu.memref_slice %arg10[%dma_wait3A_1555, %dma_wait3A_1557, %dma_wait3A_1558] : memref<6x128x128xf32, #tpu.memory_space<vmem>> -> memref<1x128x128xf32, #tpu.memory_space<vmem>>
    %dma_wait3A_1560 = tpu.memref_squeeze %dma_wait3A_1559 : memref<1x128x128xf32, #tpu.memory_space<vmem>> -> memref<128x128xf32, #tpu.memory_space<vmem>>
    %dma_wait3A_1561 = arith.constant 0 : i32
    %dma_wait3A_1562 = tpu.memref_slice %arg6[%add3A_550, %dma_wait3A_1561] : memref<16384x128xf32, #tpu.memory_space<hbm>> -> memref<128x128xf32, #tpu.memory_space<hbm>>
    %dma_wait3A_1563 = tpu.memref_slice %arg14[%dma_wait3A_1556] : memref<13x!tpu.dma_semaphore, #tpu.memory_space<semaphore_mem>> -> memref<1x!tpu.dma_semaphore, #tpu.memory_space<semaphore_mem>>
    %dma_wait3A_1564 = tpu.memref_squeeze %dma_wait3A_1563 : memref<1x!tpu.dma_semaphore, #tpu.memory_space<semaphore_mem>> -> memref<!tpu.dma_semaphore, #tpu.memory_space<semaphore_mem>>
    %dma_wait3A_1565 = arith.constant 0 : i32
    %dma_wait3A_1566 = tpu.memref_slice %arg6[%add3A_550, %dma_wait3A_1565] : memref<16384x128xf32, #tpu.memory_space<hbm>> -> memref<128x128xf32, #tpu.memory_space<hbm>>
    %dma_wait3A_1567 = arith.constant 0 : i32
    %dma_wait3A_1568 = arith.constant 0 : i32
    %dma_wait3A_1569 = tpu.memref_slice %arg10[%dma_wait3A_1555, %dma_wait3A_1567, %dma_wait3A_1568] : memref<6x128x128xf32, #tpu.memory_space<vmem>> -> memref<1x128x128xf32, #tpu.memory_space<vmem>>
    %dma_wait3A_1570 = tpu.memref_squeeze %dma_wait3A_1569 : memref<1x128x128xf32, #tpu.memory_space<vmem>> -> memref<128x128xf32, #tpu.memory_space<vmem>>
    tpu.wait_dma2 semaphore(%dma_wait3A_1564 : memref<!tpu.dma_semaphore, #tpu.memory_space<semaphore_mem>>) src(%dma_wait3A_1570 : memref<128x128xf32, #tpu.memory_space<vmem>>) dst(%dma_wait3A_1566 : memref<128x128xf32, #tpu.memory_space<hbm>>)
    %dma_wait3A_1571 = arith.constant 1 : i32
    %dma_wait3A_1572 = arith.constant 7 : i32
    %dma_wait3A_1573 = arith.constant 0 : i32
    %dma_wait3A_1574 = arith.constant 0 : i32
    %dma_wait3A_1575 = tpu.memref_slice %arg10[%dma_wait3A_1571, %dma_wait3A_1573, %dma_wait3A_1574] : memref<6x128x128xf32, #tpu.memory_space<vmem>> -> memref<1x128x128xf32, #tpu.memory_space<vmem>>
    %dma_wait3A_1576 = tpu.memref_squeeze %dma_wait3A_1575 : memref<1x128x128xf32, #tpu.memory_space<vmem>> -> memref<128x128xf32, #tpu.memory_space<vmem>>
    %dma_wait3A_1577 = arith.constant 0 : i32
    %dma_wait3A_1578 = tpu.memref_slice %arg6[%add3A_590, %dma_wait3A_1577] : memref<16384x128xf32, #tpu.memory_space<hbm>> -> memref<128x128xf32, #tpu.memory_space<hbm>>
    %dma_wait3A_1579 = tpu.memref_slice %arg14[%dma_wait3A_1572] : memref<13x!tpu.dma_semaphore, #tpu.memory_space<semaphore_mem>> -> memref<1x!tpu.dma_semaphore, #tpu.memory_space<semaphore_mem>>
    %dma_wait3A_1580 = tpu.memref_squeeze %dma_wait3A_1579 : memref<1x!tpu.dma_semaphore, #tpu.memory_space<semaphore_mem>> -> memref<!tpu.dma_semaphore, #tpu.memory_space<semaphore_mem>>
    %dma_wait3A_1581 = arith.constant 0 : i32
    %dma_wait3A_1582 = tpu.memref_slice %arg6[%add3A_590, %dma_wait3A_1581] : memref<16384x128xf32, #tpu.memory_space<hbm>> -> memref<128x128xf32, #tpu.memory_space<hbm>>
    %dma_wait3A_1583 = arith.constant 0 : i32
    %dma_wait3A_1584 = arith.constant 0 : i32
    %dma_wait3A_1585 = tpu.memref_slice %arg10[%dma_wait3A_1571, %dma_wait3A_1583, %dma_wait3A_1584] : memref<6x128x128xf32, #tpu.memory_space<vmem>> -> memref<1x128x128xf32, #tpu.memory_space<vmem>>
    %dma_wait3A_1586 = tpu.memref_squeeze %dma_wait3A_1585 : memref<1x128x128xf32, #tpu.memory_space<vmem>> -> memref<128x128xf32, #tpu.memory_space<vmem>>
    tpu.wait_dma2 semaphore(%dma_wait3A_1580 : memref<!tpu.dma_semaphore, #tpu.memory_space<semaphore_mem>>) src(%dma_wait3A_1586 : memref<128x128xf32, #tpu.memory_space<vmem>>) dst(%dma_wait3A_1582 : memref<128x128xf32, #tpu.memory_space<hbm>>)
    return
  }
}

module attributes {stable_mosaic.version = 14 : i64} {
  func.func @_tc_body(%arg0: i32, %arg1: memref<4096x128xf32, #tpu.memory_space<vmem>>, %arg2: memref<4096x128xf32, #tpu.memory_space<vmem>>, %arg3: memref<32x4x128xf32, #tpu.memory_space<vmem>>, %arg4: memref<32x4x128xf32, #tpu.memory_space<vmem>>, %arg5: memref<1x128xf32, #tpu.memory_space<vmem>>, %arg6: memref<1x1xf32, #tpu.memory_space<vmem>>, %arg7: memref<4x128xf32, #tpu.memory_space<vmem>>, %arg8: memref<128x128xf32, #tpu.memory_space<vmem>>, %arg9: memref<1x1xf32, #tpu.memory_space<smem>>) attributes {dimension_semantics = [#tpu.dimension_semantics<arbitrary>], iteration_bounds = array<i64: 4>, scalar_prefetch = 0 : i64, scratch_operands = 3 : i64, tpu.core_type = #tpu.core_type<tc>, window_params = [{transform_indices = @transform_0, window_bounds = array<i64: 4096, 128>}, {transform_indices = @transform_1, window_bounds = array<i64: 4096, 128>}, {pipeline_mode = #tpu.pipeline_mode<synchronous>, transform_indices = @transform_2, window_bounds = array<i64: 32, 4, 128>}, {pipeline_mode = #tpu.pipeline_mode<synchronous>, transform_indices = @transform_3, window_bounds = array<i64: 32, 4, 128>}, {pipeline_mode = #tpu.pipeline_mode<synchronous>, transform_indices = @transform_4, window_bounds = array<i64: 1, 128>}, {pipeline_mode = #tpu.pipeline_mode<synchronous>, transform_indices = @transform_5, window_bounds = array<i64: 1, 1>}]} {
    %eq3A = arith.constant 0 : i32
    %eq3A_0 = arith.cmpi eq, %arg0, %eq3A : i32
    %convert_element_type3A = arith.extui %eq3A_0 : i1 to i32
    %cond3A = arith.constant 0 : i32
    %cond3A_1 = arith.cmpi ne, %convert_element_type3A, %cond3A : i32
    scf.if %cond3A_1 {
      %get3A_49 = arith.constant 0 : index
      %get3A_50 = arith.constant 0 : index
      %get3A_51 = vector.load %arg5[%get3A_49, %get3A_50] : memref<1x128xf32, #tpu.memory_space<vmem>>, vector<1x128xf32>
      %get3A_52 = arith.constant 0 : index
      %get3A_53 = arith.constant 0 : index
      %get3A_54 = arith.constant 0 : index
      %get3A_55 = vector.load %arg4[%get3A_52, %get3A_53, %get3A_54] : memref<32x4x128xf32, #tpu.memory_space<vmem>>, vector<32x1x128xf32>
      %reduce_sum3A_56 = arith.constant dense<0.000000e+00> : vector<1x128xf32>
      %reduce_sum3A_57 = vector.multi_reduction <add>, %get3A_55, %reduce_sum3A_56 [0] : vector<32x1x128xf32> to vector<1x128xf32>
      %get3A_58 = arith.constant 0 : index
      %get3A_59 = arith.constant 1 : index
      %get3A_60 = arith.constant 0 : index
      %get3A_61 = vector.load %arg4[%get3A_58, %get3A_59, %get3A_60] : memref<32x4x128xf32, #tpu.memory_space<vmem>>, vector<32x1x128xf32>
      %reduce_sum3A_62 = arith.constant dense<0.000000e+00> : vector<1x128xf32>
      %reduce_sum3A_63 = vector.multi_reduction <add>, %get3A_61, %reduce_sum3A_62 [0] : vector<32x1x128xf32> to vector<1x128xf32>
      %get3A_64 = arith.constant 0 : index
      %get3A_65 = arith.constant 2 : index
      %get3A_66 = arith.constant 0 : index
      %get3A_67 = vector.load %arg4[%get3A_64, %get3A_65, %get3A_66] : memref<32x4x128xf32, #tpu.memory_space<vmem>>, vector<32x1x128xf32>
      %reduce_sum3A_68 = arith.constant dense<0.000000e+00> : vector<1x128xf32>
      %reduce_sum3A_69 = vector.multi_reduction <add>, %get3A_67, %reduce_sum3A_68 [0] : vector<32x1x128xf32> to vector<1x128xf32>
      %get3A_70 = arith.constant 0 : index
      %get3A_71 = arith.constant 3 : index
      %get3A_72 = arith.constant 0 : index
      %get3A_73 = vector.load %arg4[%get3A_70, %get3A_71, %get3A_72] : memref<32x4x128xf32, #tpu.memory_space<vmem>>, vector<32x1x128xf32>
      %reduce_sum3A_74 = arith.constant dense<0.000000e+00> : vector<1x128xf32>
      %reduce_sum3A_75 = vector.multi_reduction <add>, %get3A_73, %reduce_sum3A_74 [0] : vector<32x1x128xf32> to vector<1x128xf32>
      %div3A = arith.constant 1.638400e+04 : f32
      %div3A_76 = vector.broadcast %div3A : f32 to vector<1x128xf32>
      %div3A_77 = arith.divf %reduce_sum3A_57, %div3A_76 : vector<1x128xf32>
      %div3A_78 = arith.constant 1.638400e+04 : f32
      %div3A_79 = vector.broadcast %div3A_78 : f32 to vector<1x128xf32>
      %div3A_80 = arith.divf %reduce_sum3A_63, %div3A_79 : vector<1x128xf32>
      %mul3A_81 = arith.mulf %div3A_77, %div3A_77 : vector<1x128xf32>
      %sub3A_82 = arith.subf %div3A_80, %mul3A_81 : vector<1x128xf32>
      %div3A_83 = arith.constant 1.638400e+04 : f32
      %div3A_84 = vector.broadcast %div3A_83 : f32 to vector<1x128xf32>
      %div3A_85 = arith.divf %reduce_sum3A_69, %div3A_84 : vector<1x128xf32>
      %div3A_86 = arith.constant 1.638400e+04 : f32
      %div3A_87 = vector.broadcast %div3A_86 : f32 to vector<1x128xf32>
      %div3A_88 = arith.divf %reduce_sum3A_75, %div3A_87 : vector<1x128xf32>
      %mul3A_89 = arith.mulf %div3A_85, %div3A_85 : vector<1x128xf32>
      %sub3A_90 = arith.subf %div3A_88, %mul3A_89 : vector<1x128xf32>
      %add3A_91 = arith.constant 9.99999974E-6 : f32
      %add3A_92 = vector.broadcast %add3A_91 : f32 to vector<1x128xf32>
      %add3A_93 = arith.addf %sub3A_82, %add3A_92 : vector<1x128xf32>
      %sqrt3A_94 = math.sqrt %add3A_93 : vector<1x128xf32>
      %div3A_95 = arith.divf %get3A_51, %sqrt3A_94 : vector<1x128xf32>
      %add3A_96 = arith.constant 9.99999974E-6 : f32
      %add3A_97 = vector.broadcast %add3A_96 : f32 to vector<1x128xf32>
      %add3A_98 = arith.addf %sub3A_90, %add3A_97 : vector<1x128xf32>
      %sqrt3A_99 = math.sqrt %add3A_98 : vector<1x128xf32>
      %div3A_100 = arith.divf %get3A_51, %sqrt3A_99 : vector<1x128xf32>
      %swap3A_101 = arith.constant 0 : index
      %swap3A_102 = arith.constant 0 : index
      %swap3A_103 = vector.load %arg7[%swap3A_101, %swap3A_102] : memref<4x128xf32, #tpu.memory_space<vmem>>, vector<1x128xf32>
      tpu.vector_store %arg7[%swap3A_101, %swap3A_102], %div3A_95 {strides = array<i32>} : memref<4x128xf32, #tpu.memory_space<vmem>>, vector<1x128xf32>,
      %swap3A_104 = arith.constant 1 : index
      %swap3A_105 = arith.constant 0 : index
      %swap3A_106 = vector.load %arg7[%swap3A_104, %swap3A_105] : memref<4x128xf32, #tpu.memory_space<vmem>>, vector<1x128xf32>
      tpu.vector_store %arg7[%swap3A_104, %swap3A_105], %div3A_100 {strides = array<i32>} : memref<4x128xf32, #tpu.memory_space<vmem>>, vector<1x128xf32>,
      %mul3A_107 = arith.mulf %div3A_85, %div3A_100 : vector<1x128xf32>
      %mul3A_108 = arith.mulf %div3A_77, %div3A_95 : vector<1x128xf32>
      %sub3A_109 = arith.subf %mul3A_107, %mul3A_108 : vector<1x128xf32>
      %swap3A_110 = arith.constant 2 : index
      %swap3A_111 = arith.constant 0 : index
      %swap3A_112 = vector.load %arg7[%swap3A_110, %swap3A_111] : memref<4x128xf32, #tpu.memory_space<vmem>>, vector<1x128xf32>
      tpu.vector_store %arg7[%swap3A_110, %swap3A_111], %sub3A_109 {strides = array<i32>} : memref<4x128xf32, #tpu.memory_space<vmem>>, vector<1x128xf32>,
      %get3A_113 = arith.constant 0 : index
      %get3A_114 = arith.constant 0 : index
      %get3A_115 = arith.constant 0 : index
      %get3A_116 = vector.load %arg3[%get3A_113, %get3A_114, %get3A_115] : memref<32x4x128xf32, #tpu.memory_space<vmem>>, vector<32x4x128xf32>
      %reshape3A_117 = vector.shape_cast %get3A_116 : vector<32x4x128xf32> to vector<128x128xf32>
      %swap3A_118 = arith.constant 0 : index
      %swap3A_119 = arith.constant 0 : index
      %swap3A_120 = vector.load %arg8[%swap3A_118, %swap3A_119] : memref<128x128xf32, #tpu.memory_space<vmem>>, vector<128x128xf32>
      tpu.vector_store %arg8[%swap3A_118, %swap3A_119], %reshape3A_117 {strides = array<i32>} : memref<128x128xf32, #tpu.memory_space<vmem>>, vector<128x128xf32>,
      %swap3A_121 = arith.constant 0.000000e+00 : f32
      %swap3A_122 = arith.constant 0 : index
      %swap3A_123 = arith.constant 0 : index
      %swap3A_124 = memref.load %arg9[%swap3A_122, %swap3A_123] : memref<1x1xf32, #tpu.memory_space<smem>>
      memref.store %swap3A_121, %arg9[%swap3A_122, %swap3A_123] : memref<1x1xf32, #tpu.memory_space<smem>>
    } else {
    }
    %get3A = arith.constant 0 : index
    %get3A_2 = arith.constant 0 : index
    %get3A_3 = vector.load %arg7[%get3A, %get3A_2] : memref<4x128xf32, #tpu.memory_space<vmem>>, vector<1x128xf32>
    %get3A_4 = arith.constant 1 : index
    %get3A_5 = arith.constant 0 : index
    %get3A_6 = vector.load %arg7[%get3A_4, %get3A_5] : memref<4x128xf32, #tpu.memory_space<vmem>>, vector<1x128xf32>
    %get3A_7 = arith.constant 2 : index
    %get3A_8 = arith.constant 0 : index
    %get3A_9 = vector.load %arg7[%get3A_7, %get3A_8] : memref<4x128xf32, #tpu.memory_space<vmem>>, vector<1x128xf32>
    %get3A_10 = arith.constant 0 : index
    %get3A_11 = arith.constant 0 : index
    %get3A_12 = vector.load %arg1[%get3A_10, %get3A_11] : memref<4096x128xf32, #tpu.memory_space<vmem>>, vector<4096x128xf32>
    %mul3A = vector.broadcast %get3A_3 : vector<1x128xf32> to vector<4096x128xf32>
    %mul3A_13 = arith.mulf %get3A_12, %mul3A : vector<4096x128xf32>
    %get3A_14 = arith.constant 0 : index
    %get3A_15 = arith.constant 0 : index
    %get3A_16 = vector.load %arg2[%get3A_14, %get3A_15] : memref<4096x128xf32, #tpu.memory_space<vmem>>, vector<4096x128xf32>
    %mul3A_17 = vector.broadcast %get3A_6 : vector<1x128xf32> to vector<4096x128xf32>
    %mul3A_18 = arith.mulf %get3A_16, %mul3A_17 : vector<4096x128xf32>
    %sub3A = arith.subf %mul3A_13, %mul3A_18 : vector<4096x128xf32>
    %add3A = vector.broadcast %get3A_9 : vector<1x128xf32> to vector<4096x128xf32>
    %add3A_19 = arith.addf %sub3A, %add3A : vector<4096x128xf32>
    %mul3A_20 = arith.mulf %add3A_19, %add3A_19 : vector<4096x128xf32>
    %reduce_sum3A = arith.constant dense<0.000000e+00> : vector<4096xf32>
    %reduce_sum3A_21 = vector.multi_reduction <add>, %mul3A_20, %reduce_sum3A [1] : vector<4096x128xf32> to vector<4096xf32>
    %reshape3A = vector.shape_cast %reduce_sum3A_21 : vector<4096xf32> to vector<32x128xf32>
    %mul3A_22 = arith.constant 32 : i32
    %mul3A_23 = arith.muli %arg0, %mul3A_22 : i32
    %get3A_24 = arith.index_cast %mul3A_23 : i32 to index
    %get3A_25 = arith.constant 0 : index
    %get3A_26 = vector.load %arg8[%get3A_24, %get3A_25] : memref<128x128xf32, #tpu.memory_space<vmem>>, vector<32x128xf32>
    %sqrt3A = math.sqrt %reshape3A : vector<32x128xf32>
    %add3A_27 = arith.addf %sqrt3A, %get3A_26 : vector<32x128xf32>
    %sub3A_28 = arith.constant 1.000000e-01 : f32
    %sub3A_29 = vector.broadcast %sub3A_28 : f32 to vector<32x128xf32>
    %sub3A_30 = arith.subf %add3A_27, %sub3A_29 : vector<32x128xf32>
    %get3A_31 = arith.constant 0 : index
    %get3A_32 = arith.constant 0 : index
    %get3A_33 = memref.load %arg9[%get3A_31, %get3A_32] : memref<1x1xf32, #tpu.memory_space<smem>>
    %max3A = arith.constant 0.000000e+00 : f32
    %max3A_34 = vector.broadcast %max3A : f32 to vector<32x128xf32>
    %max3A_35 = arith.maximumf %sub3A_30, %max3A_34 : vector<32x128xf32>
    %reduce_sum3A_36 = vector.shape_cast %max3A_35 : vector<32x128xf32> to vector<1x32x128xf32>
    %reduce_sum3A_37 = arith.constant dense<0.000000e+00> : vector<1xf32>
    %reduce_sum3A_38 = vector.multi_reduction <add>, %reduce_sum3A_36, %reduce_sum3A_37 [1, 2] : vector<1x32x128xf32> to vector<1xf32>
    %reduce_sum3A_39 = vector.shape_cast %reduce_sum3A_38 : vector<1xf32> to vector<1x1x1xf32>
    %reduce_sum3A_40 = vector.extract %reduce_sum3A_39[0, 0, 0] : f32 from vector<1x1x1xf32>
    %add3A_41 = arith.addf %get3A_33, %reduce_sum3A_40 : f32
    %swap3A = arith.constant 0 : index
    %swap3A_42 = arith.constant 0 : index
    %swap3A_43 = memref.load %arg9[%swap3A, %swap3A_42] : memref<1x1xf32, #tpu.memory_space<smem>>
    memref.store %add3A_41, %arg9[%swap3A, %swap3A_42] : memref<1x1xf32, #tpu.memory_space<smem>>
    %eq3A_44 = arith.constant 3 : i32
    %eq3A_45 = arith.cmpi eq, %arg0, %eq3A_44 : i32
    %convert_element_type3A_46 = arith.extui %eq3A_45 : i1 to i32
    %cond3A_47 = arith.constant 0 : i32
    %cond3A_48 = arith.cmpi ne, %convert_element_type3A_46, %cond3A_47 : i32
    scf.if %cond3A_48 {
      %get3A_49 = arith.constant 0 : index
      %get3A_50 = arith.constant 0 : index
      %get3A_51 = memref.load %arg9[%get3A_49, %get3A_50] : memref<1x1xf32, #tpu.memory_space<smem>>
      %div3A = arith.constant 1.638400e+04 : f32
      %div3A_52 = arith.divf %get3A_51, %div3A : f32
      %broadcast_in_dim3A = vector.broadcast %div3A_52 : f32 to vector<1x1xf32>
      %swap3A_53 = arith.constant 0 : index
      %swap3A_54 = arith.constant 0 : index
      %swap3A_55 = vector.load %arg6[%swap3A_53, %swap3A_54] : memref<1x1xf32, #tpu.memory_space<vmem>>, vector<1x1xf32>
      tpu.vector_store %arg6[%swap3A_53, %swap3A_54], %broadcast_in_dim3A {strides = array<i32>} : memref<1x1xf32, #tpu.memory_space<vmem>>, vector<1x1xf32>,
    } else {
    }
    return
  }
  func.func @transform_0(%arg0: i32) -> (i32, i32) {
    %c0_i32 = arith.constant 0 : i32
    %c0_i32_0 = arith.constant 0 : i32
    return %arg0, %c0_i32 : i32, i32
  }
  func.func @transform_1(%arg0: i32) -> (i32, i32) {
    %c0_i32 = arith.constant 0 : i32
    %c0_i32_0 = arith.constant 0 : i32
    return %arg0, %c0_i32 : i32, i32
  }
  func.func @transform_2(%arg0: i32) -> (i32, i32, i32) {
    %c0_i32 = arith.constant 0 : i32
    %c0_i32_0 = arith.constant 0 : i32
    %c0_i32_1 = arith.constant 0 : i32
    %c0_i32_2 = arith.constant 0 : i32
    return %c0_i32, %c0_i32_0, %c0_i32_1 : i32, i32, i32
  }
  func.func @transform_3(%arg0: i32) -> (i32, i32, i32) {
    %c0_i32 = arith.constant 0 : i32
    %c0_i32_0 = arith.constant 0 : i32
    %c0_i32_1 = arith.constant 0 : i32
    %c0_i32_2 = arith.constant 0 : i32
    return %c0_i32, %c0_i32_0, %c0_i32_1 : i32, i32, i32
  }
  func.func @transform_4(%arg0: i32) -> (i32, i32) {
    %c0_i32 = arith.constant 0 : i32
    %c0_i32_0 = arith.constant 0 : i32
    %c0_i32_1 = arith.constant 0 : i32
    return %c0_i32, %c0_i32_0 : i32, i32
  }
  func.func @transform_5(%arg0: i32) -> (i32, i32) {
    %c0_i32 = arith.constant 0 : i32
    %c0_i32_0 = arith.constant 0 : i32
    %c0_i32_1 = arith.constant 0 : i32
    return %c0_i32, %c0_i32_0 : i32, i32
  }
}

</mosaic_0001>

<sc_bundles>
// kernel: kernel.4.cloned.1.call-start
scs
__scs_entry_jumppad:
0x0: {  	(pc) =	sbr.rel $0x88, $3  }
0x1: {  	(tag) =	ssettag $0x0;
	lr =	simm.s32 $0x1  }
0x2: {  	[smem:$0x3F9D] =	sst lr;
	_ =	strace $0xD0000000  }
0x3: {  	_ = 	snop  }
0x4: {  	_ = 	snop  }
0x5: {  	_ = 	snop  }
0x6: {  	_ = 	snop  }
0x7: {  	_ = 	snop  }
__scs_overlays_trampoline_lowered:
0x8: {  	[smem:$0x3FAC] =	sst s0  }
0x9: {  	[smem:$0x3FAD] =	sst s1  }
0xa: {  	[smem:$0x3FAE] =	sst s2  }
0xb: {  	[smem:$0x3FAF] =	sst s3  }
0xc: {  	[smem:$0x3FB0] =	sst s4  }
0xd: {  	[smem:$0x3FB1] =	sst s5  }
0xe: {  	[smem:$0x3FB2] =	sst s6  }
0xf: {  	[smem:$0x3FB3] =	sst s7  }
0x10: {  	[smem:$0x3FB4] =	sst s8  }
0x11: {  	[smem:$0x3FB5] =	sst s9;
	s0 =	simm.s32 @!p0 $0x0  }
0x12: {  	s1 =	sld [smem:$0x3F9B];
	s0 =	simm.s32 @p0 $0x1  }
0x13: {  	[smem:$0x3FB6] =	sst s0;
	s0 =	simm.s32 @!p1 $0x0  }
0x14: {  	s2 =	sld [smem:$0x3F9A];
	s0 =	simm.s32 @p1 $0x1  }
0x15: {  	[smem:$0x3FB7] =	sst s0;
	s0 =	simm.s32 @!p2 $0x0  }
0x16: {  	s3 =	sld [smem:$0x3FDB];
	s0 =	simm.s32 @p2 $0x1  }
0x17: {  	s4 =	simm.s32 $0x1BF5;
	[smem:$0x3FB9] =	sst s0  }
0x18: {  	s0 =	sld [smem:$0x3F9C];
	_ =	swait.ge [sflag:s4], $0x0  }
0x19: {  	s7 =	sld [smem:$0x3F9D]  }
0x1a: {  	s8 =	sadd.s32 $0xFFFFE003, lr  }
0x1b: {  	s9 =	sadd.s32 $0xFFFFFEF7, lr;
	s5 =	simm.s32 $0xFFFFFFFF;
	p2 =	slt.u32 s8, $0xFFFFF086  }
0x1c: {  	p1 =	slt.u32 s9, $0xF7A;
	s5 =	simm.s32 @!p2 $0x0  }
0x1d: {  	s5 =	simm.s32 @p1 $0x1;
	p0 =	seq.s32 s7, s2  }
0x1e: {  	s7 =	smul.u32 @!p0 $0xF7A, s2;
	p2 =	seq.s32 @!p0 s5, $0x0  }
0x1f: {  	s9 =	smul.u32 $0xF7A, s1;
	s8 =	simm.s32 @!p0 $0x1BF5;
	p2 =	por !p2, p0  }
0x20: {  	[sflag:s8] =	ssyncset.s32 @!p0 $0xFFFFF086;
	s6 =	sadd.s32 @!p0 s3, s7;
	s7 =	simm.s32 @!p0 $0x108  }
0x21: {  	s3 =	sadd.s32 s3, s9;
	s6 =	sadd.s32 @!p0 $0x88, s6;
	s7 =	simm.s32 @p2 $0x1082  }
0x22: {  	[simem:s7], [sflag:s8] =	dma.local @!p0 [hbm:s6], $0xF7A  }
0x23: {  	s9 =	sor.u32 $0xD0000000, s2;
	s6 =	simm.s32 $0x108;
	_ =	swait.ge @!p0 [sflag:s8], $0x0  }
0x24: {  	s3 =	sadd.s32 $0x88, s3;
	s6 =	simm.s32 @!p1 $0x1082;
	[sflag:s4] =	ssyncset.s32 $0xFFFFF086  }
0x25: {  	[simem:s6], [sflag:s4] =	dma.local [hbm:s3], $0xF7A  }
0x26: {  	[smem:$0x3F9D] =	sst s1;
	(tag) =	ssettag s2;
	_ =	strace s9  }
0x27: {  	s1 =	sld [smem:$0x3FAD]  }
0x28: {  	s2 =	sld [smem:$0x3FAE]  }
0x29: {  	s4 =	sld [smem:$0x3FB0]  }
0x2a: {  	p0 =	seq.s32 s5, $0x0;
	s5 =	sld [smem:$0x3FB1]  }
0x2b: {  	s6 =	sld [smem:$0x3FB2]  }
0x2c: {  	s7 =	sld [smem:$0x3FB3]  }
0x2d: {  	s3 =	simm.s32 $0x108;
	s8 =	sld [smem:$0x3FB4]  }
0x2e: {  	s3 =	simm.s32 @!p0 $0x1082;
	s9 =	sld [smem:$0x3FB5]  }
0x2f: {  	lr =	sadd.s32 s0, s3;
	s0 =	sld [smem:$0x3FAC]  }
0x30: {  	s3 =	sld [smem:$0x3FAF]  }
0x31: {  	[smem:$0x3FB8] =	sst s10  }
0x32: {  	s10 =	sld [smem:$0x3FB6];
	_ =	sdelay $0x3  }
0x33: {  	p0 =	seq.s32 s10, $0x1;
	s10 =	sld [smem:$0x3FB8];
	_ =	sdelay $0x3  }
0x34: {  	[smem:$0x3FB8] =	sst s10  }
0x35: {  	s10 =	sld [smem:$0x3FB7];
	_ =	sdelay $0x3  }
0x36: {  	p1 =	seq.s32 s10, $0x1;
	s10 =	sld [smem:$0x3FB8];
	_ =	sdelay $0x3  }
0x37: {  	[smem:$0x3FB8] =	sst s10  }
0x38: {  	s10 =	sld [smem:$0x3FB9]  }
0x39: {  	_ = 	snop;
	(pc) =	sbr.ind lr, $3  }
0x3a: {  	_ = 	snop  }
0x3b: {  	_ = 	snop  }
0x3c: {  	p2 =	seq.s32 s10, $0x1;
	s10 =	sld [smem:$0x3FB8]  }
0x3d: {  	_ =	shalt  }
0x3e: {  	_ =	shalt  }
0x3f: {  	_ =	shalt  }
0x40: {  	_ =	shalt  }
0x41: {  	_ =	shalt  }
0x42: {  	_ =	shalt  }
0x43: {  	_ =	shalt  }
0x44: {  	_ =	shalt  }
0x45: {  	_ =	shalt  }
0x46: {  	_ =	shalt  }
0x47: {  	_ =	shalt  }
0x48: {  	_ =	shalt  }
0x49: {  	_ =	shalt  }
0x4a: {  	_ =	shalt  }
0x4b: {  	_ =	shalt  }
0x4c: {  	_ =	shalt  }
0x4d: {  	_ =	shalt  }
0x4e: {  	_ =	shalt  }
0x4f: {  	_ =	shalt  }
0x50: {  	_ =	shalt  }
0x51: {  	_ =	shalt  }
0x52: {  	_ =	shalt  }
0x53: {  	_ =	shalt  }
0x54: {  	_ =	shalt  }
0x55: {  	_ =	shalt  }
0x56: {  	_ =	shalt  }
0x57: {  	_ =	shalt  }
0x58: {  	_ =	shalt  }
0x59: {  	_ =	shalt  }
0x5a: {  	_ =	shalt  }
0x5b: {  	_ =	shalt  }
0x5c: {  	_ =	shalt  }
0x5d: {  	_ =	shalt  }
0x5e: {  	_ =	shalt  }
0x5f: {  	_ =	shalt  }
0x60: {  	_ =	shalt  }
0x61: {  	_ =	shalt  }
0x62: {  	_ =	shalt  }
0x63: {  	_ =	shalt  }
0x64: {  	_ =	shalt  }
0x65: {  	_ =	shalt  }
0x66: {  	_ =	shalt  }
0x67: {  	_ =	shalt  }
0x68: {  	_ =	shalt  }
0x69: {  	_ =	shalt  }
0x6a: {  	_ =	shalt  }
0x6b: {  	_ =	shalt  }
0x6c: {  	_ =	shalt  }
0x6d: {  	_ =	shalt  }
0x6e: {  	_ =	shalt  }
0x6f: {  	_ =	shalt  }
0x70: {  	_ =	shalt  }
0x71: {  	_ =	shalt  }
0x72: {  	_ =	shalt  }
0x73: {  	_ =	shalt  }
0x74: {  	_ =	shalt  }
0x75: {  	_ =	shalt  }
0x76: {  	_ =	shalt  }
0x77: {  	_ =	shalt  }
0x78: {  	_ =	shalt  }
0x79: {  	_ =	shalt  }
0x7a: {  	_ =	shalt  }
0x7b: {  	_ =	shalt  }
0x7c: {  	_ =	shalt  }
0x7d: {  	_ =	shalt  }
0x7e: {  	_ =	shalt  }
0x7f: {  	_ =	shalt  }
0x80: {  	_ =	shalt  }
0x81: {  	_ =	shalt  }
0x82: {  	_ =	shalt  }
0x83: {  	_ =	shalt  }
0x84: {  	_ =	shalt  }
0x85: {  	_ =	shalt  }
0x86: {  	_ =	shalt  }
0x87: {  	_ =	shalt  }
.Lfunc_end0:
.L_simem_size_0:
called_computation_lowered:
.L_overlay_start_0:
0x88: {  	s2 =	sld [smem:$0x3FD9]  }
0x89: {  	s3 =	sld [smem:$0x3FFE];
	_ =	sdelay $0x1  }
0x8a: {  	s1 =	srdreg.scid  }
0x8b: {  	s0 =	sand.u32 $0x1, s1  }
0x8c: {  	s17 =	sshll.u32 s0, $0xA;
	s2 =	sadd.s32 s3, s2  }
0x8d: {  	s2 =	sadd.s32 s2, s17  }
0x8e: {  	[smem:$0x3FC4] =	sst s2  }
0x8f: {  	_ = 	snop  }
0x90: {  	s2 =	sld [smem:$0x3FC8];
	(tm) =	ssettm $0x1  }
0x91: {  	s18 =	sld [smem:$0x3FFB];
	_ =	sdelay $0x3  }
0x92: {  	_ =	strace s18  }
0x93: {  	s3 =	sld [smem:$0x3FFC];
	_ =	sdelay $0x3  }
0x94: {  	_ =	strace s3  }
0x95: {  	s3 =	sld [smem:$0x3FFD];
	_ =	sdelay $0x3  }
0x96: {  	_ =	strace s3  }
0x97: {  	_ =	strace $0x8FFFFFFF  }
0x98: {  	s19 =	sld [smem:$0x3FDB];
	_ =	sdelay $0x1  }
0x99: {  	s4 =	simm.s32 $_scs_section_size  }
0x9a: {  	s5 =	simm.s32 $_size__tile_overlayer_lowered;
	s6 =	simm.s32 $_tile_overlayer_lowered  }
0x9b: {  	s22 =	simm.s32 $0x1BFF;
	s21 =	sshll.u32 s6, $0x1;
	s3 =	sadd.s32 s4, s19  }
0x9c: {  	s7 =	simm.s32 $0x0;
	s20 =	sshll.u32 s5, $0x1;
	s5 =	sadd.s32 s21, s3  }
0x9d: {  	[timem:s7], [sflag:s22] =	dma.local [hbm:s5], s20  }
0x9e: {  	_ =	swait.ge [sflag:s22], s20  }
0x9f: {  	s4 =	ssub.s32 $0x0, s20;
	[sflag:s22] =	ssyncset.done $0x0  }
0xa0: {  	[sflag:s22] =	ssyncadd.s32 s4;
	_ =	sdelay $0x1  }
0xa1: {  	s23 =	simm.s32 $0x1B8B  }
0xa2: {  	_ =	swait.ge [sflag:s23], $0x1  }
0xa3: {  	[sflag:s23] =	ssyncset.done $0x0  }
0xa4: {  	s25 =	simm.s32 $0x1B8E;
	s24 =	sld [smem:$0x3FFE];
	[sflag:s23] =	ssyncadd.s32 $0xFFFFFFFF  }
0xa5: {  	s26 =	simm.s32 $execute0_lowered;
	[smem:$0x3FD2] =	sst s25  }
0xa6: {  	s5 =	sshll.u32 s26, $0x1;
	_ =	strace $0x80000046;
	[dreg:$0x1] =	wrdreg $0xFFFFFFFF  }
0xa7: {  	s28 =	simm.s32 $_size_execute0_lowered;
	s3 =	sadd.s32 s3, s5;
	[dreg:$0x0] =	wrdreg $0x0  }
0xa8: {  	s5 =	sshll.u32 s28, $0x1;
	[dreg:$0x2] =	wrdreg s3  }
0xa9: {  	[dreg:$0x3] =	wrdreg s5  }
0xaa: {  	[dreg:$0x4] =	wrdreg $0xC0  }
0xab: {  	_ =	task [dreg:s7], $0x5FFFF  }
0xac: {  	[dreg:$0x1] =	wrdreg $0xFFFFFFFF  }
0xad: {  	[dreg:$0x0] =	wrdreg $0x60  }
0xae: {  	[dreg:$0x2] =	wrdreg s2  }
0xaf: {  	[dreg:$0x3] =	wrdreg s24  }
0xb0: {  	[dreg:$0x4] =	wrdreg $0x9  }
0xb1: {  	_ =	task.clear_ibuf [dreg:s7], $0x5FFFF;
	_ =	strace $0x90000046  }
0xb2: {  	s29 =	simm.s32 $0x9;
	_ =	strace $0x80000048  }
0xb3: {  	_ =	swait.ge [sflag:s29], $0x1  }
0xb4: {  	[sflag:s29] =	ssyncadd.s32 $0xFFFFFFFF  }
0xb5: {  	_ =	strace $0x90000048  }
0xb6: {  	_ =	sfence  }
0xb7: {  	s30 =	sld [smem:$0x0];
	_ =	sdelay $0x2  }
0xb8: {  	s31 =	sshll.u32 s1, $0xD;
	s1 =	sshrl.u32 s1, $0x2  }
0xb9: {  	s3 =	sand.u32 $0x4000, s31;
	s1 =	sadd.s32 s1, s30  }
0xba: {  	s0 =	sor.u32 s3, s0;
	s1 =	sshll.u32 s1, $0x11  }
0xbb: {  	s0 =	sor.u32 s1, s0  }
0xbc: {  	s0 =	sadd.s32 $0x8F2B, s0  }
0xbd: {  	[sflag:s0] =	ssyncadd.remote.s32 $0x1  }
0xbe: {  	_ =	sfence.sel $0xFFFF  }
0xbf: {  	[dreg:$0x0] =	wrdreg $0xFFFFFFFF;
	(pc) =	sbr.abs _section_cstart, $3  }
0xc0: {  	[dreg:$0x1] =	wrdreg $0xFFFFFFFF  }
0xc1: {  	_ =	task.clear_ibuf [dreg:s7], $0x2FFFF;
	_ =	strace $0x9FFFFFFF  }
0xc2: {  	(tm) =	ssettm $0x7FFFFFFF  }
0xc3: {  	_ =	shalt  }
tec
execute0_lowered:
.L_overlay_start_1:
0x0: {  	(tag) =	ssettag $0x1  }
0x1: {  	s2 =	rddreg [dreg:$0x0]  }
0x2: {  	s0 =	srdreg.scid;
	s3 =	stileid.u32  }
0x3: {  	s1 =	rddreg [dreg:$0x1];
	s17 =	simm.s32 $0xE;
	s29 =	simm.s32 $0x1  }
0x4: {  	s31 =	simm.s32 $0x14400;
	s28 =	simm.s32 $0x5;
	s30 =	simm.s32 $0xD  }
0x5: {  	s0 =	sand.u32 $0x1, s0;
	s4 =	sshll.u32 s3, $0x1;
	s3 =	simm.s32 $0x0  }
0x6: {  	s7 =	sadd.s32 $0x5000, s1;
	s9 =	sadd.s32 $0x45000, s1;
	s5 =	sor.u32 s0, s4  }
0x7: {  	[smem:$0x7FF] =	sst s3;
	s4 =	sadd.s32 $0x1E00, s1;
	s0 =	ssub.s32 $0x2, s0  }
0x8: {  	s6 =	sshll.u32 s5, $0x7;
	_ =	strace $0x80000047;
	s8 =	sshll.u32 s5, $0x6  }
0x9: {  	s18 =	sshrl.u32 s0, $0x1;
	s5 =	sshll.u32 s5, $0xD;
	s6 =	sadd.s32 s6, s1  }
0xa: {  	s1 =	sadd.s32 s8, s1;
	s0 =	ssub.s32 s0, s18;
	s19 =	sadd.s32 s7, s5  }
0xb: {  	s20 =	sor.u32 $0x800, s5;
	s21 =	sor.u32 $0x1000, s5;
	s23 =	sor.u32 $0x1800, s5  }
0xc: {  	s5 =	sadd.s32 s9, s5;
	s18 =	simm.s32 $0x80;
	s8 =	simm.s32 $0xC  }
0xd: {  	s6 =	sadd.s32 $0xE00, s6;
	[dreg:$0x4] =	wrdreg s19;
	s10 =	sadd.s32 s7, s20  }
0xe: {  	s22 =	sadd.s32 s7, s21;
	s7 =	sadd.s32 s7, s23;
	[dreg:$0x8] =	wrdreg s5  }
0xf: {  	s24 =	sadd.s32 s9, s20;
	s25 =	sadd.s32 s9, s21;
	[dreg:$0x3] =	wrdreg s6  }
0x10: {  	s26 =	sadd.s32 s9, s23;
	s14 =	sadd.s32 $0x85800, s1;
	[dreg:$0x5] =	wrdreg s10  }
0x11: {  	s15 =	sadd.s32 $0x85000, s1;
	s16 =	smax.u32 s0, $0x1;
	[dreg:$0x6] =	wrdreg s22  }
0x12: {  	s19 =	simm.s32 $0x400;
	s20 =	simm.s32 $0x4400;
	[dreg:$0x7] =	wrdreg s7  }
0x13: {  	s0 =	simm.s32 $0x2;
	s21 =	simm.s32 $0x7;
	[dreg:$0x9] =	wrdreg s24  }
0x14: {  	s23 =	simm.s32 $0x3;
	s5 =	simm.s32 $0x4;
	[dreg:$0xa] =	wrdreg s25  }
0x15: {  	s1 =	simm.s32 $0xA;
	s9 =	simm.s32 $0x0;
	[dreg:$0xb] =	wrdreg s26  }
0x16: {  	s25 =	simm.s32 $0x8;
	s6 =	simm.s32 $0x6;
	s7 =	simm.s32 $0xB  }
.LBB2_1:
0x17: {  	s10 =	rddreg [dreg:$0x3]  }
0x18: {  	[tilespmem:s3], [sflag:$0xE] =	stream.linear.gather [hbm4b:s10+s3], $0x400, $0x38;
	[tilespmem:$0x18C00] =	vst v63  }
0x19: {  	_ =	swait.ge [sflag:s17], $0x400  }
0x1a: {  	[sflag:s17] =	ssyncset.done $0x0  }
0x1b: {  	s12 =	simm.s32 $0x18400;
	[sflag:s17] =	ssyncadd.s32 $0xFFFFFC00  }
0x1c: {  	[tilespmem:s12], [sflag:$0xD] =	stream.indirect.gather [hbm4b:s4+s18], $0x1, s3, s18, $0xb8;
	[tilespmem:$0x18C00] =	vst v63  }
0x1d: {  	s13 =	simm.s32 $0x18480  }
0x1e: {  	[tilespmem:s13], [sflag:$0xD] =	stream.indirect.gather [hbm4b:s4+s18], $0x1, s18, s18, $0xb8;
	[tilespmem:$0x18C00] =	vst v63  }
0x1f: {  	s22 =	simm.s32 $0x18500;
	s10 =	simm.s32 $0x100  }
0x20: {  	[tilespmem:s22], [sflag:$0xD] =	stream.indirect.gather [hbm4b:s4+s18], $0x1, s10, s18, $0xb8;
	[tilespmem:$0x18C00] =	vst v63  }
0x21: {  	s11 =	simm.s32 $0x18580;
	s22 =	simm.s32 $0x180  }
0x22: {  	[tilespmem:s11], [sflag:$0xD] =	stream.indirect.gather [hbm4b:s4+s18], $0x1, s22, s18, $0xb8;
	[tilespmem:$0x18C00] =	vst v63  }
0x23: {  	s24 =	simm.s32 $0x18600;
	s11 =	simm.s32 $0x200  }
0x24: {  	[tilespmem:s24], [sflag:$0xD] =	stream.indirect.gather [hbm4b:s4+s18], $0x1, s11, s18, $0xb8;
	[tilespmem:$0x18C00] =	vst v63  }
0x25: {  	s12 =	simm.s32 $0x18680;
	s24 =	simm.s32 $0x280  }
0x26: {  	[tilespmem:s12], [sflag:$0xD] =	stream.indirect.gather [hbm4b:s4+s18], $0x1, s24, s18, $0xb8;
	[tilespmem:$0x18C00] =	vst v63  }
0x27: {  	s26 =	simm.s32 $0x18700;
	s12 =	simm.s32 $0x300  }
0x28: {  	[tilespmem:s26], [sflag:$0xD] =	stream.indirect.gather [hbm4b:s4+s18], $0x1, s12, s18, $0xb8;
	[tilespmem:$0x18C00] =	vst v63  }
0x29: {  	s13 =	simm.s32 $0x18780;
	s26 =	simm.s32 $0x380  }
0x2a: {  	[tilespmem:s13], [sflag:$0xD] =	stream.indirect.gather [hbm4b:s4+s18], $0x1, s26, s18, $0xb8;
	[tilespmem:$0x18C00] =	vst v63  }
0x2b: {  	_ = 	snop  }
0x2c: {  	[tilespmem:s19], [sflag:$0x1] =	stream.indirect.gather [hbm4b:s2+s18], $0x80, s3, s18, $0xb8;
	[tilespmem:$0x18C00] =	vst v63  }
0x2d: {  	_ = 	snop  }
0x2e: {  	[tilespmem:s20], [sflag:$0x2] =	stream.indirect.gather [hbm4b:s2+s18], $0x80, s18, s18, $0xb8;
	[tilespmem:$0x18C00] =	vst v63  }
0x2f: {  	s13 =	simm.s32 $0x8400  }
0x30: {  	[tilespmem:s13], [sflag:$0x3] =	stream.indirect.gather [hbm4b:s2+s18], $0x80, s10, s18, $0xb8;
	[tilespmem:$0x18C00] =	vst v63  }
0x31: {  	s10 =	simm.s32 $0xC400  }
0x32: {  	[tilespmem:s10], [sflag:$0x4] =	stream.indirect.gather [hbm4b:s2+s18], $0x80, s22, s18, $0xb8;
	[tilespmem:$0x18C00] =	vst v63  }
0x33: {  	s22 =	simm.s32 $0x10400  }
0x34: {  	[tilespmem:s22], [sflag:$0x5] =	stream.indirect.gather [hbm4b:s2+s18], $0x80, s11, s18, $0xb8;
	[tilespmem:$0x18C00] =	vst v63  }
0x35: {  	_ =	swait.ge [sflag:s29], $0x4000  }
0x36: {  	[sflag:s29] =	ssyncset.done $0x0  }
0x37: {  	s11 =	simm.s32 $0x480;
	[sflag:s29] =	ssyncadd.s32 $0xFFFFC000  }
0x38: {  	v0 =	vld [tilespmem:s11+$0xFFFFFF80]  }
0x39: {  	v1 =	vld [tilespmem:s11+$0xFFFFFF90]  }
0x3a: {  	v2 =	vld [tilespmem:s11+$0x0]  }
0x3b: {  	v3 =	vld [tilespmem:s11+$0x10]  }
0x3c: {  	v14 =	vld [tilespmem:s11+$0xFFFFFFC0]  }
0x3d: {  	v4 =	vld [tilespmem:s11+$0xFFFFFFA0]  }
0x3e: {  	v11 =	vld [tilespmem:s11+$0x30]  }
0x3f: {  	v8 =	vimm.f32 $0.0e+00;
	v9 =	vld [tilespmem:s11+$0xFFFFFFB0];
	v5 =	vmul.f32 v0, v0  }
0x40: {  	v6 =	vmul.f32 v1, v1;
	v0 =	vadd.f32 v0, v8;
	v7 =	vmul.f32 v2, v2  }
0x41: {  	v13 =	vld [tilespmem:s11+$0xFFFFFFD0];
	v1 =	vadd.f32 v1, v8;
	v15 =	vmul.f32 v3, v3;
	v21 =	vadd.f32 v14, v8  }
0x42: {  	v10 =	vld [tilespmem:s11+$0x20];
	v16 =	vmul.f32 v4, v4;
	v5 =	vadd.f32 v5, v8;
	v12 =	vadd.f32 v6, v8  }
0x43: {  	v19 =	vmul.f32 v11, v11;
	v6 =	vadd.f32 v2, v0;
	v2 =	vadd.f32 v3, v1  }
0x44: {  	v0 =	vmul.f32 v9, v9;
	v1 =	vadd.f32 v4, v8;
	v9 =	vadd.f32 v9, v8  }
0x45: {  	v20 =	vmul.f32 v14, v14;
	v7 =	vadd.f32 v7, v5;
	v3 =	vadd.f32 v15, v12;
	v15 =	vld [tilespmem:s11+$0x40]  }
0x46: {  	v17 =	vld [tilespmem:s11+$0x50];
	v23 =	vmul.f32 v13, v13;
	v5 =	vadd.f32 v16, v8;
	v16 =	vadd.f32 v0, v8  }
0x47: {  	v18 =	vld [tilespmem:s11+$0xFFFFFFE0];
	v14 =	vimm.f32 $0.0e+00;
	v22 =	vadd.f32 v20, v8;
	v4 =	vadd.f32 v10, v1  }
0x48: {  	v12 =	vmul.f32 v10, v10;
	v0 =	vadd.f32 v11, v9;
	v1 =	vadd.f32 v19, v16;
	v16 =	vld [tilespmem:s11+$0xFFFFFFF0]  }
0x49: {  	v9 =	vimm.f32 $0.0e+00;
	v10 =	vimm.f32 $0.0e+00;
	v11 =	vimm.f32 $0.0e+00;
	v19 =	vld [tilespmem:s11+$0x60]  }
0x4a: {  	s10 =	simm.s32 $0x0;
	s22 =	simm.s32 $0x580;
	v20 =	vld [tilespmem:s11+$0x70];
	v5 =	vadd.f32 v12, v5;
	v12 =	vimm.f32 $0.0e+00;
	v24 =	vmul.f32 v15, v15  }
.LBB2_2:
0x4b: {  	v25 =	vld [tilespmem:s22+$0xFFFFFF80];
	v8 =	vadd.f32 v13, v8;
	v12 =	vadd.f32 v23, v12;
	v13 =	vmul.f32 v17, v17  }
0x4c: {  	v23 =	vld [tilespmem:s22+$0xFFFFFF90];
	v26 =	vmul.f32 v18, v18;
	v21 =	vadd.f32 v15, v21;
	v22 =	vadd.f32 v24, v22  }
0x4d: {  	v15 =	vld [tilespmem:s22+$0x0];
	v24 =	vmul.f32 v16, v16;
	v8 =	vadd.f32 v17, v8;
	v12 =	vadd.f32 v13, v12  }
0x4e: {  	v9 =	vadd.f32 v18, v9;
	v17 =	vld [tilespmem:s22+$0x10];
	v13 =	vadd.f32 v26, v14;
	v14 =	vmul.f32 v19, v19  }
0x4f: {  	v10 =	vadd.f32 v16, v10;
	v18 =	vld [tilespmem:s22+$0xFFFFFFA0];
	v11 =	vadd.f32 v24, v11;
	v16 =	vmul.f32 v20, v20  }
0x50: {  	v9 =	vadd.f32 v19, v9;
	v24 =	vmul.f32 v25, v25;
	v26 =	vld [tilespmem:s22+$0xFFFFFFB0];
	v14 =	vadd.f32 v14, v13  }
0x51: {  	v10 =	vadd.f32 v20, v10;
	v13 =	vmul.f32 v23, v23;
	v19 =	vld [tilespmem:s22+$0x20];
	v11 =	vadd.f32 v16, v11  }
0x52: {  	v6 =	vadd.f32 v25, v6;
	v7 =	vadd.f32 v24, v7;
	v16 =	vmul.f32 v15, v15;
	v20 =	vld [tilespmem:s22+$0x30]  }
0x53: {  	v2 =	vadd.f32 v23, v2;
	v3 =	vadd.f32 v13, v3;
	v24 =	vld [tilespmem:s22+$0xFFFFFFC0];
	v23 =	vmul.f32 v17, v17  }
0x54: {  	s10 =	sadd.s32 $0x2, s10;
	v6 =	vadd.f32 v15, v6;
	v25 =	vmul.f32 v18, v18;
	v13 =	vld [tilespmem:s22+$0xFFFFFFD0];
	v7 =	vadd.f32 v16, v7  }
0x55: {  	p0 =	slt.u32 s10, $0x7E;
	v2 =	vadd.f32 v17, v2;
	v16 =	vmul.f32 v26, v26;
	v3 =	vadd.f32 v23, v3;
	v15 =	vld [tilespmem:s22+$0x40]  }
.Ltmp0:
0x56: {  	v4 =	vadd.f32 v18, v4;
	v5 =	vadd.f32 v25, v5;
	v23 =	vmul.f32 v19, v19;
	v17 =	vld [tilespmem:s22+$0x50];
	(pc) =	sbr.rel @p0 .LBB2_2-.Ltmp0, $4  }
0x57: {  	v0 =	vadd.f32 v26, v0;
	v1 =	vadd.f32 v16, v1;
	v18 =	vld [tilespmem:s22+$0xFFFFFFE0];
	v25 =	vmul.f32 v20, v20  }
0x58: {  	v4 =	vadd.f32 v19, v4;
	v26 =	vmul.f32 v24, v24;
	v16 =	vld [tilespmem:s22+$0xFFFFFFF0];
	v5 =	vadd.f32 v23, v5  }
0x59: {  	v0 =	vadd.f32 v20, v0;
	v23 =	vmul.f32 v13, v13;
	v1 =	vadd.f32 v25, v1;
	v19 =	vld [tilespmem:s22+$0x60]  }
0x5a: {  	v21 =	vadd.f32 v24, v21;
	v22 =	vadd.f32 v26, v22;
	v24 =	vmul.f32 v15, v15;
	v20 =	vld [tilespmem:s22+$0x70];
	s22 =	sadd.s32 $0x100, s22  }
0x5b: {  	s10 =	rddreg [dreg:$0x4]  }
0x5c: {  	[hbm4b:s10+s3] =	stream.linear.scatter [tilespmem:s19], [sflag:$0x7], $0x4000, $0x38;
	[tilespmem:$0x18C00] =	vst v63  }
0x5d: {  	_ = 	snop  }
0x5e: {  	[tilespmem:s31], [sflag:$0x6] =	stream.indirect.gather [hbm4b:s2+s18], $0x80, s24, s18, $0xb8;
	[tilespmem:$0x18C00] =	vst v63  }
0x5f: {  	_ =	swait.ge [sflag:s0], $0x4000  }
0x60: {  	[sflag:s0] =	ssyncset.done $0x0  }
0x61: {  	s22 =	simm.s32 $0x4400;
	v8 =	vadd.f32 v13, v8;
	[sflag:s0] =	ssyncadd.s32 $0xFFFFC000  }
0x62: {  	v13 =	vadd.f32 v23, v12;
	v23 =	vmul.f32 v17, v17;
	v27 =	vadd.f32 v15, v21;
	v25 =	vld [tilespmem:s22+$0x0]  }
0x63: {  	v26 =	vmul.f32 v18, v18;
	v22 =	vadd.f32 v24, v22;
	v12 =	vadd.f32 v17, v8;
	v15 =	vld [tilespmem:s22+$0x10]  }
0x64: {  	v21 =	vmul.f32 v16, v16;
	v13 =	vadd.f32 v23, v13;
	v8 =	vadd.f32 v18, v9;
	v18 =	vld [tilespmem:s22+$0x90]  }
0x65: {  	v10 =	vadd.f32 v16, v10;
	v9 =	vadd.f32 v26, v14;
	v14 =	vmul.f32 v19, v19;
	v17 =	vld [tilespmem:s22+$0x80]  }
0x66: {  	v11 =	vadd.f32 v21, v11;
	v16 =	vmul.f32 v20, v20;
	v8 =	vadd.f32 v19, v8;
	v21 =	vld [tilespmem:s22+$0x20]  }
0x67: {  	v10 =	vadd.f32 v20, v10;
	v9 =	vadd.f32 v14, v9;
	v19 =	vld [tilespmem:s22+$0x30]  }
0x68: {  	v11 =	vadd.f32 v16, v11;
	v23 =	vld [tilespmem:s22+$0xA0];
	v14 =	vmul.f32 v25, v25;
	v16 =	vmul.f32 v15, v15  }
0x69: {  	v24 =	vld [tilespmem:s22+$0xB0];
	v6 =	vadd.f32 v25, v6;
	v15 =	vadd.f32 v15, v2;
	v20 =	vmul.f32 v18, v18  }
0x6a: {  	v25 =	vld [tilespmem:s22+$0x40];
	v7 =	vadd.f32 v14, v7;
	v14 =	vmul.f32 v17, v17;
	v3 =	vadd.f32 v16, v3  }
0x6b: {  	v26 =	vmul.f32 v21, v21;
	v2 =	vld [tilespmem:s22+$0x50];
	v4 =	vadd.f32 v21, v4;
	v16 =	vadd.f32 v17, v6  }
0x6c: {  	v17 =	vadd.f32 v14, v7;
	v14 =	vmul.f32 v19, v19;
	v7 =	vadd.f32 v20, v3;
	v20 =	vld [tilespmem:s22+$0xC0]  }
0x6d: {  	v6 =	vadd.f32 v18, v15;
	v5 =	vadd.f32 v26, v5;
	v15 =	vmul.f32 v23, v23;
	v3 =	vld [tilespmem:s22+$0xD0]  }
0x6e: {  	v21 =	vadd.f32 v19, v0;
	v28 =	vmul.f32 v24, v24;
	v26 =	vadd.f32 v14, v1;
	v1 =	vld [tilespmem:s22+$0x60]  }
0x6f: {  	v0 =	vld [tilespmem:s22+$0x70];
	v18 =	vadd.f32 v23, v4;
	v19 =	vadd.f32 v15, v5;
	v29 =	vmul.f32 v25, v25  }
0x70: {  	v4 =	vmul.f32 v2, v2;
	v5 =	vadd.f32 v25, v27;
	v14 =	vadd.f32 v24, v21;
	v21 =	vld [tilespmem:s22+$0xE0]  }
0x71: {  	s10 =	simm.s32 $0x0;
	v23 =	vadd.f32 v29, v22;
	v22 =	vld [tilespmem:s22+$0xF0];
	s22 =	simm.s32 $0x4500;
	v15 =	vadd.f32 v28, v26;
	v24 =	vmul.f32 v20, v20  }
.LBB2_4:
0x72: {  	v25 =	vld [tilespmem:s22+$0x0];
	v2 =	vadd.f32 v2, v12;
	v4 =	vadd.f32 v4, v13;
	v13 =	vmul.f32 v3, v3  }
0x73: {  	v26 =	vld [tilespmem:s22+$0x10];
	v27 =	vmul.f32 v1, v1;
	v5 =	vadd.f32 v20, v5;
	v23 =	vadd.f32 v24, v23  }
0x74: {  	v20 =	vld [tilespmem:s22+$0x80];
	v24 =	vmul.f32 v0, v0;
	v12 =	vadd.f32 v3, v2;
	v13 =	vadd.f32 v13, v4  }
0x75: {  	v1 =	vadd.f32 v1, v8;
	v3 =	vld [tilespmem:s22+$0x90];
	v2 =	vadd.f32 v27, v9;
	v4 =	vmul.f32 v21, v21  }
0x76: {  	v0 =	vadd.f32 v0, v10;
	v27 =	vld [tilespmem:s22+$0x20];
	v11 =	vadd.f32 v24, v11;
	v24 =	vmul.f32 v22, v22  }
0x77: {  	v8 =	vadd.f32 v21, v1;
	v28 =	vmul.f32 v25, v25;
	v29 =	vld [tilespmem:s22+$0x30];
	v9 =	vadd.f32 v4, v2  }
0x78: {  	v10 =	vadd.f32 v22, v0;
	v1 =	vmul.f32 v26, v26;
	v4 =	vld [tilespmem:s22+$0xA0];
	v11 =	vadd.f32 v24, v11  }
0x79: {  	v0 =	vadd.f32 v25, v16;
	v17 =	vadd.f32 v28, v17;
	v21 =	vmul.f32 v20, v20;
	v22 =	vld [tilespmem:s22+$0xB0]  }
0x7a: {  	v6 =	vadd.f32 v26, v6;
	v1 =	vadd.f32 v1, v7;
	v24 =	vld [tilespmem:s22+$0x40];
	v7 =	vmul.f32 v3, v3  }
0x7b: {  	s10 =	sadd.s32 $0x2, s10;
	v16 =	vadd.f32 v20, v0;
	v25 =	vmul.f32 v27, v27;
	v2 =	vld [tilespmem:s22+$0x50];
	v17 =	vadd.f32 v21, v17  }
0x7c: {  	p0 =	slt.u32 s10, $0x7E;
	v6 =	vadd.f32 v3, v6;
	v0 =	vmul.f32 v29, v29;
	v7 =	vadd.f32 v7, v1;
	v20 =	vld [tilespmem:s22+$0xC0]  }
.Ltmp1:
0x7d: {  	v18 =	vadd.f32 v27, v18;
	v19 =	vadd.f32 v25, v19;
	v21 =	vmul.f32 v4, v4;
	v3 =	vld [tilespmem:s22+$0xD0];
	(pc) =	sbr.rel @p0 .LBB2_4-.Ltmp1, $4  }
0x7e: {  	v14 =	vadd.f32 v29, v14;
	v15 =	vadd.f32 v0, v15;
	v1 =	vld [tilespmem:s22+$0x60];
	v25 =	vmul.f32 v22, v22  }
0x7f: {  	v18 =	vadd.f32 v4, v18;
	v26 =	vmul.f32 v24, v24;
	v0 =	vld [tilespmem:s22+$0x70];
	v19 =	vadd.f32 v21, v19  }
0x80: {  	v14 =	vadd.f32 v22, v14;
	v4 =	vmul.f32 v2, v2;
	v15 =	vadd.f32 v25, v15;
	v21 =	vld [tilespmem:s22+$0xE0]  }
0x81: {  	v5 =	vadd.f32 v24, v5;
	v23 =	vadd.f32 v26, v23;
	v24 =	vmul.f32 v20, v20;
	v22 =	vld [tilespmem:s22+$0xF0];
	s22 =	sadd.s32 $0x100, s22  }
0x82: {  	s10 =	rddreg [dreg:$0x5]  }
0x83: {  	[hbm4b:s10+s3] =	stream.linear.scatter [tilespmem:s20], [sflag:$0x8], $0x4000, $0x38;
	[tilespmem:$0x18C00] =	vst v63  }
0x84: {  	_ =	swait.ge [sflag:s21], $0x4000  }
0x85: {  	[sflag:s21] =	ssyncset.done $0x0  }
0x86: {  	[sflag:s21] =	ssyncadd.s32 $0xFFFFC000  }
0x87: {  	[tilespmem:s19], [sflag:$0x1] =	stream.indirect.gather [hbm4b:s2+s18], $0x80, s12, s18, $0xb8;
	[tilespmem:$0x18C00] =	vst v63  }
0x88: {  	_ =	swait.ge [sflag:s23], $0x4000  }
0x89: {  	[sflag:s23] =	ssyncset.done $0x0  }
0x8a: {  	s22 =	simm.s32 $0x8400;
	v2 =	vadd.f32 v2, v12;
	[sflag:s23] =	ssyncadd.s32 $0xFFFFC000  }
0x8b: {  	v12 =	vadd.f32 v4, v13;
	v13 =	vmul.f32 v3, v3;
	v27 =	vadd.f32 v20, v5;
	v25 =	vld [tilespmem:s22+$0x0]  }
0x8c: {  	v26 =	vmul.f32 v1, v1;
	v23 =	vadd.f32 v24, v23;
	v1 =	vadd.f32 v1, v8;
	v20 =	vld [tilespmem:s22+$0x10]  }
0x8d: {  	v24 =	vmul.f32 v0, v0;
	v4 =	vadd.f32 v3, v2;
	v5 =	vadd.f32 v13, v12;
	v13 =	vld [tilespmem:s22+$0x20]  }
0x8e: {  	v2 =	vadd.f32 v26, v9;
	v3 =	vmul.f32 v21, v21;
	v9 =	vadd.f32 v0, v10;
	v12 =	vld [tilespmem:s22+$0x80]  }
0x8f: {  	v0 =	vadd.f32 v21, v1;
	v10 =	vadd.f32 v24, v11;
	v11 =	vmul.f32 v22, v22;
	v8 =	vld [tilespmem:s22+$0x90]  }
0x90: {  	v1 =	vadd.f32 v3, v2;
	v2 =	vadd.f32 v22, v9;
	v24 =	vld [tilespmem:s22+$0x30]  }
0x91: {  	v3 =	vadd.f32 v11, v10;
	v22 =	vld [tilespmem:s22+$0xA0];
	v21 =	vmul.f32 v25, v25;
	v9 =	vmul.f32 v20, v20  }
0x92: {  	v10 =	vadd.f32 v25, v16;
	v6 =	vadd.f32 v20, v6;
	v25 =	vld [tilespmem:s22+$0x40];
	v26 =	vmul.f32 v13, v13  }
0x93: {  	v11 =	vadd.f32 v21, v17;
	v17 =	vmul.f32 v12, v12;
	v21 =	vld [tilespmem:s22+$0xB0];
	v7 =	vadd.f32 v9, v7  }
0x94: {  	v16 =	vld [tilespmem:s22+$0x50];
	v9 =	vmul.f32 v8, v8;
	v10 =	vadd.f32 v12, v10;
	v6 =	vadd.f32 v8, v6  }
0x95: {  	v20 =	vld [tilespmem:s22+$0xC0];
	v12 =	vmul.f32 v24, v24;
	v8 =	vadd.f32 v13, v18;
	v24 =	vadd.f32 v24, v14  }
0x96: {  	v13 =	vmul.f32 v22, v22;
	v18 =	vld [tilespmem:s22+$0xD0];
	v7 =	vadd.f32 v9, v7;
	v9 =	vadd.f32 v26, v19  }
0x97: {  	v11 =	vadd.f32 v17, v11;
	v15 =	vadd.f32 v12, v15;
	v19 =	vld [tilespmem:s22+$0x60];
	v28 =	vmul.f32 v25, v25  }
0x98: {  	v17 =	vld [tilespmem:s22+$0x70];
	v12 =	vadd.f32 v22, v8;
	v13 =	vadd.f32 v13, v9;
	v26 =	vmul.f32 v21, v21  }
0x99: {  	v14 =	vmul.f32 v16, v16;
	v8 =	vadd.f32 v21, v24;
	v21 =	vld [tilespmem:s22+$0xE0];
	v23 =	vadd.f32 v28, v23  }
0x9a: {  	s10 =	simm.s32 $0x0;
	v22 =	vld [tilespmem:s22+$0xF0];
	v24 =	vmul.f32 v20, v20;
	s22 =	simm.s32 $0x8500;
	v9 =	vadd.f32 v26, v15;
	v15 =	vadd.f32 v25, v27  }
.LBB2_6:
0x9b: {  	v25 =	vld [tilespmem:s22+$0x0];
	v4 =	vadd.f32 v16, v4;
	v5 =	vadd.f32 v14, v5;
	v14 =	vmul.f32 v18, v18  }
0x9c: {  	v16 =	vld [tilespmem:s22+$0x10];
	v26 =	vmul.f32 v19, v19;
	v15 =	vadd.f32 v20, v15;
	v23 =	vadd.f32 v24, v23  }
0x9d: {  	v20 =	vld [tilespmem:s22+$0x80];
	v24 =	vmul.f32 v17, v17;
	v4 =	vadd.f32 v18, v4;
	v5 =	vadd.f32 v14, v5  }
0x9e: {  	v0 =	vadd.f32 v19, v0;
	v14 =	vld [tilespmem:s22+$0x90];
	v1 =	vadd.f32 v26, v1;
	v18 =	vmul.f32 v21, v21  }
0x9f: {  	v2 =	vadd.f32 v17, v2;
	v19 =	vld [tilespmem:s22+$0x20];
	v3 =	vadd.f32 v24, v3;
	v17 =	vmul.f32 v22, v22  }
0xa0: {  	v0 =	vadd.f32 v21, v0;
	v24 =	vmul.f32 v25, v25;
	v26 =	vld [tilespmem:s22+$0x30];
	v1 =	vadd.f32 v18, v1  }
0xa1: {  	v2 =	vadd.f32 v22, v2;
	v18 =	vmul.f32 v16, v16;
	v21 =	vld [tilespmem:s22+$0xA0];
	v3 =	vadd.f32 v17, v3  }
0xa2: {  	v10 =	vadd.f32 v25, v10;
	v11 =	vadd.f32 v24, v11;
	v17 =	vmul.f32 v20, v20;
	v22 =	vld [tilespmem:s22+$0xB0]  }
0xa3: {  	v6 =	vadd.f32 v16, v6;
	v7 =	vadd.f32 v18, v7;
	v24 =	vld [tilespmem:s22+$0x40];
	v18 =	vmul.f32 v14, v14  }
0xa4: {  	s10 =	sadd.s32 $0x2, s10;
	v10 =	vadd.f32 v20, v10;
	v25 =	vmul.f32 v19, v19;
	v16 =	vld [tilespmem:s22+$0x50];
	v11 =	vadd.f32 v17, v11  }
0xa5: {  	p0 =	slt.u32 s10, $0x7E;
	v6 =	vadd.f32 v14, v6;
	v17 =	vmul.f32 v26, v26;
	v7 =	vadd.f32 v18, v7;
	v20 =	vld [tilespmem:s22+$0xC0]  }
.Ltmp2:
0xa6: {  	v12 =	vadd.f32 v19, v12;
	v13 =	vadd.f32 v25, v13;
	v14 =	vmul.f32 v21, v21;
	v18 =	vld [tilespmem:s22+$0xD0];
	(pc) =	sbr.rel @p0 .LBB2_6-.Ltmp2, $4  }
0xa7: {  	v8 =	vadd.f32 v26, v8;
	v9 =	vadd.f32 v17, v9;
	v19 =	vld [tilespmem:s22+$0x60];
	v25 =	vmul.f32 v22, v22  }
0xa8: {  	v12 =	vadd.f32 v21, v12;
	v26 =	vmul.f32 v24, v24;
	v17 =	vld [tilespmem:s22+$0x70];
	v13 =	vadd.f32 v14, v13  }
0xa9: {  	v8 =	vadd.f32 v22, v8;
	v14 =	vmul.f32 v16, v16;
	v9 =	vadd.f32 v25, v9;
	v21 =	vld [tilespmem:s22+$0xE0]  }
0xaa: {  	v15 =	vadd.f32 v24, v15;
	v23 =	vadd.f32 v26, v23;
	v24 =	vmul.f32 v20, v20;
	v22 =	vld [tilespmem:s22+$0xF0];
	s22 =	sadd.s32 $0x100, s22  }
0xab: {  	s10 =	rddreg [dreg:$0x6]  }
0xac: {  	[hbm4b:s10+s3] =	stream.linear.scatter [tilespmem:s13], [sflag:$0x9], $0x4000, $0x38;
	[tilespmem:$0x18C00] =	vst v63  }
0xad: {  	_ =	swait.ge [sflag:s25], $0x4000  }
0xae: {  	[sflag:s25] =	ssyncset.done $0x0  }
0xaf: {  	[sflag:s25] =	ssyncadd.s32 $0xFFFFC000  }
0xb0: {  	[tilespmem:s20], [sflag:$0x2] =	stream.indirect.gather [hbm4b:s2+s18], $0x80, s26, s18, $0xb8;
	[tilespmem:$0x18C00] =	vst v63  }
0xb1: {  	_ =	swait.ge [sflag:s5], $0x4000  }
0xb2: {  	[sflag:s5] =	ssyncset.done $0x0  }
0xb3: {  	s22 =	simm.s32 $0xC400;
	v4 =	vadd.f32 v16, v4;
	[sflag:s5] =	ssyncadd.s32 $0xFFFFC000  }
0xb4: {  	v5 =	vadd.f32 v14, v5;
	v14 =	vmul.f32 v18, v18;
	v26 =	vadd.f32 v20, v15;
	v25 =	vld [tilespmem:s22+$0x0]  }
0xb5: {  	v16 =	vmul.f32 v19, v19;
	v24 =	vadd.f32 v24, v23;
	v0 =	vadd.f32 v19, v0;
	v20 =	vld [tilespmem:s22+$0x10]  }
0xb6: {  	v23 =	vmul.f32 v17, v17;
	v15 =	vadd.f32 v18, v4;
	v14 =	vadd.f32 v14, v5;
	v4 =	vld [tilespmem:s22+$0x80]  }
0xb7: {  	v2 =	vadd.f32 v17, v2;
	v1 =	vadd.f32 v16, v1;
	v5 =	vmul.f32 v21, v21;
	v27 =	vld [tilespmem:s22+$0x90]  }
0xb8: {  	v18 =	vadd.f32 v21, v0;
	v3 =	vadd.f32 v23, v3;
	v17 =	vmul.f32 v22, v22;
	v23 =	vld [tilespmem:s22+$0x20]  }
0xb9: {  	v19 =	vadd.f32 v22, v2;
	v16 =	vadd.f32 v5, v1;
	v5 =	vld [tilespmem:s22+$0x30]  }
0xba: {  	v17 =	vadd.f32 v17, v3;
	v0 =	vmul.f32 v25, v25;
	v1 =	vmul.f32 v20, v20  }
0xbb: {  	v21 =	vld [tilespmem:s22+$0xA0];
	v2 =	vadd.f32 v25, v10;
	v6 =	vadd.f32 v20, v6  }
0xbc: {  	v22 =	vld [tilespmem:s22+$0xB0];
	v3 =	vmul.f32 v4, v4;
	v0 =	vadd.f32 v0, v11;
	v1 =	vadd.f32 v1, v7  }
0xbd: {  	v25 =	vld [tilespmem:s22+$0x40];
	v7 =	vmul.f32 v27, v27;
	v11 =	vmul.f32 v23, v23;
	v2 =	vadd.f32 v4, v2  }
0xbe: {  	v10 =	vld [tilespmem:s22+$0x50];
	v4 =	vmul.f32 v5, v5;
	v5 =	vadd.f32 v5, v8;
	v3 =	vadd.f32 v3, v0  }
0xbf: {  	v20 =	vld [tilespmem:s22+$0xC0];
	v0 =	vadd.f32 v27, v6;
	v1 =	vadd.f32 v7, v1  }
0xc0: {  	v6 =	vadd.f32 v23, v12;
	v7 =	vadd.f32 v11, v13;
	v11 =	vld [tilespmem:s22+$0xD0]  }
0xc1: {  	v12 =	vmul.f32 v21, v21;
	v23 =	vadd.f32 v4, v9;
	v9 =	vld [tilespmem:s22+$0x60];
	v27 =	vmul.f32 v22, v22  }
0xc2: {  	v8 =	vld [tilespmem:s22+$0x70];
	v4 =	vadd.f32 v22, v5;
	v28 =	vmul.f32 v25, v25;
	v6 =	vadd.f32 v21, v6  }
0xc3: {  	v13 =	vmul.f32 v10, v10;
	v7 =	vadd.f32 v12, v7;
	v5 =	vadd.f32 v27, v23;
	v12 =	vld [tilespmem:s22+$0xE0]  }
0xc4: {  	s10 =	simm.s32 $0x0;
	v23 =	vadd.f32 v25, v26;
	v21 =	vld [tilespmem:s22+$0xF0];
	s22 =	simm.s32 $0xC500;
	v22 =	vadd.f32 v28, v24;
	v24 =	vmul.f32 v20, v20  }
.LBB2_8:
0xc5: {  	v25 =	vld [tilespmem:s22+$0x0];
	v10 =	vadd.f32 v10, v15;
	v13 =	vadd.f32 v13, v14;
	v14 =	vmul.f32 v11, v11  }
0xc6: {  	v26 =	vld [tilespmem:s22+$0x10];
	v27 =	vmul.f32 v9, v9;
	v23 =	vadd.f32 v20, v23;
	v22 =	vadd.f32 v24, v22  }
0xc7: {  	v20 =	vld [tilespmem:s22+$0x80];
	v24 =	vmul.f32 v8, v8;
	v15 =	vadd.f32 v11, v10;
	v14 =	vadd.f32 v14, v13  }
0xc8: {  	v9 =	vadd.f32 v9, v18;
	v11 =	vld [tilespmem:s22+$0x90];
	v10 =	vadd.f32 v27, v16;
	v13 =	vmul.f32 v12, v12  }
0xc9: {  	v8 =	vadd.f32 v8, v19;
	v27 =	vld [tilespmem:s22+$0x20];
	v17 =	vadd.f32 v24, v17;
	v24 =	vmul.f32 v21, v21  }
0xca: {  	v18 =	vadd.f32 v12, v9;
	v28 =	vmul.f32 v25, v25;
	v29 =	vld [tilespmem:s22+$0x30];
	v16 =	vadd.f32 v13, v10  }
0xcb: {  	v19 =	vadd.f32 v21, v8;
	v9 =	vmul.f32 v26, v26;
	v12 =	vld [tilespmem:s22+$0xA0];
	v17 =	vadd.f32 v24, v17  }
0xcc: {  	v2 =	vadd.f32 v25, v2;
	v3 =	vadd.f32 v28, v3;
	v8 =	vmul.f32 v20, v20;
	v21 =	vld [tilespmem:s22+$0xB0]  }
0xcd: {  	v0 =	vadd.f32 v26, v0;
	v1 =	vadd.f32 v9, v1;
	v24 =	vld [tilespmem:s22+$0x40];
	v9 =	vmul.f32 v11, v11  }
0xce: {  	s10 =	sadd.s32 $0x2, s10;
	v2 =	vadd.f32 v20, v2;
	v13 =	vmul.f32 v27, v27;
	v10 =	vld [tilespmem:s22+$0x50];
	v3 =	vadd.f32 v8, v3  }
0xcf: {  	p0 =	slt.u32 s10, $0x7E;
	v0 =	vadd.f32 v11, v0;
	v8 =	vmul.f32 v29, v29;
	v1 =	vadd.f32 v9, v1;
	v20 =	vld [tilespmem:s22+$0xC0]  }
.Ltmp3:
0xd0: {  	v6 =	vadd.f32 v27, v6;
	v7 =	vadd.f32 v13, v7;
	v13 =	vmul.f32 v12, v12;
	v11 =	vld [tilespmem:s22+$0xD0];
	(pc) =	sbr.rel @p0 .LBB2_8-.Ltmp3, $4  }
0xd1: {  	v4 =	vadd.f32 v29, v4;
	v5 =	vadd.f32 v8, v5;
	v9 =	vld [tilespmem:s22+$0x60];
	v25 =	vmul.f32 v21, v21  }
0xd2: {  	v6 =	vadd.f32 v12, v6;
	v26 =	vmul.f32 v24, v24;
	v8 =	vld [tilespmem:s22+$0x70];
	v7 =	vadd.f32 v13, v7  }
0xd3: {  	v4 =	vadd.f32 v21, v4;
	v13 =	vmul.f32 v10, v10;
	v5 =	vadd.f32 v25, v5;
	v12 =	vld [tilespmem:s22+$0xE0]  }
0xd4: {  	v23 =	vadd.f32 v24, v23;
	v22 =	vadd.f32 v26, v22;
	v24 =	vmul.f32 v20, v20;
	v21 =	vld [tilespmem:s22+$0xF0];
	s22 =	sadd.s32 $0x100, s22  }
0xd5: {  	s10 =	rddreg [dreg:$0x7];
	s11 =	simm.s32 $0xC400  }
0xd6: {  	[hbm4b:s10+s3] =	stream.linear.scatter [tilespmem:s11], [sflag:$0xA], $0x4000, $0x38;
	[tilespmem:$0x18C00] =	vst v63  }
0xd7: {  	_ =	swait.ge [sflag:s28], $0x4000  }
0xd8: {  	[sflag:s28] =	ssyncset.done $0x0  }
0xd9: {  	s22 =	simm.s32 $0x10400;
	[sflag:s28] =	ssyncadd.s32 $0xFFFFC000  }
0xda: {  	v13 =	vadd.f32 v13, v14;
	v14 =	vadd.f32 v20, v23;
	v20 =	vld [tilespmem:s22+$0x0]  }
0xdb: {  	v10 =	vadd.f32 v10, v15;
	v15 =	vadd.f32 v24, v22;
	v22 =	vld [tilespmem:s22+$0x10]  }
0xdc: {  	v25 =	vmul.f32 v11, v11;
	v23 =	vmul.f32 v9, v9;
	v9 =	vadd.f32 v9, v18;
	v18 =	vld [tilespmem:s22+$0x80]  }
0xdd: {  	v10 =	vadd.f32 v11, v10;
	v24 =	vmul.f32 v8, v8;
	v8 =	vadd.f32 v8, v19;
	v19 =	vld [tilespmem:s22+$0x90]  }
0xde: {  	v11 =	vadd.f32 v25, v13;
	v16 =	vadd.f32 v23, v16;
	v23 =	vmul.f32 v12, v12;
	v25 =	vld [tilespmem:s22+$0x20]  }
0xdf: {  	v17 =	vadd.f32 v24, v17;
	v24 =	vmul.f32 v21, v21;
	v8 =	vadd.f32 v21, v8;
	v21 =	vld [tilespmem:s22+$0x30]  }
0xe0: {  	v30 =	vld [tilespmem:s22+$0x40]  }
0xe1: {  	v13 =	vadd.f32 v12, v9;
	v12 =	vadd.f32 v23, v16;
	v27 =	vld [tilespmem:s22+$0xB0]  }
0xe2: {  	v9 =	vadd.f32 v24, v17;
	v24 =	vimm.f32 $0.0e+00;
	v16 =	vmul.f32 v20, v20  }
0xe3: {  	v17 =	vmul.f32 v22, v22;
	v20 =	vadd.f32 v20, v24;
	v23 =	vmul.f32 v18, v18  }
0xe4: {  	v26 =	vld [tilespmem:s22+$0xA0];
	v28 =	vadd.f32 v22, v24;
	v31 =	vmul.f32 v19, v19;
	v63 =	vadd.f32 v21, v24  }
0xe5: {  	v29 =	vld [tilespmem:s22+$0x50];
	v32 =	vmul.f32 v25, v25;
	v37 =	vadd.f32 v30, v24;
	v16 =	vadd.f32 v16, v24  }
0xe6: {  	v36 =	vmul.f32 v27, v27;
	v17 =	vadd.f32 v17, v24;
	v22 =	vadd.f32 v18, v20  }
0xe7: {  	v38 =	vmul.f32 v30, v30;
	v18 =	vadd.f32 v19, v28;
	v23 =	vadd.f32 v23, v16  }
0xe8: {  	v16 =	vmul.f32 v21, v21;
	v19 =	vadd.f32 v31, v17;
	v31 =	vld [tilespmem:s22+$0xC0];
	v17 =	vadd.f32 v25, v24  }
0xe9: {  	v33 =	vld [tilespmem:s22+$0xD0];
	v28 =	vmul.f32 v26, v26;
	v38 =	vadd.f32 v38, v24;
	v25 =	vadd.f32 v32, v24  }
0xea: {  	v34 =	vld [tilespmem:s22+$0x60];
	v39 =	vmul.f32 v29, v29;
	v35 =	vadd.f32 v16, v24;
	v20 =	vadd.f32 v26, v17  }
0xeb: {  	v30 =	vimm.f32 $0.0e+00;
	v32 =	vld [tilespmem:s22+$0x70];
	v21 =	vadd.f32 v28, v25;
	v16 =	vadd.f32 v27, v63  }
0xec: {  	v28 =	vimm.f32 $0.0e+00;
	v25 =	vimm.f32 $0.0e+00;
	v17 =	vadd.f32 v36, v35;
	v35 =	vld [tilespmem:s22+$0xE0]  }
0xed: {  	s10 =	simm.s32 $0x0;
	v26 =	vimm.f32 $0.0e+00;
	v27 =	vimm.f32 $0.0e+00;
	v36 =	vld [tilespmem:s22+$0xF0];
	s22 =	simm.s32 $0x10500;
	v40 =	vmul.f32 v31, v31  }
.LBB2_10:
0xee: {  	v41 =	vld [tilespmem:s22+$0x0];
	v24 =	vadd.f32 v29, v24;
	v28 =	vadd.f32 v39, v28;
	v29 =	vmul.f32 v33, v33  }
0xef: {  	v39 =	vld [tilespmem:s22+$0x10];
	v42 =	vmul.f32 v34, v34;
	v37 =	vadd.f32 v31, v37;
	v38 =	vadd.f32 v40, v38  }
0xf0: {  	v31 =	vld [tilespmem:s22+$0x80];
	v40 =	vmul.f32 v32, v32;
	v24 =	vadd.f32 v33, v24;
	v28 =	vadd.f32 v29, v28  }
0xf1: {  	v25 =	vadd.f32 v34, v25;
	v33 =	vld [tilespmem:s22+$0x90];
	v29 =	vadd.f32 v42, v30;
	v30 =	vmul.f32 v35, v35  }
0xf2: {  	v26 =	vadd.f32 v32, v26;
	v34 =	vld [tilespmem:s22+$0x20];
	v27 =	vadd.f32 v40, v27;
	v32 =	vmul.f32 v36, v36  }
0xf3: {  	v25 =	vadd.f32 v35, v25;
	v40 =	vmul.f32 v41, v41;
	v42 =	vld [tilespmem:s22+$0x30];
	v30 =	vadd.f32 v30, v29  }
0xf4: {  	v26 =	vadd.f32 v36, v26;
	v29 =	vmul.f32 v39, v39;
	v35 =	vld [tilespmem:s22+$0xA0];
	v27 =	vadd.f32 v32, v27  }
0xf5: {  	v22 =	vadd.f32 v41, v22;
	v23 =	vadd.f32 v40, v23;
	v32 =	vmul.f32 v31, v31;
	v36 =	vld [tilespmem:s22+$0xB0]  }
0xf6: {  	v18 =	vadd.f32 v39, v18;
	v19 =	vadd.f32 v29, v19;
	v40 =	vld [tilespmem:s22+$0x40];
	v39 =	vmul.f32 v33, v33  }
0xf7: {  	s10 =	sadd.s32 $0x2, s10;
	v22 =	vadd.f32 v31, v22;
	v41 =	vmul.f32 v34, v34;
	v29 =	vld [tilespmem:s22+$0x50];
	v23 =	vadd.f32 v32, v23  }
0xf8: {  	p0 =	slt.u32 s10, $0x7E;
	v18 =	vadd.f32 v33, v18;
	v32 =	vmul.f32 v42, v42;
	v19 =	vadd.f32 v39, v19;
	v31 =	vld [tilespmem:s22+$0xC0]  }
.Ltmp4:
0xf9: {  	v20 =	vadd.f32 v34, v20;
	v21 =	vadd.f32 v41, v21;
	v39 =	vmul.f32 v35, v35;
	v33 =	vld [tilespmem:s22+$0xD0];
	(pc) =	sbr.rel @p0 .LBB2_10-.Ltmp4, $4  }
0xfa: {  	v16 =	vadd.f32 v42, v16;
	v17 =	vadd.f32 v32, v17;
	v34 =	vld [tilespmem:s22+$0x60];
	v41 =	vmul.f32 v36, v36  }
0xfb: {  	v20 =	vadd.f32 v35, v20;
	v42 =	vmul.f32 v40, v40;
	v32 =	vld [tilespmem:s22+$0x70];
	v21 =	vadd.f32 v39, v21  }
0xfc: {  	v16 =	vadd.f32 v36, v16;
	v39 =	vmul.f32 v29, v29;
	v17 =	vadd.f32 v41, v17;
	v35 =	vld [tilespmem:s22+$0xE0]  }
0xfd: {  	v37 =	vadd.f32 v40, v37;
	v38 =	vadd.f32 v42, v38;
	v40 =	vmul.f32 v31, v31;
	v36 =	vld [tilespmem:s22+$0xF0];
	s22 =	sadd.s32 $0x100, s22  }
0xfe: {  	s10 =	rddreg [dreg:$0x8];
	s11 =	simm.s32 $0x10400  }
0xff: {  	[hbm4b:s10+s3] =	stream.linear.scatter [tilespmem:s11], [sflag:$0xB], $0x4000, $0x38;
	[tilespmem:$0x18C00] =	vst v63  }
0x100: {  	_ =	swait.ge [sflag:s6], $0x4000  }
0x101: {  	[sflag:s6] =	ssyncset.done $0x0  }
0x102: {  	s22 =	simm.s32 $0x14400;
	[sflag:s6] =	ssyncadd.s32 $0xFFFFC000  }
0x103: {  	v41 =	vld [tilespmem:s22+$0x0]  }
0x104: {  	v24 =	vadd.f32 v29, v24;
	v43 =	vadd.f32 v31, v37;
	v31 =	vld [tilespmem:s22+$0x10]  }
0x105: {  	v29 =	vadd.f32 v39, v28;
	v48 =	vmul.f32 v33, v33;
	v50 =	vld [tilespmem:s22+$0x80]  }
0x106: {  	v42 =	vmul.f32 v34, v34;
	v40 =	vadd.f32 v40, v38;
	v28 =	vadd.f32 v33, v24;
	v51 =	vld [tilespmem:s22+$0x90]  }
0x107: {  	v49 =	vmul.f32 v32, v32;
	v29 =	vadd.f32 v48, v29;
	v24 =	vadd.f32 v34, v25;
	v53 =	vld [tilespmem:s22+$0x20]  }
0x108: {  	v26 =	vadd.f32 v32, v26;
	v25 =	vadd.f32 v42, v30;
	v30 =	vmul.f32 v35, v35;
	v54 =	vld [tilespmem:s22+$0x30]  }
0x109: {  	v27 =	vadd.f32 v49, v27;
	v52 =	vmul.f32 v36, v36;
	v24 =	vadd.f32 v35, v24;
	v59 =	vld [tilespmem:s22+$0x40]  }
0x10a: {  	v26 =	vadd.f32 v36, v26;
	v25 =	vadd.f32 v30, v25  }
0x10b: {  	v27 =	vadd.f32 v52, v27;
	v30 =	vmul.f32 v41, v41;
	v55 =	vmul.f32 v31, v31  }
0x10c: {  	v56 =	vld [tilespmem:s22+$0xA0];
	v57 =	vadd.f32 v41, v22;
	v18 =	vadd.f32 v31, v18;
	v31 =	vmul.f32 v51, v51  }
0x10d: {  	v58 =	vld [tilespmem:s22+$0xB0];
	v62 =	vadd.f32 v54, v16;
	v23 =	vadd.f32 v30, v23;
	v30 =	vmul.f32 v50, v50  }
0x10e: {  	v60 =	vmul.f32 v53, v53;
	v22 =	vld [tilespmem:s22+$0x50];
	v38 =	vadd.f32 v59, v43;
	v19 =	vadd.f32 v55, v19  }
0x10f: {  	v32 =	vadd.f32 v50, v57;
	v33 =	vadd.f32 v30, v23;
	v30 =	vmul.f32 v54, v54;
	v23 =	vld [tilespmem:s22+$0xC0]  }
0x110: {  	v45 =	vmul.f32 v59, v59;
	v19 =	vadd.f32 v31, v19;
	v31 =	vadd.f32 v53, v20;
	v20 =	vld [tilespmem:s22+$0xD0]  }
0x111: {  	v61 =	vmul.f32 v56, v56;
	v21 =	vadd.f32 v60, v21;
	v63 =	vadd.f32 v30, v17;
	v17 =	vld [tilespmem:s22+$0x60]  }
0x112: {  	v44 =	vmul.f32 v58, v58;
	v16 =	vld [tilespmem:s22+$0x70];
	v18 =	vadd.f32 v51, v18;
	v39 =	vadd.f32 v45, v40  }
0x113: {  	v35 =	vadd.f32 v61, v21;
	v21 =	vld [tilespmem:s22+$0xE0];
	v37 =	vmul.f32 v22, v22;
	v34 =	vadd.f32 v56, v31  }
0x114: {  	s10 =	simm.s32 $0x0;
	v36 =	vld [tilespmem:s22+$0xF0];
	v30 =	vadd.f32 v58, v62;
	s22 =	simm.s32 $0x14500;
	v31 =	vadd.f32 v44, v63;
	v40 =	vmul.f32 v23, v23  }
.LBB2_12:
0x115: {  	v41 =	vld [tilespmem:s22+$0x0];
	v22 =	vadd.f32 v22, v28;
	v29 =	vadd.f32 v37, v29;
	v37 =	vmul.f32 v20, v20  }
0x116: {  	v42 =	vld [tilespmem:s22+$0x10];
	v43 =	vmul.f32 v17, v17;
	v38 =	vadd.f32 v23, v38;
	v39 =	vadd.f32 v40, v39  }
0x117: {  	v23 =	vld [tilespmem:s22+$0x80];
	v40 =	vmul.f32 v16, v16;
	v28 =	vadd.f32 v20, v22;
	v29 =	vadd.f32 v37, v29  }
0x118: {  	v17 =	vadd.f32 v17, v24;
	v20 =	vld [tilespmem:s22+$0x90];
	v22 =	vadd.f32 v43, v25;
	v25 =	vmul.f32 v21, v21  }
0x119: {  	v16 =	vadd.f32 v16, v26;
	v37 =	vld [tilespmem:s22+$0x20];
	v27 =	vadd.f32 v40, v27;
	v40 =	vmul.f32 v36, v36  }
0x11a: {  	v24 =	vadd.f32 v21, v17;
	v43 =	vmul.f32 v41, v41;
	v44 =	vld [tilespmem:s22+$0x30];
	v25 =	vadd.f32 v25, v22  }
0x11b: {  	v26 =	vadd.f32 v36, v16;
	v17 =	vmul.f32 v42, v42;
	v21 =	vld [tilespmem:s22+$0xA0];
	v27 =	vadd.f32 v40, v27  }
0x11c: {  	v16 =	vadd.f32 v41, v32;
	v33 =	vadd.f32 v43, v33;
	v36 =	vmul.f32 v23, v23;
	v40 =	vld [tilespmem:s22+$0xB0]  }
0x11d: {  	v18 =	vadd.f32 v42, v18;
	v17 =	vadd.f32 v17, v19;
	v41 =	vld [tilespmem:s22+$0x40];
	v19 =	vmul.f32 v20, v20  }
0x11e: {  	s10 =	sadd.s32 $0x2, s10;
	v32 =	vadd.f32 v23, v16;
	v42 =	vmul.f32 v37, v37;
	v22 =	vld [tilespmem:s22+$0x50];
	v33 =	vadd.f32 v36, v33  }
0x11f: {  	p0 =	slt.u32 s10, $0x7E;
	v18 =	vadd.f32 v20, v18;
	v16 =	vmul.f32 v44, v44;
	v19 =	vadd.f32 v19, v17;
	v23 =	vld [tilespmem:s22+$0xC0]  }
.Ltmp5:
0x120: {  	v34 =	vadd.f32 v37, v34;
	v35 =	vadd.f32 v42, v35;
	v36 =	vmul.f32 v21, v21;
	v20 =	vld [tilespmem:s22+$0xD0];
	(pc) =	sbr.rel @p0 .LBB2_12-.Ltmp5, $4  }
0x121: {  	v30 =	vadd.f32 v44, v30;
	v31 =	vadd.f32 v16, v31;
	v17 =	vld [tilespmem:s22+$0x60];
	v42 =	vmul.f32 v40, v40  }
0x122: {  	v34 =	vadd.f32 v21, v34;
	v43 =	vmul.f32 v41, v41;
	v16 =	vld [tilespmem:s22+$0x70];
	v35 =	vadd.f32 v36, v35  }
0x123: {  	v30 =	vadd.f32 v40, v30;
	v37 =	vmul.f32 v22, v22;
	v31 =	vadd.f32 v42, v31;
	v21 =	vld [tilespmem:s22+$0xE0]  }
0x124: {  	v38 =	vadd.f32 v41, v38;
	v39 =	vadd.f32 v43, v39;
	v40 =	vmul.f32 v23, v23;
	v36 =	vld [tilespmem:s22+$0xF0];
	s22 =	sadd.s32 $0x100, s22  }
0x125: {  	s10 =	rddreg [dreg:$0x9]  }
0x126: {  	[hbm4b:s10+s3] =	stream.linear.scatter [tilespmem:s31], [sflag:$0xC], $0x4000, $0x38;
	[tilespmem:$0x18C00] =	vst v63  }
0x127: {  	_ =	swait.ge [sflag:s29], $0x4000  }
0x128: {  	[sflag:s29] =	ssyncset.done $0x0  }
0x129: {  	s22 =	simm.s32 $0x480;
	[sflag:s29] =	ssyncadd.s32 $0xFFFFC000  }
0x12a: {  	v22 =	vadd.f32 v22, v28;
	v28 =	vadd.f32 v37, v29;
	v29 =	vmul.f32 v20, v20;
	v51 =	vld [tilespmem:s22+$0xFFFFFF80]  }
0x12b: {  	v41 =	vmul.f32 v17, v17;
	v52 =	vld [tilespmem:s22+$0xFFFFFF90]  }
0x12c: {  	v38 =	vadd.f32 v23, v38;
	v23 =	vadd.f32 v29, v28;
	v28 =	vld [tilespmem:s22+$0x0]  }
0x12d: {  	v22 =	vadd.f32 v20, v22;
	v20 =	vadd.f32 v41, v25;
	v25 =	vld [tilespmem:s22+$0x10]  }
0x12e: {  	v17 =	vadd.f32 v17, v24;
	v42 =	vmul.f32 v16, v16;
	v53 =	vld [tilespmem:s22+$0xFFFFFFA0]  }
0x12f: {  	v39 =	vadd.f32 v40, v39;
	v26 =	vadd.f32 v16, v26;
	v24 =	vmul.f32 v21, v21;
	v54 =	vld [tilespmem:s22+$0xFFFFFFB0]  }
0x130: {  	v16 =	vadd.f32 v21, v17;
	v27 =	vadd.f32 v42, v27;
	v29 =	vmul.f32 v36, v36;
	v57 =	vld [tilespmem:s22+$0xFFFFFFC0]  }
0x131: {  	v17 =	vadd.f32 v24, v20;
	v20 =	vadd.f32 v36, v26  }
0x132: {  	v21 =	vadd.f32 v29, v27;
	v24 =	vmul.f32 v51, v51;
	v26 =	vmul.f32 v52, v52  }
0x133: {  	v27 =	vld [tilespmem:s22+$0x20];
	v29 =	vadd.f32 v51, v32;
	v55 =	vmul.f32 v28, v28;
	v56 =	vadd.f32 v52, v18  }
0x134: {  	v43 =	vld [tilespmem:s22+$0x30];
	v58 =	vmul.f32 v53, v53;
	v62 =	vadd.f32 v54, v30;
	v24 =	vadd.f32 v24, v33  }
0x135: {  	v18 =	vld [tilespmem:s22+$0xFFFFFFD0];
	v38 =	vadd.f32 v57, v38;
	v19 =	vadd.f32 v26, v19;
	v26 =	vmul.f32 v25, v25  }
0x136: {  	v36 =	vld [tilespmem:s22+$0x40];
	v59 =	vmul.f32 v54, v54;
	v28 =	vadd.f32 v28, v29;
	v29 =	vadd.f32 v55, v24  }
0x137: {  	v45 =	vmul.f32 v57, v57;
	v24 =	vadd.f32 v25, v56;
	v25 =	vadd.f32 v26, v19;
	v19 =	vld [tilespmem:s22+$0x50]  }
0x138: {  	v61 =	vmul.f32 v27, v27;
	v60 =	vadd.f32 v58, v35;
	v33 =	vld [tilespmem:s22+$0xFFFFFFE0];
	v26 =	vadd.f32 v53, v34  }
0x139: {  	v44 =	vmul.f32 v43, v43;
	v32 =	vld [tilespmem:s22+$0xFFFFFFF0];
	v63 =	vadd.f32 v59, v31;
	v39 =	vadd.f32 v45, v39  }
0x13a: {  	v31 =	vadd.f32 v61, v60;
	v34 =	vld [tilespmem:s22+$0x60];
	v37 =	vmul.f32 v18, v18;
	v30 =	vadd.f32 v27, v26  }
0x13b: {  	s10 =	simm.s32 $0x0;
	v40 =	vmul.f32 v36, v36;
	v35 =	vld [tilespmem:s22+$0x70];
	s22 =	simm.s32 $0x580;
	v26 =	vadd.f32 v43, v62;
	v27 =	vadd.f32 v44, v63  }
.LBB2_14:
0x13c: {  	v41 =	vld [tilespmem:s22+$0xFFFFFF80];
	v18 =	vadd.f32 v18, v22;
	v23 =	vadd.f32 v37, v23;
	v37 =	vmul.f32 v19, v19  }
0x13d: {  	v42 =	vld [tilespmem:s22+$0xFFFFFF90];
	v43 =	vmul.f32 v33, v33;
	v38 =	vadd.f32 v36, v38;
	v39 =	vadd.f32 v40, v39  }
0x13e: {  	v36 =	vld [tilespmem:s22+$0x0];
	v40 =	vmul.f32 v32, v32;
	v22 =	vadd.f32 v19, v18;
	v23 =	vadd.f32 v37, v23  }
0x13f: {  	v16 =	vadd.f32 v33, v16;
	v19 =	vld [tilespmem:s22+$0x10];
	v17 =	vadd.f32 v43, v17;
	v18 =	vmul.f32 v34, v34  }
0x140: {  	v20 =	vadd.f32 v32, v20;
	v33 =	vld [tilespmem:s22+$0xFFFFFFA0];
	v21 =	vadd.f32 v40, v21;
	v32 =	vmul.f32 v35, v35  }
0x141: {  	v16 =	vadd.f32 v34, v16;
	v37 =	vmul.f32 v41, v41;
	v40 =	vld [tilespmem:s22+$0xFFFFFFB0];
	v17 =	vadd.f32 v18, v17  }
0x142: {  	v20 =	vadd.f32 v35, v20;
	v18 =	vmul.f32 v42, v42;
	v34 =	vld [tilespmem:s22+$0x20];
	v21 =	vadd.f32 v32, v21  }
0x143: {  	v28 =	vadd.f32 v41, v28;
	v29 =	vadd.f32 v37, v29;
	v32 =	vmul.f32 v36, v36;
	v35 =	vld [tilespmem:s22+$0x30]  }
0x144: {  	v24 =	vadd.f32 v42, v24;
	v25 =	vadd.f32 v18, v25;
	v41 =	vld [tilespmem:s22+$0xFFFFFFC0];
	v37 =	vmul.f32 v19, v19  }
0x145: {  	s10 =	sadd.s32 $0x2, s10;
	v28 =	vadd.f32 v36, v28;
	v42 =	vmul.f32 v33, v33;
	v18 =	vld [tilespmem:s22+$0xFFFFFFD0];
	v29 =	vadd.f32 v32, v29  }
0x146: {  	p0 =	slt.u32 s10, $0x7E;
	v24 =	vadd.f32 v19, v24;
	v32 =	vmul.f32 v40, v40;
	v25 =	vadd.f32 v37, v25;
	v36 =	vld [tilespmem:s22+$0x40]  }
.Ltmp6:
0x147: {  	v30 =	vadd.f32 v33, v30;
	v31 =	vadd.f32 v42, v31;
	v37 =	vmul.f32 v34, v34;
	v19 =	vld [tilespmem:s22+$0x50];
	(pc) =	sbr.rel @p0 .LBB2_14-.Ltmp6, $4  }
0x148: {  	v26 =	vadd.f32 v40, v26;
	v27 =	vadd.f32 v32, v27;
	v33 =	vld [tilespmem:s22+$0xFFFFFFE0];
	v40 =	vmul.f32 v35, v35  }
0x149: {  	v30 =	vadd.f32 v34, v30;
	v42 =	vmul.f32 v41, v41;
	v32 =	vld [tilespmem:s22+$0xFFFFFFF0];
	v31 =	vadd.f32 v37, v31  }
0x14a: {  	v26 =	vadd.f32 v35, v26;
	v37 =	vmul.f32 v18, v18;
	v27 =	vadd.f32 v40, v27;
	v34 =	vld [tilespmem:s22+$0x60]  }
0x14b: {  	v38 =	vadd.f32 v41, v38;
	v39 =	vadd.f32 v42, v39;
	v40 =	vmul.f32 v36, v36;
	v35 =	vld [tilespmem:s22+$0x70];
	s22 =	sadd.s32 $0x100, s22  }
0x14c: {  	s10 =	rddreg [dreg:$0xa]  }
0x14d: {  	[hbm4b:s10+s3] =	stream.linear.scatter [tilespmem:s19], [sflag:$0x7], $0x4000, $0x38;
	[tilespmem:$0x18C00] =	vst v63  }
0x14e: {  	_ =	swait.ge [sflag:s0], $0x4000  }
0x14f: {  	[sflag:s0] =	ssyncset.done $0x0  }
0x150: {  	s22 =	simm.s32 $0x4400;
	[sflag:s0] =	ssyncadd.s32 $0xFFFFC000  }
0x151: {  	v47 =	vld [tilespmem:s22+$0x0]  }
0x152: {  	v18 =	vadd.f32 v18, v22;
	v48 =	vld [tilespmem:s22+$0x10]  }
0x153: {  	v22 =	vadd.f32 v37, v23;
	v23 =	vmul.f32 v19, v19;
	v38 =	vadd.f32 v36, v38;
	v50 =	vld [tilespmem:s22+$0x90]  }
0x154: {  	v41 =	vmul.f32 v33, v33;
	v40 =	vadd.f32 v40, v39;
	v16 =	vadd.f32 v33, v16;
	v42 =	vld [tilespmem:s22+$0x20]  }
0x155: {  	v49 =	vmul.f32 v32, v32;
	v19 =	vadd.f32 v19, v18;
	v18 =	vadd.f32 v23, v22;
	v43 =	vld [tilespmem:s22+$0x30]  }
0x156: {  	v51 =	vadd.f32 v32, v20;
	v17 =	vadd.f32 v41, v17;
	v23 =	vmul.f32 v34, v34;
	v58 =	vld [tilespmem:s22+$0x40]  }
0x157: {  	v39 =	vadd.f32 v49, v21;
	v52 =	vmul.f32 v35, v35;
	v21 =	vadd.f32 v34, v16  }
0x158: {  	v22 =	vld [tilespmem:s22+$0x80];
	v20 =	vadd.f32 v23, v17;
	v17 =	vadd.f32 v35, v51  }
0x159: {  	v55 =	vld [tilespmem:s22+$0xB0];
	v16 =	vadd.f32 v52, v39;
	v23 =	vmul.f32 v47, v47;
	v53 =	vmul.f32 v48, v48  }
0x15a: {  	v54 =	vld [tilespmem:s22+$0xA0];
	v28 =	vadd.f32 v47, v28;
	v56 =	vadd.f32 v48, v24;
	v59 =	vmul.f32 v50, v50  }
0x15b: {  	v44 =	vmul.f32 v42, v42;
	v26 =	vadd.f32 v43, v26;
	v39 =	vadd.f32 v58, v38  }
0x15c: {  	v32 =	vld [tilespmem:s22+$0x50];
	v63 =	vmul.f32 v58, v58;
	v23 =	vadd.f32 v23, v29;
	v57 =	vadd.f32 v53, v25  }
0x15d: {  	v36 =	vld [tilespmem:s22+$0xC0];
	v29 =	vmul.f32 v22, v22;
	v24 =	vadd.f32 v22, v28;
	v22 =	vadd.f32 v50, v56  }
0x15e: {  	v34 =	vld [tilespmem:s22+$0xD0];
	v28 =	vmul.f32 v43, v43;
	v60 =	vadd.f32 v44, v31;
	v26 =	vadd.f32 v55, v26  }
0x15f: {  	v61 =	vmul.f32 v54, v54;
	v31 =	vld [tilespmem:s22+$0x60];
	v25 =	vadd.f32 v29, v23;
	v29 =	vadd.f32 v42, v30  }
0x160: {  	v62 =	vmul.f32 v55, v55;
	v38 =	vadd.f32 v63, v40;
	v27 =	vadd.f32 v28, v27;
	v30 =	vld [tilespmem:s22+$0x70]  }
0x161: {  	v35 =	vld [tilespmem:s22+$0xE0];
	v37 =	vmul.f32 v32, v32;
	v23 =	vadd.f32 v59, v57;
	v28 =	vadd.f32 v54, v29  }
0x162: {  	s10 =	simm.s32 $0x0;
	v33 =	vld [tilespmem:s22+$0xF0];
	v40 =	vmul.f32 v36, v36;
	s22 =	simm.s32 $0x4500;
	v29 =	vadd.f32 v61, v60;
	v27 =	vadd.f32 v62, v27  }
.LBB2_16:
0x163: {  	v41 =	vld [tilespmem:s22+$0x0];
	v19 =	vadd.f32 v32, v19;
	v18 =	vadd.f32 v37, v18;
	v32 =	vmul.f32 v34, v34  }
0x164: {  	v37 =	vld [tilespmem:s22+$0x10];
	v42 =	vmul.f32 v31, v31;
	v39 =	vadd.f32 v36, v39;
	v38 =	vadd.f32 v40, v38  }
0x165: {  	v36 =	vld [tilespmem:s22+$0x80];
	v40 =	vmul.f32 v30, v30;
	v19 =	vadd.f32 v34, v19;
	v18 =	vadd.f32 v32, v18  }
0x166: {  	v21 =	vadd.f32 v31, v21;
	v34 =	vld [tilespmem:s22+$0x90];
	v20 =	vadd.f32 v42, v20;
	v31 =	vmul.f32 v35, v35  }
0x167: {  	v17 =	vadd.f32 v30, v17;
	v42 =	vld [tilespmem:s22+$0x20];
	v16 =	vadd.f32 v40, v16;
	v30 =	vmul.f32 v33, v33  }
0x168: {  	v21 =	vadd.f32 v35, v21;
	v32 =	vmul.f32 v41, v41;
	v40 =	vld [tilespmem:s22+$0x30];
	v20 =	vadd.f32 v31, v20  }
0x169: {  	v17 =	vadd.f32 v33, v17;
	v31 =	vmul.f32 v37, v37;
	v35 =	vld [tilespmem:s22+$0xA0];
	v16 =	vadd.f32 v30, v16  }
0x16a: {  	v24 =	vadd.f32 v41, v24;
	v25 =	vadd.f32 v32, v25;
	v30 =	vmul.f32 v36, v36;
	v33 =	vld [tilespmem:s22+$0xB0]  }
0x16b: {  	v22 =	vadd.f32 v37, v22;
	v23 =	vadd.f32 v31, v23;
	v41 =	vld [tilespmem:s22+$0x40];
	v31 =	vmul.f32 v34, v34  }
0x16c: {  	s10 =	sadd.s32 $0x2, s10;
	v24 =	vadd.f32 v36, v24;
	v37 =	vmul.f32 v42, v42;
	v32 =	vld [tilespmem:s22+$0x50];
	v25 =	vadd.f32 v30, v25  }
0x16d: {  	p0 =	slt.u32 s10, $0x7E;
	v22 =	vadd.f32 v34, v22;
	v30 =	vmul.f32 v40, v40;
	v23 =	vadd.f32 v31, v23;
	v36 =	vld [tilespmem:s22+$0xC0]  }
.Ltmp7:
0x16e: {  	v28 =	vadd.f32 v42, v28;
	v29 =	vadd.f32 v37, v29;
	v37 =	vmul.f32 v35, v35;
	v34 =	vld [tilespmem:s22+$0xD0];
	(pc) =	sbr.rel @p0 .LBB2_16-.Ltmp7, $4  }
0x16f: {  	v26 =	vadd.f32 v40, v26;
	v27 =	vadd.f32 v30, v27;
	v31 =	vld [tilespmem:s22+$0x60];
	v40 =	vmul.f32 v33, v33  }
0x170: {  	v28 =	vadd.f32 v35, v28;
	v42 =	vmul.f32 v41, v41;
	v30 =	vld [tilespmem:s22+$0x70];
	v29 =	vadd.f32 v37, v29  }
0x171: {  	v26 =	vadd.f32 v33, v26;
	v37 =	vmul.f32 v32, v32;
	v27 =	vadd.f32 v40, v27;
	v35 =	vld [tilespmem:s22+$0xE0]  }
0x172: {  	v39 =	vadd.f32 v41, v39;
	v38 =	vadd.f32 v42, v38;
	v40 =	vmul.f32 v36, v36;
	v33 =	vld [tilespmem:s22+$0xF0];
	s22 =	sadd.s32 $0x100, s22  }
0x173: {  	s10 =	rddreg [dreg:$0xb]  }
0x174: {  	[hbm4b:s10+s3] =	stream.linear.scatter [tilespmem:s20], [sflag:$0x8], $0x4000, $0x38;
	[tilespmem:$0x18C00] =	vst v63  }
0x175: {  	[tilespmem:$0x18A00] =	vst v2  }
0x176: {  	[tilespmem:$0x18A80] =	vst v3  }
0x177: {  	[tilespmem:$0x18B00] =	vst v24  }
0x178: {  	[tilespmem:$0x18B80] =	vst v25  }
0x179: {  	[tilespmem:$0x18A10] =	vst v0  }
0x17a: {  	[tilespmem:$0x18A90] =	vst v1  }
0x17b: {  	[tilespmem:$0x18B10] =	vst v22  }
0x17c: {  	[tilespmem:$0x18B90] =	vst v23  }
0x17d: {  	[tilespmem:$0x18A20] =	vst v6  }
0x17e: {  	[tilespmem:$0x18AA0] =	vst v7  }
0x17f: {  	[tilespmem:$0x18B20] =	vst v28  }
0x180: {  	[tilespmem:$0x18BA0] =	vst v29  }
0x181: {  	[tilespmem:$0x18A30] =	vst v4  }
0x182: {  	[tilespmem:$0x18AB0] =	vst v5  }
0x183: {  	[tilespmem:$0x18B30] =	vst v26  }
0x184: {  	[tilespmem:$0x18BB0] =	vst v27  }
0x185: {  	[tilespmem:$0x18A40] =	vst v14  }
0x186: {  	[tilespmem:$0x18AC0] =	vst v15  }
0x187: {  	[tilespmem:$0x18A50] =	vst v10  }
0x188: {  	[tilespmem:$0x18AD0] =	vst v11  }
0x189: {  	[tilespmem:$0x18A60] =	vst v13  }
0x18a: {  	[tilespmem:$0x18AE0] =	vst v12  }
0x18b: {  	v24 =	vadd.f32 v36, v39;
	v26 =	vadd.f32 v32, v19;
	[tilespmem:$0x18A70] =	vst v8  }
0x18c: {  	v25 =	vadd.f32 v40, v38;
	v27 =	vadd.f32 v37, v18;
	v28 =	vmul.f32 v34, v34;
	[tilespmem:$0x18AF0] =	vst v9  }
0x18d: {  	v32 =	vmul.f32 v31, v31;
	v40 =	vadd.f32 v30, v17;
	[tilespmem:$0x18B40] =	vst v24;
	v29 =	vadd.f32 v34, v26  }
0x18e: {  	v39 =	vmul.f32 v30, v30;
	[tilespmem:$0x18BC0] =	vst v25;
	v0 =	vadd.f32 v28, v27;
	v34 =	vadd.f32 v31, v21  }
0x18f: {  	v37 =	vmul.f32 v35, v35;
	v36 =	vadd.f32 v32, v20;
	v43 =	vadd.f32 v33, v40;
	[tilespmem:$0x18B50] =	vst v29  }
0x190: {  	v41 =	vadd.f32 v39, v16;
	v42 =	vmul.f32 v33, v33;
	[tilespmem:$0x18BD0] =	vst v0;
	v38 =	vadd.f32 v35, v34  }
0x191: {  	v1 =	vadd.f32 v37, v36;
	[tilespmem:$0x18B70] =	vst v43  }
0x192: {  	v0 =	vadd.f32 v42, v41;
	[tilespmem:$0x18B60] =	vst v38  }
0x193: {  	[tilespmem:$0x18BE0] =	vst v1  }
0x194: {  	s24 =	simm.s32 $0x18A00;
	[tilespmem:$0x18BF0] =	vst v0  }
0x195: {  	[hbm4b:s14+s3] =	stream.linear.scatter [tilespmem:s24], [sflag:$0xE], $0x200, $0x38;
	[tilespmem:$0x18C00] =	vst v63  }
0x196: {  	_ =	swait.ge [sflag:s17], $0x200  }
0x197: {  	[sflag:s17] =	ssyncset.done $0x0  }
0x198: {  	[sflag:s17] =	ssyncadd.s32 $0xFFFFFE00  }
0x199: {  	_ =	swait.ge [sflag:s30], $0x80  }
0x19a: {  	[sflag:s30] =	ssyncset.done $0x0  }
0x19b: {  	[sflag:s30] =	ssyncadd.s32 $0xFFFFFF80  }
0x19c: {  	_ =	swait.ge [sflag:s30], $0x80  }
0x19d: {  	[sflag:s30] =	ssyncset.done $0x0  }
0x19e: {  	[sflag:s30] =	ssyncadd.s32 $0xFFFFFF80  }
0x19f: {  	_ =	swait.ge [sflag:s30], $0x80  }
0x1a0: {  	[sflag:s30] =	ssyncset.done $0x0  }
0x1a1: {  	[sflag:s30] =	ssyncadd.s32 $0xFFFFFF80  }
0x1a2: {  	_ =	swait.ge [sflag:s30], $0x80  }
0x1a3: {  	[sflag:s30] =	ssyncset.done $0x0  }
0x1a4: {  	[sflag:s30] =	ssyncadd.s32 $0xFFFFFF80  }
0x1a5: {  	_ =	swait.ge [sflag:s30], $0x80  }
0x1a6: {  	[sflag:s30] =	ssyncset.done $0x0  }
0x1a7: {  	[sflag:s30] =	ssyncadd.s32 $0xFFFFFF80  }
0x1a8: {  	_ =	swait.ge [sflag:s30], $0x80  }
0x1a9: {  	[sflag:s30] =	ssyncset.done $0x0  }
0x1aa: {  	[sflag:s30] =	ssyncadd.s32 $0xFFFFFF80  }
0x1ab: {  	_ =	swait.ge [sflag:s30], $0x80  }
0x1ac: {  	[sflag:s30] =	ssyncset.done $0x0  }
0x1ad: {  	[sflag:s30] =	ssyncadd.s32 $0xFFFFFF80  }
0x1ae: {  	_ =	swait.ge [sflag:s30], $0x80  }
0x1af: {  	[sflag:s30] =	ssyncset.done $0x0  }
0x1b0: {  	[sflag:s30] =	ssyncadd.s32 $0xFFFFFF80  }
0x1b1: {  	v44 =	vld [tilespmem:$0x18400]  }
0x1b2: {  	v45 =	vld [tilespmem:$0x18600]  }
0x1b3: {  	v46 =	vld [tilespmem:$0x18410]  }
0x1b4: {  	v47 =	vld [tilespmem:$0x18610]  }
0x1b5: {  	v48 =	vld [tilespmem:$0x18420]  }
0x1b6: {  	v49 =	vld [tilespmem:$0x18620]  }
0x1b7: {  	v50 =	vld [tilespmem:$0x18430]  }
0x1b8: {  	v51 =	vld [tilespmem:$0x18630]  }
0x1b9: {  	v52 =	vld [tilespmem:$0x18440]  }
0x1ba: {  	v53 =	vld [tilespmem:$0x18640]  }
0x1bb: {  	v54 =	vld [tilespmem:$0x18450]  }
0x1bc: {  	v55 =	vld [tilespmem:$0x18650]  }
0x1bd: {  	v56 =	vld [tilespmem:$0x18460]  }
0x1be: {  	v57 =	vld [tilespmem:$0x18660]  }
0x1bf: {  	v58 =	vld [tilespmem:$0x18470]  }
0x1c0: {  	v59 =	vld [tilespmem:$0x18670]  }
0x1c1: {  	v60 =	vld [tilespmem:$0x18480]  }
0x1c2: {  	v61 =	vld [tilespmem:$0x18680]  }
0x1c3: {  	v62 =	vld [tilespmem:$0x18490]  }
0x1c4: {  	v63 =	vld [tilespmem:$0x18690]  }
0x1c5: {  	v20 =	vld [tilespmem:$0x184A0]  }
0x1c6: {  	v21 =	vld [tilespmem:$0x186A0]  }
0x1c7: {  	v22 =	vld [tilespmem:$0x184B0]  }
0x1c8: {  	v23 =	vld [tilespmem:$0x186B0]  }
0x1c9: {  	v24 =	vld [tilespmem:$0x184C0]  }
0x1ca: {  	v25 =	vld [tilespmem:$0x186C0]  }
0x1cb: {  	v26 =	vld [tilespmem:$0x184D0]  }
0x1cc: {  	v27 =	vld [tilespmem:$0x186D0]  }
0x1cd: {  	v28 =	vld [tilespmem:$0x184E0]  }
0x1ce: {  	v29 =	vld [tilespmem:$0x186E0]  }
0x1cf: {  	v30 =	vld [tilespmem:$0x184F0]  }
0x1d0: {  	v31 =	vld [tilespmem:$0x186F0]  }
0x1d1: {  	v32 =	vld [tilespmem:$0x18500]  }
0x1d2: {  	v33 =	vld [tilespmem:$0x18700]  }
0x1d3: {  	v34 =	vld [tilespmem:$0x18510]  }
0x1d4: {  	v35 =	vld [tilespmem:$0x18710]  }
0x1d5: {  	v36 =	vld [tilespmem:$0x18520];
	v0 =	vand.u32 $0x7FFFFFFF, v44;
	v1 =	vand.u32 $0x7FFFFFFF, v45  }
0x1d6: {  	v37 =	vld [tilespmem:$0x18720];
	v39 =	vand.u32 $0x7FFFFFFF, v46;
	v40 =	vand.u32 $0x7FFFFFFF, v47;
	v41 =	vand.u32 $0x7FFFFFFF, v48  }
0x1d7: {  	v3 =	vld [tilespmem:$0x18530];
	v42 =	vand.u32 $0x7FFFFFFF, v49;
	v44 =	vand.u32 $0x7FFFFFFF, v50;
	v0 =	vsub.f32 v0, v1  }
0x1d8: {  	v5 =	vld [tilespmem:$0x18730];
	v45 =	vand.u32 $0x7FFFFFFF, v51;
	v47 =	vand.u32 $0x7FFFFFFF, v52;
	v1 =	vsub.f32 v39, v40  }
0x1d9: {  	v6 =	vld [tilespmem:$0x18540];
	v48 =	vand.u32 $0x7FFFFFFF, v53;
	v50 =	vand.u32 $0x7FFFFFFF, v54;
	v43 =	vsub.f32 v41, v42;
	[tilespmem:$0x18800] =	vst v0  }
0x1da: {  	v7 =	vld [tilespmem:$0x18740];
	v51 =	vand.u32 $0x7FFFFFFF, v55;
	v53 =	vand.u32 $0x7FFFFFFF, v56;
	v46 =	vsub.f32 v44, v45;
	[tilespmem:$0x18810] =	vst v1  }
0x1db: {  	v8 =	vld [tilespmem:$0x18550];
	v54 =	vand.u32 $0x7FFFFFFF, v57;
	v56 =	vand.u32 $0x7FFFFFFF, v58;
	v49 =	vsub.f32 v47, v48;
	[tilespmem:$0x18820] =	vst v43  }
0x1dc: {  	v9 =	vld [tilespmem:$0x18750];
	v57 =	vand.u32 $0x7FFFFFFF, v59;
	v59 =	vand.u32 $0x7FFFFFFF, v60;
	v52 =	vsub.f32 v50, v51;
	[tilespmem:$0x18830] =	vst v46  }
0x1dd: {  	v10 =	vld [tilespmem:$0x18560];
	v60 =	vand.u32 $0x7FFFFFFF, v61;
	v62 =	vand.u32 $0x7FFFFFFF, v62;
	v55 =	vsub.f32 v53, v54;
	[tilespmem:$0x18840] =	vst v49  }
0x1de: {  	v11 =	vld [tilespmem:$0x18760];
	v63 =	vand.u32 $0x7FFFFFFF, v63;
	v17 =	vand.u32 $0x7FFFFFFF, v20;
	v58 =	vsub.f32 v56, v57;
	[tilespmem:$0x18850] =	vst v52  }
0x1df: {  	v12 =	vld [tilespmem:$0x18570];
	v18 =	vand.u32 $0x7FFFFFFF, v21;
	v20 =	vand.u32 $0x7FFFFFFF, v22;
	v61 =	vsub.f32 v59, v60;
	[tilespmem:$0x18860] =	vst v55  }
0x1e0: {  	v13 =	vld [tilespmem:$0x18770];
	v21 =	vand.u32 $0x7FFFFFFF, v23;
	v23 =	vand.u32 $0x7FFFFFFF, v24;
	v16 =	vsub.f32 v62, v63;
	[tilespmem:$0x18870] =	vst v58  }
0x1e1: {  	v14 =	vld [tilespmem:$0x18580];
	v24 =	vand.u32 $0x7FFFFFFF, v25;
	v26 =	vand.u32 $0x7FFFFFFF, v26;
	v19 =	vsub.f32 v17, v18;
	[tilespmem:$0x18880] =	vst v61  }
0x1e2: {  	v15 =	vld [tilespmem:$0x18780];
	v38 =	vand.u32 $0x7FFFFFFF, v27;
	v22 =	vsub.f32 v20, v21;
	v25 =	vsub.f32 v23, v24;
	[tilespmem:$0x18890] =	vst v16  }
0x1e3: {  	v27 =	vld [tilespmem:$0x185D0];
	v39 =	vsub.f32 v26, v38;
	v40 =	vand.u32 $0x7FFFFFFF, v28;
	v41 =	vand.u32 $0x7FFFFFFF, v29;
	[tilespmem:$0x188A0] =	vst v19  }
0x1e4: {  	v17 =	vld [tilespmem:$0x18790];
	v44 =	vand.u32 $0x7FFFFFFF, v31;
	v47 =	vand.u32 $0x7FFFFFFF, v32;
	v48 =	vand.u32 $0x7FFFFFFF, v33;
	[tilespmem:$0x188B0] =	vst v22  }
0x1e5: {  	v45 =	vld [tilespmem:$0x185A0];
	v51 =	vand.u32 $0x7FFFFFFF, v34;
	v56 =	vand.u32 $0x7FFFFFFF, v37;
	v42 =	vsub.f32 v40, v41;
	[tilespmem:$0x188C0] =	vst v25  }
0x1e6: {  	v53 =	vld [tilespmem:$0x185B0];
	v59 =	vand.u32 $0x7FFFFFFF, v3;
	v60 =	vand.u32 $0x7FFFFFFF, v5;
	v50 =	vsub.f32 v47, v48;
	[tilespmem:$0x188D0] =	vst v39  }
0x1e7: {  	v57 =	vld [tilespmem:$0x187B0];
	v37 =	vand.u32 $0x7FFFFFFF, v14;
	v38 =	vand.u32 $0x7FFFFFFF, v15;
	v62 =	vsub.f32 v59, v60;
	[tilespmem:$0x188E0] =	vst v42  }
0x1e8: {  	v23 =	vld [tilespmem:$0x187C0];
	v33 =	vand.u32 $0x7FFFFFFF, v12;
	v34 =	vand.u32 $0x7FFFFFFF, v13;
	v40 =	vsub.f32 v37, v38;
	[tilespmem:$0x18900] =	vst v50  }
0x1e9: {  	v31 =	vld [tilespmem:$0x187D0];
	v43 =	vand.u32 $0x7FFFFFFF, v30;
	v55 =	vand.u32 $0x7FFFFFFF, v36;
	v36 =	vsub.f32 v33, v34;
	[tilespmem:$0x18930] =	vst v62  }
0x1ea: {  	v47 =	vld [tilespmem:$0x187F0];
	v52 =	vand.u32 $0x7FFFFFFF, v35;
	v46 =	vsub.f32 v43, v44;
	[tilespmem:$0x18980] =	vst v40  }
0x1eb: {  	v63 =	vand.u32 $0x7FFFFFFF, v6;
	v26 =	vand.u32 $0x7FFFFFFF, v9;
	v16 =	vld [tilespmem:$0x18590];
	v54 =	vsub.f32 v51, v52;
	[tilespmem:$0x18970] =	vst v36  }
0x1ec: {  	v29 =	vand.u32 $0x7FFFFFFF, v10;
	v49 =	vld [tilespmem:$0x187A0];
	v22 =	vand.u32 $0x7FFFFFFF, v7;
	v58 =	vsub.f32 v55, v56;
	[tilespmem:$0x188F0] =	vst v46  }
0x1ed: {  	v61 =	vld [tilespmem:$0x185C0];
	v25 =	vand.u32 $0x7FFFFFFF, v8;
	v30 =	vand.u32 $0x7FFFFFFF, v11;
	v24 =	vsub.f32 v63, v22;
	[tilespmem:$0x18910] =	vst v54  }
0x1ee: {  	v35 =	vld [tilespmem:$0x185E0];
	v28 =	vsub.f32 v25, v26;
	v32 =	vsub.f32 v29, v30;
	[tilespmem:$0x18920] =	vst v58  }
0x1ef: {  	v39 =	vld [tilespmem:$0x187E0];
	v55 =	vand.u32 $0x7FFFFFFF, v27;
	[tilespmem:$0x18940] =	vst v24;
	v42 =	vand.u32 $0x7FFFFFFF, v17;
	v56 =	vand.u32 $0x7FFFFFFF, v31  }
0x1f0: {  	v43 =	vld [tilespmem:$0x185F0];
	[tilespmem:$0x18950] =	vst v28;
	v50 =	vand.u32 $0x7FFFFFFF, v57;
	v57 =	vsub.f32 v55, v56;
	v41 =	vand.u32 $0x7FFFFFFF, v16  }
0x1f1: {  	[tilespmem:$0x18960] =	vst v32;
	v45 =	vand.u32 $0x7FFFFFFF, v45;
	v46 =	vand.u32 $0x7FFFFFFF, v49;
	v44 =	vsub.f32 v41, v42  }
0x1f2: {  	v49 =	vand.u32 $0x7FFFFFFF, v53;
	v48 =	vsub.f32 v45, v46;
	[tilespmem:$0x189D0] =	vst v57  }
0x1f3: {  	v52 =	vand.u32 $0x7FFFFFFF, v61;
	v53 =	vand.u32 $0x7FFFFFFF, v23;
	v51 =	vsub.f32 v49, v50;
	[tilespmem:$0x18990] =	vst v44  }
0x1f4: {  	v58 =	vand.u32 $0x7FFFFFFF, v35;
	v59 =	vand.u32 $0x7FFFFFFF, v39;
	v54 =	vsub.f32 v52, v53;
	[tilespmem:$0x189A0] =	vst v48  }
0x1f5: {  	v62 =	vand.u32 $0x7FFFFFFF, v47;
	v60 =	vsub.f32 v58, v59;
	v61 =	vand.u32 $0x7FFFFFFF, v43;
	[tilespmem:$0x189B0] =	vst v51  }
0x1f6: {  	v63 =	vsub.f32 v61, v62;
	[tilespmem:$0x189C0] =	vst v54  }
0x1f7: {  	[tilespmem:$0x189E0] =	vst v60  }
0x1f8: {  	s26 =	simm.s32 $0x18800;
	[tilespmem:$0x189F0] =	vst v63  }
0x1f9: {  	[hbm4b:s15+s3] =	stream.linear.scatter [tilespmem:s26], [sflag:$0xE], $0x200, $0x38;
	[tilespmem:$0x18C00] =	vst v63  }
0x1fa: {  	_ =	swait.ge [sflag:s17], $0x200  }
0x1fb: {  	[sflag:s17] =	ssyncset.done $0x0  }
0x1fc: {  	[sflag:s17] =	ssyncadd.s32 $0xFFFFFE00  }
0x1fd: {  	_ =	swait.ge [sflag:s1], $0x4000  }
0x1fe: {  	[sflag:s1] =	ssyncset.done $0x0  }
0x1ff: {  	[sflag:s1] =	ssyncadd.s32 $0xFFFFC000  }
0x200: {  	_ =	swait.ge [sflag:s7], $0x4000  }
0x201: {  	[sflag:s7] =	ssyncset.done $0x0  }
0x202: {  	[sflag:s7] =	ssyncadd.s32 $0xFFFFC000  }
0x203: {  	_ =	swait.ge [sflag:s8], $0x4000  }
0x204: {  	[sflag:s8] =	ssyncset.done $0x0  }
0x205: {  	s9 =	sadd.s32 $0x1, s9;
	[sflag:s8] =	ssyncadd.s32 $0xFFFFC000  }
0x206: {  	p0 =	sne.s32 s9, s16;
	_ =	swait.ge [sflag:s21], $0x4000  }
.Ltmp8:
0x207: {  	[sflag:s21] =	ssyncset.done $0x0;
	(pc) =	sbr.rel @p0 .LBB2_1-.Ltmp8, $4  }
0x208: {  	[sflag:s21] =	ssyncadd.s32 $0xFFFFC000  }
0x209: {  	_ =	swait.ge [sflag:s25], $0x4000  }
0x20a: {  	[sflag:s25] =	ssyncset.done $0x0  }
0x20b: {  	[sflag:s25] =	ssyncadd.s32 $0xFFFFC000  }
0x20c: {  	_ =	sfence.sel $0x180000  }
0x20d: {  	[bflag:$0x0] =	sbarrier.arrive $0xFFFF  }
0x20e: {  	_ =	strace $0x90000047  }
0x20f: {  	s0 =	stileid.u32;
	[bflag:$0x2] =	sbarrier.arrive $0xFFFF  }
0x210: {  	p0 =	sne.s32 s0, $0x0;
	s0 =	rddreg [dreg:$0x2]  }
0x211: {  	s0 =	sadd.s32 @!p0 $0x100000, s0  }
0x212: {  	[sflag:s0] =	ssyncadd.tile.s32 @!p0 $0x1;
	_ =	shalt  }
.Lfunc_end2:
_tile_overlayer_lowered:
.L_overlay_start_2:
0x213: {  	(tag) =	ssettag $0x2  }
0x214: {  	s0 =	rddreg [dreg:$0x0];
	s2 =	stileid.u32  }
0x215: {  	s1 =	rddreg [dreg:$0x1];
	p0 =	sne.s32 s2, $0x0  }
0x216: {  	s3 =	rddreg [dreg:$0x2];
	[bflag:$0x3] =	sbarrier.arrive $0xFFFF;
	s2 =	simm.s32 @!p0 $0x1C0E  }
0x217: {  	[timem:s3], [sflag:s2] =	dma.local @!p0 [hbm:s0], s1  }
0x218: {  	s0 =	simm.s32 @!p0 $0xE  }
0x219: {  	_ =	swait.ge @!p0 [sflag:s0], s1  }
0x21a: {  	s1 =	ssub.s32 @!p0 $0x0, s1;
	[sflag:s0] =	ssyncset.done @!p0 $0x0  }
0x21b: {  	[sflag:s0] =	ssyncadd.s32 @!p0 s1  }
0x21c: {  	[bflag:$0x3] =	sbarrier.arrive $0xFFFF  }
0x21d: {  	_ =	shalt  }

</sc_bundles>
